<compile_context>
chip_gen: v7x
topology: tpu7x:2x2x1
jax: 0.10.2.dev20260603
libtpu: 0.0.44.dev20260713+nightly
codegen_flags: <defaults>
</compile_context>

<pallas_src>
import functools

import jax
import jax.numpy as jnp
from jax import lax
from jax.experimental import pallas as pl
from jax.experimental.pallas import tpu as pltpu
from jax.experimental.pallas import tpu_sc as plsc


def _dist_kernel(a_ref, b_ref, o_ref, *, L):
    gblk = a_ref.shape[1]
    shape = (gblk, 128)
    one = jnp.int32(1)
    a = [a_ref[j] for j in range(L)]

    Pv = jnp.full(shape, (1 << L) - 1, jnp.int32)
    Mv = jnp.zeros(shape, jnp.int32)
    score = jnp.full(shape, L, jnp.int32)
    for i in range(L):
        bi = b_ref[i]
        Eq = jnp.zeros(shape, jnp.int32)
        for j in range(L):
            Eq = Eq | jnp.where(a[j] == bi, jnp.int32(1 << j), jnp.int32(0))
        Xv = Eq | Mv
        Xh = (((Eq & Pv) + Pv) ^ Pv) | Eq
        Ph = Mv | ~(Xh | Pv)
        Mh = Pv & Xh
        score = score + ((Ph >> (L - 1)) & one) - ((Mh >> (L - 1)) & one)
        Ph = (Ph << 1) | one
        Mh = Mh << 1
        Pv = Mh | ~(Xv | Ph)
        Mv = Ph & Xv
    o_ref[...] = score


def _make_sc_lookup(B, D, b_per_w, num_cores):
    mesh = plsc.VectorSubcoreMesh(core_axis_name="c", subcore_axis_name="s")
    n_vec = b_per_w * D // 16

    @functools.partial(
        pl.kernel,
        mesh=mesh,
        out_type=jax.ShapeDtypeStruct((B * D,), jnp.float32),
        compiler_params=pltpu.CompilerParams(needs_layout_passes=False),
        scratch_types=[
            pltpu.VMEM((b_per_w,), jnp.int32),
            pltpu.VMEM((128,), jnp.float32),
            pltpu.VMEM((b_per_w * D,), jnp.float32),
        ],
    )
    def sc_lookup(table_hbm, idx_hbm, out_hbm, idx_v, head_v, out_v):
        wid = lax.axis_index("s") * num_cores + lax.axis_index("c")
        base = wid * b_per_w
        pltpu.sync_copy(table_hbm.at[pl.ds(0, 128)], head_v)
        pltpu.sync_copy(idx_hbm.at[pl.ds(base, b_per_w)], idx_v)
        ii = lax.iota(jnp.int32, 16)
        q = ii >> 2
        r = ii & 3
        for i in range(n_vec):
            ids = plsc.load_gather(idx_v, [q + (i * 4)])
            vals = plsc.load_gather(head_v, [ids * 4 + r])
            out_v[pl.ds(i * 16, 16)] = vals
        pltpu.sync_copy(out_v, out_hbm.at[pl.ds(base * D, b_per_w * D)])

    return sc_lookup


def kernel(input1, input2, embedding_table):
    B, L = input1.shape
    G = B // 128
    grid = 8
    gblk = G // grid
    a3 = input1.T.reshape(L, G, 128)
    b3 = input2.T.reshape(L, G, 128)
    dist = pl.pallas_call(
        functools.partial(_dist_kernel, L=L),
        grid=(grid,),
        in_specs=[
            pl.BlockSpec((L, gblk, 128), lambda g: (0, g, 0)),
            pl.BlockSpec((L, gblk, 128), lambda g: (0, g, 0)),
        ],
        out_specs=pl.BlockSpec((gblk, 128), lambda g: (g, 0)),
        out_shape=jax.ShapeDtypeStruct((G, 128), jnp.int32),
    )(a3, b3)
    ids = dist.reshape(B)

    info = plsc.get_sparse_core_info()
    nw = info.num_cores * info.num_subcores
    b_per_w = B // nw
    D = embedding_table.shape[1]
    table_flat = embedding_table.reshape(-1)
    sc_lookup = _make_sc_lookup(B, D, b_per_w, info.num_cores)
    out = sc_lookup(table_flat, ids)
    return out.reshape(B, D)

# --- scband reference (transcript-rebuilt; emitter-appended) ---
"""Pipeline reference for scband-edit-distance-18391049961656 (READ-ONLY COPY).

The authoritative reference and input builder live on the scoring server;
editing this copy changes nothing except your own understanding.
"""

import jax, jax.numpy as jnp
import numpy as np

BATCH = 16384
SEQ = 20
EMB_SIZE = 512
EMB_DIM = 4

def setup_inputs(seed: int = 0) -> dict:
    key = jax.random.key(seed)
    k1, k2, k3 = jax.random.split(key, 3)
    input1 = jax.random.randint(k1, (BATCH, SEQ), 0, 256, dtype=jnp.int32)
    input2 = jax.random.randint(k2, (BATCH, SEQ), 0, 256, dtype=jnp.int32)
    embedding_table = jax.random.normal(k3, (EMB_SIZE, EMB_DIM), dtype=jnp.float32)
    return {"input1": input1, "input2": input2, "embedding_table": embedding_table}

def _levenshtein(a, b):
    # Batched Levenshtein edit distance between integer token sequences
    # (faithful stand-in for the custom my_edit_distance op on utf-8 codepoints).
    B, L1 = a.shape
    L2 = b.shape[1]
    init_row = jnp.broadcast_to(jnp.arange(L2 + 1, dtype=jnp.int32), (B, L2 + 1))
    def outer(prev_row, i):
        ai = jax.lax.dynamic_index_in_dim(a, i, axis=1, keepdims=False)  # [B]
        cost = (ai[:, None] != b).astype(jnp.int32)  # [B, L2]
        start = jnp.broadcast_to(i + 1, (B,)).astype(jnp.int32)
        def inner(left, j):
            up = jax.lax.dynamic_index_in_dim(prev_row, j + 1, axis=1, keepdims=False)
            diag = jax.lax.dynamic_index_in_dim(prev_row, j, axis=1, keepdims=False)
            c = jax.lax.dynamic_index_in_dim(cost, j, axis=1, keepdims=False)
            val = jnp.minimum(jnp.minimum(up + 1, left + 1), diag + c)
            return val, val
        _, vals = jax.lax.scan(inner, start, jnp.arange(L2))
        new_row = jnp.concatenate([start[:, None], vals.T], axis=1)
        return new_row, None
    final_row, _ = jax.lax.scan(outer, init_row, jnp.arange(L1))
    return final_row[:, -1]

def reference(input1, input2, embedding_table):
    dist = _levenshtein(input1, input2)  # int32[B]
    ids = jnp.clip(dist, 0, embedding_table.shape[0] - 1)
    embed = jnp.take(embedding_table, ids, axis=0)  # [B, EMB_DIM]
    return embed

if __name__ == "__main__":
    import jax
    _d = setup_inputs()
    print(jax.jit(kernel)(*tuple(_d.values())))

</pallas_src>

<mosaic_0001>
#map = affine_map<(d0, d1) -> (0)>
module attributes {stable_mosaic.version = 14 : i64} {
  func.func @sc_lookup(%arg0: i32, %arg1: i32, %arg2: memref<2048xf32, #tpu.memory_space<hbm>>, %arg3: memref<16384xi32, #tpu.memory_space<hbm>>, %arg4: memref<65536xf32, #tpu.memory_space<hbm>>, %arg5: memref<512xi32, #tpu.memory_space<vmem>>, %arg6: memref<128xf32, #tpu.memory_space<vmem>>, %arg7: memref<2048xf32, #tpu.memory_space<vmem>>) attributes {dimension_semantics = [#tpu.dimension_semantics<core_parallel>, #tpu.dimension_semantics<subcore_parallel>], iteration_bounds = array<i64: 2, 16>, scalar_prefetch = 0 : i64, scratch_operands = 3 : i64, tpu.core_type = #tpu.core_type<sc_vector_subcore>, window_params = [{transform_indices = #map}, {transform_indices = #map}, {transform_indices = #map}]} {
    %mul3A = arith.constant 2 : i32
    %mul3A_0 = arith.muli %arg1, %mul3A : i32
    %add3A = arith.addi %mul3A_0, %arg0 : i32
    %mul3A_1 = arith.constant 512 : i32
    %mul3A_2 = arith.muli %add3A, %mul3A_1 : i32
    "tpu.region"() ({
      %run_scoped3A = tpu.sem_alloc : memref<!tpu.dma_semaphore, #tpu.memory_space<semaphore_mem>>
      %dma_start3A = arith.constant 0 : i32
      %dma_start3A_1415 = tpu.memref_slice %arg2[%dma_start3A] : memref<2048xf32, #tpu.memory_space<hbm>> -> memref<128xf32, #tpu.memory_space<hbm>>
      %dma_start3A_1416 = arith.constant 0 : i32
      %dma_start3A_1417 = tpu.memref_slice %arg2[%dma_start3A_1416] : memref<2048xf32, #tpu.memory_space<hbm>> -> memref<128xf32, #tpu.memory_space<hbm>>
      tpu.enqueue_dma source(%dma_start3A_1417 : memref<128xf32, #tpu.memory_space<hbm>>) target(%arg6 : memref<128xf32, #tpu.memory_space<vmem>>) target_semaphore(%run_scoped3A : memref<!tpu.dma_semaphore, #tpu.memory_space<semaphore_mem>>)
      %dma_wait3A = arith.constant 0 : i32
      %dma_wait3A_1418 = tpu.memref_slice %arg2[%dma_wait3A] : memref<2048xf32, #tpu.memory_space<hbm>> -> memref<128xf32, #tpu.memory_space<hbm>>
      %dma_wait3A_1419 = arith.constant 0 : i32
      %dma_wait3A_1420 = tpu.memref_slice %arg2[%dma_wait3A_1419] : memref<2048xf32, #tpu.memory_space<hbm>> -> memref<128xf32, #tpu.memory_space<hbm>>
      tpu.wait_dma2 semaphore(%run_scoped3A : memref<!tpu.dma_semaphore, #tpu.memory_space<semaphore_mem>>) src(%dma_wait3A_1420 : memref<128xf32, #tpu.memory_space<hbm>>) dst(%arg6 : memref<128xf32, #tpu.memory_space<vmem>>)
      tpu.yield
    }) : () -> ()
    "tpu.region"() ({
      %run_scoped3A = tpu.sem_alloc : memref<!tpu.dma_semaphore, #tpu.memory_space<semaphore_mem>>
      %dma_start3A = tpu.memref_slice %arg3[%mul3A_2] : memref<16384xi32, #tpu.memory_space<hbm>> -> memref<512xi32, #tpu.memory_space<hbm>>
      %dma_start3A_1415 = tpu.memref_slice %arg3[%mul3A_2] : memref<16384xi32, #tpu.memory_space<hbm>> -> memref<512xi32, #tpu.memory_space<hbm>>
      tpu.enqueue_dma source(%dma_start3A_1415 : memref<512xi32, #tpu.memory_space<hbm>>) target(%arg5 : memref<512xi32, #tpu.memory_space<vmem>>) target_semaphore(%run_scoped3A : memref<!tpu.dma_semaphore, #tpu.memory_space<semaphore_mem>>)
      %dma_wait3A = tpu.memref_slice %arg3[%mul3A_2] : memref<16384xi32, #tpu.memory_space<hbm>> -> memref<512xi32, #tpu.memory_space<hbm>>
      %dma_wait3A_1416 = tpu.memref_slice %arg3[%mul3A_2] : memref<16384xi32, #tpu.memory_space<hbm>> -> memref<512xi32, #tpu.memory_space<hbm>>
      tpu.wait_dma2 semaphore(%run_scoped3A : memref<!tpu.dma_semaphore, #tpu.memory_space<semaphore_mem>>) src(%dma_wait3A_1416 : memref<512xi32, #tpu.memory_space<hbm>>) dst(%arg5 : memref<512xi32, #tpu.memory_space<vmem>>)
      tpu.yield
    }) : () -> ()
    %iota3A = tpu.iota {dimensions = array<i32: 0>} : vector<16xi32>
    %shift_right_arithmetic3A = arith.constant 2 : i32
    %shift_right_arithmetic3A_3 = vector.broadcast %shift_right_arithmetic3A : i32 to vector<16xi32>
    %shift_right_arithmetic3A_4 = arith.shrsi %iota3A, %shift_right_arithmetic3A_3 : vector<16xi32>
    %and3A = arith.constant 3 : i32
    %and3A_5 = vector.broadcast %and3A : i32 to vector<16xi32>
    %and3A_6 = arith.andi %iota3A, %and3A_5 : vector<16xi32>
    %add3A_7 = arith.constant 0 : i32
    %add3A_8 = vector.broadcast %add3A_7 : i32 to vector<16xi32>
    %add3A_9 = arith.addi %shift_right_arithmetic3A_4, %add3A_8 : vector<16xi32>
    %gather3A = tpu.vector_load_idx %arg5[%add3A_9] : memref<512xi32, #tpu.memory_space<vmem>>[vector<16xi32>], vector<16xi32>,
    %mul3A_10 = arith.constant 4 : i32
    %mul3A_11 = vector.broadcast %mul3A_10 : i32 to vector<16xi32>
    %mul3A_12 = arith.muli %gather3A, %mul3A_11 : vector<16xi32>
    %add3A_13 = arith.addi %mul3A_12, %and3A_6 : vector<16xi32>
    %gather3A_14 = tpu.vector_load_idx %arg6[%add3A_13] : memref<128xf32, #tpu.memory_space<vmem>>[vector<16xi32>], vector<16xf32>,
    %swap3A = arith.constant 0 : index
    %swap3A_15 = tpu.vector_load %arg7[%swap3A] {strides = array<i32>} : memref<2048xf32, #tpu.memory_space<vmem>>, vector<16xf32>,
    tpu.vector_store %arg7[%swap3A], %gather3A_14 {strides = array<i32>} : memref<2048xf32, #tpu.memory_space<vmem>>, vector<16xf32>,
    %add3A_16 = arith.constant 4 : i32
    %add3A_17 = vector.broadcast %add3A_16 : i32 to vector<16xi32>
    %add3A_18 = arith.addi %shift_right_arithmetic3A_4, %add3A_17 : vector<16xi32>
    %gather3A_19 = tpu.vector_load_idx %arg5[%add3A_18] : memref<512xi32, #tpu.memory_space<vmem>>[vector<16xi32>], vector<16xi32>,
    %mul3A_20 = arith.constant 4 : i32
    %mul3A_21 = vector.broadcast %mul3A_20 : i32 to vector<16xi32>
    %mul3A_22 = arith.muli %gather3A_19, %mul3A_21 : vector<16xi32>
    %add3A_23 = arith.addi %mul3A_22, %and3A_6 : vector<16xi32>
    %gather3A_24 = tpu.vector_load_idx %arg6[%add3A_23] : memref<128xf32, #tpu.memory_space<vmem>>[vector<16xi32>], vector<16xf32>,
    %swap3A_25 = arith.constant 16 : index
    %swap3A_26 = tpu.vector_load %arg7[%swap3A_25] {strides = array<i32>} : memref<2048xf32, #tpu.memory_space<vmem>>, vector<16xf32>,
    tpu.vector_store %arg7[%swap3A_25], %gather3A_24 {strides = array<i32>} : memref<2048xf32, #tpu.memory_space<vmem>>, vector<16xf32>,
    %add3A_27 = arith.constant 8 : i32
    %add3A_28 = vector.broadcast %add3A_27 : i32 to vector<16xi32>
    %add3A_29 = arith.addi %shift_right_arithmetic3A_4, %add3A_28 : vector<16xi32>
    %gather3A_30 = tpu.vector_load_idx %arg5[%add3A_29] : memref<512xi32, #tpu.memory_space<vmem>>[vector<16xi32>], vector<16xi32>,
    %mul3A_31 = arith.constant 4 : i32
    %mul3A_32 = vector.broadcast %mul3A_31 : i32 to vector<16xi32>
    %mul3A_33 = arith.muli %gather3A_30, %mul3A_32 : vector<16xi32>
    %add3A_34 = arith.addi %mul3A_33, %and3A_6 : vector<16xi32>
    %gather3A_35 = tpu.vector_load_idx %arg6[%add3A_34] : memref<128xf32, #tpu.memory_space<vmem>>[vector<16xi32>], vector<16xf32>,
    %swap3A_36 = arith.constant 32 : index
    %swap3A_37 = tpu.vector_load %arg7[%swap3A_36] {strides = array<i32>} : memref<2048xf32, #tpu.memory_space<vmem>>, vector<16xf32>,
    tpu.vector_store %arg7[%swap3A_36], %gather3A_35 {strides = array<i32>} : memref<2048xf32, #tpu.memory_space<vmem>>, vector<16xf32>,
    %add3A_38 = arith.constant 12 : i32
    %add3A_39 = vector.broadcast %add3A_38 : i32 to vector<16xi32>
    %add3A_40 = arith.addi %shift_right_arithmetic3A_4, %add3A_39 : vector<16xi32>
    %gather3A_41 = tpu.vector_load_idx %arg5[%add3A_40] : memref<512xi32, #tpu.memory_space<vmem>>[vector<16xi32>], vector<16xi32>,
    %mul3A_42 = arith.constant 4 : i32
    %mul3A_43 = vector.broadcast %mul3A_42 : i32 to vector<16xi32>
    %mul3A_44 = arith.muli %gather3A_41, %mul3A_43 : vector<16xi32>
    %add3A_45 = arith.addi %mul3A_44, %and3A_6 : vector<16xi32>
    %gather3A_46 = tpu.vector_load_idx %arg6[%add3A_45] : memref<128xf32, #tpu.memory_space<vmem>>[vector<16xi32>], vector<16xf32>,
    %swap3A_47 = arith.constant 48 : index
    %swap3A_48 = tpu.vector_load %arg7[%swap3A_47] {strides = array<i32>} : memref<2048xf32, #tpu.memory_space<vmem>>, vector<16xf32>,
    tpu.vector_store %arg7[%swap3A_47], %gather3A_46 {strides = array<i32>} : memref<2048xf32, #tpu.memory_space<vmem>>, vector<16xf32>,
    %add3A_49 = arith.constant 16 : i32
    %add3A_50 = vector.broadcast %add3A_49 : i32 to vector<16xi32>
    %add3A_51 = arith.addi %shift_right_arithmetic3A_4, %add3A_50 : vector<16xi32>
    %gather3A_52 = tpu.vector_load_idx %arg5[%add3A_51] : memref<512xi32, #tpu.memory_space<vmem>>[vector<16xi32>], vector<16xi32>,
    %mul3A_53 = arith.constant 4 : i32
    %mul3A_54 = vector.broadcast %mul3A_53 : i32 to vector<16xi32>
    %mul3A_55 = arith.muli %gather3A_52, %mul3A_54 : vector<16xi32>
    %add3A_56 = arith.addi %mul3A_55, %and3A_6 : vector<16xi32>
    %gather3A_57 = tpu.vector_load_idx %arg6[%add3A_56] : memref<128xf32, #tpu.memory_space<vmem>>[vector<16xi32>], vector<16xf32>,
    %swap3A_58 = arith.constant 64 : index
    %swap3A_59 = tpu.vector_load %arg7[%swap3A_58] {strides = array<i32>} : memref<2048xf32, #tpu.memory_space<vmem>>, vector<16xf32>,
    tpu.vector_store %arg7[%swap3A_58], %gather3A_57 {strides = array<i32>} : memref<2048xf32, #tpu.memory_space<vmem>>, vector<16xf32>,
    %add3A_60 = arith.constant 20 : i32
    %add3A_61 = vector.broadcast %add3A_60 : i32 to vector<16xi32>
    %add3A_62 = arith.addi %shift_right_arithmetic3A_4, %add3A_61 : vector<16xi32>
    %gather3A_63 = tpu.vector_load_idx %arg5[%add3A_62] : memref<512xi32, #tpu.memory_space<vmem>>[vector<16xi32>], vector<16xi32>,
    %mul3A_64 = arith.constant 4 : i32
    %mul3A_65 = vector.broadcast %mul3A_64 : i32 to vector<16xi32>
    %mul3A_66 = arith.muli %gather3A_63, %mul3A_65 : vector<16xi32>
    %add3A_67 = arith.addi %mul3A_66, %and3A_6 : vector<16xi32>
    %gather3A_68 = tpu.vector_load_idx %arg6[%add3A_67] : memref<128xf32, #tpu.memory_space<vmem>>[vector<16xi32>], vector<16xf32>,
    %swap3A_69 = arith.constant 80 : index
    %swap3A_70 = tpu.vector_load %arg7[%swap3A_69] {strides = array<i32>} : memref<2048xf32, #tpu.memory_space<vmem>>, vector<16xf32>,
    tpu.vector_store %arg7[%swap3A_69], %gather3A_68 {strides = array<i32>} : memref<2048xf32, #tpu.memory_space<vmem>>, vector<16xf32>,
    %add3A_71 = arith.constant 24 : i32
    %add3A_72 = vector.broadcast %add3A_71 : i32 to vector<16xi32>
    %add3A_73 = arith.addi %shift_right_arithmetic3A_4, %add3A_72 : vector<16xi32>
    %gather3A_74 = tpu.vector_load_idx %arg5[%add3A_73] : memref<512xi32, #tpu.memory_space<vmem>>[vector<16xi32>], vector<16xi32>,
    %mul3A_75 = arith.constant 4 : i32
    %mul3A_76 = vector.broadcast %mul3A_75 : i32 to vector<16xi32>
    %mul3A_77 = arith.muli %gather3A_74, %mul3A_76 : vector<16xi32>
    %add3A_78 = arith.addi %mul3A_77, %and3A_6 : vector<16xi32>
    %gather3A_79 = tpu.vector_load_idx %arg6[%add3A_78] : memref<128xf32, #tpu.memory_space<vmem>>[vector<16xi32>], vector<16xf32>,
    %swap3A_80 = arith.constant 96 : index
    %swap3A_81 = tpu.vector_load %arg7[%swap3A_80] {strides = array<i32>} : memref<2048xf32, #tpu.memory_space<vmem>>, vector<16xf32>,
    tpu.vector_store %arg7[%swap3A_80], %gather3A_79 {strides = array<i32>} : memref<2048xf32, #tpu.memory_space<vmem>>, vector<16xf32>,
    %add3A_82 = arith.constant 28 : i32
    %add3A_83 = vector.broadcast %add3A_82 : i32 to vector<16xi32>
    %add3A_84 = arith.addi %shift_right_arithmetic3A_4, %add3A_83 : vector<16xi32>
    %gather3A_85 = tpu.vector_load_idx %arg5[%add3A_84] : memref<512xi32, #tpu.memory_space<vmem>>[vector<16xi32>], vector<16xi32>,
    %mul3A_86 = arith.constant 4 : i32
    %mul3A_87 = vector.broadcast %mul3A_86 : i32 to vector<16xi32>
    %mul3A_88 = arith.muli %gather3A_85, %mul3A_87 : vector<16xi32>
    %add3A_89 = arith.addi %mul3A_88, %and3A_6 : vector<16xi32>
    %gather3A_90 = tpu.vector_load_idx %arg6[%add3A_89] : memref<128xf32, #tpu.memory_space<vmem>>[vector<16xi32>], vector<16xf32>,
    %swap3A_91 = arith.constant 112 : index
    %swap3A_92 = tpu.vector_load %arg7[%swap3A_91] {strides = array<i32>} : memref<2048xf32, #tpu.memory_space<vmem>>, vector<16xf32>,
    tpu.vector_store %arg7[%swap3A_91], %gather3A_90 {strides = array<i32>} : memref<2048xf32, #tpu.memory_space<vmem>>, vector<16xf32>,
    %add3A_93 = arith.constant 32 : i32
    %add3A_94 = vector.broadcast %add3A_93 : i32 to vector<16xi32>
    %add3A_95 = arith.addi %shift_right_arithmetic3A_4, %add3A_94 : vector<16xi32>
    %gather3A_96 = tpu.vector_load_idx %arg5[%add3A_95] : memref<512xi32, #tpu.memory_space<vmem>>[vector<16xi32>], vector<16xi32>,
    %mul3A_97 = arith.constant 4 : i32
    %mul3A_98 = vector.broadcast %mul3A_97 : i32 to vector<16xi32>
    %mul3A_99 = arith.muli %gather3A_96, %mul3A_98 : vector<16xi32>
    %add3A_100 = arith.addi %mul3A_99, %and3A_6 : vector<16xi32>
    %gather3A_101 = tpu.vector_load_idx %arg6[%add3A_100] : memref<128xf32, #tpu.memory_space<vmem>>[vector<16xi32>], vector<16xf32>,
    %swap3A_102 = arith.constant 128 : index
    %swap3A_103 = tpu.vector_load %arg7[%swap3A_102] {strides = array<i32>} : memref<2048xf32, #tpu.memory_space<vmem>>, vector<16xf32>,
    tpu.vector_store %arg7[%swap3A_102], %gather3A_101 {strides = array<i32>} : memref<2048xf32, #tpu.memory_space<vmem>>, vector<16xf32>,
    %add3A_104 = arith.constant 36 : i32
    %add3A_105 = vector.broadcast %add3A_104 : i32 to vector<16xi32>
    %add3A_106 = arith.addi %shift_right_arithmetic3A_4, %add3A_105 : vector<16xi32>
    %gather3A_107 = tpu.vector_load_idx %arg5[%add3A_106] : memref<512xi32, #tpu.memory_space<vmem>>[vector<16xi32>], vector<16xi32>,
    %mul3A_108 = arith.constant 4 : i32
    %mul3A_109 = vector.broadcast %mul3A_108 : i32 to vector<16xi32>
    %mul3A_110 = arith.muli %gather3A_107, %mul3A_109 : vector<16xi32>
    %add3A_111 = arith.addi %mul3A_110, %and3A_6 : vector<16xi32>
    %gather3A_112 = tpu.vector_load_idx %arg6[%add3A_111] : memref<128xf32, #tpu.memory_space<vmem>>[vector<16xi32>], vector<16xf32>,
    %swap3A_113 = arith.constant 144 : index
    %swap3A_114 = tpu.vector_load %arg7[%swap3A_113] {strides = array<i32>} : memref<2048xf32, #tpu.memory_space<vmem>>, vector<16xf32>,
    tpu.vector_store %arg7[%swap3A_113], %gather3A_112 {strides = array<i32>} : memref<2048xf32, #tpu.memory_space<vmem>>, vector<16xf32>,
    %add3A_115 = arith.constant 40 : i32
    %add3A_116 = vector.broadcast %add3A_115 : i32 to vector<16xi32>
    %add3A_117 = arith.addi %shift_right_arithmetic3A_4, %add3A_116 : vector<16xi32>
    %gather3A_118 = tpu.vector_load_idx %arg5[%add3A_117] : memref<512xi32, #tpu.memory_space<vmem>>[vector<16xi32>], vector<16xi32>,
    %mul3A_119 = arith.constant 4 : i32
    %mul3A_120 = vector.broadcast %mul3A_119 : i32 to vector<16xi32>
    %mul3A_121 = arith.muli %gather3A_118, %mul3A_120 : vector<16xi32>
    %add3A_122 = arith.addi %mul3A_121, %and3A_6 : vector<16xi32>
    %gather3A_123 = tpu.vector_load_idx %arg6[%add3A_122] : memref<128xf32, #tpu.memory_space<vmem>>[vector<16xi32>], vector<16xf32>,
    %swap3A_124 = arith.constant 160 : index
    %swap3A_125 = tpu.vector_load %arg7[%swap3A_124] {strides = array<i32>} : memref<2048xf32, #tpu.memory_space<vmem>>, vector<16xf32>,
    tpu.vector_store %arg7[%swap3A_124], %gather3A_123 {strides = array<i32>} : memref<2048xf32, #tpu.memory_space<vmem>>, vector<16xf32>,
    %add3A_126 = arith.constant 44 : i32
    %add3A_127 = vector.broadcast %add3A_126 : i32 to vector<16xi32>
    %add3A_128 = arith.addi %shift_right_arithmetic3A_4, %add3A_127 : vector<16xi32>
    %gather3A_129 = tpu.vector_load_idx %arg5[%add3A_128] : memref<512xi32, #tpu.memory_space<vmem>>[vector<16xi32>], vector<16xi32>,
    %mul3A_130 = arith.constant 4 : i32
    %mul3A_131 = vector.broadcast %mul3A_130 : i32 to vector<16xi32>
    %mul3A_132 = arith.muli %gather3A_129, %mul3A_131 : vector<16xi32>
    %add3A_133 = arith.addi %mul3A_132, %and3A_6 : vector<16xi32>
    %gather3A_134 = tpu.vector_load_idx %arg6[%add3A_133] : memref<128xf32, #tpu.memory_space<vmem>>[vector<16xi32>], vector<16xf32>,
    %swap3A_135 = arith.constant 176 : index
    %swap3A_136 = tpu.vector_load %arg7[%swap3A_135] {strides = array<i32>} : memref<2048xf32, #tpu.memory_space<vmem>>, vector<16xf32>,
    tpu.vector_store %arg7[%swap3A_135], %gather3A_134 {strides = array<i32>} : memref<2048xf32, #tpu.memory_space<vmem>>, vector<16xf32>,
    %add3A_137 = arith.constant 48 : i32
    %add3A_138 = vector.broadcast %add3A_137 : i32 to vector<16xi32>
    %add3A_139 = arith.addi %shift_right_arithmetic3A_4, %add3A_138 : vector<16xi32>
    %gather3A_140 = tpu.vector_load_idx %arg5[%add3A_139] : memref<512xi32, #tpu.memory_space<vmem>>[vector<16xi32>], vector<16xi32>,
    %mul3A_141 = arith.constant 4 : i32
    %mul3A_142 = vector.broadcast %mul3A_141 : i32 to vector<16xi32>
    %mul3A_143 = arith.muli %gather3A_140, %mul3A_142 : vector<16xi32>
    %add3A_144 = arith.addi %mul3A_143, %and3A_6 : vector<16xi32>
    %gather3A_145 = tpu.vector_load_idx %arg6[%add3A_144] : memref<128xf32, #tpu.memory_space<vmem>>[vector<16xi32>], vector<16xf32>,
    %swap3A_146 = arith.constant 192 : index
    %swap3A_147 = tpu.vector_load %arg7[%swap3A_146] {strides = array<i32>} : memref<2048xf32, #tpu.memory_space<vmem>>, vector<16xf32>,
    tpu.vector_store %arg7[%swap3A_146], %gather3A_145 {strides = array<i32>} : memref<2048xf32, #tpu.memory_space<vmem>>, vector<16xf32>,
    %add3A_148 = arith.constant 52 : i32
    %add3A_149 = vector.broadcast %add3A_148 : i32 to vector<16xi32>
    %add3A_150 = arith.addi %shift_right_arithmetic3A_4, %add3A_149 : vector<16xi32>
    %gather3A_151 = tpu.vector_load_idx %arg5[%add3A_150] : memref<512xi32, #tpu.memory_space<vmem>>[vector<16xi32>], vector<16xi32>,
    %mul3A_152 = arith.constant 4 : i32
    %mul3A_153 = vector.broadcast %mul3A_152 : i32 to vector<16xi32>
    %mul3A_154 = arith.muli %gather3A_151, %mul3A_153 : vector<16xi32>
    %add3A_155 = arith.addi %mul3A_154, %and3A_6 : vector<16xi32>
    %gather3A_156 = tpu.vector_load_idx %arg6[%add3A_155] : memref<128xf32, #tpu.memory_space<vmem>>[vector<16xi32>], vector<16xf32>,
    %swap3A_157 = arith.constant 208 : index
    %swap3A_158 = tpu.vector_load %arg7[%swap3A_157] {strides = array<i32>} : memref<2048xf32, #tpu.memory_space<vmem>>, vector<16xf32>,
    tpu.vector_store %arg7[%swap3A_157], %gather3A_156 {strides = array<i32>} : memref<2048xf32, #tpu.memory_space<vmem>>, vector<16xf32>,
    %add3A_159 = arith.constant 56 : i32
    %add3A_160 = vector.broadcast %add3A_159 : i32 to vector<16xi32>
    %add3A_161 = arith.addi %shift_right_arithmetic3A_4, %add3A_160 : vector<16xi32>
    %gather3A_162 = tpu.vector_load_idx %arg5[%add3A_161] : memref<512xi32, #tpu.memory_space<vmem>>[vector<16xi32>], vector<16xi32>,
    %mul3A_163 = arith.constant 4 : i32
    %mul3A_164 = vector.broadcast %mul3A_163 : i32 to vector<16xi32>
    %mul3A_165 = arith.muli %gather3A_162, %mul3A_164 : vector<16xi32>
    %add3A_166 = arith.addi %mul3A_165, %and3A_6 : vector<16xi32>
    %gather3A_167 = tpu.vector_load_idx %arg6[%add3A_166] : memref<128xf32, #tpu.memory_space<vmem>>[vector<16xi32>], vector<16xf32>,
    %swap3A_168 = arith.constant 224 : index
    %swap3A_169 = tpu.vector_load %arg7[%swap3A_168] {strides = array<i32>} : memref<2048xf32, #tpu.memory_space<vmem>>, vector<16xf32>,
    tpu.vector_store %arg7[%swap3A_168], %gather3A_167 {strides = array<i32>} : memref<2048xf32, #tpu.memory_space<vmem>>, vector<16xf32>,
    %add3A_170 = arith.constant 60 : i32
    %add3A_171 = vector.broadcast %add3A_170 : i32 to vector<16xi32>
    %add3A_172 = arith.addi %shift_right_arithmetic3A_4, %add3A_171 : vector<16xi32>
    %gather3A_173 = tpu.vector_load_idx %arg5[%add3A_172] : memref<512xi32, #tpu.memory_space<vmem>>[vector<16xi32>], vector<16xi32>,
    %mul3A_174 = arith.constant 4 : i32
    %mul3A_175 = vector.broadcast %mul3A_174 : i32 to vector<16xi32>
    %mul3A_176 = arith.muli %gather3A_173, %mul3A_175 : vector<16xi32>
    %add3A_177 = arith.addi %mul3A_176, %and3A_6 : vector<16xi32>
    %gather3A_178 = tpu.vector_load_idx %arg6[%add3A_177] : memref<128xf32, #tpu.memory_space<vmem>>[vector<16xi32>], vector<16xf32>,
    %swap3A_179 = arith.constant 240 : index
    %swap3A_180 = tpu.vector_load %arg7[%swap3A_179] {strides = array<i32>} : memref<2048xf32, #tpu.memory_space<vmem>>, vector<16xf32>,
    tpu.vector_store %arg7[%swap3A_179], %gather3A_178 {strides = array<i32>} : memref<2048xf32, #tpu.memory_space<vmem>>, vector<16xf32>,
    %add3A_181 = arith.constant 64 : i32
    %add3A_182 = vector.broadcast %add3A_181 : i32 to vector<16xi32>
    %add3A_183 = arith.addi %shift_right_arithmetic3A_4, %add3A_182 : vector<16xi32>
    %gather3A_184 = tpu.vector_load_idx %arg5[%add3A_183] : memref<512xi32, #tpu.memory_space<vmem>>[vector<16xi32>], vector<16xi32>,
    %mul3A_185 = arith.constant 4 : i32
    %mul3A_186 = vector.broadcast %mul3A_185 : i32 to vector<16xi32>
    %mul3A_187 = arith.muli %gather3A_184, %mul3A_186 : vector<16xi32>
    %add3A_188 = arith.addi %mul3A_187, %and3A_6 : vector<16xi32>
    %gather3A_189 = tpu.vector_load_idx %arg6[%add3A_188] : memref<128xf32, #tpu.memory_space<vmem>>[vector<16xi32>], vector<16xf32>,
    %swap3A_190 = arith.constant 256 : index
    %swap3A_191 = tpu.vector_load %arg7[%swap3A_190] {strides = array<i32>} : memref<2048xf32, #tpu.memory_space<vmem>>, vector<16xf32>,
    tpu.vector_store %arg7[%swap3A_190], %gather3A_189 {strides = array<i32>} : memref<2048xf32, #tpu.memory_space<vmem>>, vector<16xf32>,
    %add3A_192 = arith.constant 68 : i32
    %add3A_193 = vector.broadcast %add3A_192 : i32 to vector<16xi32>
    %add3A_194 = arith.addi %shift_right_arithmetic3A_4, %add3A_193 : vector<16xi32>
    %gather3A_195 = tpu.vector_load_idx %arg5[%add3A_194] : memref<512xi32, #tpu.memory_space<vmem>>[vector<16xi32>], vector<16xi32>,
    %mul3A_196 = arith.constant 4 : i32
    %mul3A_197 = vector.broadcast %mul3A_196 : i32 to vector<16xi32>
    %mul3A_198 = arith.muli %gather3A_195, %mul3A_197 : vector<16xi32>
    %add3A_199 = arith.addi %mul3A_198, %and3A_6 : vector<16xi32>
    %gather3A_200 = tpu.vector_load_idx %arg6[%add3A_199] : memref<128xf32, #tpu.memory_space<vmem>>[vector<16xi32>], vector<16xf32>,
    %swap3A_201 = arith.constant 272 : index
    %swap3A_202 = tpu.vector_load %arg7[%swap3A_201] {strides = array<i32>} : memref<2048xf32, #tpu.memory_space<vmem>>, vector<16xf32>,
    tpu.vector_store %arg7[%swap3A_201], %gather3A_200 {strides = array<i32>} : memref<2048xf32, #tpu.memory_space<vmem>>, vector<16xf32>,
    %add3A_203 = arith.constant 72 : i32
    %add3A_204 = vector.broadcast %add3A_203 : i32 to vector<16xi32>
    %add3A_205 = arith.addi %shift_right_arithmetic3A_4, %add3A_204 : vector<16xi32>
    %gather3A_206 = tpu.vector_load_idx %arg5[%add3A_205] : memref<512xi32, #tpu.memory_space<vmem>>[vector<16xi32>], vector<16xi32>,
    %mul3A_207 = arith.constant 4 : i32
    %mul3A_208 = vector.broadcast %mul3A_207 : i32 to vector<16xi32>
    %mul3A_209 = arith.muli %gather3A_206, %mul3A_208 : vector<16xi32>
    %add3A_210 = arith.addi %mul3A_209, %and3A_6 : vector<16xi32>
    %gather3A_211 = tpu.vector_load_idx %arg6[%add3A_210] : memref<128xf32, #tpu.memory_space<vmem>>[vector<16xi32>], vector<16xf32>,
    %swap3A_212 = arith.constant 288 : index
    %swap3A_213 = tpu.vector_load %arg7[%swap3A_212] {strides = array<i32>} : memref<2048xf32, #tpu.memory_space<vmem>>, vector<16xf32>,
    tpu.vector_store %arg7[%swap3A_212], %gather3A_211 {strides = array<i32>} : memref<2048xf32, #tpu.memory_space<vmem>>, vector<16xf32>,
    %add3A_214 = arith.constant 76 : i32
    %add3A_215 = vector.broadcast %add3A_214 : i32 to vector<16xi32>
    %add3A_216 = arith.addi %shift_right_arithmetic3A_4, %add3A_215 : vector<16xi32>
    %gather3A_217 = tpu.vector_load_idx %arg5[%add3A_216] : memref<512xi32, #tpu.memory_space<vmem>>[vector<16xi32>], vector<16xi32>,
    %mul3A_218 = arith.constant 4 : i32
    %mul3A_219 = vector.broadcast %mul3A_218 : i32 to vector<16xi32>
    %mul3A_220 = arith.muli %gather3A_217, %mul3A_219 : vector<16xi32>
    %add3A_221 = arith.addi %mul3A_220, %and3A_6 : vector<16xi32>
    %gather3A_222 = tpu.vector_load_idx %arg6[%add3A_221] : memref<128xf32, #tpu.memory_space<vmem>>[vector<16xi32>], vector<16xf32>,
    %swap3A_223 = arith.constant 304 : index
    %swap3A_224 = tpu.vector_load %arg7[%swap3A_223] {strides = array<i32>} : memref<2048xf32, #tpu.memory_space<vmem>>, vector<16xf32>,
    tpu.vector_store %arg7[%swap3A_223], %gather3A_222 {strides = array<i32>} : memref<2048xf32, #tpu.memory_space<vmem>>, vector<16xf32>,
    %add3A_225 = arith.constant 80 : i32
    %add3A_226 = vector.broadcast %add3A_225 : i32 to vector<16xi32>
    %add3A_227 = arith.addi %shift_right_arithmetic3A_4, %add3A_226 : vector<16xi32>
    %gather3A_228 = tpu.vector_load_idx %arg5[%add3A_227] : memref<512xi32, #tpu.memory_space<vmem>>[vector<16xi32>], vector<16xi32>,
    %mul3A_229 = arith.constant 4 : i32
    %mul3A_230 = vector.broadcast %mul3A_229 : i32 to vector<16xi32>
    %mul3A_231 = arith.muli %gather3A_228, %mul3A_230 : vector<16xi32>
    %add3A_232 = arith.addi %mul3A_231, %and3A_6 : vector<16xi32>
    %gather3A_233 = tpu.vector_load_idx %arg6[%add3A_232] : memref<128xf32, #tpu.memory_space<vmem>>[vector<16xi32>], vector<16xf32>,
    %swap3A_234 = arith.constant 320 : index
    %swap3A_235 = tpu.vector_load %arg7[%swap3A_234] {strides = array<i32>} : memref<2048xf32, #tpu.memory_space<vmem>>, vector<16xf32>,
    tpu.vector_store %arg7[%swap3A_234], %gather3A_233 {strides = array<i32>} : memref<2048xf32, #tpu.memory_space<vmem>>, vector<16xf32>,
    %add3A_236 = arith.constant 84 : i32
    %add3A_237 = vector.broadcast %add3A_236 : i32 to vector<16xi32>
    %add3A_238 = arith.addi %shift_right_arithmetic3A_4, %add3A_237 : vector<16xi32>
    %gather3A_239 = tpu.vector_load_idx %arg5[%add3A_238] : memref<512xi32, #tpu.memory_space<vmem>>[vector<16xi32>], vector<16xi32>,
    %mul3A_240 = arith.constant 4 : i32
    %mul3A_241 = vector.broadcast %mul3A_240 : i32 to vector<16xi32>
    %mul3A_242 = arith.muli %gather3A_239, %mul3A_241 : vector<16xi32>
    %add3A_243 = arith.addi %mul3A_242, %and3A_6 : vector<16xi32>
    %gather3A_244 = tpu.vector_load_idx %arg6[%add3A_243] : memref<128xf32, #tpu.memory_space<vmem>>[vector<16xi32>], vector<16xf32>,
    %swap3A_245 = arith.constant 336 : index
    %swap3A_246 = tpu.vector_load %arg7[%swap3A_245] {strides = array<i32>} : memref<2048xf32, #tpu.memory_space<vmem>>, vector<16xf32>,
    tpu.vector_store %arg7[%swap3A_245], %gather3A_244 {strides = array<i32>} : memref<2048xf32, #tpu.memory_space<vmem>>, vector<16xf32>,
    %add3A_247 = arith.constant 88 : i32
    %add3A_248 = vector.broadcast %add3A_247 : i32 to vector<16xi32>
    %add3A_249 = arith.addi %shift_right_arithmetic3A_4, %add3A_248 : vector<16xi32>
    %gather3A_250 = tpu.vector_load_idx %arg5[%add3A_249] : memref<512xi32, #tpu.memory_space<vmem>>[vector<16xi32>], vector<16xi32>,
    %mul3A_251 = arith.constant 4 : i32
    %mul3A_252 = vector.broadcast %mul3A_251 : i32 to vector<16xi32>
    %mul3A_253 = arith.muli %gather3A_250, %mul3A_252 : vector<16xi32>
    %add3A_254 = arith.addi %mul3A_253, %and3A_6 : vector<16xi32>
    %gather3A_255 = tpu.vector_load_idx %arg6[%add3A_254] : memref<128xf32, #tpu.memory_space<vmem>>[vector<16xi32>], vector<16xf32>,
    %swap3A_256 = arith.constant 352 : index
    %swap3A_257 = tpu.vector_load %arg7[%swap3A_256] {strides = array<i32>} : memref<2048xf32, #tpu.memory_space<vmem>>, vector<16xf32>,
    tpu.vector_store %arg7[%swap3A_256], %gather3A_255 {strides = array<i32>} : memref<2048xf32, #tpu.memory_space<vmem>>, vector<16xf32>,
    %add3A_258 = arith.constant 92 : i32
    %add3A_259 = vector.broadcast %add3A_258 : i32 to vector<16xi32>
    %add3A_260 = arith.addi %shift_right_arithmetic3A_4, %add3A_259 : vector<16xi32>
    %gather3A_261 = tpu.vector_load_idx %arg5[%add3A_260] : memref<512xi32, #tpu.memory_space<vmem>>[vector<16xi32>], vector<16xi32>,
    %mul3A_262 = arith.constant 4 : i32
    %mul3A_263 = vector.broadcast %mul3A_262 : i32 to vector<16xi32>
    %mul3A_264 = arith.muli %gather3A_261, %mul3A_263 : vector<16xi32>
    %add3A_265 = arith.addi %mul3A_264, %and3A_6 : vector<16xi32>
    %gather3A_266 = tpu.vector_load_idx %arg6[%add3A_265] : memref<128xf32, #tpu.memory_space<vmem>>[vector<16xi32>], vector<16xf32>,
    %swap3A_267 = arith.constant 368 : index
    %swap3A_268 = tpu.vector_load %arg7[%swap3A_267] {strides = array<i32>} : memref<2048xf32, #tpu.memory_space<vmem>>, vector<16xf32>,
    tpu.vector_store %arg7[%swap3A_267], %gather3A_266 {strides = array<i32>} : memref<2048xf32, #tpu.memory_space<vmem>>, vector<16xf32>,
    %add3A_269 = arith.constant 96 : i32
    %add3A_270 = vector.broadcast %add3A_269 : i32 to vector<16xi32>
    %add3A_271 = arith.addi %shift_right_arithmetic3A_4, %add3A_270 : vector<16xi32>
    %gather3A_272 = tpu.vector_load_idx %arg5[%add3A_271] : memref<512xi32, #tpu.memory_space<vmem>>[vector<16xi32>], vector<16xi32>,
    %mul3A_273 = arith.constant 4 : i32
    %mul3A_274 = vector.broadcast %mul3A_273 : i32 to vector<16xi32>
    %mul3A_275 = arith.muli %gather3A_272, %mul3A_274 : vector<16xi32>
    %add3A_276 = arith.addi %mul3A_275, %and3A_6 : vector<16xi32>
    %gather3A_277 = tpu.vector_load_idx %arg6[%add3A_276] : memref<128xf32, #tpu.memory_space<vmem>>[vector<16xi32>], vector<16xf32>,
    %swap3A_278 = arith.constant 384 : index
    %swap3A_279 = tpu.vector_load %arg7[%swap3A_278] {strides = array<i32>} : memref<2048xf32, #tpu.memory_space<vmem>>, vector<16xf32>,
    tpu.vector_store %arg7[%swap3A_278], %gather3A_277 {strides = array<i32>} : memref<2048xf32, #tpu.memory_space<vmem>>, vector<16xf32>,
    %add3A_280 = arith.constant 100 : i32
    %add3A_281 = vector.broadcast %add3A_280 : i32 to vector<16xi32>
    %add3A_282 = arith.addi %shift_right_arithmetic3A_4, %add3A_281 : vector<16xi32>
    %gather3A_283 = tpu.vector_load_idx %arg5[%add3A_282] : memref<512xi32, #tpu.memory_space<vmem>>[vector<16xi32>], vector<16xi32>,
    %mul3A_284 = arith.constant 4 : i32
    %mul3A_285 = vector.broadcast %mul3A_284 : i32 to vector<16xi32>
    %mul3A_286 = arith.muli %gather3A_283, %mul3A_285 : vector<16xi32>
    %add3A_287 = arith.addi %mul3A_286, %and3A_6 : vector<16xi32>
    %gather3A_288 = tpu.vector_load_idx %arg6[%add3A_287] : memref<128xf32, #tpu.memory_space<vmem>>[vector<16xi32>], vector<16xf32>,
    %swap3A_289 = arith.constant 400 : index
    %swap3A_290 = tpu.vector_load %arg7[%swap3A_289] {strides = array<i32>} : memref<2048xf32, #tpu.memory_space<vmem>>, vector<16xf32>,
    tpu.vector_store %arg7[%swap3A_289], %gather3A_288 {strides = array<i32>} : memref<2048xf32, #tpu.memory_space<vmem>>, vector<16xf32>,
    %add3A_291 = arith.constant 104 : i32
    %add3A_292 = vector.broadcast %add3A_291 : i32 to vector<16xi32>
    %add3A_293 = arith.addi %shift_right_arithmetic3A_4, %add3A_292 : vector<16xi32>
    %gather3A_294 = tpu.vector_load_idx %arg5[%add3A_293] : memref<512xi32, #tpu.memory_space<vmem>>[vector<16xi32>], vector<16xi32>,
    %mul3A_295 = arith.constant 4 : i32
    %mul3A_296 = vector.broadcast %mul3A_295 : i32 to vector<16xi32>
    %mul3A_297 = arith.muli %gather3A_294, %mul3A_296 : vector<16xi32>
    %add3A_298 = arith.addi %mul3A_297, %and3A_6 : vector<16xi32>
    %gather3A_299 = tpu.vector_load_idx %arg6[%add3A_298] : memref<128xf32, #tpu.memory_space<vmem>>[vector<16xi32>], vector<16xf32>,
    %swap3A_300 = arith.constant 416 : index
    %swap3A_301 = tpu.vector_load %arg7[%swap3A_300] {strides = array<i32>} : memref<2048xf32, #tpu.memory_space<vmem>>, vector<16xf32>,
    tpu.vector_store %arg7[%swap3A_300], %gather3A_299 {strides = array<i32>} : memref<2048xf32, #tpu.memory_space<vmem>>, vector<16xf32>,
    %add3A_302 = arith.constant 108 : i32
    %add3A_303 = vector.broadcast %add3A_302 : i32 to vector<16xi32>
    %add3A_304 = arith.addi %shift_right_arithmetic3A_4, %add3A_303 : vector<16xi32>
    %gather3A_305 = tpu.vector_load_idx %arg5[%add3A_304] : memref<512xi32, #tpu.memory_space<vmem>>[vector<16xi32>], vector<16xi32>,
    %mul3A_306 = arith.constant 4 : i32
    %mul3A_307 = vector.broadcast %mul3A_306 : i32 to vector<16xi32>
    %mul3A_308 = arith.muli %gather3A_305, %mul3A_307 : vector<16xi32>
    %add3A_309 = arith.addi %mul3A_308, %and3A_6 : vector<16xi32>
    %gather3A_310 = tpu.vector_load_idx %arg6[%add3A_309] : memref<128xf32, #tpu.memory_space<vmem>>[vector<16xi32>], vector<16xf32>,
    %swap3A_311 = arith.constant 432 : index
    %swap3A_312 = tpu.vector_load %arg7[%swap3A_311] {strides = array<i32>} : memref<2048xf32, #tpu.memory_space<vmem>>, vector<16xf32>,
    tpu.vector_store %arg7[%swap3A_311], %gather3A_310 {strides = array<i32>} : memref<2048xf32, #tpu.memory_space<vmem>>, vector<16xf32>,
    %add3A_313 = arith.constant 112 : i32
    %add3A_314 = vector.broadcast %add3A_313 : i32 to vector<16xi32>
    %add3A_315 = arith.addi %shift_right_arithmetic3A_4, %add3A_314 : vector<16xi32>
    %gather3A_316 = tpu.vector_load_idx %arg5[%add3A_315] : memref<512xi32, #tpu.memory_space<vmem>>[vector<16xi32>], vector<16xi32>,
    %mul3A_317 = arith.constant 4 : i32
    %mul3A_318 = vector.broadcast %mul3A_317 : i32 to vector<16xi32>
    %mul3A_319 = arith.muli %gather3A_316, %mul3A_318 : vector<16xi32>
    %add3A_320 = arith.addi %mul3A_319, %and3A_6 : vector<16xi32>
    %gather3A_321 = tpu.vector_load_idx %arg6[%add3A_320] : memref<128xf32, #tpu.memory_space<vmem>>[vector<16xi32>], vector<16xf32>,
    %swap3A_322 = arith.constant 448 : index
    %swap3A_323 = tpu.vector_load %arg7[%swap3A_322] {strides = array<i32>} : memref<2048xf32, #tpu.memory_space<vmem>>, vector<16xf32>,
    tpu.vector_store %arg7[%swap3A_322], %gather3A_321 {strides = array<i32>} : memref<2048xf32, #tpu.memory_space<vmem>>, vector<16xf32>,
    %add3A_324 = arith.constant 116 : i32
    %add3A_325 = vector.broadcast %add3A_324 : i32 to vector<16xi32>
    %add3A_326 = arith.addi %shift_right_arithmetic3A_4, %add3A_325 : vector<16xi32>
    %gather3A_327 = tpu.vector_load_idx %arg5[%add3A_326] : memref<512xi32, #tpu.memory_space<vmem>>[vector<16xi32>], vector<16xi32>,
    %mul3A_328 = arith.constant 4 : i32
    %mul3A_329 = vector.broadcast %mul3A_328 : i32 to vector<16xi32>
    %mul3A_330 = arith.muli %gather3A_327, %mul3A_329 : vector<16xi32>
    %add3A_331 = arith.addi %mul3A_330, %and3A_6 : vector<16xi32>
    %gather3A_332 = tpu.vector_load_idx %arg6[%add3A_331] : memref<128xf32, #tpu.memory_space<vmem>>[vector<16xi32>], vector<16xf32>,
    %swap3A_333 = arith.constant 464 : index
    %swap3A_334 = tpu.vector_load %arg7[%swap3A_333] {strides = array<i32>} : memref<2048xf32, #tpu.memory_space<vmem>>, vector<16xf32>,
    tpu.vector_store %arg7[%swap3A_333], %gather3A_332 {strides = array<i32>} : memref<2048xf32, #tpu.memory_space<vmem>>, vector<16xf32>,
    %add3A_335 = arith.constant 120 : i32
    %add3A_336 = vector.broadcast %add3A_335 : i32 to vector<16xi32>
    %add3A_337 = arith.addi %shift_right_arithmetic3A_4, %add3A_336 : vector<16xi32>
    %gather3A_338 = tpu.vector_load_idx %arg5[%add3A_337] : memref<512xi32, #tpu.memory_space<vmem>>[vector<16xi32>], vector<16xi32>,
    %mul3A_339 = arith.constant 4 : i32
    %mul3A_340 = vector.broadcast %mul3A_339 : i32 to vector<16xi32>
    %mul3A_341 = arith.muli %gather3A_338, %mul3A_340 : vector<16xi32>
    %add3A_342 = arith.addi %mul3A_341, %and3A_6 : vector<16xi32>
    %gather3A_343 = tpu.vector_load_idx %arg6[%add3A_342] : memref<128xf32, #tpu.memory_space<vmem>>[vector<16xi32>], vector<16xf32>,
    %swap3A_344 = arith.constant 480 : index
    %swap3A_345 = tpu.vector_load %arg7[%swap3A_344] {strides = array<i32>} : memref<2048xf32, #tpu.memory_space<vmem>>, vector<16xf32>,
    tpu.vector_store %arg7[%swap3A_344], %gather3A_343 {strides = array<i32>} : memref<2048xf32, #tpu.memory_space<vmem>>, vector<16xf32>,
    %add3A_346 = arith.constant 124 : i32
    %add3A_347 = vector.broadcast %add3A_346 : i32 to vector<16xi32>
    %add3A_348 = arith.addi %shift_right_arithmetic3A_4, %add3A_347 : vector<16xi32>
    %gather3A_349 = tpu.vector_load_idx %arg5[%add3A_348] : memref<512xi32, #tpu.memory_space<vmem>>[vector<16xi32>], vector<16xi32>,
    %mul3A_350 = arith.constant 4 : i32
    %mul3A_351 = vector.broadcast %mul3A_350 : i32 to vector<16xi32>
    %mul3A_352 = arith.muli %gather3A_349, %mul3A_351 : vector<16xi32>
    %add3A_353 = arith.addi %mul3A_352, %and3A_6 : vector<16xi32>
    %gather3A_354 = tpu.vector_load_idx %arg6[%add3A_353] : memref<128xf32, #tpu.memory_space<vmem>>[vector<16xi32>], vector<16xf32>,
    %swap3A_355 = arith.constant 496 : index
    %swap3A_356 = tpu.vector_load %arg7[%swap3A_355] {strides = array<i32>} : memref<2048xf32, #tpu.memory_space<vmem>>, vector<16xf32>,
    tpu.vector_store %arg7[%swap3A_355], %gather3A_354 {strides = array<i32>} : memref<2048xf32, #tpu.memory_space<vmem>>, vector<16xf32>,
    %add3A_357 = arith.constant 128 : i32
    %add3A_358 = vector.broadcast %add3A_357 : i32 to vector<16xi32>
    %add3A_359 = arith.addi %shift_right_arithmetic3A_4, %add3A_358 : vector<16xi32>
    %gather3A_360 = tpu.vector_load_idx %arg5[%add3A_359] : memref<512xi32, #tpu.memory_space<vmem>>[vector<16xi32>], vector<16xi32>,
    %mul3A_361 = arith.constant 4 : i32
    %mul3A_362 = vector.broadcast %mul3A_361 : i32 to vector<16xi32>
    %mul3A_363 = arith.muli %gather3A_360, %mul3A_362 : vector<16xi32>
    %add3A_364 = arith.addi %mul3A_363, %and3A_6 : vector<16xi32>
    %gather3A_365 = tpu.vector_load_idx %arg6[%add3A_364] : memref<128xf32, #tpu.memory_space<vmem>>[vector<16xi32>], vector<16xf32>,
    %swap3A_366 = arith.constant 512 : index
    %swap3A_367 = tpu.vector_load %arg7[%swap3A_366] {strides = array<i32>} : memref<2048xf32, #tpu.memory_space<vmem>>, vector<16xf32>,
    tpu.vector_store %arg7[%swap3A_366], %gather3A_365 {strides = array<i32>} : memref<2048xf32, #tpu.memory_space<vmem>>, vector<16xf32>,
    %add3A_368 = arith.constant 132 : i32
    %add3A_369 = vector.broadcast %add3A_368 : i32 to vector<16xi32>
    %add3A_370 = arith.addi %shift_right_arithmetic3A_4, %add3A_369 : vector<16xi32>
    %gather3A_371 = tpu.vector_load_idx %arg5[%add3A_370] : memref<512xi32, #tpu.memory_space<vmem>>[vector<16xi32>], vector<16xi32>,
    %mul3A_372 = arith.constant 4 : i32
    %mul3A_373 = vector.broadcast %mul3A_372 : i32 to vector<16xi32>
    %mul3A_374 = arith.muli %gather3A_371, %mul3A_373 : vector<16xi32>
    %add3A_375 = arith.addi %mul3A_374, %and3A_6 : vector<16xi32>
    %gather3A_376 = tpu.vector_load_idx %arg6[%add3A_375] : memref<128xf32, #tpu.memory_space<vmem>>[vector<16xi32>], vector<16xf32>,
    %swap3A_377 = arith.constant 528 : index
    %swap3A_378 = tpu.vector_load %arg7[%swap3A_377] {strides = array<i32>} : memref<2048xf32, #tpu.memory_space<vmem>>, vector<16xf32>,
    tpu.vector_store %arg7[%swap3A_377], %gather3A_376 {strides = array<i32>} : memref<2048xf32, #tpu.memory_space<vmem>>, vector<16xf32>,
    %add3A_379 = arith.constant 136 : i32
    %add3A_380 = vector.broadcast %add3A_379 : i32 to vector<16xi32>
    %add3A_381 = arith.addi %shift_right_arithmetic3A_4, %add3A_380 : vector<16xi32>
    %gather3A_382 = tpu.vector_load_idx %arg5[%add3A_381] : memref<512xi32, #tpu.memory_space<vmem>>[vector<16xi32>], vector<16xi32>,
    %mul3A_383 = arith.constant 4 : i32
    %mul3A_384 = vector.broadcast %mul3A_383 : i32 to vector<16xi32>
    %mul3A_385 = arith.muli %gather3A_382, %mul3A_384 : vector<16xi32>
    %add3A_386 = arith.addi %mul3A_385, %and3A_6 : vector<16xi32>
    %gather3A_387 = tpu.vector_load_idx %arg6[%add3A_386] : memref<128xf32, #tpu.memory_space<vmem>>[vector<16xi32>], vector<16xf32>,
    %swap3A_388 = arith.constant 544 : index
    %swap3A_389 = tpu.vector_load %arg7[%swap3A_388] {strides = array<i32>} : memref<2048xf32, #tpu.memory_space<vmem>>, vector<16xf32>,
    tpu.vector_store %arg7[%swap3A_388], %gather3A_387 {strides = array<i32>} : memref<2048xf32, #tpu.memory_space<vmem>>, vector<16xf32>,
    %add3A_390 = arith.constant 140 : i32
    %add3A_391 = vector.broadcast %add3A_390 : i32 to vector<16xi32>
    %add3A_392 = arith.addi %shift_right_arithmetic3A_4, %add3A_391 : vector<16xi32>
    %gather3A_393 = tpu.vector_load_idx %arg5[%add3A_392] : memref<512xi32, #tpu.memory_space<vmem>>[vector<16xi32>], vector<16xi32>,
    %mul3A_394 = arith.constant 4 : i32
    %mul3A_395 = vector.broadcast %mul3A_394 : i32 to vector<16xi32>
    %mul3A_396 = arith.muli %gather3A_393, %mul3A_395 : vector<16xi32>
    %add3A_397 = arith.addi %mul3A_396, %and3A_6 : vector<16xi32>
    %gather3A_398 = tpu.vector_load_idx %arg6[%add3A_397] : memref<128xf32, #tpu.memory_space<vmem>>[vector<16xi32>], vector<16xf32>,
    %swap3A_399 = arith.constant 560 : index
    %swap3A_400 = tpu.vector_load %arg7[%swap3A_399] {strides = array<i32>} : memref<2048xf32, #tpu.memory_space<vmem>>, vector<16xf32>,
    tpu.vector_store %arg7[%swap3A_399], %gather3A_398 {strides = array<i32>} : memref<2048xf32, #tpu.memory_space<vmem>>, vector<16xf32>,
    %add3A_401 = arith.constant 144 : i32
    %add3A_402 = vector.broadcast %add3A_401 : i32 to vector<16xi32>
    %add3A_403 = arith.addi %shift_right_arithmetic3A_4, %add3A_402 : vector<16xi32>
    %gather3A_404 = tpu.vector_load_idx %arg5[%add3A_403] : memref<512xi32, #tpu.memory_space<vmem>>[vector<16xi32>], vector<16xi32>,
    %mul3A_405 = arith.constant 4 : i32
    %mul3A_406 = vector.broadcast %mul3A_405 : i32 to vector<16xi32>
    %mul3A_407 = arith.muli %gather3A_404, %mul3A_406 : vector<16xi32>
    %add3A_408 = arith.addi %mul3A_407, %and3A_6 : vector<16xi32>
    %gather3A_409 = tpu.vector_load_idx %arg6[%add3A_408] : memref<128xf32, #tpu.memory_space<vmem>>[vector<16xi32>], vector<16xf32>,
    %swap3A_410 = arith.constant 576 : index
    %swap3A_411 = tpu.vector_load %arg7[%swap3A_410] {strides = array<i32>} : memref<2048xf32, #tpu.memory_space<vmem>>, vector<16xf32>,
    tpu.vector_store %arg7[%swap3A_410], %gather3A_409 {strides = array<i32>} : memref<2048xf32, #tpu.memory_space<vmem>>, vector<16xf32>,
    %add3A_412 = arith.constant 148 : i32
    %add3A_413 = vector.broadcast %add3A_412 : i32 to vector<16xi32>
    %add3A_414 = arith.addi %shift_right_arithmetic3A_4, %add3A_413 : vector<16xi32>
    %gather3A_415 = tpu.vector_load_idx %arg5[%add3A_414] : memref<512xi32, #tpu.memory_space<vmem>>[vector<16xi32>], vector<16xi32>,
    %mul3A_416 = arith.constant 4 : i32
    %mul3A_417 = vector.broadcast %mul3A_416 : i32 to vector<16xi32>
    %mul3A_418 = arith.muli %gather3A_415, %mul3A_417 : vector<16xi32>
    %add3A_419 = arith.addi %mul3A_418, %and3A_6 : vector<16xi32>
    %gather3A_420 = tpu.vector_load_idx %arg6[%add3A_419] : memref<128xf32, #tpu.memory_space<vmem>>[vector<16xi32>], vector<16xf32>,
    %swap3A_421 = arith.constant 592 : index
    %swap3A_422 = tpu.vector_load %arg7[%swap3A_421] {strides = array<i32>} : memref<2048xf32, #tpu.memory_space<vmem>>, vector<16xf32>,
    tpu.vector_store %arg7[%swap3A_421], %gather3A_420 {strides = array<i32>} : memref<2048xf32, #tpu.memory_space<vmem>>, vector<16xf32>,
    %add3A_423 = arith.constant 152 : i32
    %add3A_424 = vector.broadcast %add3A_423 : i32 to vector<16xi32>
    %add3A_425 = arith.addi %shift_right_arithmetic3A_4, %add3A_424 : vector<16xi32>
    %gather3A_426 = tpu.vector_load_idx %arg5[%add3A_425] : memref<512xi32, #tpu.memory_space<vmem>>[vector<16xi32>], vector<16xi32>,
    %mul3A_427 = arith.constant 4 : i32
    %mul3A_428 = vector.broadcast %mul3A_427 : i32 to vector<16xi32>
    %mul3A_429 = arith.muli %gather3A_426, %mul3A_428 : vector<16xi32>
    %add3A_430 = arith.addi %mul3A_429, %and3A_6 : vector<16xi32>
    %gather3A_431 = tpu.vector_load_idx %arg6[%add3A_430] : memref<128xf32, #tpu.memory_space<vmem>>[vector<16xi32>], vector<16xf32>,
    %swap3A_432 = arith.constant 608 : index
    %swap3A_433 = tpu.vector_load %arg7[%swap3A_432] {strides = array<i32>} : memref<2048xf32, #tpu.memory_space<vmem>>, vector<16xf32>,
    tpu.vector_store %arg7[%swap3A_432], %gather3A_431 {strides = array<i32>} : memref<2048xf32, #tpu.memory_space<vmem>>, vector<16xf32>,
    %add3A_434 = arith.constant 156 : i32
    %add3A_435 = vector.broadcast %add3A_434 : i32 to vector<16xi32>
    %add3A_436 = arith.addi %shift_right_arithmetic3A_4, %add3A_435 : vector<16xi32>
    %gather3A_437 = tpu.vector_load_idx %arg5[%add3A_436] : memref<512xi32, #tpu.memory_space<vmem>>[vector<16xi32>], vector<16xi32>,
    %mul3A_438 = arith.constant 4 : i32
    %mul3A_439 = vector.broadcast %mul3A_438 : i32 to vector<16xi32>
    %mul3A_440 = arith.muli %gather3A_437, %mul3A_439 : vector<16xi32>
    %add3A_441 = arith.addi %mul3A_440, %and3A_6 : vector<16xi32>
    %gather3A_442 = tpu.vector_load_idx %arg6[%add3A_441] : memref<128xf32, #tpu.memory_space<vmem>>[vector<16xi32>], vector<16xf32>,
    %swap3A_443 = arith.constant 624 : index
    %swap3A_444 = tpu.vector_load %arg7[%swap3A_443] {strides = array<i32>} : memref<2048xf32, #tpu.memory_space<vmem>>, vector<16xf32>,
    tpu.vector_store %arg7[%swap3A_443], %gather3A_442 {strides = array<i32>} : memref<2048xf32, #tpu.memory_space<vmem>>, vector<16xf32>,
    %add3A_445 = arith.constant 160 : i32
    %add3A_446 = vector.broadcast %add3A_445 : i32 to vector<16xi32>
    %add3A_447 = arith.addi %shift_right_arithmetic3A_4, %add3A_446 : vector<16xi32>
    %gather3A_448 = tpu.vector_load_idx %arg5[%add3A_447] : memref<512xi32, #tpu.memory_space<vmem>>[vector<16xi32>], vector<16xi32>,
    %mul3A_449 = arith.constant 4 : i32
    %mul3A_450 = vector.broadcast %mul3A_449 : i32 to vector<16xi32>
    %mul3A_451 = arith.muli %gather3A_448, %mul3A_450 : vector<16xi32>
    %add3A_452 = arith.addi %mul3A_451, %and3A_6 : vector<16xi32>
    %gather3A_453 = tpu.vector_load_idx %arg6[%add3A_452] : memref<128xf32, #tpu.memory_space<vmem>>[vector<16xi32>], vector<16xf32>,
    %swap3A_454 = arith.constant 640 : index
    %swap3A_455 = tpu.vector_load %arg7[%swap3A_454] {strides = array<i32>} : memref<2048xf32, #tpu.memory_space<vmem>>, vector<16xf32>,
    tpu.vector_store %arg7[%swap3A_454], %gather3A_453 {strides = array<i32>} : memref<2048xf32, #tpu.memory_space<vmem>>, vector<16xf32>,
    %add3A_456 = arith.constant 164 : i32
    %add3A_457 = vector.broadcast %add3A_456 : i32 to vector<16xi32>
    %add3A_458 = arith.addi %shift_right_arithmetic3A_4, %add3A_457 : vector<16xi32>
    %gather3A_459 = tpu.vector_load_idx %arg5[%add3A_458] : memref<512xi32, #tpu.memory_space<vmem>>[vector<16xi32>], vector<16xi32>,
    %mul3A_460 = arith.constant 4 : i32
    %mul3A_461 = vector.broadcast %mul3A_460 : i32 to vector<16xi32>
    %mul3A_462 = arith.muli %gather3A_459, %mul3A_461 : vector<16xi32>
    %add3A_463 = arith.addi %mul3A_462, %and3A_6 : vector<16xi32>
    %gather3A_464 = tpu.vector_load_idx %arg6[%add3A_463] : memref<128xf32, #tpu.memory_space<vmem>>[vector<16xi32>], vector<16xf32>,
    %swap3A_465 = arith.constant 656 : index
    %swap3A_466 = tpu.vector_load %arg7[%swap3A_465] {strides = array<i32>} : memref<2048xf32, #tpu.memory_space<vmem>>, vector<16xf32>,
    tpu.vector_store %arg7[%swap3A_465], %gather3A_464 {strides = array<i32>} : memref<2048xf32, #tpu.memory_space<vmem>>, vector<16xf32>,
    %add3A_467 = arith.constant 168 : i32
    %add3A_468 = vector.broadcast %add3A_467 : i32 to vector<16xi32>
    %add3A_469 = arith.addi %shift_right_arithmetic3A_4, %add3A_468 : vector<16xi32>
    %gather3A_470 = tpu.vector_load_idx %arg5[%add3A_469] : memref<512xi32, #tpu.memory_space<vmem>>[vector<16xi32>], vector<16xi32>,
    %mul3A_471 = arith.constant 4 : i32
    %mul3A_472 = vector.broadcast %mul3A_471 : i32 to vector<16xi32>
    %mul3A_473 = arith.muli %gather3A_470, %mul3A_472 : vector<16xi32>
    %add3A_474 = arith.addi %mul3A_473, %and3A_6 : vector<16xi32>
    %gather3A_475 = tpu.vector_load_idx %arg6[%add3A_474] : memref<128xf32, #tpu.memory_space<vmem>>[vector<16xi32>], vector<16xf32>,
    %swap3A_476 = arith.constant 672 : index
    %swap3A_477 = tpu.vector_load %arg7[%swap3A_476] {strides = array<i32>} : memref<2048xf32, #tpu.memory_space<vmem>>, vector<16xf32>,
    tpu.vector_store %arg7[%swap3A_476], %gather3A_475 {strides = array<i32>} : memref<2048xf32, #tpu.memory_space<vmem>>, vector<16xf32>,
    %add3A_478 = arith.constant 172 : i32
    %add3A_479 = vector.broadcast %add3A_478 : i32 to vector<16xi32>
    %add3A_480 = arith.addi %shift_right_arithmetic3A_4, %add3A_479 : vector<16xi32>
    %gather3A_481 = tpu.vector_load_idx %arg5[%add3A_480] : memref<512xi32, #tpu.memory_space<vmem>>[vector<16xi32>], vector<16xi32>,
    %mul3A_482 = arith.constant 4 : i32
    %mul3A_483 = vector.broadcast %mul3A_482 : i32 to vector<16xi32>
    %mul3A_484 = arith.muli %gather3A_481, %mul3A_483 : vector<16xi32>
    %add3A_485 = arith.addi %mul3A_484, %and3A_6 : vector<16xi32>
    %gather3A_486 = tpu.vector_load_idx %arg6[%add3A_485] : memref<128xf32, #tpu.memory_space<vmem>>[vector<16xi32>], vector<16xf32>,
    %swap3A_487 = arith.constant 688 : index
    %swap3A_488 = tpu.vector_load %arg7[%swap3A_487] {strides = array<i32>} : memref<2048xf32, #tpu.memory_space<vmem>>, vector<16xf32>,
    tpu.vector_store %arg7[%swap3A_487], %gather3A_486 {strides = array<i32>} : memref<2048xf32, #tpu.memory_space<vmem>>, vector<16xf32>,
    %add3A_489 = arith.constant 176 : i32
    %add3A_490 = vector.broadcast %add3A_489 : i32 to vector<16xi32>
    %add3A_491 = arith.addi %shift_right_arithmetic3A_4, %add3A_490 : vector<16xi32>
    %gather3A_492 = tpu.vector_load_idx %arg5[%add3A_491] : memref<512xi32, #tpu.memory_space<vmem>>[vector<16xi32>], vector<16xi32>,
    %mul3A_493 = arith.constant 4 : i32
    %mul3A_494 = vector.broadcast %mul3A_493 : i32 to vector<16xi32>
    %mul3A_495 = arith.muli %gather3A_492, %mul3A_494 : vector<16xi32>
    %add3A_496 = arith.addi %mul3A_495, %and3A_6 : vector<16xi32>
    %gather3A_497 = tpu.vector_load_idx %arg6[%add3A_496] : memref<128xf32, #tpu.memory_space<vmem>>[vector<16xi32>], vector<16xf32>,
    %swap3A_498 = arith.constant 704 : index
    %swap3A_499 = tpu.vector_load %arg7[%swap3A_498] {strides = array<i32>} : memref<2048xf32, #tpu.memory_space<vmem>>, vector<16xf32>,
    tpu.vector_store %arg7[%swap3A_498], %gather3A_497 {strides = array<i32>} : memref<2048xf32, #tpu.memory_space<vmem>>, vector<16xf32>,
    %add3A_500 = arith.constant 180 : i32
    %add3A_501 = vector.broadcast %add3A_500 : i32 to vector<16xi32>
    %add3A_502 = arith.addi %shift_right_arithmetic3A_4, %add3A_501 : vector<16xi32>
    %gather3A_503 = tpu.vector_load_idx %arg5[%add3A_502] : memref<512xi32, #tpu.memory_space<vmem>>[vector<16xi32>], vector<16xi32>,
    %mul3A_504 = arith.constant 4 : i32
    %mul3A_505 = vector.broadcast %mul3A_504 : i32 to vector<16xi32>
    %mul3A_506 = arith.muli %gather3A_503, %mul3A_505 : vector<16xi32>
    %add3A_507 = arith.addi %mul3A_506, %and3A_6 : vector<16xi32>
    %gather3A_508 = tpu.vector_load_idx %arg6[%add3A_507] : memref<128xf32, #tpu.memory_space<vmem>>[vector<16xi32>], vector<16xf32>,
    %swap3A_509 = arith.constant 720 : index
    %swap3A_510 = tpu.vector_load %arg7[%swap3A_509] {strides = array<i32>} : memref<2048xf32, #tpu.memory_space<vmem>>, vector<16xf32>,
    tpu.vector_store %arg7[%swap3A_509], %gather3A_508 {strides = array<i32>} : memref<2048xf32, #tpu.memory_space<vmem>>, vector<16xf32>,
    %add3A_511 = arith.constant 184 : i32
    %add3A_512 = vector.broadcast %add3A_511 : i32 to vector<16xi32>
    %add3A_513 = arith.addi %shift_right_arithmetic3A_4, %add3A_512 : vector<16xi32>
    %gather3A_514 = tpu.vector_load_idx %arg5[%add3A_513] : memref<512xi32, #tpu.memory_space<vmem>>[vector<16xi32>], vector<16xi32>,
    %mul3A_515 = arith.constant 4 : i32
    %mul3A_516 = vector.broadcast %mul3A_515 : i32 to vector<16xi32>
    %mul3A_517 = arith.muli %gather3A_514, %mul3A_516 : vector<16xi32>
    %add3A_518 = arith.addi %mul3A_517, %and3A_6 : vector<16xi32>
    %gather3A_519 = tpu.vector_load_idx %arg6[%add3A_518] : memref<128xf32, #tpu.memory_space<vmem>>[vector<16xi32>], vector<16xf32>,
    %swap3A_520 = arith.constant 736 : index
    %swap3A_521 = tpu.vector_load %arg7[%swap3A_520] {strides = array<i32>} : memref<2048xf32, #tpu.memory_space<vmem>>, vector<16xf32>,
    tpu.vector_store %arg7[%swap3A_520], %gather3A_519 {strides = array<i32>} : memref<2048xf32, #tpu.memory_space<vmem>>, vector<16xf32>,
    %add3A_522 = arith.constant 188 : i32
    %add3A_523 = vector.broadcast %add3A_522 : i32 to vector<16xi32>
    %add3A_524 = arith.addi %shift_right_arithmetic3A_4, %add3A_523 : vector<16xi32>
    %gather3A_525 = tpu.vector_load_idx %arg5[%add3A_524] : memref<512xi32, #tpu.memory_space<vmem>>[vector<16xi32>], vector<16xi32>,
    %mul3A_526 = arith.constant 4 : i32
    %mul3A_527 = vector.broadcast %mul3A_526 : i32 to vector<16xi32>
    %mul3A_528 = arith.muli %gather3A_525, %mul3A_527 : vector<16xi32>
    %add3A_529 = arith.addi %mul3A_528, %and3A_6 : vector<16xi32>
    %gather3A_530 = tpu.vector_load_idx %arg6[%add3A_529] : memref<128xf32, #tpu.memory_space<vmem>>[vector<16xi32>], vector<16xf32>,
    %swap3A_531 = arith.constant 752 : index
    %swap3A_532 = tpu.vector_load %arg7[%swap3A_531] {strides = array<i32>} : memref<2048xf32, #tpu.memory_space<vmem>>, vector<16xf32>,
    tpu.vector_store %arg7[%swap3A_531], %gather3A_530 {strides = array<i32>} : memref<2048xf32, #tpu.memory_space<vmem>>, vector<16xf32>,
    %add3A_533 = arith.constant 192 : i32
    %add3A_534 = vector.broadcast %add3A_533 : i32 to vector<16xi32>
    %add3A_535 = arith.addi %shift_right_arithmetic3A_4, %add3A_534 : vector<16xi32>
    %gather3A_536 = tpu.vector_load_idx %arg5[%add3A_535] : memref<512xi32, #tpu.memory_space<vmem>>[vector<16xi32>], vector<16xi32>,
    %mul3A_537 = arith.constant 4 : i32
    %mul3A_538 = vector.broadcast %mul3A_537 : i32 to vector<16xi32>
    %mul3A_539 = arith.muli %gather3A_536, %mul3A_538 : vector<16xi32>
    %add3A_540 = arith.addi %mul3A_539, %and3A_6 : vector<16xi32>
    %gather3A_541 = tpu.vector_load_idx %arg6[%add3A_540] : memref<128xf32, #tpu.memory_space<vmem>>[vector<16xi32>], vector<16xf32>,
    %swap3A_542 = arith.constant 768 : index
    %swap3A_543 = tpu.vector_load %arg7[%swap3A_542] {strides = array<i32>} : memref<2048xf32, #tpu.memory_space<vmem>>, vector<16xf32>,
    tpu.vector_store %arg7[%swap3A_542], %gather3A_541 {strides = array<i32>} : memref<2048xf32, #tpu.memory_space<vmem>>, vector<16xf32>,
    %add3A_544 = arith.constant 196 : i32
    %add3A_545 = vector.broadcast %add3A_544 : i32 to vector<16xi32>
    %add3A_546 = arith.addi %shift_right_arithmetic3A_4, %add3A_545 : vector<16xi32>
    %gather3A_547 = tpu.vector_load_idx %arg5[%add3A_546] : memref<512xi32, #tpu.memory_space<vmem>>[vector<16xi32>], vector<16xi32>,
    %mul3A_548 = arith.constant 4 : i32
    %mul3A_549 = vector.broadcast %mul3A_548 : i32 to vector<16xi32>
    %mul3A_550 = arith.muli %gather3A_547, %mul3A_549 : vector<16xi32>
    %add3A_551 = arith.addi %mul3A_550, %and3A_6 : vector<16xi32>
    %gather3A_552 = tpu.vector_load_idx %arg6[%add3A_551] : memref<128xf32, #tpu.memory_space<vmem>>[vector<16xi32>], vector<16xf32>,
    %swap3A_553 = arith.constant 784 : index
    %swap3A_554 = tpu.vector_load %arg7[%swap3A_553] {strides = array<i32>} : memref<2048xf32, #tpu.memory_space<vmem>>, vector<16xf32>,
    tpu.vector_store %arg7[%swap3A_553], %gather3A_552 {strides = array<i32>} : memref<2048xf32, #tpu.memory_space<vmem>>, vector<16xf32>,
    %add3A_555 = arith.constant 200 : i32
    %add3A_556 = vector.broadcast %add3A_555 : i32 to vector<16xi32>
    %add3A_557 = arith.addi %shift_right_arithmetic3A_4, %add3A_556 : vector<16xi32>
    %gather3A_558 = tpu.vector_load_idx %arg5[%add3A_557] : memref<512xi32, #tpu.memory_space<vmem>>[vector<16xi32>], vector<16xi32>,
    %mul3A_559 = arith.constant 4 : i32
    %mul3A_560 = vector.broadcast %mul3A_559 : i32 to vector<16xi32>
    %mul3A_561 = arith.muli %gather3A_558, %mul3A_560 : vector<16xi32>
    %add3A_562 = arith.addi %mul3A_561, %and3A_6 : vector<16xi32>
    %gather3A_563 = tpu.vector_load_idx %arg6[%add3A_562] : memref<128xf32, #tpu.memory_space<vmem>>[vector<16xi32>], vector<16xf32>,
    %swap3A_564 = arith.constant 800 : index
    %swap3A_565 = tpu.vector_load %arg7[%swap3A_564] {strides = array<i32>} : memref<2048xf32, #tpu.memory_space<vmem>>, vector<16xf32>,
    tpu.vector_store %arg7[%swap3A_564], %gather3A_563 {strides = array<i32>} : memref<2048xf32, #tpu.memory_space<vmem>>, vector<16xf32>,
    %add3A_566 = arith.constant 204 : i32
    %add3A_567 = vector.broadcast %add3A_566 : i32 to vector<16xi32>
    %add3A_568 = arith.addi %shift_right_arithmetic3A_4, %add3A_567 : vector<16xi32>
    %gather3A_569 = tpu.vector_load_idx %arg5[%add3A_568] : memref<512xi32, #tpu.memory_space<vmem>>[vector<16xi32>], vector<16xi32>,
    %mul3A_570 = arith.constant 4 : i32
    %mul3A_571 = vector.broadcast %mul3A_570 : i32 to vector<16xi32>
    %mul3A_572 = arith.muli %gather3A_569, %mul3A_571 : vector<16xi32>
    %add3A_573 = arith.addi %mul3A_572, %and3A_6 : vector<16xi32>
    %gather3A_574 = tpu.vector_load_idx %arg6[%add3A_573] : memref<128xf32, #tpu.memory_space<vmem>>[vector<16xi32>], vector<16xf32>,
    %swap3A_575 = arith.constant 816 : index
    %swap3A_576 = tpu.vector_load %arg7[%swap3A_575] {strides = array<i32>} : memref<2048xf32, #tpu.memory_space<vmem>>, vector<16xf32>,
    tpu.vector_store %arg7[%swap3A_575], %gather3A_574 {strides = array<i32>} : memref<2048xf32, #tpu.memory_space<vmem>>, vector<16xf32>,
    %add3A_577 = arith.constant 208 : i32
    %add3A_578 = vector.broadcast %add3A_577 : i32 to vector<16xi32>
    %add3A_579 = arith.addi %shift_right_arithmetic3A_4, %add3A_578 : vector<16xi32>
    %gather3A_580 = tpu.vector_load_idx %arg5[%add3A_579] : memref<512xi32, #tpu.memory_space<vmem>>[vector<16xi32>], vector<16xi32>,
    %mul3A_581 = arith.constant 4 : i32
    %mul3A_582 = vector.broadcast %mul3A_581 : i32 to vector<16xi32>
    %mul3A_583 = arith.muli %gather3A_580, %mul3A_582 : vector<16xi32>
    %add3A_584 = arith.addi %mul3A_583, %and3A_6 : vector<16xi32>
    %gather3A_585 = tpu.vector_load_idx %arg6[%add3A_584] : memref<128xf32, #tpu.memory_space<vmem>>[vector<16xi32>], vector<16xf32>,
    %swap3A_586 = arith.constant 832 : index
    %swap3A_587 = tpu.vector_load %arg7[%swap3A_586] {strides = array<i32>} : memref<2048xf32, #tpu.memory_space<vmem>>, vector<16xf32>,
    tpu.vector_store %arg7[%swap3A_586], %gather3A_585 {strides = array<i32>} : memref<2048xf32, #tpu.memory_space<vmem>>, vector<16xf32>,
    %add3A_588 = arith.constant 212 : i32
    %add3A_589 = vector.broadcast %add3A_588 : i32 to vector<16xi32>
    %add3A_590 = arith.addi %shift_right_arithmetic3A_4, %add3A_589 : vector<16xi32>
    %gather3A_591 = tpu.vector_load_idx %arg5[%add3A_590] : memref<512xi32, #tpu.memory_space<vmem>>[vector<16xi32>], vector<16xi32>,
    %mul3A_592 = arith.constant 4 : i32
    %mul3A_593 = vector.broadcast %mul3A_592 : i32 to vector<16xi32>
    %mul3A_594 = arith.muli %gather3A_591, %mul3A_593 : vector<16xi32>
    %add3A_595 = arith.addi %mul3A_594, %and3A_6 : vector<16xi32>
    %gather3A_596 = tpu.vector_load_idx %arg6[%add3A_595] : memref<128xf32, #tpu.memory_space<vmem>>[vector<16xi32>], vector<16xf32>,
    %swap3A_597 = arith.constant 848 : index
    %swap3A_598 = tpu.vector_load %arg7[%swap3A_597] {strides = array<i32>} : memref<2048xf32, #tpu.memory_space<vmem>>, vector<16xf32>,
    tpu.vector_store %arg7[%swap3A_597], %gather3A_596 {strides = array<i32>} : memref<2048xf32, #tpu.memory_space<vmem>>, vector<16xf32>,
    %add3A_599 = arith.constant 216 : i32
    %add3A_600 = vector.broadcast %add3A_599 : i32 to vector<16xi32>
    %add3A_601 = arith.addi %shift_right_arithmetic3A_4, %add3A_600 : vector<16xi32>
    %gather3A_602 = tpu.vector_load_idx %arg5[%add3A_601] : memref<512xi32, #tpu.memory_space<vmem>>[vector<16xi32>], vector<16xi32>,
    %mul3A_603 = arith.constant 4 : i32
    %mul3A_604 = vector.broadcast %mul3A_603 : i32 to vector<16xi32>
    %mul3A_605 = arith.muli %gather3A_602, %mul3A_604 : vector<16xi32>
    %add3A_606 = arith.addi %mul3A_605, %and3A_6 : vector<16xi32>
    %gather3A_607 = tpu.vector_load_idx %arg6[%add3A_606] : memref<128xf32, #tpu.memory_space<vmem>>[vector<16xi32>], vector<16xf32>,
    %swap3A_608 = arith.constant 864 : index
    %swap3A_609 = tpu.vector_load %arg7[%swap3A_608] {strides = array<i32>} : memref<2048xf32, #tpu.memory_space<vmem>>, vector<16xf32>,
    tpu.vector_store %arg7[%swap3A_608], %gather3A_607 {strides = array<i32>} : memref<2048xf32, #tpu.memory_space<vmem>>, vector<16xf32>,
    %add3A_610 = arith.constant 220 : i32
    %add3A_611 = vector.broadcast %add3A_610 : i32 to vector<16xi32>
    %add3A_612 = arith.addi %shift_right_arithmetic3A_4, %add3A_611 : vector<16xi32>
    %gather3A_613 = tpu.vector_load_idx %arg5[%add3A_612] : memref<512xi32, #tpu.memory_space<vmem>>[vector<16xi32>], vector<16xi32>,
    %mul3A_614 = arith.constant 4 : i32
    %mul3A_615 = vector.broadcast %mul3A_614 : i32 to vector<16xi32>
    %mul3A_616 = arith.muli %gather3A_613, %mul3A_615 : vector<16xi32>
    %add3A_617 = arith.addi %mul3A_616, %and3A_6 : vector<16xi32>
    %gather3A_618 = tpu.vector_load_idx %arg6[%add3A_617] : memref<128xf32, #tpu.memory_space<vmem>>[vector<16xi32>], vector<16xf32>,
    %swap3A_619 = arith.constant 880 : index
    %swap3A_620 = tpu.vector_load %arg7[%swap3A_619] {strides = array<i32>} : memref<2048xf32, #tpu.memory_space<vmem>>, vector<16xf32>,
    tpu.vector_store %arg7[%swap3A_619], %gather3A_618 {strides = array<i32>} : memref<2048xf32, #tpu.memory_space<vmem>>, vector<16xf32>,
    %add3A_621 = arith.constant 224 : i32
    %add3A_622 = vector.broadcast %add3A_621 : i32 to vector<16xi32>
    %add3A_623 = arith.addi %shift_right_arithmetic3A_4, %add3A_622 : vector<16xi32>
    %gather3A_624 = tpu.vector_load_idx %arg5[%add3A_623] : memref<512xi32, #tpu.memory_space<vmem>>[vector<16xi32>], vector<16xi32>,
    %mul3A_625 = arith.constant 4 : i32
    %mul3A_626 = vector.broadcast %mul3A_625 : i32 to vector<16xi32>
    %mul3A_627 = arith.muli %gather3A_624, %mul3A_626 : vector<16xi32>
    %add3A_628 = arith.addi %mul3A_627, %and3A_6 : vector<16xi32>
    %gather3A_629 = tpu.vector_load_idx %arg6[%add3A_628] : memref<128xf32, #tpu.memory_space<vmem>>[vector<16xi32>], vector<16xf32>,
    %swap3A_630 = arith.constant 896 : index
    %swap3A_631 = tpu.vector_load %arg7[%swap3A_630] {strides = array<i32>} : memref<2048xf32, #tpu.memory_space<vmem>>, vector<16xf32>,
    tpu.vector_store %arg7[%swap3A_630], %gather3A_629 {strides = array<i32>} : memref<2048xf32, #tpu.memory_space<vmem>>, vector<16xf32>,
    %add3A_632 = arith.constant 228 : i32
    %add3A_633 = vector.broadcast %add3A_632 : i32 to vector<16xi32>
    %add3A_634 = arith.addi %shift_right_arithmetic3A_4, %add3A_633 : vector<16xi32>
    %gather3A_635 = tpu.vector_load_idx %arg5[%add3A_634] : memref<512xi32, #tpu.memory_space<vmem>>[vector<16xi32>], vector<16xi32>,
    %mul3A_636 = arith.constant 4 : i32
    %mul3A_637 = vector.broadcast %mul3A_636 : i32 to vector<16xi32>
    %mul3A_638 = arith.muli %gather3A_635, %mul3A_637 : vector<16xi32>
    %add3A_639 = arith.addi %mul3A_638, %and3A_6 : vector<16xi32>
    %gather3A_640 = tpu.vector_load_idx %arg6[%add3A_639] : memref<128xf32, #tpu.memory_space<vmem>>[vector<16xi32>], vector<16xf32>,
    %swap3A_641 = arith.constant 912 : index
    %swap3A_642 = tpu.vector_load %arg7[%swap3A_641] {strides = array<i32>} : memref<2048xf32, #tpu.memory_space<vmem>>, vector<16xf32>,
    tpu.vector_store %arg7[%swap3A_641], %gather3A_640 {strides = array<i32>} : memref<2048xf32, #tpu.memory_space<vmem>>, vector<16xf32>,
    %add3A_643 = arith.constant 232 : i32
    %add3A_644 = vector.broadcast %add3A_643 : i32 to vector<16xi32>
    %add3A_645 = arith.addi %shift_right_arithmetic3A_4, %add3A_644 : vector<16xi32>
    %gather3A_646 = tpu.vector_load_idx %arg5[%add3A_645] : memref<512xi32, #tpu.memory_space<vmem>>[vector<16xi32>], vector<16xi32>,
    %mul3A_647 = arith.constant 4 : i32
    %mul3A_648 = vector.broadcast %mul3A_647 : i32 to vector<16xi32>
    %mul3A_649 = arith.muli %gather3A_646, %mul3A_648 : vector<16xi32>
    %add3A_650 = arith.addi %mul3A_649, %and3A_6 : vector<16xi32>
    %gather3A_651 = tpu.vector_load_idx %arg6[%add3A_650] : memref<128xf32, #tpu.memory_space<vmem>>[vector<16xi32>], vector<16xf32>,
    %swap3A_652 = arith.constant 928 : index
    %swap3A_653 = tpu.vector_load %arg7[%swap3A_652] {strides = array<i32>} : memref<2048xf32, #tpu.memory_space<vmem>>, vector<16xf32>,
    tpu.vector_store %arg7[%swap3A_652], %gather3A_651 {strides = array<i32>} : memref<2048xf32, #tpu.memory_space<vmem>>, vector<16xf32>,
    %add3A_654 = arith.constant 236 : i32
    %add3A_655 = vector.broadcast %add3A_654 : i32 to vector<16xi32>
    %add3A_656 = arith.addi %shift_right_arithmetic3A_4, %add3A_655 : vector<16xi32>
    %gather3A_657 = tpu.vector_load_idx %arg5[%add3A_656] : memref<512xi32, #tpu.memory_space<vmem>>[vector<16xi32>], vector<16xi32>,
    %mul3A_658 = arith.constant 4 : i32
    %mul3A_659 = vector.broadcast %mul3A_658 : i32 to vector<16xi32>
    %mul3A_660 = arith.muli %gather3A_657, %mul3A_659 : vector<16xi32>
    %add3A_661 = arith.addi %mul3A_660, %and3A_6 : vector<16xi32>
    %gather3A_662 = tpu.vector_load_idx %arg6[%add3A_661] : memref<128xf32, #tpu.memory_space<vmem>>[vector<16xi32>], vector<16xf32>,
    %swap3A_663 = arith.constant 944 : index
    %swap3A_664 = tpu.vector_load %arg7[%swap3A_663] {strides = array<i32>} : memref<2048xf32, #tpu.memory_space<vmem>>, vector<16xf32>,
    tpu.vector_store %arg7[%swap3A_663], %gather3A_662 {strides = array<i32>} : memref<2048xf32, #tpu.memory_space<vmem>>, vector<16xf32>,
    %add3A_665 = arith.constant 240 : i32
    %add3A_666 = vector.broadcast %add3A_665 : i32 to vector<16xi32>
    %add3A_667 = arith.addi %shift_right_arithmetic3A_4, %add3A_666 : vector<16xi32>
    %gather3A_668 = tpu.vector_load_idx %arg5[%add3A_667] : memref<512xi32, #tpu.memory_space<vmem>>[vector<16xi32>], vector<16xi32>,
    %mul3A_669 = arith.constant 4 : i32
    %mul3A_670 = vector.broadcast %mul3A_669 : i32 to vector<16xi32>
    %mul3A_671 = arith.muli %gather3A_668, %mul3A_670 : vector<16xi32>
    %add3A_672 = arith.addi %mul3A_671, %and3A_6 : vector<16xi32>
    %gather3A_673 = tpu.vector_load_idx %arg6[%add3A_672] : memref<128xf32, #tpu.memory_space<vmem>>[vector<16xi32>], vector<16xf32>,
    %swap3A_674 = arith.constant 960 : index
    %swap3A_675 = tpu.vector_load %arg7[%swap3A_674] {strides = array<i32>} : memref<2048xf32, #tpu.memory_space<vmem>>, vector<16xf32>,
    tpu.vector_store %arg7[%swap3A_674], %gather3A_673 {strides = array<i32>} : memref<2048xf32, #tpu.memory_space<vmem>>, vector<16xf32>,
    %add3A_676 = arith.constant 244 : i32
    %add3A_677 = vector.broadcast %add3A_676 : i32 to vector<16xi32>
    %add3A_678 = arith.addi %shift_right_arithmetic3A_4, %add3A_677 : vector<16xi32>
    %gather3A_679 = tpu.vector_load_idx %arg5[%add3A_678] : memref<512xi32, #tpu.memory_space<vmem>>[vector<16xi32>], vector<16xi32>,
    %mul3A_680 = arith.constant 4 : i32
    %mul3A_681 = vector.broadcast %mul3A_680 : i32 to vector<16xi32>
    %mul3A_682 = arith.muli %gather3A_679, %mul3A_681 : vector<16xi32>
    %add3A_683 = arith.addi %mul3A_682, %and3A_6 : vector<16xi32>
    %gather3A_684 = tpu.vector_load_idx %arg6[%add3A_683] : memref<128xf32, #tpu.memory_space<vmem>>[vector<16xi32>], vector<16xf32>,
    %swap3A_685 = arith.constant 976 : index
    %swap3A_686 = tpu.vector_load %arg7[%swap3A_685] {strides = array<i32>} : memref<2048xf32, #tpu.memory_space<vmem>>, vector<16xf32>,
    tpu.vector_store %arg7[%swap3A_685], %gather3A_684 {strides = array<i32>} : memref<2048xf32, #tpu.memory_space<vmem>>, vector<16xf32>,
    %add3A_687 = arith.constant 248 : i32
    %add3A_688 = vector.broadcast %add3A_687 : i32 to vector<16xi32>
    %add3A_689 = arith.addi %shift_right_arithmetic3A_4, %add3A_688 : vector<16xi32>
    %gather3A_690 = tpu.vector_load_idx %arg5[%add3A_689] : memref<512xi32, #tpu.memory_space<vmem>>[vector<16xi32>], vector<16xi32>,
    %mul3A_691 = arith.constant 4 : i32
    %mul3A_692 = vector.broadcast %mul3A_691 : i32 to vector<16xi32>
    %mul3A_693 = arith.muli %gather3A_690, %mul3A_692 : vector<16xi32>
    %add3A_694 = arith.addi %mul3A_693, %and3A_6 : vector<16xi32>
    %gather3A_695 = tpu.vector_load_idx %arg6[%add3A_694] : memref<128xf32, #tpu.memory_space<vmem>>[vector<16xi32>], vector<16xf32>,
    %swap3A_696 = arith.constant 992 : index
    %swap3A_697 = tpu.vector_load %arg7[%swap3A_696] {strides = array<i32>} : memref<2048xf32, #tpu.memory_space<vmem>>, vector<16xf32>,
    tpu.vector_store %arg7[%swap3A_696], %gather3A_695 {strides = array<i32>} : memref<2048xf32, #tpu.memory_space<vmem>>, vector<16xf32>,
    %add3A_698 = arith.constant 252 : i32
    %add3A_699 = vector.broadcast %add3A_698 : i32 to vector<16xi32>
    %add3A_700 = arith.addi %shift_right_arithmetic3A_4, %add3A_699 : vector<16xi32>
    %gather3A_701 = tpu.vector_load_idx %arg5[%add3A_700] : memref<512xi32, #tpu.memory_space<vmem>>[vector<16xi32>], vector<16xi32>,
    %mul3A_702 = arith.constant 4 : i32
    %mul3A_703 = vector.broadcast %mul3A_702 : i32 to vector<16xi32>
    %mul3A_704 = arith.muli %gather3A_701, %mul3A_703 : vector<16xi32>
    %add3A_705 = arith.addi %mul3A_704, %and3A_6 : vector<16xi32>
    %gather3A_706 = tpu.vector_load_idx %arg6[%add3A_705] : memref<128xf32, #tpu.memory_space<vmem>>[vector<16xi32>], vector<16xf32>,
    %swap3A_707 = arith.constant 1008 : index
    %swap3A_708 = tpu.vector_load %arg7[%swap3A_707] {strides = array<i32>} : memref<2048xf32, #tpu.memory_space<vmem>>, vector<16xf32>,
    tpu.vector_store %arg7[%swap3A_707], %gather3A_706 {strides = array<i32>} : memref<2048xf32, #tpu.memory_space<vmem>>, vector<16xf32>,
    %add3A_709 = arith.constant 256 : i32
    %add3A_710 = vector.broadcast %add3A_709 : i32 to vector<16xi32>
    %add3A_711 = arith.addi %shift_right_arithmetic3A_4, %add3A_710 : vector<16xi32>
    %gather3A_712 = tpu.vector_load_idx %arg5[%add3A_711] : memref<512xi32, #tpu.memory_space<vmem>>[vector<16xi32>], vector<16xi32>,
    %mul3A_713 = arith.constant 4 : i32
    %mul3A_714 = vector.broadcast %mul3A_713 : i32 to vector<16xi32>
    %mul3A_715 = arith.muli %gather3A_712, %mul3A_714 : vector<16xi32>
    %add3A_716 = arith.addi %mul3A_715, %and3A_6 : vector<16xi32>
    %gather3A_717 = tpu.vector_load_idx %arg6[%add3A_716] : memref<128xf32, #tpu.memory_space<vmem>>[vector<16xi32>], vector<16xf32>,
    %swap3A_718 = arith.constant 1024 : index
    %swap3A_719 = tpu.vector_load %arg7[%swap3A_718] {strides = array<i32>} : memref<2048xf32, #tpu.memory_space<vmem>>, vector<16xf32>,
    tpu.vector_store %arg7[%swap3A_718], %gather3A_717 {strides = array<i32>} : memref<2048xf32, #tpu.memory_space<vmem>>, vector<16xf32>,
    %add3A_720 = arith.constant 260 : i32
    %add3A_721 = vector.broadcast %add3A_720 : i32 to vector<16xi32>
    %add3A_722 = arith.addi %shift_right_arithmetic3A_4, %add3A_721 : vector<16xi32>
    %gather3A_723 = tpu.vector_load_idx %arg5[%add3A_722] : memref<512xi32, #tpu.memory_space<vmem>>[vector<16xi32>], vector<16xi32>,
    %mul3A_724 = arith.constant 4 : i32
    %mul3A_725 = vector.broadcast %mul3A_724 : i32 to vector<16xi32>
    %mul3A_726 = arith.muli %gather3A_723, %mul3A_725 : vector<16xi32>
    %add3A_727 = arith.addi %mul3A_726, %and3A_6 : vector<16xi32>
    %gather3A_728 = tpu.vector_load_idx %arg6[%add3A_727] : memref<128xf32, #tpu.memory_space<vmem>>[vector<16xi32>], vector<16xf32>,
    %swap3A_729 = arith.constant 1040 : index
    %swap3A_730 = tpu.vector_load %arg7[%swap3A_729] {strides = array<i32>} : memref<2048xf32, #tpu.memory_space<vmem>>, vector<16xf32>,
    tpu.vector_store %arg7[%swap3A_729], %gather3A_728 {strides = array<i32>} : memref<2048xf32, #tpu.memory_space<vmem>>, vector<16xf32>,
    %add3A_731 = arith.constant 264 : i32
    %add3A_732 = vector.broadcast %add3A_731 : i32 to vector<16xi32>
    %add3A_733 = arith.addi %shift_right_arithmetic3A_4, %add3A_732 : vector<16xi32>
    %gather3A_734 = tpu.vector_load_idx %arg5[%add3A_733] : memref<512xi32, #tpu.memory_space<vmem>>[vector<16xi32>], vector<16xi32>,
    %mul3A_735 = arith.constant 4 : i32
    %mul3A_736 = vector.broadcast %mul3A_735 : i32 to vector<16xi32>
    %mul3A_737 = arith.muli %gather3A_734, %mul3A_736 : vector<16xi32>
    %add3A_738 = arith.addi %mul3A_737, %and3A_6 : vector<16xi32>
    %gather3A_739 = tpu.vector_load_idx %arg6[%add3A_738] : memref<128xf32, #tpu.memory_space<vmem>>[vector<16xi32>], vector<16xf32>,
    %swap3A_740 = arith.constant 1056 : index
    %swap3A_741 = tpu.vector_load %arg7[%swap3A_740] {strides = array<i32>} : memref<2048xf32, #tpu.memory_space<vmem>>, vector<16xf32>,
    tpu.vector_store %arg7[%swap3A_740], %gather3A_739 {strides = array<i32>} : memref<2048xf32, #tpu.memory_space<vmem>>, vector<16xf32>,
    %add3A_742 = arith.constant 268 : i32
    %add3A_743 = vector.broadcast %add3A_742 : i32 to vector<16xi32>
    %add3A_744 = arith.addi %shift_right_arithmetic3A_4, %add3A_743 : vector<16xi32>
    %gather3A_745 = tpu.vector_load_idx %arg5[%add3A_744] : memref<512xi32, #tpu.memory_space<vmem>>[vector<16xi32>], vector<16xi32>,
    %mul3A_746 = arith.constant 4 : i32
    %mul3A_747 = vector.broadcast %mul3A_746 : i32 to vector<16xi32>
    %mul3A_748 = arith.muli %gather3A_745, %mul3A_747 : vector<16xi32>
    %add3A_749 = arith.addi %mul3A_748, %and3A_6 : vector<16xi32>
    %gather3A_750 = tpu.vector_load_idx %arg6[%add3A_749] : memref<128xf32, #tpu.memory_space<vmem>>[vector<16xi32>], vector<16xf32>,
    %swap3A_751 = arith.constant 1072 : index
    %swap3A_752 = tpu.vector_load %arg7[%swap3A_751] {strides = array<i32>} : memref<2048xf32, #tpu.memory_space<vmem>>, vector<16xf32>,
    tpu.vector_store %arg7[%swap3A_751], %gather3A_750 {strides = array<i32>} : memref<2048xf32, #tpu.memory_space<vmem>>, vector<16xf32>,
    %add3A_753 = arith.constant 272 : i32
    %add3A_754 = vector.broadcast %add3A_753 : i32 to vector<16xi32>
    %add3A_755 = arith.addi %shift_right_arithmetic3A_4, %add3A_754 : vector<16xi32>
    %gather3A_756 = tpu.vector_load_idx %arg5[%add3A_755] : memref<512xi32, #tpu.memory_space<vmem>>[vector<16xi32>], vector<16xi32>,
    %mul3A_757 = arith.constant 4 : i32
    %mul3A_758 = vector.broadcast %mul3A_757 : i32 to vector<16xi32>
    %mul3A_759 = arith.muli %gather3A_756, %mul3A_758 : vector<16xi32>
    %add3A_760 = arith.addi %mul3A_759, %and3A_6 : vector<16xi32>
    %gather3A_761 = tpu.vector_load_idx %arg6[%add3A_760] : memref<128xf32, #tpu.memory_space<vmem>>[vector<16xi32>], vector<16xf32>,
    %swap3A_762 = arith.constant 1088 : index
    %swap3A_763 = tpu.vector_load %arg7[%swap3A_762] {strides = array<i32>} : memref<2048xf32, #tpu.memory_space<vmem>>, vector<16xf32>,
    tpu.vector_store %arg7[%swap3A_762], %gather3A_761 {strides = array<i32>} : memref<2048xf32, #tpu.memory_space<vmem>>, vector<16xf32>,
    %add3A_764 = arith.constant 276 : i32
    %add3A_765 = vector.broadcast %add3A_764 : i32 to vector<16xi32>
    %add3A_766 = arith.addi %shift_right_arithmetic3A_4, %add3A_765 : vector<16xi32>
    %gather3A_767 = tpu.vector_load_idx %arg5[%add3A_766] : memref<512xi32, #tpu.memory_space<vmem>>[vector<16xi32>], vector<16xi32>,
    %mul3A_768 = arith.constant 4 : i32
    %mul3A_769 = vector.broadcast %mul3A_768 : i32 to vector<16xi32>
    %mul3A_770 = arith.muli %gather3A_767, %mul3A_769 : vector<16xi32>
    %add3A_771 = arith.addi %mul3A_770, %and3A_6 : vector<16xi32>
    %gather3A_772 = tpu.vector_load_idx %arg6[%add3A_771] : memref<128xf32, #tpu.memory_space<vmem>>[vector<16xi32>], vector<16xf32>,
    %swap3A_773 = arith.constant 1104 : index
    %swap3A_774 = tpu.vector_load %arg7[%swap3A_773] {strides = array<i32>} : memref<2048xf32, #tpu.memory_space<vmem>>, vector<16xf32>,
    tpu.vector_store %arg7[%swap3A_773], %gather3A_772 {strides = array<i32>} : memref<2048xf32, #tpu.memory_space<vmem>>, vector<16xf32>,
    %add3A_775 = arith.constant 280 : i32
    %add3A_776 = vector.broadcast %add3A_775 : i32 to vector<16xi32>
    %add3A_777 = arith.addi %shift_right_arithmetic3A_4, %add3A_776 : vector<16xi32>
    %gather3A_778 = tpu.vector_load_idx %arg5[%add3A_777] : memref<512xi32, #tpu.memory_space<vmem>>[vector<16xi32>], vector<16xi32>,
    %mul3A_779 = arith.constant 4 : i32
    %mul3A_780 = vector.broadcast %mul3A_779 : i32 to vector<16xi32>
    %mul3A_781 = arith.muli %gather3A_778, %mul3A_780 : vector<16xi32>
    %add3A_782 = arith.addi %mul3A_781, %and3A_6 : vector<16xi32>
    %gather3A_783 = tpu.vector_load_idx %arg6[%add3A_782] : memref<128xf32, #tpu.memory_space<vmem>>[vector<16xi32>], vector<16xf32>,
    %swap3A_784 = arith.constant 1120 : index
    %swap3A_785 = tpu.vector_load %arg7[%swap3A_784] {strides = array<i32>} : memref<2048xf32, #tpu.memory_space<vmem>>, vector<16xf32>,
    tpu.vector_store %arg7[%swap3A_784], %gather3A_783 {strides = array<i32>} : memref<2048xf32, #tpu.memory_space<vmem>>, vector<16xf32>,
    %add3A_786 = arith.constant 284 : i32
    %add3A_787 = vector.broadcast %add3A_786 : i32 to vector<16xi32>
    %add3A_788 = arith.addi %shift_right_arithmetic3A_4, %add3A_787 : vector<16xi32>
    %gather3A_789 = tpu.vector_load_idx %arg5[%add3A_788] : memref<512xi32, #tpu.memory_space<vmem>>[vector<16xi32>], vector<16xi32>,
    %mul3A_790 = arith.constant 4 : i32
    %mul3A_791 = vector.broadcast %mul3A_790 : i32 to vector<16xi32>
    %mul3A_792 = arith.muli %gather3A_789, %mul3A_791 : vector<16xi32>
    %add3A_793 = arith.addi %mul3A_792, %and3A_6 : vector<16xi32>
    %gather3A_794 = tpu.vector_load_idx %arg6[%add3A_793] : memref<128xf32, #tpu.memory_space<vmem>>[vector<16xi32>], vector<16xf32>,
    %swap3A_795 = arith.constant 1136 : index
    %swap3A_796 = tpu.vector_load %arg7[%swap3A_795] {strides = array<i32>} : memref<2048xf32, #tpu.memory_space<vmem>>, vector<16xf32>,
    tpu.vector_store %arg7[%swap3A_795], %gather3A_794 {strides = array<i32>} : memref<2048xf32, #tpu.memory_space<vmem>>, vector<16xf32>,
    %add3A_797 = arith.constant 288 : i32
    %add3A_798 = vector.broadcast %add3A_797 : i32 to vector<16xi32>
    %add3A_799 = arith.addi %shift_right_arithmetic3A_4, %add3A_798 : vector<16xi32>
    %gather3A_800 = tpu.vector_load_idx %arg5[%add3A_799] : memref<512xi32, #tpu.memory_space<vmem>>[vector<16xi32>], vector<16xi32>,
    %mul3A_801 = arith.constant 4 : i32
    %mul3A_802 = vector.broadcast %mul3A_801 : i32 to vector<16xi32>
    %mul3A_803 = arith.muli %gather3A_800, %mul3A_802 : vector<16xi32>
    %add3A_804 = arith.addi %mul3A_803, %and3A_6 : vector<16xi32>
    %gather3A_805 = tpu.vector_load_idx %arg6[%add3A_804] : memref<128xf32, #tpu.memory_space<vmem>>[vector<16xi32>], vector<16xf32>,
    %swap3A_806 = arith.constant 1152 : index
    %swap3A_807 = tpu.vector_load %arg7[%swap3A_806] {strides = array<i32>} : memref<2048xf32, #tpu.memory_space<vmem>>, vector<16xf32>,
    tpu.vector_store %arg7[%swap3A_806], %gather3A_805 {strides = array<i32>} : memref<2048xf32, #tpu.memory_space<vmem>>, vector<16xf32>,
    %add3A_808 = arith.constant 292 : i32
    %add3A_809 = vector.broadcast %add3A_808 : i32 to vector<16xi32>
    %add3A_810 = arith.addi %shift_right_arithmetic3A_4, %add3A_809 : vector<16xi32>
    %gather3A_811 = tpu.vector_load_idx %arg5[%add3A_810] : memref<512xi32, #tpu.memory_space<vmem>>[vector<16xi32>], vector<16xi32>,
    %mul3A_812 = arith.constant 4 : i32
    %mul3A_813 = vector.broadcast %mul3A_812 : i32 to vector<16xi32>
    %mul3A_814 = arith.muli %gather3A_811, %mul3A_813 : vector<16xi32>
    %add3A_815 = arith.addi %mul3A_814, %and3A_6 : vector<16xi32>
    %gather3A_816 = tpu.vector_load_idx %arg6[%add3A_815] : memref<128xf32, #tpu.memory_space<vmem>>[vector<16xi32>], vector<16xf32>,
    %swap3A_817 = arith.constant 1168 : index
    %swap3A_818 = tpu.vector_load %arg7[%swap3A_817] {strides = array<i32>} : memref<2048xf32, #tpu.memory_space<vmem>>, vector<16xf32>,
    tpu.vector_store %arg7[%swap3A_817], %gather3A_816 {strides = array<i32>} : memref<2048xf32, #tpu.memory_space<vmem>>, vector<16xf32>,
    %add3A_819 = arith.constant 296 : i32
    %add3A_820 = vector.broadcast %add3A_819 : i32 to vector<16xi32>
    %add3A_821 = arith.addi %shift_right_arithmetic3A_4, %add3A_820 : vector<16xi32>
    %gather3A_822 = tpu.vector_load_idx %arg5[%add3A_821] : memref<512xi32, #tpu.memory_space<vmem>>[vector<16xi32>], vector<16xi32>,
    %mul3A_823 = arith.constant 4 : i32
    %mul3A_824 = vector.broadcast %mul3A_823 : i32 to vector<16xi32>
    %mul3A_825 = arith.muli %gather3A_822, %mul3A_824 : vector<16xi32>
    %add3A_826 = arith.addi %mul3A_825, %and3A_6 : vector<16xi32>
    %gather3A_827 = tpu.vector_load_idx %arg6[%add3A_826] : memref<128xf32, #tpu.memory_space<vmem>>[vector<16xi32>], vector<16xf32>,
    %swap3A_828 = arith.constant 1184 : index
    %swap3A_829 = tpu.vector_load %arg7[%swap3A_828] {strides = array<i32>} : memref<2048xf32, #tpu.memory_space<vmem>>, vector<16xf32>,
    tpu.vector_store %arg7[%swap3A_828], %gather3A_827 {strides = array<i32>} : memref<2048xf32, #tpu.memory_space<vmem>>, vector<16xf32>,
    %add3A_830 = arith.constant 300 : i32
    %add3A_831 = vector.broadcast %add3A_830 : i32 to vector<16xi32>
    %add3A_832 = arith.addi %shift_right_arithmetic3A_4, %add3A_831 : vector<16xi32>
    %gather3A_833 = tpu.vector_load_idx %arg5[%add3A_832] : memref<512xi32, #tpu.memory_space<vmem>>[vector<16xi32>], vector<16xi32>,
    %mul3A_834 = arith.constant 4 : i32
    %mul3A_835 = vector.broadcast %mul3A_834 : i32 to vector<16xi32>
    %mul3A_836 = arith.muli %gather3A_833, %mul3A_835 : vector<16xi32>
    %add3A_837 = arith.addi %mul3A_836, %and3A_6 : vector<16xi32>
    %gather3A_838 = tpu.vector_load_idx %arg6[%add3A_837] : memref<128xf32, #tpu.memory_space<vmem>>[vector<16xi32>], vector<16xf32>,
    %swap3A_839 = arith.constant 1200 : index
    %swap3A_840 = tpu.vector_load %arg7[%swap3A_839] {strides = array<i32>} : memref<2048xf32, #tpu.memory_space<vmem>>, vector<16xf32>,
    tpu.vector_store %arg7[%swap3A_839], %gather3A_838 {strides = array<i32>} : memref<2048xf32, #tpu.memory_space<vmem>>, vector<16xf32>,
    %add3A_841 = arith.constant 304 : i32
    %add3A_842 = vector.broadcast %add3A_841 : i32 to vector<16xi32>
    %add3A_843 = arith.addi %shift_right_arithmetic3A_4, %add3A_842 : vector<16xi32>
    %gather3A_844 = tpu.vector_load_idx %arg5[%add3A_843] : memref<512xi32, #tpu.memory_space<vmem>>[vector<16xi32>], vector<16xi32>,
    %mul3A_845 = arith.constant 4 : i32
    %mul3A_846 = vector.broadcast %mul3A_845 : i32 to vector<16xi32>
    %mul3A_847 = arith.muli %gather3A_844, %mul3A_846 : vector<16xi32>
    %add3A_848 = arith.addi %mul3A_847, %and3A_6 : vector<16xi32>
    %gather3A_849 = tpu.vector_load_idx %arg6[%add3A_848] : memref<128xf32, #tpu.memory_space<vmem>>[vector<16xi32>], vector<16xf32>,
    %swap3A_850 = arith.constant 1216 : index
    %swap3A_851 = tpu.vector_load %arg7[%swap3A_850] {strides = array<i32>} : memref<2048xf32, #tpu.memory_space<vmem>>, vector<16xf32>,
    tpu.vector_store %arg7[%swap3A_850], %gather3A_849 {strides = array<i32>} : memref<2048xf32, #tpu.memory_space<vmem>>, vector<16xf32>,
    %add3A_852 = arith.constant 308 : i32
    %add3A_853 = vector.broadcast %add3A_852 : i32 to vector<16xi32>
    %add3A_854 = arith.addi %shift_right_arithmetic3A_4, %add3A_853 : vector<16xi32>
    %gather3A_855 = tpu.vector_load_idx %arg5[%add3A_854] : memref<512xi32, #tpu.memory_space<vmem>>[vector<16xi32>], vector<16xi32>,
    %mul3A_856 = arith.constant 4 : i32
    %mul3A_857 = vector.broadcast %mul3A_856 : i32 to vector<16xi32>
    %mul3A_858 = arith.muli %gather3A_855, %mul3A_857 : vector<16xi32>
    %add3A_859 = arith.addi %mul3A_858, %and3A_6 : vector<16xi32>
    %gather3A_860 = tpu.vector_load_idx %arg6[%add3A_859] : memref<128xf32, #tpu.memory_space<vmem>>[vector<16xi32>], vector<16xf32>,
    %swap3A_861 = arith.constant 1232 : index
    %swap3A_862 = tpu.vector_load %arg7[%swap3A_861] {strides = array<i32>} : memref<2048xf32, #tpu.memory_space<vmem>>, vector<16xf32>,
    tpu.vector_store %arg7[%swap3A_861], %gather3A_860 {strides = array<i32>} : memref<2048xf32, #tpu.memory_space<vmem>>, vector<16xf32>,
    %add3A_863 = arith.constant 312 : i32
    %add3A_864 = vector.broadcast %add3A_863 : i32 to vector<16xi32>
    %add3A_865 = arith.addi %shift_right_arithmetic3A_4, %add3A_864 : vector<16xi32>
    %gather3A_866 = tpu.vector_load_idx %arg5[%add3A_865] : memref<512xi32, #tpu.memory_space<vmem>>[vector<16xi32>], vector<16xi32>,
    %mul3A_867 = arith.constant 4 : i32
    %mul3A_868 = vector.broadcast %mul3A_867 : i32 to vector<16xi32>
    %mul3A_869 = arith.muli %gather3A_866, %mul3A_868 : vector<16xi32>
    %add3A_870 = arith.addi %mul3A_869, %and3A_6 : vector<16xi32>
    %gather3A_871 = tpu.vector_load_idx %arg6[%add3A_870] : memref<128xf32, #tpu.memory_space<vmem>>[vector<16xi32>], vector<16xf32>,
    %swap3A_872 = arith.constant 1248 : index
    %swap3A_873 = tpu.vector_load %arg7[%swap3A_872] {strides = array<i32>} : memref<2048xf32, #tpu.memory_space<vmem>>, vector<16xf32>,
    tpu.vector_store %arg7[%swap3A_872], %gather3A_871 {strides = array<i32>} : memref<2048xf32, #tpu.memory_space<vmem>>, vector<16xf32>,
    %add3A_874 = arith.constant 316 : i32
    %add3A_875 = vector.broadcast %add3A_874 : i32 to vector<16xi32>
    %add3A_876 = arith.addi %shift_right_arithmetic3A_4, %add3A_875 : vector<16xi32>
    %gather3A_877 = tpu.vector_load_idx %arg5[%add3A_876] : memref<512xi32, #tpu.memory_space<vmem>>[vector<16xi32>], vector<16xi32>,
    %mul3A_878 = arith.constant 4 : i32
    %mul3A_879 = vector.broadcast %mul3A_878 : i32 to vector<16xi32>
    %mul3A_880 = arith.muli %gather3A_877, %mul3A_879 : vector<16xi32>
    %add3A_881 = arith.addi %mul3A_880, %and3A_6 : vector<16xi32>
    %gather3A_882 = tpu.vector_load_idx %arg6[%add3A_881] : memref<128xf32, #tpu.memory_space<vmem>>[vector<16xi32>], vector<16xf32>,
    %swap3A_883 = arith.constant 1264 : index
    %swap3A_884 = tpu.vector_load %arg7[%swap3A_883] {strides = array<i32>} : memref<2048xf32, #tpu.memory_space<vmem>>, vector<16xf32>,
    tpu.vector_store %arg7[%swap3A_883], %gather3A_882 {strides = array<i32>} : memref<2048xf32, #tpu.memory_space<vmem>>, vector<16xf32>,
    %add3A_885 = arith.constant 320 : i32
    %add3A_886 = vector.broadcast %add3A_885 : i32 to vector<16xi32>
    %add3A_887 = arith.addi %shift_right_arithmetic3A_4, %add3A_886 : vector<16xi32>
    %gather3A_888 = tpu.vector_load_idx %arg5[%add3A_887] : memref<512xi32, #tpu.memory_space<vmem>>[vector<16xi32>], vector<16xi32>,
    %mul3A_889 = arith.constant 4 : i32
    %mul3A_890 = vector.broadcast %mul3A_889 : i32 to vector<16xi32>
    %mul3A_891 = arith.muli %gather3A_888, %mul3A_890 : vector<16xi32>
    %add3A_892 = arith.addi %mul3A_891, %and3A_6 : vector<16xi32>
    %gather3A_893 = tpu.vector_load_idx %arg6[%add3A_892] : memref<128xf32, #tpu.memory_space<vmem>>[vector<16xi32>], vector<16xf32>,
    %swap3A_894 = arith.constant 1280 : index
    %swap3A_895 = tpu.vector_load %arg7[%swap3A_894] {strides = array<i32>} : memref<2048xf32, #tpu.memory_space<vmem>>, vector<16xf32>,
    tpu.vector_store %arg7[%swap3A_894], %gather3A_893 {strides = array<i32>} : memref<2048xf32, #tpu.memory_space<vmem>>, vector<16xf32>,
    %add3A_896 = arith.constant 324 : i32
    %add3A_897 = vector.broadcast %add3A_896 : i32 to vector<16xi32>
    %add3A_898 = arith.addi %shift_right_arithmetic3A_4, %add3A_897 : vector<16xi32>
    %gather3A_899 = tpu.vector_load_idx %arg5[%add3A_898] : memref<512xi32, #tpu.memory_space<vmem>>[vector<16xi32>], vector<16xi32>,
    %mul3A_900 = arith.constant 4 : i32
    %mul3A_901 = vector.broadcast %mul3A_900 : i32 to vector<16xi32>
    %mul3A_902 = arith.muli %gather3A_899, %mul3A_901 : vector<16xi32>
    %add3A_903 = arith.addi %mul3A_902, %and3A_6 : vector<16xi32>
    %gather3A_904 = tpu.vector_load_idx %arg6[%add3A_903] : memref<128xf32, #tpu.memory_space<vmem>>[vector<16xi32>], vector<16xf32>,
    %swap3A_905 = arith.constant 1296 : index
    %swap3A_906 = tpu.vector_load %arg7[%swap3A_905] {strides = array<i32>} : memref<2048xf32, #tpu.memory_space<vmem>>, vector<16xf32>,
    tpu.vector_store %arg7[%swap3A_905], %gather3A_904 {strides = array<i32>} : memref<2048xf32, #tpu.memory_space<vmem>>, vector<16xf32>,
    %add3A_907 = arith.constant 328 : i32
    %add3A_908 = vector.broadcast %add3A_907 : i32 to vector<16xi32>
    %add3A_909 = arith.addi %shift_right_arithmetic3A_4, %add3A_908 : vector<16xi32>
    %gather3A_910 = tpu.vector_load_idx %arg5[%add3A_909] : memref<512xi32, #tpu.memory_space<vmem>>[vector<16xi32>], vector<16xi32>,
    %mul3A_911 = arith.constant 4 : i32
    %mul3A_912 = vector.broadcast %mul3A_911 : i32 to vector<16xi32>
    %mul3A_913 = arith.muli %gather3A_910, %mul3A_912 : vector<16xi32>
    %add3A_914 = arith.addi %mul3A_913, %and3A_6 : vector<16xi32>
    %gather3A_915 = tpu.vector_load_idx %arg6[%add3A_914] : memref<128xf32, #tpu.memory_space<vmem>>[vector<16xi32>], vector<16xf32>,
    %swap3A_916 = arith.constant 1312 : index
    %swap3A_917 = tpu.vector_load %arg7[%swap3A_916] {strides = array<i32>} : memref<2048xf32, #tpu.memory_space<vmem>>, vector<16xf32>,
    tpu.vector_store %arg7[%swap3A_916], %gather3A_915 {strides = array<i32>} : memref<2048xf32, #tpu.memory_space<vmem>>, vector<16xf32>,
    %add3A_918 = arith.constant 332 : i32
    %add3A_919 = vector.broadcast %add3A_918 : i32 to vector<16xi32>
    %add3A_920 = arith.addi %shift_right_arithmetic3A_4, %add3A_919 : vector<16xi32>
    %gather3A_921 = tpu.vector_load_idx %arg5[%add3A_920] : memref<512xi32, #tpu.memory_space<vmem>>[vector<16xi32>], vector<16xi32>,
    %mul3A_922 = arith.constant 4 : i32
    %mul3A_923 = vector.broadcast %mul3A_922 : i32 to vector<16xi32>
    %mul3A_924 = arith.muli %gather3A_921, %mul3A_923 : vector<16xi32>
    %add3A_925 = arith.addi %mul3A_924, %and3A_6 : vector<16xi32>
    %gather3A_926 = tpu.vector_load_idx %arg6[%add3A_925] : memref<128xf32, #tpu.memory_space<vmem>>[vector<16xi32>], vector<16xf32>,
    %swap3A_927 = arith.constant 1328 : index
    %swap3A_928 = tpu.vector_load %arg7[%swap3A_927] {strides = array<i32>} : memref<2048xf32, #tpu.memory_space<vmem>>, vector<16xf32>,
    tpu.vector_store %arg7[%swap3A_927], %gather3A_926 {strides = array<i32>} : memref<2048xf32, #tpu.memory_space<vmem>>, vector<16xf32>,
    %add3A_929 = arith.constant 336 : i32
    %add3A_930 = vector.broadcast %add3A_929 : i32 to vector<16xi32>
    %add3A_931 = arith.addi %shift_right_arithmetic3A_4, %add3A_930 : vector<16xi32>
    %gather3A_932 = tpu.vector_load_idx %arg5[%add3A_931] : memref<512xi32, #tpu.memory_space<vmem>>[vector<16xi32>], vector<16xi32>,
    %mul3A_933 = arith.constant 4 : i32
    %mul3A_934 = vector.broadcast %mul3A_933 : i32 to vector<16xi32>
    %mul3A_935 = arith.muli %gather3A_932, %mul3A_934 : vector<16xi32>
    %add3A_936 = arith.addi %mul3A_935, %and3A_6 : vector<16xi32>
    %gather3A_937 = tpu.vector_load_idx %arg6[%add3A_936] : memref<128xf32, #tpu.memory_space<vmem>>[vector<16xi32>], vector<16xf32>,
    %swap3A_938 = arith.constant 1344 : index
    %swap3A_939 = tpu.vector_load %arg7[%swap3A_938] {strides = array<i32>} : memref<2048xf32, #tpu.memory_space<vmem>>, vector<16xf32>,
    tpu.vector_store %arg7[%swap3A_938], %gather3A_937 {strides = array<i32>} : memref<2048xf32, #tpu.memory_space<vmem>>, vector<16xf32>,
    %add3A_940 = arith.constant 340 : i32
    %add3A_941 = vector.broadcast %add3A_940 : i32 to vector<16xi32>
    %add3A_942 = arith.addi %shift_right_arithmetic3A_4, %add3A_941 : vector<16xi32>
    %gather3A_943 = tpu.vector_load_idx %arg5[%add3A_942] : memref<512xi32, #tpu.memory_space<vmem>>[vector<16xi32>], vector<16xi32>,
    %mul3A_944 = arith.constant 4 : i32
    %mul3A_945 = vector.broadcast %mul3A_944 : i32 to vector<16xi32>
    %mul3A_946 = arith.muli %gather3A_943, %mul3A_945 : vector<16xi32>
    %add3A_947 = arith.addi %mul3A_946, %and3A_6 : vector<16xi32>
    %gather3A_948 = tpu.vector_load_idx %arg6[%add3A_947] : memref<128xf32, #tpu.memory_space<vmem>>[vector<16xi32>], vector<16xf32>,
    %swap3A_949 = arith.constant 1360 : index
    %swap3A_950 = tpu.vector_load %arg7[%swap3A_949] {strides = array<i32>} : memref<2048xf32, #tpu.memory_space<vmem>>, vector<16xf32>,
    tpu.vector_store %arg7[%swap3A_949], %gather3A_948 {strides = array<i32>} : memref<2048xf32, #tpu.memory_space<vmem>>, vector<16xf32>,
    %add3A_951 = arith.constant 344 : i32
    %add3A_952 = vector.broadcast %add3A_951 : i32 to vector<16xi32>
    %add3A_953 = arith.addi %shift_right_arithmetic3A_4, %add3A_952 : vector<16xi32>
    %gather3A_954 = tpu.vector_load_idx %arg5[%add3A_953] : memref<512xi32, #tpu.memory_space<vmem>>[vector<16xi32>], vector<16xi32>,
    %mul3A_955 = arith.constant 4 : i32
    %mul3A_956 = vector.broadcast %mul3A_955 : i32 to vector<16xi32>
    %mul3A_957 = arith.muli %gather3A_954, %mul3A_956 : vector<16xi32>
    %add3A_958 = arith.addi %mul3A_957, %and3A_6 : vector<16xi32>
    %gather3A_959 = tpu.vector_load_idx %arg6[%add3A_958] : memref<128xf32, #tpu.memory_space<vmem>>[vector<16xi32>], vector<16xf32>,
    %swap3A_960 = arith.constant 1376 : index
    %swap3A_961 = tpu.vector_load %arg7[%swap3A_960] {strides = array<i32>} : memref<2048xf32, #tpu.memory_space<vmem>>, vector<16xf32>,
    tpu.vector_store %arg7[%swap3A_960], %gather3A_959 {strides = array<i32>} : memref<2048xf32, #tpu.memory_space<vmem>>, vector<16xf32>,
    %add3A_962 = arith.constant 348 : i32
    %add3A_963 = vector.broadcast %add3A_962 : i32 to vector<16xi32>
    %add3A_964 = arith.addi %shift_right_arithmetic3A_4, %add3A_963 : vector<16xi32>
    %gather3A_965 = tpu.vector_load_idx %arg5[%add3A_964] : memref<512xi32, #tpu.memory_space<vmem>>[vector<16xi32>], vector<16xi32>,
    %mul3A_966 = arith.constant 4 : i32
    %mul3A_967 = vector.broadcast %mul3A_966 : i32 to vector<16xi32>
    %mul3A_968 = arith.muli %gather3A_965, %mul3A_967 : vector<16xi32>
    %add3A_969 = arith.addi %mul3A_968, %and3A_6 : vector<16xi32>
    %gather3A_970 = tpu.vector_load_idx %arg6[%add3A_969] : memref<128xf32, #tpu.memory_space<vmem>>[vector<16xi32>], vector<16xf32>,
    %swap3A_971 = arith.constant 1392 : index
    %swap3A_972 = tpu.vector_load %arg7[%swap3A_971] {strides = array<i32>} : memref<2048xf32, #tpu.memory_space<vmem>>, vector<16xf32>,
    tpu.vector_store %arg7[%swap3A_971], %gather3A_970 {strides = array<i32>} : memref<2048xf32, #tpu.memory_space<vmem>>, vector<16xf32>,
    %add3A_973 = arith.constant 352 : i32
    %add3A_974 = vector.broadcast %add3A_973 : i32 to vector<16xi32>
    %add3A_975 = arith.addi %shift_right_arithmetic3A_4, %add3A_974 : vector<16xi32>
    %gather3A_976 = tpu.vector_load_idx %arg5[%add3A_975] : memref<512xi32, #tpu.memory_space<vmem>>[vector<16xi32>], vector<16xi32>,
    %mul3A_977 = arith.constant 4 : i32
    %mul3A_978 = vector.broadcast %mul3A_977 : i32 to vector<16xi32>
    %mul3A_979 = arith.muli %gather3A_976, %mul3A_978 : vector<16xi32>
    %add3A_980 = arith.addi %mul3A_979, %and3A_6 : vector<16xi32>
    %gather3A_981 = tpu.vector_load_idx %arg6[%add3A_980] : memref<128xf32, #tpu.memory_space<vmem>>[vector<16xi32>], vector<16xf32>,
    %swap3A_982 = arith.constant 1408 : index
    %swap3A_983 = tpu.vector_load %arg7[%swap3A_982] {strides = array<i32>} : memref<2048xf32, #tpu.memory_space<vmem>>, vector<16xf32>,
    tpu.vector_store %arg7[%swap3A_982], %gather3A_981 {strides = array<i32>} : memref<2048xf32, #tpu.memory_space<vmem>>, vector<16xf32>,
    %add3A_984 = arith.constant 356 : i32
    %add3A_985 = vector.broadcast %add3A_984 : i32 to vector<16xi32>
    %add3A_986 = arith.addi %shift_right_arithmetic3A_4, %add3A_985 : vector<16xi32>
    %gather3A_987 = tpu.vector_load_idx %arg5[%add3A_986] : memref<512xi32, #tpu.memory_space<vmem>>[vector<16xi32>], vector<16xi32>,
    %mul3A_988 = arith.constant 4 : i32
    %mul3A_989 = vector.broadcast %mul3A_988 : i32 to vector<16xi32>
    %mul3A_990 = arith.muli %gather3A_987, %mul3A_989 : vector<16xi32>
    %add3A_991 = arith.addi %mul3A_990, %and3A_6 : vector<16xi32>
    %gather3A_992 = tpu.vector_load_idx %arg6[%add3A_991] : memref<128xf32, #tpu.memory_space<vmem>>[vector<16xi32>], vector<16xf32>,
    %swap3A_993 = arith.constant 1424 : index
    %swap3A_994 = tpu.vector_load %arg7[%swap3A_993] {strides = array<i32>} : memref<2048xf32, #tpu.memory_space<vmem>>, vector<16xf32>,
    tpu.vector_store %arg7[%swap3A_993], %gather3A_992 {strides = array<i32>} : memref<2048xf32, #tpu.memory_space<vmem>>, vector<16xf32>,
    %add3A_995 = arith.constant 360 : i32
    %add3A_996 = vector.broadcast %add3A_995 : i32 to vector<16xi32>
    %add3A_997 = arith.addi %shift_right_arithmetic3A_4, %add3A_996 : vector<16xi32>
    %gather3A_998 = tpu.vector_load_idx %arg5[%add3A_997] : memref<512xi32, #tpu.memory_space<vmem>>[vector<16xi32>], vector<16xi32>,
    %mul3A_999 = arith.constant 4 : i32
    %mul3A_1000 = vector.broadcast %mul3A_999 : i32 to vector<16xi32>
    %mul3A_1001 = arith.muli %gather3A_998, %mul3A_1000 : vector<16xi32>
    %add3A_1002 = arith.addi %mul3A_1001, %and3A_6 : vector<16xi32>
    %gather3A_1003 = tpu.vector_load_idx %arg6[%add3A_1002] : memref<128xf32, #tpu.memory_space<vmem>>[vector<16xi32>], vector<16xf32>,
    %swap3A_1004 = arith.constant 1440 : index
    %swap3A_1005 = tpu.vector_load %arg7[%swap3A_1004] {strides = array<i32>} : memref<2048xf32, #tpu.memory_space<vmem>>, vector<16xf32>,
    tpu.vector_store %arg7[%swap3A_1004], %gather3A_1003 {strides = array<i32>} : memref<2048xf32, #tpu.memory_space<vmem>>, vector<16xf32>,
    %add3A_1006 = arith.constant 364 : i32
    %add3A_1007 = vector.broadcast %add3A_1006 : i32 to vector<16xi32>
    %add3A_1008 = arith.addi %shift_right_arithmetic3A_4, %add3A_1007 : vector<16xi32>
    %gather3A_1009 = tpu.vector_load_idx %arg5[%add3A_1008] : memref<512xi32, #tpu.memory_space<vmem>>[vector<16xi32>], vector<16xi32>,
    %mul3A_1010 = arith.constant 4 : i32
    %mul3A_1011 = vector.broadcast %mul3A_1010 : i32 to vector<16xi32>
    %mul3A_1012 = arith.muli %gather3A_1009, %mul3A_1011 : vector<16xi32>
    %add3A_1013 = arith.addi %mul3A_1012, %and3A_6 : vector<16xi32>
    %gather3A_1014 = tpu.vector_load_idx %arg6[%add3A_1013] : memref<128xf32, #tpu.memory_space<vmem>>[vector<16xi32>], vector<16xf32>,
    %swap3A_1015 = arith.constant 1456 : index
    %swap3A_1016 = tpu.vector_load %arg7[%swap3A_1015] {strides = array<i32>} : memref<2048xf32, #tpu.memory_space<vmem>>, vector<16xf32>,
    tpu.vector_store %arg7[%swap3A_1015], %gather3A_1014 {strides = array<i32>} : memref<2048xf32, #tpu.memory_space<vmem>>, vector<16xf32>,
    %add3A_1017 = arith.constant 368 : i32
    %add3A_1018 = vector.broadcast %add3A_1017 : i32 to vector<16xi32>
    %add3A_1019 = arith.addi %shift_right_arithmetic3A_4, %add3A_1018 : vector<16xi32>
    %gather3A_1020 = tpu.vector_load_idx %arg5[%add3A_1019] : memref<512xi32, #tpu.memory_space<vmem>>[vector<16xi32>], vector<16xi32>,
    %mul3A_1021 = arith.constant 4 : i32
    %mul3A_1022 = vector.broadcast %mul3A_1021 : i32 to vector<16xi32>
    %mul3A_1023 = arith.muli %gather3A_1020, %mul3A_1022 : vector<16xi32>
    %add3A_1024 = arith.addi %mul3A_1023, %and3A_6 : vector<16xi32>
    %gather3A_1025 = tpu.vector_load_idx %arg6[%add3A_1024] : memref<128xf32, #tpu.memory_space<vmem>>[vector<16xi32>], vector<16xf32>,
    %swap3A_1026 = arith.constant 1472 : index
    %swap3A_1027 = tpu.vector_load %arg7[%swap3A_1026] {strides = array<i32>} : memref<2048xf32, #tpu.memory_space<vmem>>, vector<16xf32>,
    tpu.vector_store %arg7[%swap3A_1026], %gather3A_1025 {strides = array<i32>} : memref<2048xf32, #tpu.memory_space<vmem>>, vector<16xf32>,
    %add3A_1028 = arith.constant 372 : i32
    %add3A_1029 = vector.broadcast %add3A_1028 : i32 to vector<16xi32>
    %add3A_1030 = arith.addi %shift_right_arithmetic3A_4, %add3A_1029 : vector<16xi32>
    %gather3A_1031 = tpu.vector_load_idx %arg5[%add3A_1030] : memref<512xi32, #tpu.memory_space<vmem>>[vector<16xi32>], vector<16xi32>,
    %mul3A_1032 = arith.constant 4 : i32
    %mul3A_1033 = vector.broadcast %mul3A_1032 : i32 to vector<16xi32>
    %mul3A_1034 = arith.muli %gather3A_1031, %mul3A_1033 : vector<16xi32>
    %add3A_1035 = arith.addi %mul3A_1034, %and3A_6 : vector<16xi32>
    %gather3A_1036 = tpu.vector_load_idx %arg6[%add3A_1035] : memref<128xf32, #tpu.memory_space<vmem>>[vector<16xi32>], vector<16xf32>,
    %swap3A_1037 = arith.constant 1488 : index
    %swap3A_1038 = tpu.vector_load %arg7[%swap3A_1037] {strides = array<i32>} : memref<2048xf32, #tpu.memory_space<vmem>>, vector<16xf32>,
    tpu.vector_store %arg7[%swap3A_1037], %gather3A_1036 {strides = array<i32>} : memref<2048xf32, #tpu.memory_space<vmem>>, vector<16xf32>,
    %add3A_1039 = arith.constant 376 : i32
    %add3A_1040 = vector.broadcast %add3A_1039 : i32 to vector<16xi32>
    %add3A_1041 = arith.addi %shift_right_arithmetic3A_4, %add3A_1040 : vector<16xi32>
    %gather3A_1042 = tpu.vector_load_idx %arg5[%add3A_1041] : memref<512xi32, #tpu.memory_space<vmem>>[vector<16xi32>], vector<16xi32>,
    %mul3A_1043 = arith.constant 4 : i32
    %mul3A_1044 = vector.broadcast %mul3A_1043 : i32 to vector<16xi32>
    %mul3A_1045 = arith.muli %gather3A_1042, %mul3A_1044 : vector<16xi32>
    %add3A_1046 = arith.addi %mul3A_1045, %and3A_6 : vector<16xi32>
    %gather3A_1047 = tpu.vector_load_idx %arg6[%add3A_1046] : memref<128xf32, #tpu.memory_space<vmem>>[vector<16xi32>], vector<16xf32>,
    %swap3A_1048 = arith.constant 1504 : index
    %swap3A_1049 = tpu.vector_load %arg7[%swap3A_1048] {strides = array<i32>} : memref<2048xf32, #tpu.memory_space<vmem>>, vector<16xf32>,
    tpu.vector_store %arg7[%swap3A_1048], %gather3A_1047 {strides = array<i32>} : memref<2048xf32, #tpu.memory_space<vmem>>, vector<16xf32>,
    %add3A_1050 = arith.constant 380 : i32
    %add3A_1051 = vector.broadcast %add3A_1050 : i32 to vector<16xi32>
    %add3A_1052 = arith.addi %shift_right_arithmetic3A_4, %add3A_1051 : vector<16xi32>
    %gather3A_1053 = tpu.vector_load_idx %arg5[%add3A_1052] : memref<512xi32, #tpu.memory_space<vmem>>[vector<16xi32>], vector<16xi32>,
    %mul3A_1054 = arith.constant 4 : i32
    %mul3A_1055 = vector.broadcast %mul3A_1054 : i32 to vector<16xi32>
    %mul3A_1056 = arith.muli %gather3A_1053, %mul3A_1055 : vector<16xi32>
    %add3A_1057 = arith.addi %mul3A_1056, %and3A_6 : vector<16xi32>
    %gather3A_1058 = tpu.vector_load_idx %arg6[%add3A_1057] : memref<128xf32, #tpu.memory_space<vmem>>[vector<16xi32>], vector<16xf32>,
    %swap3A_1059 = arith.constant 1520 : index
    %swap3A_1060 = tpu.vector_load %arg7[%swap3A_1059] {strides = array<i32>} : memref<2048xf32, #tpu.memory_space<vmem>>, vector<16xf32>,
    tpu.vector_store %arg7[%swap3A_1059], %gather3A_1058 {strides = array<i32>} : memref<2048xf32, #tpu.memory_space<vmem>>, vector<16xf32>,
    %add3A_1061 = arith.constant 384 : i32
    %add3A_1062 = vector.broadcast %add3A_1061 : i32 to vector<16xi32>
    %add3A_1063 = arith.addi %shift_right_arithmetic3A_4, %add3A_1062 : vector<16xi32>
    %gather3A_1064 = tpu.vector_load_idx %arg5[%add3A_1063] : memref<512xi32, #tpu.memory_space<vmem>>[vector<16xi32>], vector<16xi32>,
    %mul3A_1065 = arith.constant 4 : i32
    %mul3A_1066 = vector.broadcast %mul3A_1065 : i32 to vector<16xi32>
    %mul3A_1067 = arith.muli %gather3A_1064, %mul3A_1066 : vector<16xi32>
    %add3A_1068 = arith.addi %mul3A_1067, %and3A_6 : vector<16xi32>
    %gather3A_1069 = tpu.vector_load_idx %arg6[%add3A_1068] : memref<128xf32, #tpu.memory_space<vmem>>[vector<16xi32>], vector<16xf32>,
    %swap3A_1070 = arith.constant 1536 : index
    %swap3A_1071 = tpu.vector_load %arg7[%swap3A_1070] {strides = array<i32>} : memref<2048xf32, #tpu.memory_space<vmem>>, vector<16xf32>,
    tpu.vector_store %arg7[%swap3A_1070], %gather3A_1069 {strides = array<i32>} : memref<2048xf32, #tpu.memory_space<vmem>>, vector<16xf32>,
    %add3A_1072 = arith.constant 388 : i32
    %add3A_1073 = vector.broadcast %add3A_1072 : i32 to vector<16xi32>
    %add3A_1074 = arith.addi %shift_right_arithmetic3A_4, %add3A_1073 : vector<16xi32>
    %gather3A_1075 = tpu.vector_load_idx %arg5[%add3A_1074] : memref<512xi32, #tpu.memory_space<vmem>>[vector<16xi32>], vector<16xi32>,
    %mul3A_1076 = arith.constant 4 : i32
    %mul3A_1077 = vector.broadcast %mul3A_1076 : i32 to vector<16xi32>
    %mul3A_1078 = arith.muli %gather3A_1075, %mul3A_1077 : vector<16xi32>
    %add3A_1079 = arith.addi %mul3A_1078, %and3A_6 : vector<16xi32>
    %gather3A_1080 = tpu.vector_load_idx %arg6[%add3A_1079] : memref<128xf32, #tpu.memory_space<vmem>>[vector<16xi32>], vector<16xf32>,
    %swap3A_1081 = arith.constant 1552 : index
    %swap3A_1082 = tpu.vector_load %arg7[%swap3A_1081] {strides = array<i32>} : memref<2048xf32, #tpu.memory_space<vmem>>, vector<16xf32>,
    tpu.vector_store %arg7[%swap3A_1081], %gather3A_1080 {strides = array<i32>} : memref<2048xf32, #tpu.memory_space<vmem>>, vector<16xf32>,
    %add3A_1083 = arith.constant 392 : i32
    %add3A_1084 = vector.broadcast %add3A_1083 : i32 to vector<16xi32>
    %add3A_1085 = arith.addi %shift_right_arithmetic3A_4, %add3A_1084 : vector<16xi32>
    %gather3A_1086 = tpu.vector_load_idx %arg5[%add3A_1085] : memref<512xi32, #tpu.memory_space<vmem>>[vector<16xi32>], vector<16xi32>,
    %mul3A_1087 = arith.constant 4 : i32
    %mul3A_1088 = vector.broadcast %mul3A_1087 : i32 to vector<16xi32>
    %mul3A_1089 = arith.muli %gather3A_1086, %mul3A_1088 : vector<16xi32>
    %add3A_1090 = arith.addi %mul3A_1089, %and3A_6 : vector<16xi32>
    %gather3A_1091 = tpu.vector_load_idx %arg6[%add3A_1090] : memref<128xf32, #tpu.memory_space<vmem>>[vector<16xi32>], vector<16xf32>,
    %swap3A_1092 = arith.constant 1568 : index
    %swap3A_1093 = tpu.vector_load %arg7[%swap3A_1092] {strides = array<i32>} : memref<2048xf32, #tpu.memory_space<vmem>>, vector<16xf32>,
    tpu.vector_store %arg7[%swap3A_1092], %gather3A_1091 {strides = array<i32>} : memref<2048xf32, #tpu.memory_space<vmem>>, vector<16xf32>,
    %add3A_1094 = arith.constant 396 : i32
    %add3A_1095 = vector.broadcast %add3A_1094 : i32 to vector<16xi32>
    %add3A_1096 = arith.addi %shift_right_arithmetic3A_4, %add3A_1095 : vector<16xi32>
    %gather3A_1097 = tpu.vector_load_idx %arg5[%add3A_1096] : memref<512xi32, #tpu.memory_space<vmem>>[vector<16xi32>], vector<16xi32>,
    %mul3A_1098 = arith.constant 4 : i32
    %mul3A_1099 = vector.broadcast %mul3A_1098 : i32 to vector<16xi32>
    %mul3A_1100 = arith.muli %gather3A_1097, %mul3A_1099 : vector<16xi32>
    %add3A_1101 = arith.addi %mul3A_1100, %and3A_6 : vector<16xi32>
    %gather3A_1102 = tpu.vector_load_idx %arg6[%add3A_1101] : memref<128xf32, #tpu.memory_space<vmem>>[vector<16xi32>], vector<16xf32>,
    %swap3A_1103 = arith.constant 1584 : index
    %swap3A_1104 = tpu.vector_load %arg7[%swap3A_1103] {strides = array<i32>} : memref<2048xf32, #tpu.memory_space<vmem>>, vector<16xf32>,
    tpu.vector_store %arg7[%swap3A_1103], %gather3A_1102 {strides = array<i32>} : memref<2048xf32, #tpu.memory_space<vmem>>, vector<16xf32>,
    %add3A_1105 = arith.constant 400 : i32
    %add3A_1106 = vector.broadcast %add3A_1105 : i32 to vector<16xi32>
    %add3A_1107 = arith.addi %shift_right_arithmetic3A_4, %add3A_1106 : vector<16xi32>
    %gather3A_1108 = tpu.vector_load_idx %arg5[%add3A_1107] : memref<512xi32, #tpu.memory_space<vmem>>[vector<16xi32>], vector<16xi32>,
    %mul3A_1109 = arith.constant 4 : i32
    %mul3A_1110 = vector.broadcast %mul3A_1109 : i32 to vector<16xi32>
    %mul3A_1111 = arith.muli %gather3A_1108, %mul3A_1110 : vector<16xi32>
    %add3A_1112 = arith.addi %mul3A_1111, %and3A_6 : vector<16xi32>
    %gather3A_1113 = tpu.vector_load_idx %arg6[%add3A_1112] : memref<128xf32, #tpu.memory_space<vmem>>[vector<16xi32>], vector<16xf32>,
    %swap3A_1114 = arith.constant 1600 : index
    %swap3A_1115 = tpu.vector_load %arg7[%swap3A_1114] {strides = array<i32>} : memref<2048xf32, #tpu.memory_space<vmem>>, vector<16xf32>,
    tpu.vector_store %arg7[%swap3A_1114], %gather3A_1113 {strides = array<i32>} : memref<2048xf32, #tpu.memory_space<vmem>>, vector<16xf32>,
    %add3A_1116 = arith.constant 404 : i32
    %add3A_1117 = vector.broadcast %add3A_1116 : i32 to vector<16xi32>
    %add3A_1118 = arith.addi %shift_right_arithmetic3A_4, %add3A_1117 : vector<16xi32>
    %gather3A_1119 = tpu.vector_load_idx %arg5[%add3A_1118] : memref<512xi32, #tpu.memory_space<vmem>>[vector<16xi32>], vector<16xi32>,
    %mul3A_1120 = arith.constant 4 : i32
    %mul3A_1121 = vector.broadcast %mul3A_1120 : i32 to vector<16xi32>
    %mul3A_1122 = arith.muli %gather3A_1119, %mul3A_1121 : vector<16xi32>
    %add3A_1123 = arith.addi %mul3A_1122, %and3A_6 : vector<16xi32>
    %gather3A_1124 = tpu.vector_load_idx %arg6[%add3A_1123] : memref<128xf32, #tpu.memory_space<vmem>>[vector<16xi32>], vector<16xf32>,
    %swap3A_1125 = arith.constant 1616 : index
    %swap3A_1126 = tpu.vector_load %arg7[%swap3A_1125] {strides = array<i32>} : memref<2048xf32, #tpu.memory_space<vmem>>, vector<16xf32>,
    tpu.vector_store %arg7[%swap3A_1125], %gather3A_1124 {strides = array<i32>} : memref<2048xf32, #tpu.memory_space<vmem>>, vector<16xf32>,
    %add3A_1127 = arith.constant 408 : i32
    %add3A_1128 = vector.broadcast %add3A_1127 : i32 to vector<16xi32>
    %add3A_1129 = arith.addi %shift_right_arithmetic3A_4, %add3A_1128 : vector<16xi32>
    %gather3A_1130 = tpu.vector_load_idx %arg5[%add3A_1129] : memref<512xi32, #tpu.memory_space<vmem>>[vector<16xi32>], vector<16xi32>,
    %mul3A_1131 = arith.constant 4 : i32
    %mul3A_1132 = vector.broadcast %mul3A_1131 : i32 to vector<16xi32>
    %mul3A_1133 = arith.muli %gather3A_1130, %mul3A_1132 : vector<16xi32>
    %add3A_1134 = arith.addi %mul3A_1133, %and3A_6 : vector<16xi32>
    %gather3A_1135 = tpu.vector_load_idx %arg6[%add3A_1134] : memref<128xf32, #tpu.memory_space<vmem>>[vector<16xi32>], vector<16xf32>,
    %swap3A_1136 = arith.constant 1632 : index
    %swap3A_1137 = tpu.vector_load %arg7[%swap3A_1136] {strides = array<i32>} : memref<2048xf32, #tpu.memory_space<vmem>>, vector<16xf32>,
    tpu.vector_store %arg7[%swap3A_1136], %gather3A_1135 {strides = array<i32>} : memref<2048xf32, #tpu.memory_space<vmem>>, vector<16xf32>,
    %add3A_1138 = arith.constant 412 : i32
    %add3A_1139 = vector.broadcast %add3A_1138 : i32 to vector<16xi32>
    %add3A_1140 = arith.addi %shift_right_arithmetic3A_4, %add3A_1139 : vector<16xi32>
    %gather3A_1141 = tpu.vector_load_idx %arg5[%add3A_1140] : memref<512xi32, #tpu.memory_space<vmem>>[vector<16xi32>], vector<16xi32>,
    %mul3A_1142 = arith.constant 4 : i32
    %mul3A_1143 = vector.broadcast %mul3A_1142 : i32 to vector<16xi32>
    %mul3A_1144 = arith.muli %gather3A_1141, %mul3A_1143 : vector<16xi32>
    %add3A_1145 = arith.addi %mul3A_1144, %and3A_6 : vector<16xi32>
    %gather3A_1146 = tpu.vector_load_idx %arg6[%add3A_1145] : memref<128xf32, #tpu.memory_space<vmem>>[vector<16xi32>], vector<16xf32>,
    %swap3A_1147 = arith.constant 1648 : index
    %swap3A_1148 = tpu.vector_load %arg7[%swap3A_1147] {strides = array<i32>} : memref<2048xf32, #tpu.memory_space<vmem>>, vector<16xf32>,
    tpu.vector_store %arg7[%swap3A_1147], %gather3A_1146 {strides = array<i32>} : memref<2048xf32, #tpu.memory_space<vmem>>, vector<16xf32>,
    %add3A_1149 = arith.constant 416 : i32
    %add3A_1150 = vector.broadcast %add3A_1149 : i32 to vector<16xi32>
    %add3A_1151 = arith.addi %shift_right_arithmetic3A_4, %add3A_1150 : vector<16xi32>
    %gather3A_1152 = tpu.vector_load_idx %arg5[%add3A_1151] : memref<512xi32, #tpu.memory_space<vmem>>[vector<16xi32>], vector<16xi32>,
    %mul3A_1153 = arith.constant 4 : i32
    %mul3A_1154 = vector.broadcast %mul3A_1153 : i32 to vector<16xi32>
    %mul3A_1155 = arith.muli %gather3A_1152, %mul3A_1154 : vector<16xi32>
    %add3A_1156 = arith.addi %mul3A_1155, %and3A_6 : vector<16xi32>
    %gather3A_1157 = tpu.vector_load_idx %arg6[%add3A_1156] : memref<128xf32, #tpu.memory_space<vmem>>[vector<16xi32>], vector<16xf32>,
    %swap3A_1158 = arith.constant 1664 : index
    %swap3A_1159 = tpu.vector_load %arg7[%swap3A_1158] {strides = array<i32>} : memref<2048xf32, #tpu.memory_space<vmem>>, vector<16xf32>,
    tpu.vector_store %arg7[%swap3A_1158], %gather3A_1157 {strides = array<i32>} : memref<2048xf32, #tpu.memory_space<vmem>>, vector<16xf32>,
    %add3A_1160 = arith.constant 420 : i32
    %add3A_1161 = vector.broadcast %add3A_1160 : i32 to vector<16xi32>
    %add3A_1162 = arith.addi %shift_right_arithmetic3A_4, %add3A_1161 : vector<16xi32>
    %gather3A_1163 = tpu.vector_load_idx %arg5[%add3A_1162] : memref<512xi32, #tpu.memory_space<vmem>>[vector<16xi32>], vector<16xi32>,
    %mul3A_1164 = arith.constant 4 : i32
    %mul3A_1165 = vector.broadcast %mul3A_1164 : i32 to vector<16xi32>
    %mul3A_1166 = arith.muli %gather3A_1163, %mul3A_1165 : vector<16xi32>
    %add3A_1167 = arith.addi %mul3A_1166, %and3A_6 : vector<16xi32>
    %gather3A_1168 = tpu.vector_load_idx %arg6[%add3A_1167] : memref<128xf32, #tpu.memory_space<vmem>>[vector<16xi32>], vector<16xf32>,
    %swap3A_1169 = arith.constant 1680 : index
    %swap3A_1170 = tpu.vector_load %arg7[%swap3A_1169] {strides = array<i32>} : memref<2048xf32, #tpu.memory_space<vmem>>, vector<16xf32>,
    tpu.vector_store %arg7[%swap3A_1169], %gather3A_1168 {strides = array<i32>} : memref<2048xf32, #tpu.memory_space<vmem>>, vector<16xf32>,
    %add3A_1171 = arith.constant 424 : i32
    %add3A_1172 = vector.broadcast %add3A_1171 : i32 to vector<16xi32>
    %add3A_1173 = arith.addi %shift_right_arithmetic3A_4, %add3A_1172 : vector<16xi32>
    %gather3A_1174 = tpu.vector_load_idx %arg5[%add3A_1173] : memref<512xi32, #tpu.memory_space<vmem>>[vector<16xi32>], vector<16xi32>,
    %mul3A_1175 = arith.constant 4 : i32
    %mul3A_1176 = vector.broadcast %mul3A_1175 : i32 to vector<16xi32>
    %mul3A_1177 = arith.muli %gather3A_1174, %mul3A_1176 : vector<16xi32>
    %add3A_1178 = arith.addi %mul3A_1177, %and3A_6 : vector<16xi32>
    %gather3A_1179 = tpu.vector_load_idx %arg6[%add3A_1178] : memref<128xf32, #tpu.memory_space<vmem>>[vector<16xi32>], vector<16xf32>,
    %swap3A_1180 = arith.constant 1696 : index
    %swap3A_1181 = tpu.vector_load %arg7[%swap3A_1180] {strides = array<i32>} : memref<2048xf32, #tpu.memory_space<vmem>>, vector<16xf32>,
    tpu.vector_store %arg7[%swap3A_1180], %gather3A_1179 {strides = array<i32>} : memref<2048xf32, #tpu.memory_space<vmem>>, vector<16xf32>,
    %add3A_1182 = arith.constant 428 : i32
    %add3A_1183 = vector.broadcast %add3A_1182 : i32 to vector<16xi32>
    %add3A_1184 = arith.addi %shift_right_arithmetic3A_4, %add3A_1183 : vector<16xi32>
    %gather3A_1185 = tpu.vector_load_idx %arg5[%add3A_1184] : memref<512xi32, #tpu.memory_space<vmem>>[vector<16xi32>], vector<16xi32>,
    %mul3A_1186 = arith.constant 4 : i32
    %mul3A_1187 = vector.broadcast %mul3A_1186 : i32 to vector<16xi32>
    %mul3A_1188 = arith.muli %gather3A_1185, %mul3A_1187 : vector<16xi32>
    %add3A_1189 = arith.addi %mul3A_1188, %and3A_6 : vector<16xi32>
    %gather3A_1190 = tpu.vector_load_idx %arg6[%add3A_1189] : memref<128xf32, #tpu.memory_space<vmem>>[vector<16xi32>], vector<16xf32>,
    %swap3A_1191 = arith.constant 1712 : index
    %swap3A_1192 = tpu.vector_load %arg7[%swap3A_1191] {strides = array<i32>} : memref<2048xf32, #tpu.memory_space<vmem>>, vector<16xf32>,
    tpu.vector_store %arg7[%swap3A_1191], %gather3A_1190 {strides = array<i32>} : memref<2048xf32, #tpu.memory_space<vmem>>, vector<16xf32>,
    %add3A_1193 = arith.constant 432 : i32
    %add3A_1194 = vector.broadcast %add3A_1193 : i32 to vector<16xi32>
    %add3A_1195 = arith.addi %shift_right_arithmetic3A_4, %add3A_1194 : vector<16xi32>
    %gather3A_1196 = tpu.vector_load_idx %arg5[%add3A_1195] : memref<512xi32, #tpu.memory_space<vmem>>[vector<16xi32>], vector<16xi32>,
    %mul3A_1197 = arith.constant 4 : i32
    %mul3A_1198 = vector.broadcast %mul3A_1197 : i32 to vector<16xi32>
    %mul3A_1199 = arith.muli %gather3A_1196, %mul3A_1198 : vector<16xi32>
    %add3A_1200 = arith.addi %mul3A_1199, %and3A_6 : vector<16xi32>
    %gather3A_1201 = tpu.vector_load_idx %arg6[%add3A_1200] : memref<128xf32, #tpu.memory_space<vmem>>[vector<16xi32>], vector<16xf32>,
    %swap3A_1202 = arith.constant 1728 : index
    %swap3A_1203 = tpu.vector_load %arg7[%swap3A_1202] {strides = array<i32>} : memref<2048xf32, #tpu.memory_space<vmem>>, vector<16xf32>,
    tpu.vector_store %arg7[%swap3A_1202], %gather3A_1201 {strides = array<i32>} : memref<2048xf32, #tpu.memory_space<vmem>>, vector<16xf32>,
    %add3A_1204 = arith.constant 436 : i32
    %add3A_1205 = vector.broadcast %add3A_1204 : i32 to vector<16xi32>
    %add3A_1206 = arith.addi %shift_right_arithmetic3A_4, %add3A_1205 : vector<16xi32>
    %gather3A_1207 = tpu.vector_load_idx %arg5[%add3A_1206] : memref<512xi32, #tpu.memory_space<vmem>>[vector<16xi32>], vector<16xi32>,
    %mul3A_1208 = arith.constant 4 : i32
    %mul3A_1209 = vector.broadcast %mul3A_1208 : i32 to vector<16xi32>
    %mul3A_1210 = arith.muli %gather3A_1207, %mul3A_1209 : vector<16xi32>
    %add3A_1211 = arith.addi %mul3A_1210, %and3A_6 : vector<16xi32>
    %gather3A_1212 = tpu.vector_load_idx %arg6[%add3A_1211] : memref<128xf32, #tpu.memory_space<vmem>>[vector<16xi32>], vector<16xf32>,
    %swap3A_1213 = arith.constant 1744 : index
    %swap3A_1214 = tpu.vector_load %arg7[%swap3A_1213] {strides = array<i32>} : memref<2048xf32, #tpu.memory_space<vmem>>, vector<16xf32>,
    tpu.vector_store %arg7[%swap3A_1213], %gather3A_1212 {strides = array<i32>} : memref<2048xf32, #tpu.memory_space<vmem>>, vector<16xf32>,
    %add3A_1215 = arith.constant 440 : i32
    %add3A_1216 = vector.broadcast %add3A_1215 : i32 to vector<16xi32>
    %add3A_1217 = arith.addi %shift_right_arithmetic3A_4, %add3A_1216 : vector<16xi32>
    %gather3A_1218 = tpu.vector_load_idx %arg5[%add3A_1217] : memref<512xi32, #tpu.memory_space<vmem>>[vector<16xi32>], vector<16xi32>,
    %mul3A_1219 = arith.constant 4 : i32
    %mul3A_1220 = vector.broadcast %mul3A_1219 : i32 to vector<16xi32>
    %mul3A_1221 = arith.muli %gather3A_1218, %mul3A_1220 : vector<16xi32>
    %add3A_1222 = arith.addi %mul3A_1221, %and3A_6 : vector<16xi32>
    %gather3A_1223 = tpu.vector_load_idx %arg6[%add3A_1222] : memref<128xf32, #tpu.memory_space<vmem>>[vector<16xi32>], vector<16xf32>,
    %swap3A_1224 = arith.constant 1760 : index
    %swap3A_1225 = tpu.vector_load %arg7[%swap3A_1224] {strides = array<i32>} : memref<2048xf32, #tpu.memory_space<vmem>>, vector<16xf32>,
    tpu.vector_store %arg7[%swap3A_1224], %gather3A_1223 {strides = array<i32>} : memref<2048xf32, #tpu.memory_space<vmem>>, vector<16xf32>,
    %add3A_1226 = arith.constant 444 : i32
    %add3A_1227 = vector.broadcast %add3A_1226 : i32 to vector<16xi32>
    %add3A_1228 = arith.addi %shift_right_arithmetic3A_4, %add3A_1227 : vector<16xi32>
    %gather3A_1229 = tpu.vector_load_idx %arg5[%add3A_1228] : memref<512xi32, #tpu.memory_space<vmem>>[vector<16xi32>], vector<16xi32>,
    %mul3A_1230 = arith.constant 4 : i32
    %mul3A_1231 = vector.broadcast %mul3A_1230 : i32 to vector<16xi32>
    %mul3A_1232 = arith.muli %gather3A_1229, %mul3A_1231 : vector<16xi32>
    %add3A_1233 = arith.addi %mul3A_1232, %and3A_6 : vector<16xi32>
    %gather3A_1234 = tpu.vector_load_idx %arg6[%add3A_1233] : memref<128xf32, #tpu.memory_space<vmem>>[vector<16xi32>], vector<16xf32>,
    %swap3A_1235 = arith.constant 1776 : index
    %swap3A_1236 = tpu.vector_load %arg7[%swap3A_1235] {strides = array<i32>} : memref<2048xf32, #tpu.memory_space<vmem>>, vector<16xf32>,
    tpu.vector_store %arg7[%swap3A_1235], %gather3A_1234 {strides = array<i32>} : memref<2048xf32, #tpu.memory_space<vmem>>, vector<16xf32>,
    %add3A_1237 = arith.constant 448 : i32
    %add3A_1238 = vector.broadcast %add3A_1237 : i32 to vector<16xi32>
    %add3A_1239 = arith.addi %shift_right_arithmetic3A_4, %add3A_1238 : vector<16xi32>
    %gather3A_1240 = tpu.vector_load_idx %arg5[%add3A_1239] : memref<512xi32, #tpu.memory_space<vmem>>[vector<16xi32>], vector<16xi32>,
    %mul3A_1241 = arith.constant 4 : i32
    %mul3A_1242 = vector.broadcast %mul3A_1241 : i32 to vector<16xi32>
    %mul3A_1243 = arith.muli %gather3A_1240, %mul3A_1242 : vector<16xi32>
    %add3A_1244 = arith.addi %mul3A_1243, %and3A_6 : vector<16xi32>
    %gather3A_1245 = tpu.vector_load_idx %arg6[%add3A_1244] : memref<128xf32, #tpu.memory_space<vmem>>[vector<16xi32>], vector<16xf32>,
    %swap3A_1246 = arith.constant 1792 : index
    %swap3A_1247 = tpu.vector_load %arg7[%swap3A_1246] {strides = array<i32>} : memref<2048xf32, #tpu.memory_space<vmem>>, vector<16xf32>,
    tpu.vector_store %arg7[%swap3A_1246], %gather3A_1245 {strides = array<i32>} : memref<2048xf32, #tpu.memory_space<vmem>>, vector<16xf32>,
    %add3A_1248 = arith.constant 452 : i32
    %add3A_1249 = vector.broadcast %add3A_1248 : i32 to vector<16xi32>
    %add3A_1250 = arith.addi %shift_right_arithmetic3A_4, %add3A_1249 : vector<16xi32>
    %gather3A_1251 = tpu.vector_load_idx %arg5[%add3A_1250] : memref<512xi32, #tpu.memory_space<vmem>>[vector<16xi32>], vector<16xi32>,
    %mul3A_1252 = arith.constant 4 : i32
    %mul3A_1253 = vector.broadcast %mul3A_1252 : i32 to vector<16xi32>
    %mul3A_1254 = arith.muli %gather3A_1251, %mul3A_1253 : vector<16xi32>
    %add3A_1255 = arith.addi %mul3A_1254, %and3A_6 : vector<16xi32>
    %gather3A_1256 = tpu.vector_load_idx %arg6[%add3A_1255] : memref<128xf32, #tpu.memory_space<vmem>>[vector<16xi32>], vector<16xf32>,
    %swap3A_1257 = arith.constant 1808 : index
    %swap3A_1258 = tpu.vector_load %arg7[%swap3A_1257] {strides = array<i32>} : memref<2048xf32, #tpu.memory_space<vmem>>, vector<16xf32>,
    tpu.vector_store %arg7[%swap3A_1257], %gather3A_1256 {strides = array<i32>} : memref<2048xf32, #tpu.memory_space<vmem>>, vector<16xf32>,
    %add3A_1259 = arith.constant 456 : i32
    %add3A_1260 = vector.broadcast %add3A_1259 : i32 to vector<16xi32>
    %add3A_1261 = arith.addi %shift_right_arithmetic3A_4, %add3A_1260 : vector<16xi32>
    %gather3A_1262 = tpu.vector_load_idx %arg5[%add3A_1261] : memref<512xi32, #tpu.memory_space<vmem>>[vector<16xi32>], vector<16xi32>,
    %mul3A_1263 = arith.constant 4 : i32
    %mul3A_1264 = vector.broadcast %mul3A_1263 : i32 to vector<16xi32>
    %mul3A_1265 = arith.muli %gather3A_1262, %mul3A_1264 : vector<16xi32>
    %add3A_1266 = arith.addi %mul3A_1265, %and3A_6 : vector<16xi32>
    %gather3A_1267 = tpu.vector_load_idx %arg6[%add3A_1266] : memref<128xf32, #tpu.memory_space<vmem>>[vector<16xi32>], vector<16xf32>,
    %swap3A_1268 = arith.constant 1824 : index
    %swap3A_1269 = tpu.vector_load %arg7[%swap3A_1268] {strides = array<i32>} : memref<2048xf32, #tpu.memory_space<vmem>>, vector<16xf32>,
    tpu.vector_store %arg7[%swap3A_1268], %gather3A_1267 {strides = array<i32>} : memref<2048xf32, #tpu.memory_space<vmem>>, vector<16xf32>,
    %add3A_1270 = arith.constant 460 : i32
    %add3A_1271 = vector.broadcast %add3A_1270 : i32 to vector<16xi32>
    %add3A_1272 = arith.addi %shift_right_arithmetic3A_4, %add3A_1271 : vector<16xi32>
    %gather3A_1273 = tpu.vector_load_idx %arg5[%add3A_1272] : memref<512xi32, #tpu.memory_space<vmem>>[vector<16xi32>], vector<16xi32>,
    %mul3A_1274 = arith.constant 4 : i32
    %mul3A_1275 = vector.broadcast %mul3A_1274 : i32 to vector<16xi32>
    %mul3A_1276 = arith.muli %gather3A_1273, %mul3A_1275 : vector<16xi32>
    %add3A_1277 = arith.addi %mul3A_1276, %and3A_6 : vector<16xi32>
    %gather3A_1278 = tpu.vector_load_idx %arg6[%add3A_1277] : memref<128xf32, #tpu.memory_space<vmem>>[vector<16xi32>], vector<16xf32>,
    %swap3A_1279 = arith.constant 1840 : index
    %swap3A_1280 = tpu.vector_load %arg7[%swap3A_1279] {strides = array<i32>} : memref<2048xf32, #tpu.memory_space<vmem>>, vector<16xf32>,
    tpu.vector_store %arg7[%swap3A_1279], %gather3A_1278 {strides = array<i32>} : memref<2048xf32, #tpu.memory_space<vmem>>, vector<16xf32>,
    %add3A_1281 = arith.constant 464 : i32
    %add3A_1282 = vector.broadcast %add3A_1281 : i32 to vector<16xi32>
    %add3A_1283 = arith.addi %shift_right_arithmetic3A_4, %add3A_1282 : vector<16xi32>
    %gather3A_1284 = tpu.vector_load_idx %arg5[%add3A_1283] : memref<512xi32, #tpu.memory_space<vmem>>[vector<16xi32>], vector<16xi32>,
    %mul3A_1285 = arith.constant 4 : i32
    %mul3A_1286 = vector.broadcast %mul3A_1285 : i32 to vector<16xi32>
    %mul3A_1287 = arith.muli %gather3A_1284, %mul3A_1286 : vector<16xi32>
    %add3A_1288 = arith.addi %mul3A_1287, %and3A_6 : vector<16xi32>
    %gather3A_1289 = tpu.vector_load_idx %arg6[%add3A_1288] : memref<128xf32, #tpu.memory_space<vmem>>[vector<16xi32>], vector<16xf32>,
    %swap3A_1290 = arith.constant 1856 : index
    %swap3A_1291 = tpu.vector_load %arg7[%swap3A_1290] {strides = array<i32>} : memref<2048xf32, #tpu.memory_space<vmem>>, vector<16xf32>,
    tpu.vector_store %arg7[%swap3A_1290], %gather3A_1289 {strides = array<i32>} : memref<2048xf32, #tpu.memory_space<vmem>>, vector<16xf32>,
    %add3A_1292 = arith.constant 468 : i32
    %add3A_1293 = vector.broadcast %add3A_1292 : i32 to vector<16xi32>
    %add3A_1294 = arith.addi %shift_right_arithmetic3A_4, %add3A_1293 : vector<16xi32>
    %gather3A_1295 = tpu.vector_load_idx %arg5[%add3A_1294] : memref<512xi32, #tpu.memory_space<vmem>>[vector<16xi32>], vector<16xi32>,
    %mul3A_1296 = arith.constant 4 : i32
    %mul3A_1297 = vector.broadcast %mul3A_1296 : i32 to vector<16xi32>
    %mul3A_1298 = arith.muli %gather3A_1295, %mul3A_1297 : vector<16xi32>
    %add3A_1299 = arith.addi %mul3A_1298, %and3A_6 : vector<16xi32>
    %gather3A_1300 = tpu.vector_load_idx %arg6[%add3A_1299] : memref<128xf32, #tpu.memory_space<vmem>>[vector<16xi32>], vector<16xf32>,
    %swap3A_1301 = arith.constant 1872 : index
    %swap3A_1302 = tpu.vector_load %arg7[%swap3A_1301] {strides = array<i32>} : memref<2048xf32, #tpu.memory_space<vmem>>, vector<16xf32>,
    tpu.vector_store %arg7[%swap3A_1301], %gather3A_1300 {strides = array<i32>} : memref<2048xf32, #tpu.memory_space<vmem>>, vector<16xf32>,
    %add3A_1303 = arith.constant 472 : i32
    %add3A_1304 = vector.broadcast %add3A_1303 : i32 to vector<16xi32>
    %add3A_1305 = arith.addi %shift_right_arithmetic3A_4, %add3A_1304 : vector<16xi32>
    %gather3A_1306 = tpu.vector_load_idx %arg5[%add3A_1305] : memref<512xi32, #tpu.memory_space<vmem>>[vector<16xi32>], vector<16xi32>,
    %mul3A_1307 = arith.constant 4 : i32
    %mul3A_1308 = vector.broadcast %mul3A_1307 : i32 to vector<16xi32>
    %mul3A_1309 = arith.muli %gather3A_1306, %mul3A_1308 : vector<16xi32>
    %add3A_1310 = arith.addi %mul3A_1309, %and3A_6 : vector<16xi32>
    %gather3A_1311 = tpu.vector_load_idx %arg6[%add3A_1310] : memref<128xf32, #tpu.memory_space<vmem>>[vector<16xi32>], vector<16xf32>,
    %swap3A_1312 = arith.constant 1888 : index
    %swap3A_1313 = tpu.vector_load %arg7[%swap3A_1312] {strides = array<i32>} : memref<2048xf32, #tpu.memory_space<vmem>>, vector<16xf32>,
    tpu.vector_store %arg7[%swap3A_1312], %gather3A_1311 {strides = array<i32>} : memref<2048xf32, #tpu.memory_space<vmem>>, vector<16xf32>,
    %add3A_1314 = arith.constant 476 : i32
    %add3A_1315 = vector.broadcast %add3A_1314 : i32 to vector<16xi32>
    %add3A_1316 = arith.addi %shift_right_arithmetic3A_4, %add3A_1315 : vector<16xi32>
    %gather3A_1317 = tpu.vector_load_idx %arg5[%add3A_1316] : memref<512xi32, #tpu.memory_space<vmem>>[vector<16xi32>], vector<16xi32>,
    %mul3A_1318 = arith.constant 4 : i32
    %mul3A_1319 = vector.broadcast %mul3A_1318 : i32 to vector<16xi32>
    %mul3A_1320 = arith.muli %gather3A_1317, %mul3A_1319 : vector<16xi32>
    %add3A_1321 = arith.addi %mul3A_1320, %and3A_6 : vector<16xi32>
    %gather3A_1322 = tpu.vector_load_idx %arg6[%add3A_1321] : memref<128xf32, #tpu.memory_space<vmem>>[vector<16xi32>], vector<16xf32>,
    %swap3A_1323 = arith.constant 1904 : index
    %swap3A_1324 = tpu.vector_load %arg7[%swap3A_1323] {strides = array<i32>} : memref<2048xf32, #tpu.memory_space<vmem>>, vector<16xf32>,
    tpu.vector_store %arg7[%swap3A_1323], %gather3A_1322 {strides = array<i32>} : memref<2048xf32, #tpu.memory_space<vmem>>, vector<16xf32>,
    %add3A_1325 = arith.constant 480 : i32
    %add3A_1326 = vector.broadcast %add3A_1325 : i32 to vector<16xi32>
    %add3A_1327 = arith.addi %shift_right_arithmetic3A_4, %add3A_1326 : vector<16xi32>
    %gather3A_1328 = tpu.vector_load_idx %arg5[%add3A_1327] : memref<512xi32, #tpu.memory_space<vmem>>[vector<16xi32>], vector<16xi32>,
    %mul3A_1329 = arith.constant 4 : i32
    %mul3A_1330 = vector.broadcast %mul3A_1329 : i32 to vector<16xi32>
    %mul3A_1331 = arith.muli %gather3A_1328, %mul3A_1330 : vector<16xi32>
    %add3A_1332 = arith.addi %mul3A_1331, %and3A_6 : vector<16xi32>
    %gather3A_1333 = tpu.vector_load_idx %arg6[%add3A_1332] : memref<128xf32, #tpu.memory_space<vmem>>[vector<16xi32>], vector<16xf32>,
    %swap3A_1334 = arith.constant 1920 : index
    %swap3A_1335 = tpu.vector_load %arg7[%swap3A_1334] {strides = array<i32>} : memref<2048xf32, #tpu.memory_space<vmem>>, vector<16xf32>,
    tpu.vector_store %arg7[%swap3A_1334], %gather3A_1333 {strides = array<i32>} : memref<2048xf32, #tpu.memory_space<vmem>>, vector<16xf32>,
    %add3A_1336 = arith.constant 484 : i32
    %add3A_1337 = vector.broadcast %add3A_1336 : i32 to vector<16xi32>
    %add3A_1338 = arith.addi %shift_right_arithmetic3A_4, %add3A_1337 : vector<16xi32>
    %gather3A_1339 = tpu.vector_load_idx %arg5[%add3A_1338] : memref<512xi32, #tpu.memory_space<vmem>>[vector<16xi32>], vector<16xi32>,
    %mul3A_1340 = arith.constant 4 : i32
    %mul3A_1341 = vector.broadcast %mul3A_1340 : i32 to vector<16xi32>
    %mul3A_1342 = arith.muli %gather3A_1339, %mul3A_1341 : vector<16xi32>
    %add3A_1343 = arith.addi %mul3A_1342, %and3A_6 : vector<16xi32>
    %gather3A_1344 = tpu.vector_load_idx %arg6[%add3A_1343] : memref<128xf32, #tpu.memory_space<vmem>>[vector<16xi32>], vector<16xf32>,
    %swap3A_1345 = arith.constant 1936 : index
    %swap3A_1346 = tpu.vector_load %arg7[%swap3A_1345] {strides = array<i32>} : memref<2048xf32, #tpu.memory_space<vmem>>, vector<16xf32>,
    tpu.vector_store %arg7[%swap3A_1345], %gather3A_1344 {strides = array<i32>} : memref<2048xf32, #tpu.memory_space<vmem>>, vector<16xf32>,
    %add3A_1347 = arith.constant 488 : i32
    %add3A_1348 = vector.broadcast %add3A_1347 : i32 to vector<16xi32>
    %add3A_1349 = arith.addi %shift_right_arithmetic3A_4, %add3A_1348 : vector<16xi32>
    %gather3A_1350 = tpu.vector_load_idx %arg5[%add3A_1349] : memref<512xi32, #tpu.memory_space<vmem>>[vector<16xi32>], vector<16xi32>,
    %mul3A_1351 = arith.constant 4 : i32
    %mul3A_1352 = vector.broadcast %mul3A_1351 : i32 to vector<16xi32>
    %mul3A_1353 = arith.muli %gather3A_1350, %mul3A_1352 : vector<16xi32>
    %add3A_1354 = arith.addi %mul3A_1353, %and3A_6 : vector<16xi32>
    %gather3A_1355 = tpu.vector_load_idx %arg6[%add3A_1354] : memref<128xf32, #tpu.memory_space<vmem>>[vector<16xi32>], vector<16xf32>,
    %swap3A_1356 = arith.constant 1952 : index
    %swap3A_1357 = tpu.vector_load %arg7[%swap3A_1356] {strides = array<i32>} : memref<2048xf32, #tpu.memory_space<vmem>>, vector<16xf32>,
    tpu.vector_store %arg7[%swap3A_1356], %gather3A_1355 {strides = array<i32>} : memref<2048xf32, #tpu.memory_space<vmem>>, vector<16xf32>,
    %add3A_1358 = arith.constant 492 : i32
    %add3A_1359 = vector.broadcast %add3A_1358 : i32 to vector<16xi32>
    %add3A_1360 = arith.addi %shift_right_arithmetic3A_4, %add3A_1359 : vector<16xi32>
    %gather3A_1361 = tpu.vector_load_idx %arg5[%add3A_1360] : memref<512xi32, #tpu.memory_space<vmem>>[vector<16xi32>], vector<16xi32>,
    %mul3A_1362 = arith.constant 4 : i32
    %mul3A_1363 = vector.broadcast %mul3A_1362 : i32 to vector<16xi32>
    %mul3A_1364 = arith.muli %gather3A_1361, %mul3A_1363 : vector<16xi32>
    %add3A_1365 = arith.addi %mul3A_1364, %and3A_6 : vector<16xi32>
    %gather3A_1366 = tpu.vector_load_idx %arg6[%add3A_1365] : memref<128xf32, #tpu.memory_space<vmem>>[vector<16xi32>], vector<16xf32>,
    %swap3A_1367 = arith.constant 1968 : index
    %swap3A_1368 = tpu.vector_load %arg7[%swap3A_1367] {strides = array<i32>} : memref<2048xf32, #tpu.memory_space<vmem>>, vector<16xf32>,
    tpu.vector_store %arg7[%swap3A_1367], %gather3A_1366 {strides = array<i32>} : memref<2048xf32, #tpu.memory_space<vmem>>, vector<16xf32>,
    %add3A_1369 = arith.constant 496 : i32
    %add3A_1370 = vector.broadcast %add3A_1369 : i32 to vector<16xi32>
    %add3A_1371 = arith.addi %shift_right_arithmetic3A_4, %add3A_1370 : vector<16xi32>
    %gather3A_1372 = tpu.vector_load_idx %arg5[%add3A_1371] : memref<512xi32, #tpu.memory_space<vmem>>[vector<16xi32>], vector<16xi32>,
    %mul3A_1373 = arith.constant 4 : i32
    %mul3A_1374 = vector.broadcast %mul3A_1373 : i32 to vector<16xi32>
    %mul3A_1375 = arith.muli %gather3A_1372, %mul3A_1374 : vector<16xi32>
    %add3A_1376 = arith.addi %mul3A_1375, %and3A_6 : vector<16xi32>
    %gather3A_1377 = tpu.vector_load_idx %arg6[%add3A_1376] : memref<128xf32, #tpu.memory_space<vmem>>[vector<16xi32>], vector<16xf32>,
    %swap3A_1378 = arith.constant 1984 : index
    %swap3A_1379 = tpu.vector_load %arg7[%swap3A_1378] {strides = array<i32>} : memref<2048xf32, #tpu.memory_space<vmem>>, vector<16xf32>,
    tpu.vector_store %arg7[%swap3A_1378], %gather3A_1377 {strides = array<i32>} : memref<2048xf32, #tpu.memory_space<vmem>>, vector<16xf32>,
    %add3A_1380 = arith.constant 500 : i32
    %add3A_1381 = vector.broadcast %add3A_1380 : i32 to vector<16xi32>
    %add3A_1382 = arith.addi %shift_right_arithmetic3A_4, %add3A_1381 : vector<16xi32>
    %gather3A_1383 = tpu.vector_load_idx %arg5[%add3A_1382] : memref<512xi32, #tpu.memory_space<vmem>>[vector<16xi32>], vector<16xi32>,
    %mul3A_1384 = arith.constant 4 : i32
    %mul3A_1385 = vector.broadcast %mul3A_1384 : i32 to vector<16xi32>
    %mul3A_1386 = arith.muli %gather3A_1383, %mul3A_1385 : vector<16xi32>
    %add3A_1387 = arith.addi %mul3A_1386, %and3A_6 : vector<16xi32>
    %gather3A_1388 = tpu.vector_load_idx %arg6[%add3A_1387] : memref<128xf32, #tpu.memory_space<vmem>>[vector<16xi32>], vector<16xf32>,
    %swap3A_1389 = arith.constant 2000 : index
    %swap3A_1390 = tpu.vector_load %arg7[%swap3A_1389] {strides = array<i32>} : memref<2048xf32, #tpu.memory_space<vmem>>, vector<16xf32>,
    tpu.vector_store %arg7[%swap3A_1389], %gather3A_1388 {strides = array<i32>} : memref<2048xf32, #tpu.memory_space<vmem>>, vector<16xf32>,
    %add3A_1391 = arith.constant 504 : i32
    %add3A_1392 = vector.broadcast %add3A_1391 : i32 to vector<16xi32>
    %add3A_1393 = arith.addi %shift_right_arithmetic3A_4, %add3A_1392 : vector<16xi32>
    %gather3A_1394 = tpu.vector_load_idx %arg5[%add3A_1393] : memref<512xi32, #tpu.memory_space<vmem>>[vector<16xi32>], vector<16xi32>,
    %mul3A_1395 = arith.constant 4 : i32
    %mul3A_1396 = vector.broadcast %mul3A_1395 : i32 to vector<16xi32>
    %mul3A_1397 = arith.muli %gather3A_1394, %mul3A_1396 : vector<16xi32>
    %add3A_1398 = arith.addi %mul3A_1397, %and3A_6 : vector<16xi32>
    %gather3A_1399 = tpu.vector_load_idx %arg6[%add3A_1398] : memref<128xf32, #tpu.memory_space<vmem>>[vector<16xi32>], vector<16xf32>,
    %swap3A_1400 = arith.constant 2016 : index
    %swap3A_1401 = tpu.vector_load %arg7[%swap3A_1400] {strides = array<i32>} : memref<2048xf32, #tpu.memory_space<vmem>>, vector<16xf32>,
    tpu.vector_store %arg7[%swap3A_1400], %gather3A_1399 {strides = array<i32>} : memref<2048xf32, #tpu.memory_space<vmem>>, vector<16xf32>,
    %add3A_1402 = arith.constant 508 : i32
    %add3A_1403 = vector.broadcast %add3A_1402 : i32 to vector<16xi32>
    %add3A_1404 = arith.addi %shift_right_arithmetic3A_4, %add3A_1403 : vector<16xi32>
    %gather3A_1405 = tpu.vector_load_idx %arg5[%add3A_1404] : memref<512xi32, #tpu.memory_space<vmem>>[vector<16xi32>], vector<16xi32>,
    %mul3A_1406 = arith.constant 4 : i32
    %mul3A_1407 = vector.broadcast %mul3A_1406 : i32 to vector<16xi32>
    %mul3A_1408 = arith.muli %gather3A_1405, %mul3A_1407 : vector<16xi32>
    %add3A_1409 = arith.addi %mul3A_1408, %and3A_6 : vector<16xi32>
    %gather3A_1410 = tpu.vector_load_idx %arg6[%add3A_1409] : memref<128xf32, #tpu.memory_space<vmem>>[vector<16xi32>], vector<16xf32>,
    %swap3A_1411 = arith.constant 2032 : index
    %swap3A_1412 = tpu.vector_load %arg7[%swap3A_1411] {strides = array<i32>} : memref<2048xf32, #tpu.memory_space<vmem>>, vector<16xf32>,
    tpu.vector_store %arg7[%swap3A_1411], %gather3A_1410 {strides = array<i32>} : memref<2048xf32, #tpu.memory_space<vmem>>, vector<16xf32>,
    %mul3A_1413 = arith.constant 4 : i32
    %mul3A_1414 = arith.muli %mul3A_2, %mul3A_1413 : i32
    "tpu.region"() ({
      %run_scoped3A = tpu.sem_alloc : memref<!tpu.dma_semaphore, #tpu.memory_space<semaphore_mem>>
      %dma_start3A = tpu.memref_slice %arg4[%mul3A_1414] : memref<65536xf32, #tpu.memory_space<hbm>> -> memref<2048xf32, #tpu.memory_space<hbm>>
      %dma_start3A_1415 = tpu.memref_slice %arg4[%mul3A_1414] : memref<65536xf32, #tpu.memory_space<hbm>> -> memref<2048xf32, #tpu.memory_space<hbm>>
      tpu.enqueue_dma source(%arg7 : memref<2048xf32, #tpu.memory_space<vmem>>) target(%dma_start3A_1415 : memref<2048xf32, #tpu.memory_space<hbm>>) target_semaphore(%run_scoped3A : memref<!tpu.dma_semaphore, #tpu.memory_space<semaphore_mem>>)
      %dma_wait3A = tpu.memref_slice %arg4[%mul3A_1414] : memref<65536xf32, #tpu.memory_space<hbm>> -> memref<2048xf32, #tpu.memory_space<hbm>>
      %dma_wait3A_1416 = tpu.memref_slice %arg4[%mul3A_1414] : memref<65536xf32, #tpu.memory_space<hbm>> -> memref<2048xf32, #tpu.memory_space<hbm>>
      tpu.wait_dma2 semaphore(%run_scoped3A : memref<!tpu.dma_semaphore, #tpu.memory_space<semaphore_mem>>) src(%arg7 : memref<2048xf32, #tpu.memory_space<vmem>>) dst(%dma_wait3A_1416 : memref<2048xf32, #tpu.memory_space<hbm>>)
      tpu.yield
    }) : () -> ()
    return
  }
}

module attributes {stable_mosaic.version = 14 : i64} {
  func.func @_dist_kernel(%arg0: i32, %arg1: memref<20x16x128xi32, #tpu.memory_space<vmem>>, %arg2: memref<20x16x128xi32, #tpu.memory_space<vmem>>, %arg3: memref<16x128xi32, #tpu.memory_space<vmem>>) attributes {dimension_semantics = [#tpu.dimension_semantics<arbitrary>], iteration_bounds = array<i64: 8>, scalar_prefetch = 0 : i64, scratch_operands = 0 : i64, tpu.core_type = #tpu.core_type<tc>, window_params = [{transform_indices = @transform_0, window_bounds = array<i64: 20, 16, 128>}, {transform_indices = @transform_1, window_bounds = array<i64: 20, 16, 128>}, {transform_indices = @transform_2, window_bounds = array<i64: 16, 128>}]} {
    %get3A = arith.constant 0 : index
    %get3A_0 = arith.constant 0 : index
    %get3A_1 = arith.constant 0 : index
    %get3A_2 = vector.load %arg1[%get3A, %get3A_0, %get3A_1] : memref<20x16x128xi32, #tpu.memory_space<vmem>>, vector<1x16x128xi32>
    %get3A_3 = vector.shape_cast %get3A_2 : vector<1x16x128xi32> to vector<16x128xi32>
    %get3A_4 = arith.constant 1 : index
    %get3A_5 = arith.constant 0 : index
    %get3A_6 = arith.constant 0 : index
    %get3A_7 = vector.load %arg1[%get3A_4, %get3A_5, %get3A_6] : memref<20x16x128xi32, #tpu.memory_space<vmem>>, vector<1x16x128xi32>
    %get3A_8 = vector.shape_cast %get3A_7 : vector<1x16x128xi32> to vector<16x128xi32>
    %get3A_9 = arith.constant 2 : index
    %get3A_10 = arith.constant 0 : index
    %get3A_11 = arith.constant 0 : index
    %get3A_12 = vector.load %arg1[%get3A_9, %get3A_10, %get3A_11] : memref<20x16x128xi32, #tpu.memory_space<vmem>>, vector<1x16x128xi32>
    %get3A_13 = vector.shape_cast %get3A_12 : vector<1x16x128xi32> to vector<16x128xi32>
    %get3A_14 = arith.constant 3 : index
    %get3A_15 = arith.constant 0 : index
    %get3A_16 = arith.constant 0 : index
    %get3A_17 = vector.load %arg1[%get3A_14, %get3A_15, %get3A_16] : memref<20x16x128xi32, #tpu.memory_space<vmem>>, vector<1x16x128xi32>
    %get3A_18 = vector.shape_cast %get3A_17 : vector<1x16x128xi32> to vector<16x128xi32>
    %get3A_19 = arith.constant 4 : index
    %get3A_20 = arith.constant 0 : index
    %get3A_21 = arith.constant 0 : index
    %get3A_22 = vector.load %arg1[%get3A_19, %get3A_20, %get3A_21] : memref<20x16x128xi32, #tpu.memory_space<vmem>>, vector<1x16x128xi32>
    %get3A_23 = vector.shape_cast %get3A_22 : vector<1x16x128xi32> to vector<16x128xi32>
    %get3A_24 = arith.constant 5 : index
    %get3A_25 = arith.constant 0 : index
    %get3A_26 = arith.constant 0 : index
    %get3A_27 = vector.load %arg1[%get3A_24, %get3A_25, %get3A_26] : memref<20x16x128xi32, #tpu.memory_space<vmem>>, vector<1x16x128xi32>
    %get3A_28 = vector.shape_cast %get3A_27 : vector<1x16x128xi32> to vector<16x128xi32>
    %get3A_29 = arith.constant 6 : index
    %get3A_30 = arith.constant 0 : index
    %get3A_31 = arith.constant 0 : index
    %get3A_32 = vector.load %arg1[%get3A_29, %get3A_30, %get3A_31] : memref<20x16x128xi32, #tpu.memory_space<vmem>>, vector<1x16x128xi32>
    %get3A_33 = vector.shape_cast %get3A_32 : vector<1x16x128xi32> to vector<16x128xi32>
    %get3A_34 = arith.constant 7 : index
    %get3A_35 = arith.constant 0 : index
    %get3A_36 = arith.constant 0 : index
    %get3A_37 = vector.load %arg1[%get3A_34, %get3A_35, %get3A_36] : memref<20x16x128xi32, #tpu.memory_space<vmem>>, vector<1x16x128xi32>
    %get3A_38 = vector.shape_cast %get3A_37 : vector<1x16x128xi32> to vector<16x128xi32>
    %get3A_39 = arith.constant 8 : index
    %get3A_40 = arith.constant 0 : index
    %get3A_41 = arith.constant 0 : index
    %get3A_42 = vector.load %arg1[%get3A_39, %get3A_40, %get3A_41] : memref<20x16x128xi32, #tpu.memory_space<vmem>>, vector<1x16x128xi32>
    %get3A_43 = vector.shape_cast %get3A_42 : vector<1x16x128xi32> to vector<16x128xi32>
    %get3A_44 = arith.constant 9 : index
    %get3A_45 = arith.constant 0 : index
    %get3A_46 = arith.constant 0 : index
    %get3A_47 = vector.load %arg1[%get3A_44, %get3A_45, %get3A_46] : memref<20x16x128xi32, #tpu.memory_space<vmem>>, vector<1x16x128xi32>
    %get3A_48 = vector.shape_cast %get3A_47 : vector<1x16x128xi32> to vector<16x128xi32>
    %get3A_49 = arith.constant 10 : index
    %get3A_50 = arith.constant 0 : index
    %get3A_51 = arith.constant 0 : index
    %get3A_52 = vector.load %arg1[%get3A_49, %get3A_50, %get3A_51] : memref<20x16x128xi32, #tpu.memory_space<vmem>>, vector<1x16x128xi32>
    %get3A_53 = vector.shape_cast %get3A_52 : vector<1x16x128xi32> to vector<16x128xi32>
    %get3A_54 = arith.constant 11 : index
    %get3A_55 = arith.constant 0 : index
    %get3A_56 = arith.constant 0 : index
    %get3A_57 = vector.load %arg1[%get3A_54, %get3A_55, %get3A_56] : memref<20x16x128xi32, #tpu.memory_space<vmem>>, vector<1x16x128xi32>
    %get3A_58 = vector.shape_cast %get3A_57 : vector<1x16x128xi32> to vector<16x128xi32>
    %get3A_59 = arith.constant 12 : index
    %get3A_60 = arith.constant 0 : index
    %get3A_61 = arith.constant 0 : index
    %get3A_62 = vector.load %arg1[%get3A_59, %get3A_60, %get3A_61] : memref<20x16x128xi32, #tpu.memory_space<vmem>>, vector<1x16x128xi32>
    %get3A_63 = vector.shape_cast %get3A_62 : vector<1x16x128xi32> to vector<16x128xi32>
    %get3A_64 = arith.constant 13 : index
    %get3A_65 = arith.constant 0 : index
    %get3A_66 = arith.constant 0 : index
    %get3A_67 = vector.load %arg1[%get3A_64, %get3A_65, %get3A_66] : memref<20x16x128xi32, #tpu.memory_space<vmem>>, vector<1x16x128xi32>
    %get3A_68 = vector.shape_cast %get3A_67 : vector<1x16x128xi32> to vector<16x128xi32>
    %get3A_69 = arith.constant 14 : index
    %get3A_70 = arith.constant 0 : index
    %get3A_71 = arith.constant 0 : index
    %get3A_72 = vector.load %arg1[%get3A_69, %get3A_70, %get3A_71] : memref<20x16x128xi32, #tpu.memory_space<vmem>>, vector<1x16x128xi32>
    %get3A_73 = vector.shape_cast %get3A_72 : vector<1x16x128xi32> to vector<16x128xi32>
    %get3A_74 = arith.constant 15 : index
    %get3A_75 = arith.constant 0 : index
    %get3A_76 = arith.constant 0 : index
    %get3A_77 = vector.load %arg1[%get3A_74, %get3A_75, %get3A_76] : memref<20x16x128xi32, #tpu.memory_space<vmem>>, vector<1x16x128xi32>
    %get3A_78 = vector.shape_cast %get3A_77 : vector<1x16x128xi32> to vector<16x128xi32>
    %get3A_79 = arith.constant 16 : index
    %get3A_80 = arith.constant 0 : index
    %get3A_81 = arith.constant 0 : index
    %get3A_82 = vector.load %arg1[%get3A_79, %get3A_80, %get3A_81] : memref<20x16x128xi32, #tpu.memory_space<vmem>>, vector<1x16x128xi32>
    %get3A_83 = vector.shape_cast %get3A_82 : vector<1x16x128xi32> to vector<16x128xi32>
    %get3A_84 = arith.constant 17 : index
    %get3A_85 = arith.constant 0 : index
    %get3A_86 = arith.constant 0 : index
    %get3A_87 = vector.load %arg1[%get3A_84, %get3A_85, %get3A_86] : memref<20x16x128xi32, #tpu.memory_space<vmem>>, vector<1x16x128xi32>
    %get3A_88 = vector.shape_cast %get3A_87 : vector<1x16x128xi32> to vector<16x128xi32>
    %get3A_89 = arith.constant 18 : index
    %get3A_90 = arith.constant 0 : index
    %get3A_91 = arith.constant 0 : index
    %get3A_92 = vector.load %arg1[%get3A_89, %get3A_90, %get3A_91] : memref<20x16x128xi32, #tpu.memory_space<vmem>>, vector<1x16x128xi32>
    %get3A_93 = vector.shape_cast %get3A_92 : vector<1x16x128xi32> to vector<16x128xi32>
    %get3A_94 = arith.constant 19 : index
    %get3A_95 = arith.constant 0 : index
    %get3A_96 = arith.constant 0 : index
    %get3A_97 = vector.load %arg1[%get3A_94, %get3A_95, %get3A_96] : memref<20x16x128xi32, #tpu.memory_space<vmem>>, vector<1x16x128xi32>
    %get3A_98 = vector.shape_cast %get3A_97 : vector<1x16x128xi32> to vector<16x128xi32>
    %broadcast_in_dim3A = arith.constant 1048575 : i32
    %broadcast_in_dim3A_99 = vector.broadcast %broadcast_in_dim3A : i32 to vector<16x128xi32>
    %broadcast_in_dim3A_100 = arith.constant 0 : i32
    %broadcast_in_dim3A_101 = vector.broadcast %broadcast_in_dim3A_100 : i32 to vector<16x128xi32>
    %broadcast_in_dim3A_102 = arith.constant 20 : i32
    %broadcast_in_dim3A_103 = vector.broadcast %broadcast_in_dim3A_102 : i32 to vector<16x128xi32>
    %get3A_104 = arith.constant 0 : index
    %get3A_105 = arith.constant 0 : index
    %get3A_106 = arith.constant 0 : index
    %get3A_107 = vector.load %arg2[%get3A_104, %get3A_105, %get3A_106] : memref<20x16x128xi32, #tpu.memory_space<vmem>>, vector<1x16x128xi32>
    %get3A_108 = vector.shape_cast %get3A_107 : vector<1x16x128xi32> to vector<16x128xi32>
    %broadcast_in_dim3A_109 = arith.constant 0 : i32
    %broadcast_in_dim3A_110 = vector.broadcast %broadcast_in_dim3A_109 : i32 to vector<16x128xi32>
    %eq3A = arith.cmpi eq, %get3A_3, %get3A_108 : vector<16x128xi32>
    %jit3A = arith.constant 1 : i32
    %jit3A_111 = arith.constant 0 : i32
    %broadcast_in_dim3A_112 = vector.broadcast %jit3A : i32 to vector<16x128xi32>
    %broadcast_in_dim3A_113 = vector.broadcast %jit3A_111 : i32 to vector<16x128xi32>
    %select_n3A = arith.select %eq3A, %broadcast_in_dim3A_112, %broadcast_in_dim3A_113 : vector<16x128xi1>, vector<16x128xi32>
    %or3A = arith.ori %broadcast_in_dim3A_110, %select_n3A : vector<16x128xi32>
    %eq3A_114 = arith.cmpi eq, %get3A_8, %get3A_108 : vector<16x128xi32>
    %jit3A_115 = arith.constant 2 : i32
    %jit3A_116 = arith.constant 0 : i32
    %broadcast_in_dim3A_117 = vector.broadcast %jit3A_115 : i32 to vector<16x128xi32>
    %broadcast_in_dim3A_118 = vector.broadcast %jit3A_116 : i32 to vector<16x128xi32>
    %select_n3A_119 = arith.select %eq3A_114, %broadcast_in_dim3A_117, %broadcast_in_dim3A_118 : vector<16x128xi1>, vector<16x128xi32>
    %or3A_120 = arith.ori %or3A, %select_n3A_119 : vector<16x128xi32>
    %eq3A_121 = arith.cmpi eq, %get3A_13, %get3A_108 : vector<16x128xi32>
    %jit3A_122 = arith.constant 4 : i32
    %jit3A_123 = arith.constant 0 : i32
    %broadcast_in_dim3A_124 = vector.broadcast %jit3A_122 : i32 to vector<16x128xi32>
    %broadcast_in_dim3A_125 = vector.broadcast %jit3A_123 : i32 to vector<16x128xi32>
    %select_n3A_126 = arith.select %eq3A_121, %broadcast_in_dim3A_124, %broadcast_in_dim3A_125 : vector<16x128xi1>, vector<16x128xi32>
    %or3A_127 = arith.ori %or3A_120, %select_n3A_126 : vector<16x128xi32>
    %eq3A_128 = arith.cmpi eq, %get3A_18, %get3A_108 : vector<16x128xi32>
    %jit3A_129 = arith.constant 8 : i32
    %jit3A_130 = arith.constant 0 : i32
    %broadcast_in_dim3A_131 = vector.broadcast %jit3A_129 : i32 to vector<16x128xi32>
    %broadcast_in_dim3A_132 = vector.broadcast %jit3A_130 : i32 to vector<16x128xi32>
    %select_n3A_133 = arith.select %eq3A_128, %broadcast_in_dim3A_131, %broadcast_in_dim3A_132 : vector<16x128xi1>, vector<16x128xi32>
    %or3A_134 = arith.ori %or3A_127, %select_n3A_133 : vector<16x128xi32>
    %eq3A_135 = arith.cmpi eq, %get3A_23, %get3A_108 : vector<16x128xi32>
    %jit3A_136 = arith.constant 16 : i32
    %jit3A_137 = arith.constant 0 : i32
    %broadcast_in_dim3A_138 = vector.broadcast %jit3A_136 : i32 to vector<16x128xi32>
    %broadcast_in_dim3A_139 = vector.broadcast %jit3A_137 : i32 to vector<16x128xi32>
    %select_n3A_140 = arith.select %eq3A_135, %broadcast_in_dim3A_138, %broadcast_in_dim3A_139 : vector<16x128xi1>, vector<16x128xi32>
    %or3A_141 = arith.ori %or3A_134, %select_n3A_140 : vector<16x128xi32>
    %eq3A_142 = arith.cmpi eq, %get3A_28, %get3A_108 : vector<16x128xi32>
    %jit3A_143 = arith.constant 32 : i32
    %jit3A_144 = arith.constant 0 : i32
    %broadcast_in_dim3A_145 = vector.broadcast %jit3A_143 : i32 to vector<16x128xi32>
    %broadcast_in_dim3A_146 = vector.broadcast %jit3A_144 : i32 to vector<16x128xi32>
    %select_n3A_147 = arith.select %eq3A_142, %broadcast_in_dim3A_145, %broadcast_in_dim3A_146 : vector<16x128xi1>, vector<16x128xi32>
    %or3A_148 = arith.ori %or3A_141, %select_n3A_147 : vector<16x128xi32>
    %eq3A_149 = arith.cmpi eq, %get3A_33, %get3A_108 : vector<16x128xi32>
    %jit3A_150 = arith.constant 64 : i32
    %jit3A_151 = arith.constant 0 : i32
    %broadcast_in_dim3A_152 = vector.broadcast %jit3A_150 : i32 to vector<16x128xi32>
    %broadcast_in_dim3A_153 = vector.broadcast %jit3A_151 : i32 to vector<16x128xi32>
    %select_n3A_154 = arith.select %eq3A_149, %broadcast_in_dim3A_152, %broadcast_in_dim3A_153 : vector<16x128xi1>, vector<16x128xi32>
    %or3A_155 = arith.ori %or3A_148, %select_n3A_154 : vector<16x128xi32>
    %eq3A_156 = arith.cmpi eq, %get3A_38, %get3A_108 : vector<16x128xi32>
    %jit3A_157 = arith.constant 128 : i32
    %jit3A_158 = arith.constant 0 : i32
    %broadcast_in_dim3A_159 = vector.broadcast %jit3A_157 : i32 to vector<16x128xi32>
    %broadcast_in_dim3A_160 = vector.broadcast %jit3A_158 : i32 to vector<16x128xi32>
    %select_n3A_161 = arith.select %eq3A_156, %broadcast_in_dim3A_159, %broadcast_in_dim3A_160 : vector<16x128xi1>, vector<16x128xi32>
    %or3A_162 = arith.ori %or3A_155, %select_n3A_161 : vector<16x128xi32>
    %eq3A_163 = arith.cmpi eq, %get3A_43, %get3A_108 : vector<16x128xi32>
    %jit3A_164 = arith.constant 256 : i32
    %jit3A_165 = arith.constant 0 : i32
    %broadcast_in_dim3A_166 = vector.broadcast %jit3A_164 : i32 to vector<16x128xi32>
    %broadcast_in_dim3A_167 = vector.broadcast %jit3A_165 : i32 to vector<16x128xi32>
    %select_n3A_168 = arith.select %eq3A_163, %broadcast_in_dim3A_166, %broadcast_in_dim3A_167 : vector<16x128xi1>, vector<16x128xi32>
    %or3A_169 = arith.ori %or3A_162, %select_n3A_168 : vector<16x128xi32>
    %eq3A_170 = arith.cmpi eq, %get3A_48, %get3A_108 : vector<16x128xi32>
    %jit3A_171 = arith.constant 512 : i32
    %jit3A_172 = arith.constant 0 : i32
    %broadcast_in_dim3A_173 = vector.broadcast %jit3A_171 : i32 to vector<16x128xi32>
    %broadcast_in_dim3A_174 = vector.broadcast %jit3A_172 : i32 to vector<16x128xi32>
    %select_n3A_175 = arith.select %eq3A_170, %broadcast_in_dim3A_173, %broadcast_in_dim3A_174 : vector<16x128xi1>, vector<16x128xi32>
    %or3A_176 = arith.ori %or3A_169, %select_n3A_175 : vector<16x128xi32>
    %eq3A_177 = arith.cmpi eq, %get3A_53, %get3A_108 : vector<16x128xi32>
    %jit3A_178 = arith.constant 1024 : i32
    %jit3A_179 = arith.constant 0 : i32
    %broadcast_in_dim3A_180 = vector.broadcast %jit3A_178 : i32 to vector<16x128xi32>
    %broadcast_in_dim3A_181 = vector.broadcast %jit3A_179 : i32 to vector<16x128xi32>
    %select_n3A_182 = arith.select %eq3A_177, %broadcast_in_dim3A_180, %broadcast_in_dim3A_181 : vector<16x128xi1>, vector<16x128xi32>
    %or3A_183 = arith.ori %or3A_176, %select_n3A_182 : vector<16x128xi32>
    %eq3A_184 = arith.cmpi eq, %get3A_58, %get3A_108 : vector<16x128xi32>
    %jit3A_185 = arith.constant 2048 : i32
    %jit3A_186 = arith.constant 0 : i32
    %broadcast_in_dim3A_187 = vector.broadcast %jit3A_185 : i32 to vector<16x128xi32>
    %broadcast_in_dim3A_188 = vector.broadcast %jit3A_186 : i32 to vector<16x128xi32>
    %select_n3A_189 = arith.select %eq3A_184, %broadcast_in_dim3A_187, %broadcast_in_dim3A_188 : vector<16x128xi1>, vector<16x128xi32>
    %or3A_190 = arith.ori %or3A_183, %select_n3A_189 : vector<16x128xi32>
    %eq3A_191 = arith.cmpi eq, %get3A_63, %get3A_108 : vector<16x128xi32>
    %jit3A_192 = arith.constant 4096 : i32
    %jit3A_193 = arith.constant 0 : i32
    %broadcast_in_dim3A_194 = vector.broadcast %jit3A_192 : i32 to vector<16x128xi32>
    %broadcast_in_dim3A_195 = vector.broadcast %jit3A_193 : i32 to vector<16x128xi32>
    %select_n3A_196 = arith.select %eq3A_191, %broadcast_in_dim3A_194, %broadcast_in_dim3A_195 : vector<16x128xi1>, vector<16x128xi32>
    %or3A_197 = arith.ori %or3A_190, %select_n3A_196 : vector<16x128xi32>
    %eq3A_198 = arith.cmpi eq, %get3A_68, %get3A_108 : vector<16x128xi32>
    %jit3A_199 = arith.constant 8192 : i32
    %jit3A_200 = arith.constant 0 : i32
    %broadcast_in_dim3A_201 = vector.broadcast %jit3A_199 : i32 to vector<16x128xi32>
    %broadcast_in_dim3A_202 = vector.broadcast %jit3A_200 : i32 to vector<16x128xi32>
    %select_n3A_203 = arith.select %eq3A_198, %broadcast_in_dim3A_201, %broadcast_in_dim3A_202 : vector<16x128xi1>, vector<16x128xi32>
    %or3A_204 = arith.ori %or3A_197, %select_n3A_203 : vector<16x128xi32>
    %eq3A_205 = arith.cmpi eq, %get3A_73, %get3A_108 : vector<16x128xi32>
    %jit3A_206 = arith.constant 16384 : i32
    %jit3A_207 = arith.constant 0 : i32
    %broadcast_in_dim3A_208 = vector.broadcast %jit3A_206 : i32 to vector<16x128xi32>
    %broadcast_in_dim3A_209 = vector.broadcast %jit3A_207 : i32 to vector<16x128xi32>
    %select_n3A_210 = arith.select %eq3A_205, %broadcast_in_dim3A_208, %broadcast_in_dim3A_209 : vector<16x128xi1>, vector<16x128xi32>
    %or3A_211 = arith.ori %or3A_204, %select_n3A_210 : vector<16x128xi32>
    %eq3A_212 = arith.cmpi eq, %get3A_78, %get3A_108 : vector<16x128xi32>
    %jit3A_213 = arith.constant 32768 : i32
    %jit3A_214 = arith.constant 0 : i32
    %broadcast_in_dim3A_215 = vector.broadcast %jit3A_213 : i32 to vector<16x128xi32>
    %broadcast_in_dim3A_216 = vector.broadcast %jit3A_214 : i32 to vector<16x128xi32>
    %select_n3A_217 = arith.select %eq3A_212, %broadcast_in_dim3A_215, %broadcast_in_dim3A_216 : vector<16x128xi1>, vector<16x128xi32>
    %or3A_218 = arith.ori %or3A_211, %select_n3A_217 : vector<16x128xi32>
    %eq3A_219 = arith.cmpi eq, %get3A_83, %get3A_108 : vector<16x128xi32>
    %jit3A_220 = arith.constant 65536 : i32
    %jit3A_221 = arith.constant 0 : i32
    %broadcast_in_dim3A_222 = vector.broadcast %jit3A_220 : i32 to vector<16x128xi32>
    %broadcast_in_dim3A_223 = vector.broadcast %jit3A_221 : i32 to vector<16x128xi32>
    %select_n3A_224 = arith.select %eq3A_219, %broadcast_in_dim3A_222, %broadcast_in_dim3A_223 : vector<16x128xi1>, vector<16x128xi32>
    %or3A_225 = arith.ori %or3A_218, %select_n3A_224 : vector<16x128xi32>
    %eq3A_226 = arith.cmpi eq, %get3A_88, %get3A_108 : vector<16x128xi32>
    %jit3A_227 = arith.constant 131072 : i32
    %jit3A_228 = arith.constant 0 : i32
    %broadcast_in_dim3A_229 = vector.broadcast %jit3A_227 : i32 to vector<16x128xi32>
    %broadcast_in_dim3A_230 = vector.broadcast %jit3A_228 : i32 to vector<16x128xi32>
    %select_n3A_231 = arith.select %eq3A_226, %broadcast_in_dim3A_229, %broadcast_in_dim3A_230 : vector<16x128xi1>, vector<16x128xi32>
    %or3A_232 = arith.ori %or3A_225, %select_n3A_231 : vector<16x128xi32>
    %eq3A_233 = arith.cmpi eq, %get3A_93, %get3A_108 : vector<16x128xi32>
    %jit3A_234 = arith.constant 262144 : i32
    %jit3A_235 = arith.constant 0 : i32
    %broadcast_in_dim3A_236 = vector.broadcast %jit3A_234 : i32 to vector<16x128xi32>
    %broadcast_in_dim3A_237 = vector.broadcast %jit3A_235 : i32 to vector<16x128xi32>
    %select_n3A_238 = arith.select %eq3A_233, %broadcast_in_dim3A_236, %broadcast_in_dim3A_237 : vector<16x128xi1>, vector<16x128xi32>
    %or3A_239 = arith.ori %or3A_232, %select_n3A_238 : vector<16x128xi32>
    %eq3A_240 = arith.cmpi eq, %get3A_98, %get3A_108 : vector<16x128xi32>
    %jit3A_241 = arith.constant 524288 : i32
    %jit3A_242 = arith.constant 0 : i32
    %broadcast_in_dim3A_243 = vector.broadcast %jit3A_241 : i32 to vector<16x128xi32>
    %broadcast_in_dim3A_244 = vector.broadcast %jit3A_242 : i32 to vector<16x128xi32>
    %select_n3A_245 = arith.select %eq3A_240, %broadcast_in_dim3A_243, %broadcast_in_dim3A_244 : vector<16x128xi1>, vector<16x128xi32>
    %or3A_246 = arith.ori %or3A_239, %select_n3A_245 : vector<16x128xi32>
    %or3A_247 = arith.ori %or3A_246, %broadcast_in_dim3A_101 : vector<16x128xi32>
    %and3A = arith.andi %or3A_246, %broadcast_in_dim3A_99 : vector<16x128xi32>
    %add3A = arith.addi %and3A, %broadcast_in_dim3A_99 : vector<16x128xi32>
    %xor3A = arith.xori %add3A, %broadcast_in_dim3A_99 : vector<16x128xi32>
    %or3A_248 = arith.ori %xor3A, %or3A_246 : vector<16x128xi32>
    %or3A_249 = arith.ori %or3A_248, %broadcast_in_dim3A_99 : vector<16x128xi32>
    %not3A = arith.constant dense<-1> : vector<16x128xi32>
    %not3A_250 = arith.xori %or3A_249, %not3A : vector<16x128xi32>
    %or3A_251 = arith.ori %broadcast_in_dim3A_101, %not3A_250 : vector<16x128xi32>
    %and3A_252 = arith.andi %broadcast_in_dim3A_99, %or3A_248 : vector<16x128xi32>
    %shift_right_arithmetic3A = arith.constant 19 : i32
    %shift_right_arithmetic3A_253 = vector.broadcast %shift_right_arithmetic3A : i32 to vector<16x128xi32>
    %shift_right_arithmetic3A_254 = arith.shrsi %or3A_251, %shift_right_arithmetic3A_253 : vector<16x128xi32>
    %and3A_255 = arith.constant 1 : i32
    %and3A_256 = vector.broadcast %and3A_255 : i32 to vector<16x128xi32>
    %and3A_257 = arith.andi %shift_right_arithmetic3A_254, %and3A_256 : vector<16x128xi32>
    %add3A_258 = arith.addi %broadcast_in_dim3A_103, %and3A_257 : vector<16x128xi32>
    %shift_right_arithmetic3A_259 = arith.constant 19 : i32
    %shift_right_arithmetic3A_260 = vector.broadcast %shift_right_arithmetic3A_259 : i32 to vector<16x128xi32>
    %shift_right_arithmetic3A_261 = arith.shrsi %and3A_252, %shift_right_arithmetic3A_260 : vector<16x128xi32>
    %and3A_262 = arith.constant 1 : i32
    %and3A_263 = vector.broadcast %and3A_262 : i32 to vector<16x128xi32>
    %and3A_264 = arith.andi %shift_right_arithmetic3A_261, %and3A_263 : vector<16x128xi32>
    %sub3A = arith.subi %add3A_258, %and3A_264 : vector<16x128xi32>
    %shift_left3A = arith.constant 1 : i32
    %shift_left3A_265 = vector.broadcast %shift_left3A : i32 to vector<16x128xi32>
    %shift_left3A_266 = arith.shli %or3A_251, %shift_left3A_265 : vector<16x128xi32>
    %or3A_267 = arith.constant 1 : i32
    %or3A_268 = vector.broadcast %or3A_267 : i32 to vector<16x128xi32>
    %or3A_269 = arith.ori %shift_left3A_266, %or3A_268 : vector<16x128xi32>
    %shift_left3A_270 = arith.constant 1 : i32
    %shift_left3A_271 = vector.broadcast %shift_left3A_270 : i32 to vector<16x128xi32>
    %shift_left3A_272 = arith.shli %and3A_252, %shift_left3A_271 : vector<16x128xi32>
    %or3A_273 = arith.ori %or3A_247, %or3A_269 : vector<16x128xi32>
    %not3A_274 = arith.constant dense<-1> : vector<16x128xi32>
    %not3A_275 = arith.xori %or3A_273, %not3A_274 : vector<16x128xi32>
    %or3A_276 = arith.ori %shift_left3A_272, %not3A_275 : vector<16x128xi32>
    %and3A_277 = arith.andi %or3A_269, %or3A_247 : vector<16x128xi32>
    %get3A_278 = arith.constant 1 : index
    %get3A_279 = arith.constant 0 : index
    %get3A_280 = arith.constant 0 : index
    %get3A_281 = vector.load %arg2[%get3A_278, %get3A_279, %get3A_280] : memref<20x16x128xi32, #tpu.memory_space<vmem>>, vector<1x16x128xi32>
    %get3A_282 = vector.shape_cast %get3A_281 : vector<1x16x128xi32> to vector<16x128xi32>
    %broadcast_in_dim3A_283 = arith.constant 0 : i32
    %broadcast_in_dim3A_284 = vector.broadcast %broadcast_in_dim3A_283 : i32 to vector<16x128xi32>
    %eq3A_285 = arith.cmpi eq, %get3A_3, %get3A_282 : vector<16x128xi32>
    %jit3A_286 = arith.constant 1 : i32
    %jit3A_287 = arith.constant 0 : i32
    %broadcast_in_dim3A_288 = vector.broadcast %jit3A_286 : i32 to vector<16x128xi32>
    %broadcast_in_dim3A_289 = vector.broadcast %jit3A_287 : i32 to vector<16x128xi32>
    %select_n3A_290 = arith.select %eq3A_285, %broadcast_in_dim3A_288, %broadcast_in_dim3A_289 : vector<16x128xi1>, vector<16x128xi32>
    %or3A_291 = arith.ori %broadcast_in_dim3A_284, %select_n3A_290 : vector<16x128xi32>
    %eq3A_292 = arith.cmpi eq, %get3A_8, %get3A_282 : vector<16x128xi32>
    %jit3A_293 = arith.constant 2 : i32
    %jit3A_294 = arith.constant 0 : i32
    %broadcast_in_dim3A_295 = vector.broadcast %jit3A_293 : i32 to vector<16x128xi32>
    %broadcast_in_dim3A_296 = vector.broadcast %jit3A_294 : i32 to vector<16x128xi32>
    %select_n3A_297 = arith.select %eq3A_292, %broadcast_in_dim3A_295, %broadcast_in_dim3A_296 : vector<16x128xi1>, vector<16x128xi32>
    %or3A_298 = arith.ori %or3A_291, %select_n3A_297 : vector<16x128xi32>
    %eq3A_299 = arith.cmpi eq, %get3A_13, %get3A_282 : vector<16x128xi32>
    %jit3A_300 = arith.constant 4 : i32
    %jit3A_301 = arith.constant 0 : i32
    %broadcast_in_dim3A_302 = vector.broadcast %jit3A_300 : i32 to vector<16x128xi32>
    %broadcast_in_dim3A_303 = vector.broadcast %jit3A_301 : i32 to vector<16x128xi32>
    %select_n3A_304 = arith.select %eq3A_299, %broadcast_in_dim3A_302, %broadcast_in_dim3A_303 : vector<16x128xi1>, vector<16x128xi32>
    %or3A_305 = arith.ori %or3A_298, %select_n3A_304 : vector<16x128xi32>
    %eq3A_306 = arith.cmpi eq, %get3A_18, %get3A_282 : vector<16x128xi32>
    %jit3A_307 = arith.constant 8 : i32
    %jit3A_308 = arith.constant 0 : i32
    %broadcast_in_dim3A_309 = vector.broadcast %jit3A_307 : i32 to vector<16x128xi32>
    %broadcast_in_dim3A_310 = vector.broadcast %jit3A_308 : i32 to vector<16x128xi32>
    %select_n3A_311 = arith.select %eq3A_306, %broadcast_in_dim3A_309, %broadcast_in_dim3A_310 : vector<16x128xi1>, vector<16x128xi32>
    %or3A_312 = arith.ori %or3A_305, %select_n3A_311 : vector<16x128xi32>
    %eq3A_313 = arith.cmpi eq, %get3A_23, %get3A_282 : vector<16x128xi32>
    %jit3A_314 = arith.constant 16 : i32
    %jit3A_315 = arith.constant 0 : i32
    %broadcast_in_dim3A_316 = vector.broadcast %jit3A_314 : i32 to vector<16x128xi32>
    %broadcast_in_dim3A_317 = vector.broadcast %jit3A_315 : i32 to vector<16x128xi32>
    %select_n3A_318 = arith.select %eq3A_313, %broadcast_in_dim3A_316, %broadcast_in_dim3A_317 : vector<16x128xi1>, vector<16x128xi32>
    %or3A_319 = arith.ori %or3A_312, %select_n3A_318 : vector<16x128xi32>
    %eq3A_320 = arith.cmpi eq, %get3A_28, %get3A_282 : vector<16x128xi32>
    %jit3A_321 = arith.constant 32 : i32
    %jit3A_322 = arith.constant 0 : i32
    %broadcast_in_dim3A_323 = vector.broadcast %jit3A_321 : i32 to vector<16x128xi32>
    %broadcast_in_dim3A_324 = vector.broadcast %jit3A_322 : i32 to vector<16x128xi32>
    %select_n3A_325 = arith.select %eq3A_320, %broadcast_in_dim3A_323, %broadcast_in_dim3A_324 : vector<16x128xi1>, vector<16x128xi32>
    %or3A_326 = arith.ori %or3A_319, %select_n3A_325 : vector<16x128xi32>
    %eq3A_327 = arith.cmpi eq, %get3A_33, %get3A_282 : vector<16x128xi32>
    %jit3A_328 = arith.constant 64 : i32
    %jit3A_329 = arith.constant 0 : i32
    %broadcast_in_dim3A_330 = vector.broadcast %jit3A_328 : i32 to vector<16x128xi32>
    %broadcast_in_dim3A_331 = vector.broadcast %jit3A_329 : i32 to vector<16x128xi32>
    %select_n3A_332 = arith.select %eq3A_327, %broadcast_in_dim3A_330, %broadcast_in_dim3A_331 : vector<16x128xi1>, vector<16x128xi32>
    %or3A_333 = arith.ori %or3A_326, %select_n3A_332 : vector<16x128xi32>
    %eq3A_334 = arith.cmpi eq, %get3A_38, %get3A_282 : vector<16x128xi32>
    %jit3A_335 = arith.constant 128 : i32
    %jit3A_336 = arith.constant 0 : i32
    %broadcast_in_dim3A_337 = vector.broadcast %jit3A_335 : i32 to vector<16x128xi32>
    %broadcast_in_dim3A_338 = vector.broadcast %jit3A_336 : i32 to vector<16x128xi32>
    %select_n3A_339 = arith.select %eq3A_334, %broadcast_in_dim3A_337, %broadcast_in_dim3A_338 : vector<16x128xi1>, vector<16x128xi32>
    %or3A_340 = arith.ori %or3A_333, %select_n3A_339 : vector<16x128xi32>
    %eq3A_341 = arith.cmpi eq, %get3A_43, %get3A_282 : vector<16x128xi32>
    %jit3A_342 = arith.constant 256 : i32
    %jit3A_343 = arith.constant 0 : i32
    %broadcast_in_dim3A_344 = vector.broadcast %jit3A_342 : i32 to vector<16x128xi32>
    %broadcast_in_dim3A_345 = vector.broadcast %jit3A_343 : i32 to vector<16x128xi32>
    %select_n3A_346 = arith.select %eq3A_341, %broadcast_in_dim3A_344, %broadcast_in_dim3A_345 : vector<16x128xi1>, vector<16x128xi32>
    %or3A_347 = arith.ori %or3A_340, %select_n3A_346 : vector<16x128xi32>
    %eq3A_348 = arith.cmpi eq, %get3A_48, %get3A_282 : vector<16x128xi32>
    %jit3A_349 = arith.constant 512 : i32
    %jit3A_350 = arith.constant 0 : i32
    %broadcast_in_dim3A_351 = vector.broadcast %jit3A_349 : i32 to vector<16x128xi32>
    %broadcast_in_dim3A_352 = vector.broadcast %jit3A_350 : i32 to vector<16x128xi32>
    %select_n3A_353 = arith.select %eq3A_348, %broadcast_in_dim3A_351, %broadcast_in_dim3A_352 : vector<16x128xi1>, vector<16x128xi32>
    %or3A_354 = arith.ori %or3A_347, %select_n3A_353 : vector<16x128xi32>
    %eq3A_355 = arith.cmpi eq, %get3A_53, %get3A_282 : vector<16x128xi32>
    %jit3A_356 = arith.constant 1024 : i32
    %jit3A_357 = arith.constant 0 : i32
    %broadcast_in_dim3A_358 = vector.broadcast %jit3A_356 : i32 to vector<16x128xi32>
    %broadcast_in_dim3A_359 = vector.broadcast %jit3A_357 : i32 to vector<16x128xi32>
    %select_n3A_360 = arith.select %eq3A_355, %broadcast_in_dim3A_358, %broadcast_in_dim3A_359 : vector<16x128xi1>, vector<16x128xi32>
    %or3A_361 = arith.ori %or3A_354, %select_n3A_360 : vector<16x128xi32>
    %eq3A_362 = arith.cmpi eq, %get3A_58, %get3A_282 : vector<16x128xi32>
    %jit3A_363 = arith.constant 2048 : i32
    %jit3A_364 = arith.constant 0 : i32
    %broadcast_in_dim3A_365 = vector.broadcast %jit3A_363 : i32 to vector<16x128xi32>
    %broadcast_in_dim3A_366 = vector.broadcast %jit3A_364 : i32 to vector<16x128xi32>
    %select_n3A_367 = arith.select %eq3A_362, %broadcast_in_dim3A_365, %broadcast_in_dim3A_366 : vector<16x128xi1>, vector<16x128xi32>
    %or3A_368 = arith.ori %or3A_361, %select_n3A_367 : vector<16x128xi32>
    %eq3A_369 = arith.cmpi eq, %get3A_63, %get3A_282 : vector<16x128xi32>
    %jit3A_370 = arith.constant 4096 : i32
    %jit3A_371 = arith.constant 0 : i32
    %broadcast_in_dim3A_372 = vector.broadcast %jit3A_370 : i32 to vector<16x128xi32>
    %broadcast_in_dim3A_373 = vector.broadcast %jit3A_371 : i32 to vector<16x128xi32>
    %select_n3A_374 = arith.select %eq3A_369, %broadcast_in_dim3A_372, %broadcast_in_dim3A_373 : vector<16x128xi1>, vector<16x128xi32>
    %or3A_375 = arith.ori %or3A_368, %select_n3A_374 : vector<16x128xi32>
    %eq3A_376 = arith.cmpi eq, %get3A_68, %get3A_282 : vector<16x128xi32>
    %jit3A_377 = arith.constant 8192 : i32
    %jit3A_378 = arith.constant 0 : i32
    %broadcast_in_dim3A_379 = vector.broadcast %jit3A_377 : i32 to vector<16x128xi32>
    %broadcast_in_dim3A_380 = vector.broadcast %jit3A_378 : i32 to vector<16x128xi32>
    %select_n3A_381 = arith.select %eq3A_376, %broadcast_in_dim3A_379, %broadcast_in_dim3A_380 : vector<16x128xi1>, vector<16x128xi32>
    %or3A_382 = arith.ori %or3A_375, %select_n3A_381 : vector<16x128xi32>
    %eq3A_383 = arith.cmpi eq, %get3A_73, %get3A_282 : vector<16x128xi32>
    %jit3A_384 = arith.constant 16384 : i32
    %jit3A_385 = arith.constant 0 : i32
    %broadcast_in_dim3A_386 = vector.broadcast %jit3A_384 : i32 to vector<16x128xi32>
    %broadcast_in_dim3A_387 = vector.broadcast %jit3A_385 : i32 to vector<16x128xi32>
    %select_n3A_388 = arith.select %eq3A_383, %broadcast_in_dim3A_386, %broadcast_in_dim3A_387 : vector<16x128xi1>, vector<16x128xi32>
    %or3A_389 = arith.ori %or3A_382, %select_n3A_388 : vector<16x128xi32>
    %eq3A_390 = arith.cmpi eq, %get3A_78, %get3A_282 : vector<16x128xi32>
    %jit3A_391 = arith.constant 32768 : i32
    %jit3A_392 = arith.constant 0 : i32
    %broadcast_in_dim3A_393 = vector.broadcast %jit3A_391 : i32 to vector<16x128xi32>
    %broadcast_in_dim3A_394 = vector.broadcast %jit3A_392 : i32 to vector<16x128xi32>
    %select_n3A_395 = arith.select %eq3A_390, %broadcast_in_dim3A_393, %broadcast_in_dim3A_394 : vector<16x128xi1>, vector<16x128xi32>
    %or3A_396 = arith.ori %or3A_389, %select_n3A_395 : vector<16x128xi32>
    %eq3A_397 = arith.cmpi eq, %get3A_83, %get3A_282 : vector<16x128xi32>
    %jit3A_398 = arith.constant 65536 : i32
    %jit3A_399 = arith.constant 0 : i32
    %broadcast_in_dim3A_400 = vector.broadcast %jit3A_398 : i32 to vector<16x128xi32>
    %broadcast_in_dim3A_401 = vector.broadcast %jit3A_399 : i32 to vector<16x128xi32>
    %select_n3A_402 = arith.select %eq3A_397, %broadcast_in_dim3A_400, %broadcast_in_dim3A_401 : vector<16x128xi1>, vector<16x128xi32>
    %or3A_403 = arith.ori %or3A_396, %select_n3A_402 : vector<16x128xi32>
    %eq3A_404 = arith.cmpi eq, %get3A_88, %get3A_282 : vector<16x128xi32>
    %jit3A_405 = arith.constant 131072 : i32
    %jit3A_406 = arith.constant 0 : i32
    %broadcast_in_dim3A_407 = vector.broadcast %jit3A_405 : i32 to vector<16x128xi32>
    %broadcast_in_dim3A_408 = vector.broadcast %jit3A_406 : i32 to vector<16x128xi32>
    %select_n3A_409 = arith.select %eq3A_404, %broadcast_in_dim3A_407, %broadcast_in_dim3A_408 : vector<16x128xi1>, vector<16x128xi32>
    %or3A_410 = arith.ori %or3A_403, %select_n3A_409 : vector<16x128xi32>
    %eq3A_411 = arith.cmpi eq, %get3A_93, %get3A_282 : vector<16x128xi32>
    %jit3A_412 = arith.constant 262144 : i32
    %jit3A_413 = arith.constant 0 : i32
    %broadcast_in_dim3A_414 = vector.broadcast %jit3A_412 : i32 to vector<16x128xi32>
    %broadcast_in_dim3A_415 = vector.broadcast %jit3A_413 : i32 to vector<16x128xi32>
    %select_n3A_416 = arith.select %eq3A_411, %broadcast_in_dim3A_414, %broadcast_in_dim3A_415 : vector<16x128xi1>, vector<16x128xi32>
    %or3A_417 = arith.ori %or3A_410, %select_n3A_416 : vector<16x128xi32>
    %eq3A_418 = arith.cmpi eq, %get3A_98, %get3A_282 : vector<16x128xi32>
    %jit3A_419 = arith.constant 524288 : i32
    %jit3A_420 = arith.constant 0 : i32
    %broadcast_in_dim3A_421 = vector.broadcast %jit3A_419 : i32 to vector<16x128xi32>
    %broadcast_in_dim3A_422 = vector.broadcast %jit3A_420 : i32 to vector<16x128xi32>
    %select_n3A_423 = arith.select %eq3A_418, %broadcast_in_dim3A_421, %broadcast_in_dim3A_422 : vector<16x128xi1>, vector<16x128xi32>
    %or3A_424 = arith.ori %or3A_417, %select_n3A_423 : vector<16x128xi32>
    %or3A_425 = arith.ori %or3A_424, %and3A_277 : vector<16x128xi32>
    %and3A_426 = arith.andi %or3A_424, %or3A_276 : vector<16x128xi32>
    %add3A_427 = arith.addi %and3A_426, %or3A_276 : vector<16x128xi32>
    %xor3A_428 = arith.xori %add3A_427, %or3A_276 : vector<16x128xi32>
    %or3A_429 = arith.ori %xor3A_428, %or3A_424 : vector<16x128xi32>
    %or3A_430 = arith.ori %or3A_429, %or3A_276 : vector<16x128xi32>
    %not3A_431 = arith.constant dense<-1> : vector<16x128xi32>
    %not3A_432 = arith.xori %or3A_430, %not3A_431 : vector<16x128xi32>
    %or3A_433 = arith.ori %and3A_277, %not3A_432 : vector<16x128xi32>
    %and3A_434 = arith.andi %or3A_276, %or3A_429 : vector<16x128xi32>
    %shift_right_arithmetic3A_435 = arith.constant 19 : i32
    %shift_right_arithmetic3A_436 = vector.broadcast %shift_right_arithmetic3A_435 : i32 to vector<16x128xi32>
    %shift_right_arithmetic3A_437 = arith.shrsi %or3A_433, %shift_right_arithmetic3A_436 : vector<16x128xi32>
    %and3A_438 = arith.constant 1 : i32
    %and3A_439 = vector.broadcast %and3A_438 : i32 to vector<16x128xi32>
    %and3A_440 = arith.andi %shift_right_arithmetic3A_437, %and3A_439 : vector<16x128xi32>
    %add3A_441 = arith.addi %sub3A, %and3A_440 : vector<16x128xi32>
    %shift_right_arithmetic3A_442 = arith.constant 19 : i32
    %shift_right_arithmetic3A_443 = vector.broadcast %shift_right_arithmetic3A_442 : i32 to vector<16x128xi32>
    %shift_right_arithmetic3A_444 = arith.shrsi %and3A_434, %shift_right_arithmetic3A_443 : vector<16x128xi32>
    %and3A_445 = arith.constant 1 : i32
    %and3A_446 = vector.broadcast %and3A_445 : i32 to vector<16x128xi32>
    %and3A_447 = arith.andi %shift_right_arithmetic3A_444, %and3A_446 : vector<16x128xi32>
    %sub3A_448 = arith.subi %add3A_441, %and3A_447 : vector<16x128xi32>
    %shift_left3A_449 = arith.constant 1 : i32
    %shift_left3A_450 = vector.broadcast %shift_left3A_449 : i32 to vector<16x128xi32>
    %shift_left3A_451 = arith.shli %or3A_433, %shift_left3A_450 : vector<16x128xi32>
    %or3A_452 = arith.constant 1 : i32
    %or3A_453 = vector.broadcast %or3A_452 : i32 to vector<16x128xi32>
    %or3A_454 = arith.ori %shift_left3A_451, %or3A_453 : vector<16x128xi32>
    %shift_left3A_455 = arith.constant 1 : i32
    %shift_left3A_456 = vector.broadcast %shift_left3A_455 : i32 to vector<16x128xi32>
    %shift_left3A_457 = arith.shli %and3A_434, %shift_left3A_456 : vector<16x128xi32>
    %or3A_458 = arith.ori %or3A_425, %or3A_454 : vector<16x128xi32>
    %not3A_459 = arith.constant dense<-1> : vector<16x128xi32>
    %not3A_460 = arith.xori %or3A_458, %not3A_459 : vector<16x128xi32>
    %or3A_461 = arith.ori %shift_left3A_457, %not3A_460 : vector<16x128xi32>
    %and3A_462 = arith.andi %or3A_454, %or3A_425 : vector<16x128xi32>
    %get3A_463 = arith.constant 2 : index
    %get3A_464 = arith.constant 0 : index
    %get3A_465 = arith.constant 0 : index
    %get3A_466 = vector.load %arg2[%get3A_463, %get3A_464, %get3A_465] : memref<20x16x128xi32, #tpu.memory_space<vmem>>, vector<1x16x128xi32>
    %get3A_467 = vector.shape_cast %get3A_466 : vector<1x16x128xi32> to vector<16x128xi32>
    %broadcast_in_dim3A_468 = arith.constant 0 : i32
    %broadcast_in_dim3A_469 = vector.broadcast %broadcast_in_dim3A_468 : i32 to vector<16x128xi32>
    %eq3A_470 = arith.cmpi eq, %get3A_3, %get3A_467 : vector<16x128xi32>
    %jit3A_471 = arith.constant 1 : i32
    %jit3A_472 = arith.constant 0 : i32
    %broadcast_in_dim3A_473 = vector.broadcast %jit3A_471 : i32 to vector<16x128xi32>
    %broadcast_in_dim3A_474 = vector.broadcast %jit3A_472 : i32 to vector<16x128xi32>
    %select_n3A_475 = arith.select %eq3A_470, %broadcast_in_dim3A_473, %broadcast_in_dim3A_474 : vector<16x128xi1>, vector<16x128xi32>
    %or3A_476 = arith.ori %broadcast_in_dim3A_469, %select_n3A_475 : vector<16x128xi32>
    %eq3A_477 = arith.cmpi eq, %get3A_8, %get3A_467 : vector<16x128xi32>
    %jit3A_478 = arith.constant 2 : i32
    %jit3A_479 = arith.constant 0 : i32
    %broadcast_in_dim3A_480 = vector.broadcast %jit3A_478 : i32 to vector<16x128xi32>
    %broadcast_in_dim3A_481 = vector.broadcast %jit3A_479 : i32 to vector<16x128xi32>
    %select_n3A_482 = arith.select %eq3A_477, %broadcast_in_dim3A_480, %broadcast_in_dim3A_481 : vector<16x128xi1>, vector<16x128xi32>
    %or3A_483 = arith.ori %or3A_476, %select_n3A_482 : vector<16x128xi32>
    %eq3A_484 = arith.cmpi eq, %get3A_13, %get3A_467 : vector<16x128xi32>
    %jit3A_485 = arith.constant 4 : i32
    %jit3A_486 = arith.constant 0 : i32
    %broadcast_in_dim3A_487 = vector.broadcast %jit3A_485 : i32 to vector<16x128xi32>
    %broadcast_in_dim3A_488 = vector.broadcast %jit3A_486 : i32 to vector<16x128xi32>
    %select_n3A_489 = arith.select %eq3A_484, %broadcast_in_dim3A_487, %broadcast_in_dim3A_488 : vector<16x128xi1>, vector<16x128xi32>
    %or3A_490 = arith.ori %or3A_483, %select_n3A_489 : vector<16x128xi32>
    %eq3A_491 = arith.cmpi eq, %get3A_18, %get3A_467 : vector<16x128xi32>
    %jit3A_492 = arith.constant 8 : i32
    %jit3A_493 = arith.constant 0 : i32
    %broadcast_in_dim3A_494 = vector.broadcast %jit3A_492 : i32 to vector<16x128xi32>
    %broadcast_in_dim3A_495 = vector.broadcast %jit3A_493 : i32 to vector<16x128xi32>
    %select_n3A_496 = arith.select %eq3A_491, %broadcast_in_dim3A_494, %broadcast_in_dim3A_495 : vector<16x128xi1>, vector<16x128xi32>
    %or3A_497 = arith.ori %or3A_490, %select_n3A_496 : vector<16x128xi32>
    %eq3A_498 = arith.cmpi eq, %get3A_23, %get3A_467 : vector<16x128xi32>
    %jit3A_499 = arith.constant 16 : i32
    %jit3A_500 = arith.constant 0 : i32
    %broadcast_in_dim3A_501 = vector.broadcast %jit3A_499 : i32 to vector<16x128xi32>
    %broadcast_in_dim3A_502 = vector.broadcast %jit3A_500 : i32 to vector<16x128xi32>
    %select_n3A_503 = arith.select %eq3A_498, %broadcast_in_dim3A_501, %broadcast_in_dim3A_502 : vector<16x128xi1>, vector<16x128xi32>
    %or3A_504 = arith.ori %or3A_497, %select_n3A_503 : vector<16x128xi32>
    %eq3A_505 = arith.cmpi eq, %get3A_28, %get3A_467 : vector<16x128xi32>
    %jit3A_506 = arith.constant 32 : i32
    %jit3A_507 = arith.constant 0 : i32
    %broadcast_in_dim3A_508 = vector.broadcast %jit3A_506 : i32 to vector<16x128xi32>
    %broadcast_in_dim3A_509 = vector.broadcast %jit3A_507 : i32 to vector<16x128xi32>
    %select_n3A_510 = arith.select %eq3A_505, %broadcast_in_dim3A_508, %broadcast_in_dim3A_509 : vector<16x128xi1>, vector<16x128xi32>
    %or3A_511 = arith.ori %or3A_504, %select_n3A_510 : vector<16x128xi32>
    %eq3A_512 = arith.cmpi eq, %get3A_33, %get3A_467 : vector<16x128xi32>
    %jit3A_513 = arith.constant 64 : i32
    %jit3A_514 = arith.constant 0 : i32
    %broadcast_in_dim3A_515 = vector.broadcast %jit3A_513 : i32 to vector<16x128xi32>
    %broadcast_in_dim3A_516 = vector.broadcast %jit3A_514 : i32 to vector<16x128xi32>
    %select_n3A_517 = arith.select %eq3A_512, %broadcast_in_dim3A_515, %broadcast_in_dim3A_516 : vector<16x128xi1>, vector<16x128xi32>
    %or3A_518 = arith.ori %or3A_511, %select_n3A_517 : vector<16x128xi32>
    %eq3A_519 = arith.cmpi eq, %get3A_38, %get3A_467 : vector<16x128xi32>
    %jit3A_520 = arith.constant 128 : i32
    %jit3A_521 = arith.constant 0 : i32
    %broadcast_in_dim3A_522 = vector.broadcast %jit3A_520 : i32 to vector<16x128xi32>
    %broadcast_in_dim3A_523 = vector.broadcast %jit3A_521 : i32 to vector<16x128xi32>
    %select_n3A_524 = arith.select %eq3A_519, %broadcast_in_dim3A_522, %broadcast_in_dim3A_523 : vector<16x128xi1>, vector<16x128xi32>
    %or3A_525 = arith.ori %or3A_518, %select_n3A_524 : vector<16x128xi32>
    %eq3A_526 = arith.cmpi eq, %get3A_43, %get3A_467 : vector<16x128xi32>
    %jit3A_527 = arith.constant 256 : i32
    %jit3A_528 = arith.constant 0 : i32
    %broadcast_in_dim3A_529 = vector.broadcast %jit3A_527 : i32 to vector<16x128xi32>
    %broadcast_in_dim3A_530 = vector.broadcast %jit3A_528 : i32 to vector<16x128xi32>
    %select_n3A_531 = arith.select %eq3A_526, %broadcast_in_dim3A_529, %broadcast_in_dim3A_530 : vector<16x128xi1>, vector<16x128xi32>
    %or3A_532 = arith.ori %or3A_525, %select_n3A_531 : vector<16x128xi32>
    %eq3A_533 = arith.cmpi eq, %get3A_48, %get3A_467 : vector<16x128xi32>
    %jit3A_534 = arith.constant 512 : i32
    %jit3A_535 = arith.constant 0 : i32
    %broadcast_in_dim3A_536 = vector.broadcast %jit3A_534 : i32 to vector<16x128xi32>
    %broadcast_in_dim3A_537 = vector.broadcast %jit3A_535 : i32 to vector<16x128xi32>
    %select_n3A_538 = arith.select %eq3A_533, %broadcast_in_dim3A_536, %broadcast_in_dim3A_537 : vector<16x128xi1>, vector<16x128xi32>
    %or3A_539 = arith.ori %or3A_532, %select_n3A_538 : vector<16x128xi32>
    %eq3A_540 = arith.cmpi eq, %get3A_53, %get3A_467 : vector<16x128xi32>
    %jit3A_541 = arith.constant 1024 : i32
    %jit3A_542 = arith.constant 0 : i32
    %broadcast_in_dim3A_543 = vector.broadcast %jit3A_541 : i32 to vector<16x128xi32>
    %broadcast_in_dim3A_544 = vector.broadcast %jit3A_542 : i32 to vector<16x128xi32>
    %select_n3A_545 = arith.select %eq3A_540, %broadcast_in_dim3A_543, %broadcast_in_dim3A_544 : vector<16x128xi1>, vector<16x128xi32>
    %or3A_546 = arith.ori %or3A_539, %select_n3A_545 : vector<16x128xi32>
    %eq3A_547 = arith.cmpi eq, %get3A_58, %get3A_467 : vector<16x128xi32>
    %jit3A_548 = arith.constant 2048 : i32
    %jit3A_549 = arith.constant 0 : i32
    %broadcast_in_dim3A_550 = vector.broadcast %jit3A_548 : i32 to vector<16x128xi32>
    %broadcast_in_dim3A_551 = vector.broadcast %jit3A_549 : i32 to vector<16x128xi32>
    %select_n3A_552 = arith.select %eq3A_547, %broadcast_in_dim3A_550, %broadcast_in_dim3A_551 : vector<16x128xi1>, vector<16x128xi32>
    %or3A_553 = arith.ori %or3A_546, %select_n3A_552 : vector<16x128xi32>
    %eq3A_554 = arith.cmpi eq, %get3A_63, %get3A_467 : vector<16x128xi32>
    %jit3A_555 = arith.constant 4096 : i32
    %jit3A_556 = arith.constant 0 : i32
    %broadcast_in_dim3A_557 = vector.broadcast %jit3A_555 : i32 to vector<16x128xi32>
    %broadcast_in_dim3A_558 = vector.broadcast %jit3A_556 : i32 to vector<16x128xi32>
    %select_n3A_559 = arith.select %eq3A_554, %broadcast_in_dim3A_557, %broadcast_in_dim3A_558 : vector<16x128xi1>, vector<16x128xi32>
    %or3A_560 = arith.ori %or3A_553, %select_n3A_559 : vector<16x128xi32>
    %eq3A_561 = arith.cmpi eq, %get3A_68, %get3A_467 : vector<16x128xi32>
    %jit3A_562 = arith.constant 8192 : i32
    %jit3A_563 = arith.constant 0 : i32
    %broadcast_in_dim3A_564 = vector.broadcast %jit3A_562 : i32 to vector<16x128xi32>
    %broadcast_in_dim3A_565 = vector.broadcast %jit3A_563 : i32 to vector<16x128xi32>
    %select_n3A_566 = arith.select %eq3A_561, %broadcast_in_dim3A_564, %broadcast_in_dim3A_565 : vector<16x128xi1>, vector<16x128xi32>
    %or3A_567 = arith.ori %or3A_560, %select_n3A_566 : vector<16x128xi32>
    %eq3A_568 = arith.cmpi eq, %get3A_73, %get3A_467 : vector<16x128xi32>
    %jit3A_569 = arith.constant 16384 : i32
    %jit3A_570 = arith.constant 0 : i32
    %broadcast_in_dim3A_571 = vector.broadcast %jit3A_569 : i32 to vector<16x128xi32>
    %broadcast_in_dim3A_572 = vector.broadcast %jit3A_570 : i32 to vector<16x128xi32>
    %select_n3A_573 = arith.select %eq3A_568, %broadcast_in_dim3A_571, %broadcast_in_dim3A_572 : vector<16x128xi1>, vector<16x128xi32>
    %or3A_574 = arith.ori %or3A_567, %select_n3A_573 : vector<16x128xi32>
    %eq3A_575 = arith.cmpi eq, %get3A_78, %get3A_467 : vector<16x128xi32>
    %jit3A_576 = arith.constant 32768 : i32
    %jit3A_577 = arith.constant 0 : i32
    %broadcast_in_dim3A_578 = vector.broadcast %jit3A_576 : i32 to vector<16x128xi32>
    %broadcast_in_dim3A_579 = vector.broadcast %jit3A_577 : i32 to vector<16x128xi32>
    %select_n3A_580 = arith.select %eq3A_575, %broadcast_in_dim3A_578, %broadcast_in_dim3A_579 : vector<16x128xi1>, vector<16x128xi32>
    %or3A_581 = arith.ori %or3A_574, %select_n3A_580 : vector<16x128xi32>
    %eq3A_582 = arith.cmpi eq, %get3A_83, %get3A_467 : vector<16x128xi32>
    %jit3A_583 = arith.constant 65536 : i32
    %jit3A_584 = arith.constant 0 : i32
    %broadcast_in_dim3A_585 = vector.broadcast %jit3A_583 : i32 to vector<16x128xi32>
    %broadcast_in_dim3A_586 = vector.broadcast %jit3A_584 : i32 to vector<16x128xi32>
    %select_n3A_587 = arith.select %eq3A_582, %broadcast_in_dim3A_585, %broadcast_in_dim3A_586 : vector<16x128xi1>, vector<16x128xi32>
    %or3A_588 = arith.ori %or3A_581, %select_n3A_587 : vector<16x128xi32>
    %eq3A_589 = arith.cmpi eq, %get3A_88, %get3A_467 : vector<16x128xi32>
    %jit3A_590 = arith.constant 131072 : i32
    %jit3A_591 = arith.constant 0 : i32
    %broadcast_in_dim3A_592 = vector.broadcast %jit3A_590 : i32 to vector<16x128xi32>
    %broadcast_in_dim3A_593 = vector.broadcast %jit3A_591 : i32 to vector<16x128xi32>
    %select_n3A_594 = arith.select %eq3A_589, %broadcast_in_dim3A_592, %broadcast_in_dim3A_593 : vector<16x128xi1>, vector<16x128xi32>
    %or3A_595 = arith.ori %or3A_588, %select_n3A_594 : vector<16x128xi32>
    %eq3A_596 = arith.cmpi eq, %get3A_93, %get3A_467 : vector<16x128xi32>
    %jit3A_597 = arith.constant 262144 : i32
    %jit3A_598 = arith.constant 0 : i32
    %broadcast_in_dim3A_599 = vector.broadcast %jit3A_597 : i32 to vector<16x128xi32>
    %broadcast_in_dim3A_600 = vector.broadcast %jit3A_598 : i32 to vector<16x128xi32>
    %select_n3A_601 = arith.select %eq3A_596, %broadcast_in_dim3A_599, %broadcast_in_dim3A_600 : vector<16x128xi1>, vector<16x128xi32>
    %or3A_602 = arith.ori %or3A_595, %select_n3A_601 : vector<16x128xi32>
    %eq3A_603 = arith.cmpi eq, %get3A_98, %get3A_467 : vector<16x128xi32>
    %jit3A_604 = arith.constant 524288 : i32
    %jit3A_605 = arith.constant 0 : i32
    %broadcast_in_dim3A_606 = vector.broadcast %jit3A_604 : i32 to vector<16x128xi32>
    %broadcast_in_dim3A_607 = vector.broadcast %jit3A_605 : i32 to vector<16x128xi32>
    %select_n3A_608 = arith.select %eq3A_603, %broadcast_in_dim3A_606, %broadcast_in_dim3A_607 : vector<16x128xi1>, vector<16x128xi32>
    %or3A_609 = arith.ori %or3A_602, %select_n3A_608 : vector<16x128xi32>
    %or3A_610 = arith.ori %or3A_609, %and3A_462 : vector<16x128xi32>
    %and3A_611 = arith.andi %or3A_609, %or3A_461 : vector<16x128xi32>
    %add3A_612 = arith.addi %and3A_611, %or3A_461 : vector<16x128xi32>
    %xor3A_613 = arith.xori %add3A_612, %or3A_461 : vector<16x128xi32>
    %or3A_614 = arith.ori %xor3A_613, %or3A_609 : vector<16x128xi32>
    %or3A_615 = arith.ori %or3A_614, %or3A_461 : vector<16x128xi32>
    %not3A_616 = arith.constant dense<-1> : vector<16x128xi32>
    %not3A_617 = arith.xori %or3A_615, %not3A_616 : vector<16x128xi32>
    %or3A_618 = arith.ori %and3A_462, %not3A_617 : vector<16x128xi32>
    %and3A_619 = arith.andi %or3A_461, %or3A_614 : vector<16x128xi32>
    %shift_right_arithmetic3A_620 = arith.constant 19 : i32
    %shift_right_arithmetic3A_621 = vector.broadcast %shift_right_arithmetic3A_620 : i32 to vector<16x128xi32>
    %shift_right_arithmetic3A_622 = arith.shrsi %or3A_618, %shift_right_arithmetic3A_621 : vector<16x128xi32>
    %and3A_623 = arith.constant 1 : i32
    %and3A_624 = vector.broadcast %and3A_623 : i32 to vector<16x128xi32>
    %and3A_625 = arith.andi %shift_right_arithmetic3A_622, %and3A_624 : vector<16x128xi32>
    %add3A_626 = arith.addi %sub3A_448, %and3A_625 : vector<16x128xi32>
    %shift_right_arithmetic3A_627 = arith.constant 19 : i32
    %shift_right_arithmetic3A_628 = vector.broadcast %shift_right_arithmetic3A_627 : i32 to vector<16x128xi32>
    %shift_right_arithmetic3A_629 = arith.shrsi %and3A_619, %shift_right_arithmetic3A_628 : vector<16x128xi32>
    %and3A_630 = arith.constant 1 : i32
    %and3A_631 = vector.broadcast %and3A_630 : i32 to vector<16x128xi32>
    %and3A_632 = arith.andi %shift_right_arithmetic3A_629, %and3A_631 : vector<16x128xi32>
    %sub3A_633 = arith.subi %add3A_626, %and3A_632 : vector<16x128xi32>
    %shift_left3A_634 = arith.constant 1 : i32
    %shift_left3A_635 = vector.broadcast %shift_left3A_634 : i32 to vector<16x128xi32>
    %shift_left3A_636 = arith.shli %or3A_618, %shift_left3A_635 : vector<16x128xi32>
    %or3A_637 = arith.constant 1 : i32
    %or3A_638 = vector.broadcast %or3A_637 : i32 to vector<16x128xi32>
    %or3A_639 = arith.ori %shift_left3A_636, %or3A_638 : vector<16x128xi32>
    %shift_left3A_640 = arith.constant 1 : i32
    %shift_left3A_641 = vector.broadcast %shift_left3A_640 : i32 to vector<16x128xi32>
    %shift_left3A_642 = arith.shli %and3A_619, %shift_left3A_641 : vector<16x128xi32>
    %or3A_643 = arith.ori %or3A_610, %or3A_639 : vector<16x128xi32>
    %not3A_644 = arith.constant dense<-1> : vector<16x128xi32>
    %not3A_645 = arith.xori %or3A_643, %not3A_644 : vector<16x128xi32>
    %or3A_646 = arith.ori %shift_left3A_642, %not3A_645 : vector<16x128xi32>
    %and3A_647 = arith.andi %or3A_639, %or3A_610 : vector<16x128xi32>
    %get3A_648 = arith.constant 3 : index
    %get3A_649 = arith.constant 0 : index
    %get3A_650 = arith.constant 0 : index
    %get3A_651 = vector.load %arg2[%get3A_648, %get3A_649, %get3A_650] : memref<20x16x128xi32, #tpu.memory_space<vmem>>, vector<1x16x128xi32>
    %get3A_652 = vector.shape_cast %get3A_651 : vector<1x16x128xi32> to vector<16x128xi32>
    %broadcast_in_dim3A_653 = arith.constant 0 : i32
    %broadcast_in_dim3A_654 = vector.broadcast %broadcast_in_dim3A_653 : i32 to vector<16x128xi32>
    %eq3A_655 = arith.cmpi eq, %get3A_3, %get3A_652 : vector<16x128xi32>
    %jit3A_656 = arith.constant 1 : i32
    %jit3A_657 = arith.constant 0 : i32
    %broadcast_in_dim3A_658 = vector.broadcast %jit3A_656 : i32 to vector<16x128xi32>
    %broadcast_in_dim3A_659 = vector.broadcast %jit3A_657 : i32 to vector<16x128xi32>
    %select_n3A_660 = arith.select %eq3A_655, %broadcast_in_dim3A_658, %broadcast_in_dim3A_659 : vector<16x128xi1>, vector<16x128xi32>
    %or3A_661 = arith.ori %broadcast_in_dim3A_654, %select_n3A_660 : vector<16x128xi32>
    %eq3A_662 = arith.cmpi eq, %get3A_8, %get3A_652 : vector<16x128xi32>
    %jit3A_663 = arith.constant 2 : i32
    %jit3A_664 = arith.constant 0 : i32
    %broadcast_in_dim3A_665 = vector.broadcast %jit3A_663 : i32 to vector<16x128xi32>
    %broadcast_in_dim3A_666 = vector.broadcast %jit3A_664 : i32 to vector<16x128xi32>
    %select_n3A_667 = arith.select %eq3A_662, %broadcast_in_dim3A_665, %broadcast_in_dim3A_666 : vector<16x128xi1>, vector<16x128xi32>
    %or3A_668 = arith.ori %or3A_661, %select_n3A_667 : vector<16x128xi32>
    %eq3A_669 = arith.cmpi eq, %get3A_13, %get3A_652 : vector<16x128xi32>
    %jit3A_670 = arith.constant 4 : i32
    %jit3A_671 = arith.constant 0 : i32
    %broadcast_in_dim3A_672 = vector.broadcast %jit3A_670 : i32 to vector<16x128xi32>
    %broadcast_in_dim3A_673 = vector.broadcast %jit3A_671 : i32 to vector<16x128xi32>
    %select_n3A_674 = arith.select %eq3A_669, %broadcast_in_dim3A_672, %broadcast_in_dim3A_673 : vector<16x128xi1>, vector<16x128xi32>
    %or3A_675 = arith.ori %or3A_668, %select_n3A_674 : vector<16x128xi32>
    %eq3A_676 = arith.cmpi eq, %get3A_18, %get3A_652 : vector<16x128xi32>
    %jit3A_677 = arith.constant 8 : i32
    %jit3A_678 = arith.constant 0 : i32
    %broadcast_in_dim3A_679 = vector.broadcast %jit3A_677 : i32 to vector<16x128xi32>
    %broadcast_in_dim3A_680 = vector.broadcast %jit3A_678 : i32 to vector<16x128xi32>
    %select_n3A_681 = arith.select %eq3A_676, %broadcast_in_dim3A_679, %broadcast_in_dim3A_680 : vector<16x128xi1>, vector<16x128xi32>
    %or3A_682 = arith.ori %or3A_675, %select_n3A_681 : vector<16x128xi32>
    %eq3A_683 = arith.cmpi eq, %get3A_23, %get3A_652 : vector<16x128xi32>
    %jit3A_684 = arith.constant 16 : i32
    %jit3A_685 = arith.constant 0 : i32
    %broadcast_in_dim3A_686 = vector.broadcast %jit3A_684 : i32 to vector<16x128xi32>
    %broadcast_in_dim3A_687 = vector.broadcast %jit3A_685 : i32 to vector<16x128xi32>
    %select_n3A_688 = arith.select %eq3A_683, %broadcast_in_dim3A_686, %broadcast_in_dim3A_687 : vector<16x128xi1>, vector<16x128xi32>
    %or3A_689 = arith.ori %or3A_682, %select_n3A_688 : vector<16x128xi32>
    %eq3A_690 = arith.cmpi eq, %get3A_28, %get3A_652 : vector<16x128xi32>
    %jit3A_691 = arith.constant 32 : i32
    %jit3A_692 = arith.constant 0 : i32
    %broadcast_in_dim3A_693 = vector.broadcast %jit3A_691 : i32 to vector<16x128xi32>
    %broadcast_in_dim3A_694 = vector.broadcast %jit3A_692 : i32 to vector<16x128xi32>
    %select_n3A_695 = arith.select %eq3A_690, %broadcast_in_dim3A_693, %broadcast_in_dim3A_694 : vector<16x128xi1>, vector<16x128xi32>
    %or3A_696 = arith.ori %or3A_689, %select_n3A_695 : vector<16x128xi32>
    %eq3A_697 = arith.cmpi eq, %get3A_33, %get3A_652 : vector<16x128xi32>
    %jit3A_698 = arith.constant 64 : i32
    %jit3A_699 = arith.constant 0 : i32
    %broadcast_in_dim3A_700 = vector.broadcast %jit3A_698 : i32 to vector<16x128xi32>
    %broadcast_in_dim3A_701 = vector.broadcast %jit3A_699 : i32 to vector<16x128xi32>
    %select_n3A_702 = arith.select %eq3A_697, %broadcast_in_dim3A_700, %broadcast_in_dim3A_701 : vector<16x128xi1>, vector<16x128xi32>
    %or3A_703 = arith.ori %or3A_696, %select_n3A_702 : vector<16x128xi32>
    %eq3A_704 = arith.cmpi eq, %get3A_38, %get3A_652 : vector<16x128xi32>
    %jit3A_705 = arith.constant 128 : i32
    %jit3A_706 = arith.constant 0 : i32
    %broadcast_in_dim3A_707 = vector.broadcast %jit3A_705 : i32 to vector<16x128xi32>
    %broadcast_in_dim3A_708 = vector.broadcast %jit3A_706 : i32 to vector<16x128xi32>
    %select_n3A_709 = arith.select %eq3A_704, %broadcast_in_dim3A_707, %broadcast_in_dim3A_708 : vector<16x128xi1>, vector<16x128xi32>
    %or3A_710 = arith.ori %or3A_703, %select_n3A_709 : vector<16x128xi32>
    %eq3A_711 = arith.cmpi eq, %get3A_43, %get3A_652 : vector<16x128xi32>
    %jit3A_712 = arith.constant 256 : i32
    %jit3A_713 = arith.constant 0 : i32
    %broadcast_in_dim3A_714 = vector.broadcast %jit3A_712 : i32 to vector<16x128xi32>
    %broadcast_in_dim3A_715 = vector.broadcast %jit3A_713 : i32 to vector<16x128xi32>
    %select_n3A_716 = arith.select %eq3A_711, %broadcast_in_dim3A_714, %broadcast_in_dim3A_715 : vector<16x128xi1>, vector<16x128xi32>
    %or3A_717 = arith.ori %or3A_710, %select_n3A_716 : vector<16x128xi32>
    %eq3A_718 = arith.cmpi eq, %get3A_48, %get3A_652 : vector<16x128xi32>
    %jit3A_719 = arith.constant 512 : i32
    %jit3A_720 = arith.constant 0 : i32
    %broadcast_in_dim3A_721 = vector.broadcast %jit3A_719 : i32 to vector<16x128xi32>
    %broadcast_in_dim3A_722 = vector.broadcast %jit3A_720 : i32 to vector<16x128xi32>
    %select_n3A_723 = arith.select %eq3A_718, %broadcast_in_dim3A_721, %broadcast_in_dim3A_722 : vector<16x128xi1>, vector<16x128xi32>
    %or3A_724 = arith.ori %or3A_717, %select_n3A_723 : vector<16x128xi32>
    %eq3A_725 = arith.cmpi eq, %get3A_53, %get3A_652 : vector<16x128xi32>
    %jit3A_726 = arith.constant 1024 : i32
    %jit3A_727 = arith.constant 0 : i32
    %broadcast_in_dim3A_728 = vector.broadcast %jit3A_726 : i32 to vector<16x128xi32>
    %broadcast_in_dim3A_729 = vector.broadcast %jit3A_727 : i32 to vector<16x128xi32>
    %select_n3A_730 = arith.select %eq3A_725, %broadcast_in_dim3A_728, %broadcast_in_dim3A_729 : vector<16x128xi1>, vector<16x128xi32>
    %or3A_731 = arith.ori %or3A_724, %select_n3A_730 : vector<16x128xi32>
    %eq3A_732 = arith.cmpi eq, %get3A_58, %get3A_652 : vector<16x128xi32>
    %jit3A_733 = arith.constant 2048 : i32
    %jit3A_734 = arith.constant 0 : i32
    %broadcast_in_dim3A_735 = vector.broadcast %jit3A_733 : i32 to vector<16x128xi32>
    %broadcast_in_dim3A_736 = vector.broadcast %jit3A_734 : i32 to vector<16x128xi32>
    %select_n3A_737 = arith.select %eq3A_732, %broadcast_in_dim3A_735, %broadcast_in_dim3A_736 : vector<16x128xi1>, vector<16x128xi32>
    %or3A_738 = arith.ori %or3A_731, %select_n3A_737 : vector<16x128xi32>
    %eq3A_739 = arith.cmpi eq, %get3A_63, %get3A_652 : vector<16x128xi32>
    %jit3A_740 = arith.constant 4096 : i32
    %jit3A_741 = arith.constant 0 : i32
    %broadcast_in_dim3A_742 = vector.broadcast %jit3A_740 : i32 to vector<16x128xi32>
    %broadcast_in_dim3A_743 = vector.broadcast %jit3A_741 : i32 to vector<16x128xi32>
    %select_n3A_744 = arith.select %eq3A_739, %broadcast_in_dim3A_742, %broadcast_in_dim3A_743 : vector<16x128xi1>, vector<16x128xi32>
    %or3A_745 = arith.ori %or3A_738, %select_n3A_744 : vector<16x128xi32>
    %eq3A_746 = arith.cmpi eq, %get3A_68, %get3A_652 : vector<16x128xi32>
    %jit3A_747 = arith.constant 8192 : i32
    %jit3A_748 = arith.constant 0 : i32
    %broadcast_in_dim3A_749 = vector.broadcast %jit3A_747 : i32 to vector<16x128xi32>
    %broadcast_in_dim3A_750 = vector.broadcast %jit3A_748 : i32 to vector<16x128xi32>
    %select_n3A_751 = arith.select %eq3A_746, %broadcast_in_dim3A_749, %broadcast_in_dim3A_750 : vector<16x128xi1>, vector<16x128xi32>
    %or3A_752 = arith.ori %or3A_745, %select_n3A_751 : vector<16x128xi32>
    %eq3A_753 = arith.cmpi eq, %get3A_73, %get3A_652 : vector<16x128xi32>
    %jit3A_754 = arith.constant 16384 : i32
    %jit3A_755 = arith.constant 0 : i32
    %broadcast_in_dim3A_756 = vector.broadcast %jit3A_754 : i32 to vector<16x128xi32>
    %broadcast_in_dim3A_757 = vector.broadcast %jit3A_755 : i32 to vector<16x128xi32>
    %select_n3A_758 = arith.select %eq3A_753, %broadcast_in_dim3A_756, %broadcast_in_dim3A_757 : vector<16x128xi1>, vector<16x128xi32>
    %or3A_759 = arith.ori %or3A_752, %select_n3A_758 : vector<16x128xi32>
    %eq3A_760 = arith.cmpi eq, %get3A_78, %get3A_652 : vector<16x128xi32>
    %jit3A_761 = arith.constant 32768 : i32
    %jit3A_762 = arith.constant 0 : i32
    %broadcast_in_dim3A_763 = vector.broadcast %jit3A_761 : i32 to vector<16x128xi32>
    %broadcast_in_dim3A_764 = vector.broadcast %jit3A_762 : i32 to vector<16x128xi32>
    %select_n3A_765 = arith.select %eq3A_760, %broadcast_in_dim3A_763, %broadcast_in_dim3A_764 : vector<16x128xi1>, vector<16x128xi32>
    %or3A_766 = arith.ori %or3A_759, %select_n3A_765 : vector<16x128xi32>
    %eq3A_767 = arith.cmpi eq, %get3A_83, %get3A_652 : vector<16x128xi32>
    %jit3A_768 = arith.constant 65536 : i32
    %jit3A_769 = arith.constant 0 : i32
    %broadcast_in_dim3A_770 = vector.broadcast %jit3A_768 : i32 to vector<16x128xi32>
    %broadcast_in_dim3A_771 = vector.broadcast %jit3A_769 : i32 to vector<16x128xi32>
    %select_n3A_772 = arith.select %eq3A_767, %broadcast_in_dim3A_770, %broadcast_in_dim3A_771 : vector<16x128xi1>, vector<16x128xi32>
    %or3A_773 = arith.ori %or3A_766, %select_n3A_772 : vector<16x128xi32>
    %eq3A_774 = arith.cmpi eq, %get3A_88, %get3A_652 : vector<16x128xi32>
    %jit3A_775 = arith.constant 131072 : i32
    %jit3A_776 = arith.constant 0 : i32
    %broadcast_in_dim3A_777 = vector.broadcast %jit3A_775 : i32 to vector<16x128xi32>
    %broadcast_in_dim3A_778 = vector.broadcast %jit3A_776 : i32 to vector<16x128xi32>
    %select_n3A_779 = arith.select %eq3A_774, %broadcast_in_dim3A_777, %broadcast_in_dim3A_778 : vector<16x128xi1>, vector<16x128xi32>
    %or3A_780 = arith.ori %or3A_773, %select_n3A_779 : vector<16x128xi32>
    %eq3A_781 = arith.cmpi eq, %get3A_93, %get3A_652 : vector<16x128xi32>
    %jit3A_782 = arith.constant 262144 : i32
    %jit3A_783 = arith.constant 0 : i32
    %broadcast_in_dim3A_784 = vector.broadcast %jit3A_782 : i32 to vector<16x128xi32>
    %broadcast_in_dim3A_785 = vector.broadcast %jit3A_783 : i32 to vector<16x128xi32>
    %select_n3A_786 = arith.select %eq3A_781, %broadcast_in_dim3A_784, %broadcast_in_dim3A_785 : vector<16x128xi1>, vector<16x128xi32>
    %or3A_787 = arith.ori %or3A_780, %select_n3A_786 : vector<16x128xi32>
    %eq3A_788 = arith.cmpi eq, %get3A_98, %get3A_652 : vector<16x128xi32>
    %jit3A_789 = arith.constant 524288 : i32
    %jit3A_790 = arith.constant 0 : i32
    %broadcast_in_dim3A_791 = vector.broadcast %jit3A_789 : i32 to vector<16x128xi32>
    %broadcast_in_dim3A_792 = vector.broadcast %jit3A_790 : i32 to vector<16x128xi32>
    %select_n3A_793 = arith.select %eq3A_788, %broadcast_in_dim3A_791, %broadcast_in_dim3A_792 : vector<16x128xi1>, vector<16x128xi32>
    %or3A_794 = arith.ori %or3A_787, %select_n3A_793 : vector<16x128xi32>
    %or3A_795 = arith.ori %or3A_794, %and3A_647 : vector<16x128xi32>
    %and3A_796 = arith.andi %or3A_794, %or3A_646 : vector<16x128xi32>
    %add3A_797 = arith.addi %and3A_796, %or3A_646 : vector<16x128xi32>
    %xor3A_798 = arith.xori %add3A_797, %or3A_646 : vector<16x128xi32>
    %or3A_799 = arith.ori %xor3A_798, %or3A_794 : vector<16x128xi32>
    %or3A_800 = arith.ori %or3A_799, %or3A_646 : vector<16x128xi32>
    %not3A_801 = arith.constant dense<-1> : vector<16x128xi32>
    %not3A_802 = arith.xori %or3A_800, %not3A_801 : vector<16x128xi32>
    %or3A_803 = arith.ori %and3A_647, %not3A_802 : vector<16x128xi32>
    %and3A_804 = arith.andi %or3A_646, %or3A_799 : vector<16x128xi32>
    %shift_right_arithmetic3A_805 = arith.constant 19 : i32
    %shift_right_arithmetic3A_806 = vector.broadcast %shift_right_arithmetic3A_805 : i32 to vector<16x128xi32>
    %shift_right_arithmetic3A_807 = arith.shrsi %or3A_803, %shift_right_arithmetic3A_806 : vector<16x128xi32>
    %and3A_808 = arith.constant 1 : i32
    %and3A_809 = vector.broadcast %and3A_808 : i32 to vector<16x128xi32>
    %and3A_810 = arith.andi %shift_right_arithmetic3A_807, %and3A_809 : vector<16x128xi32>
    %add3A_811 = arith.addi %sub3A_633, %and3A_810 : vector<16x128xi32>
    %shift_right_arithmetic3A_812 = arith.constant 19 : i32
    %shift_right_arithmetic3A_813 = vector.broadcast %shift_right_arithmetic3A_812 : i32 to vector<16x128xi32>
    %shift_right_arithmetic3A_814 = arith.shrsi %and3A_804, %shift_right_arithmetic3A_813 : vector<16x128xi32>
    %and3A_815 = arith.constant 1 : i32
    %and3A_816 = vector.broadcast %and3A_815 : i32 to vector<16x128xi32>
    %and3A_817 = arith.andi %shift_right_arithmetic3A_814, %and3A_816 : vector<16x128xi32>
    %sub3A_818 = arith.subi %add3A_811, %and3A_817 : vector<16x128xi32>
    %shift_left3A_819 = arith.constant 1 : i32
    %shift_left3A_820 = vector.broadcast %shift_left3A_819 : i32 to vector<16x128xi32>
    %shift_left3A_821 = arith.shli %or3A_803, %shift_left3A_820 : vector<16x128xi32>
    %or3A_822 = arith.constant 1 : i32
    %or3A_823 = vector.broadcast %or3A_822 : i32 to vector<16x128xi32>
    %or3A_824 = arith.ori %shift_left3A_821, %or3A_823 : vector<16x128xi32>
    %shift_left3A_825 = arith.constant 1 : i32
    %shift_left3A_826 = vector.broadcast %shift_left3A_825 : i32 to vector<16x128xi32>
    %shift_left3A_827 = arith.shli %and3A_804, %shift_left3A_826 : vector<16x128xi32>
    %or3A_828 = arith.ori %or3A_795, %or3A_824 : vector<16x128xi32>
    %not3A_829 = arith.constant dense<-1> : vector<16x128xi32>
    %not3A_830 = arith.xori %or3A_828, %not3A_829 : vector<16x128xi32>
    %or3A_831 = arith.ori %shift_left3A_827, %not3A_830 : vector<16x128xi32>
    %and3A_832 = arith.andi %or3A_824, %or3A_795 : vector<16x128xi32>
    %get3A_833 = arith.constant 4 : index
    %get3A_834 = arith.constant 0 : index
    %get3A_835 = arith.constant 0 : index
    %get3A_836 = vector.load %arg2[%get3A_833, %get3A_834, %get3A_835] : memref<20x16x128xi32, #tpu.memory_space<vmem>>, vector<1x16x128xi32>
    %get3A_837 = vector.shape_cast %get3A_836 : vector<1x16x128xi32> to vector<16x128xi32>
    %broadcast_in_dim3A_838 = arith.constant 0 : i32
    %broadcast_in_dim3A_839 = vector.broadcast %broadcast_in_dim3A_838 : i32 to vector<16x128xi32>
    %eq3A_840 = arith.cmpi eq, %get3A_3, %get3A_837 : vector<16x128xi32>
    %jit3A_841 = arith.constant 1 : i32
    %jit3A_842 = arith.constant 0 : i32
    %broadcast_in_dim3A_843 = vector.broadcast %jit3A_841 : i32 to vector<16x128xi32>
    %broadcast_in_dim3A_844 = vector.broadcast %jit3A_842 : i32 to vector<16x128xi32>
    %select_n3A_845 = arith.select %eq3A_840, %broadcast_in_dim3A_843, %broadcast_in_dim3A_844 : vector<16x128xi1>, vector<16x128xi32>
    %or3A_846 = arith.ori %broadcast_in_dim3A_839, %select_n3A_845 : vector<16x128xi32>
    %eq3A_847 = arith.cmpi eq, %get3A_8, %get3A_837 : vector<16x128xi32>
    %jit3A_848 = arith.constant 2 : i32
    %jit3A_849 = arith.constant 0 : i32
    %broadcast_in_dim3A_850 = vector.broadcast %jit3A_848 : i32 to vector<16x128xi32>
    %broadcast_in_dim3A_851 = vector.broadcast %jit3A_849 : i32 to vector<16x128xi32>
    %select_n3A_852 = arith.select %eq3A_847, %broadcast_in_dim3A_850, %broadcast_in_dim3A_851 : vector<16x128xi1>, vector<16x128xi32>
    %or3A_853 = arith.ori %or3A_846, %select_n3A_852 : vector<16x128xi32>
    %eq3A_854 = arith.cmpi eq, %get3A_13, %get3A_837 : vector<16x128xi32>
    %jit3A_855 = arith.constant 4 : i32
    %jit3A_856 = arith.constant 0 : i32
    %broadcast_in_dim3A_857 = vector.broadcast %jit3A_855 : i32 to vector<16x128xi32>
    %broadcast_in_dim3A_858 = vector.broadcast %jit3A_856 : i32 to vector<16x128xi32>
    %select_n3A_859 = arith.select %eq3A_854, %broadcast_in_dim3A_857, %broadcast_in_dim3A_858 : vector<16x128xi1>, vector<16x128xi32>
    %or3A_860 = arith.ori %or3A_853, %select_n3A_859 : vector<16x128xi32>
    %eq3A_861 = arith.cmpi eq, %get3A_18, %get3A_837 : vector<16x128xi32>
    %jit3A_862 = arith.constant 8 : i32
    %jit3A_863 = arith.constant 0 : i32
    %broadcast_in_dim3A_864 = vector.broadcast %jit3A_862 : i32 to vector<16x128xi32>
    %broadcast_in_dim3A_865 = vector.broadcast %jit3A_863 : i32 to vector<16x128xi32>
    %select_n3A_866 = arith.select %eq3A_861, %broadcast_in_dim3A_864, %broadcast_in_dim3A_865 : vector<16x128xi1>, vector<16x128xi32>
    %or3A_867 = arith.ori %or3A_860, %select_n3A_866 : vector<16x128xi32>
    %eq3A_868 = arith.cmpi eq, %get3A_23, %get3A_837 : vector<16x128xi32>
    %jit3A_869 = arith.constant 16 : i32
    %jit3A_870 = arith.constant 0 : i32
    %broadcast_in_dim3A_871 = vector.broadcast %jit3A_869 : i32 to vector<16x128xi32>
    %broadcast_in_dim3A_872 = vector.broadcast %jit3A_870 : i32 to vector<16x128xi32>
    %select_n3A_873 = arith.select %eq3A_868, %broadcast_in_dim3A_871, %broadcast_in_dim3A_872 : vector<16x128xi1>, vector<16x128xi32>
    %or3A_874 = arith.ori %or3A_867, %select_n3A_873 : vector<16x128xi32>
    %eq3A_875 = arith.cmpi eq, %get3A_28, %get3A_837 : vector<16x128xi32>
    %jit3A_876 = arith.constant 32 : i32
    %jit3A_877 = arith.constant 0 : i32
    %broadcast_in_dim3A_878 = vector.broadcast %jit3A_876 : i32 to vector<16x128xi32>
    %broadcast_in_dim3A_879 = vector.broadcast %jit3A_877 : i32 to vector<16x128xi32>
    %select_n3A_880 = arith.select %eq3A_875, %broadcast_in_dim3A_878, %broadcast_in_dim3A_879 : vector<16x128xi1>, vector<16x128xi32>
    %or3A_881 = arith.ori %or3A_874, %select_n3A_880 : vector<16x128xi32>
    %eq3A_882 = arith.cmpi eq, %get3A_33, %get3A_837 : vector<16x128xi32>
    %jit3A_883 = arith.constant 64 : i32
    %jit3A_884 = arith.constant 0 : i32
    %broadcast_in_dim3A_885 = vector.broadcast %jit3A_883 : i32 to vector<16x128xi32>
    %broadcast_in_dim3A_886 = vector.broadcast %jit3A_884 : i32 to vector<16x128xi32>
    %select_n3A_887 = arith.select %eq3A_882, %broadcast_in_dim3A_885, %broadcast_in_dim3A_886 : vector<16x128xi1>, vector<16x128xi32>
    %or3A_888 = arith.ori %or3A_881, %select_n3A_887 : vector<16x128xi32>
    %eq3A_889 = arith.cmpi eq, %get3A_38, %get3A_837 : vector<16x128xi32>
    %jit3A_890 = arith.constant 128 : i32
    %jit3A_891 = arith.constant 0 : i32
    %broadcast_in_dim3A_892 = vector.broadcast %jit3A_890 : i32 to vector<16x128xi32>
    %broadcast_in_dim3A_893 = vector.broadcast %jit3A_891 : i32 to vector<16x128xi32>
    %select_n3A_894 = arith.select %eq3A_889, %broadcast_in_dim3A_892, %broadcast_in_dim3A_893 : vector<16x128xi1>, vector<16x128xi32>
    %or3A_895 = arith.ori %or3A_888, %select_n3A_894 : vector<16x128xi32>
    %eq3A_896 = arith.cmpi eq, %get3A_43, %get3A_837 : vector<16x128xi32>
    %jit3A_897 = arith.constant 256 : i32
    %jit3A_898 = arith.constant 0 : i32
    %broadcast_in_dim3A_899 = vector.broadcast %jit3A_897 : i32 to vector<16x128xi32>
    %broadcast_in_dim3A_900 = vector.broadcast %jit3A_898 : i32 to vector<16x128xi32>
    %select_n3A_901 = arith.select %eq3A_896, %broadcast_in_dim3A_899, %broadcast_in_dim3A_900 : vector<16x128xi1>, vector<16x128xi32>
    %or3A_902 = arith.ori %or3A_895, %select_n3A_901 : vector<16x128xi32>
    %eq3A_903 = arith.cmpi eq, %get3A_48, %get3A_837 : vector<16x128xi32>
    %jit3A_904 = arith.constant 512 : i32
    %jit3A_905 = arith.constant 0 : i32
    %broadcast_in_dim3A_906 = vector.broadcast %jit3A_904 : i32 to vector<16x128xi32>
    %broadcast_in_dim3A_907 = vector.broadcast %jit3A_905 : i32 to vector<16x128xi32>
    %select_n3A_908 = arith.select %eq3A_903, %broadcast_in_dim3A_906, %broadcast_in_dim3A_907 : vector<16x128xi1>, vector<16x128xi32>
    %or3A_909 = arith.ori %or3A_902, %select_n3A_908 : vector<16x128xi32>
    %eq3A_910 = arith.cmpi eq, %get3A_53, %get3A_837 : vector<16x128xi32>
    %jit3A_911 = arith.constant 1024 : i32
    %jit3A_912 = arith.constant 0 : i32
    %broadcast_in_dim3A_913 = vector.broadcast %jit3A_911 : i32 to vector<16x128xi32>
    %broadcast_in_dim3A_914 = vector.broadcast %jit3A_912 : i32 to vector<16x128xi32>
    %select_n3A_915 = arith.select %eq3A_910, %broadcast_in_dim3A_913, %broadcast_in_dim3A_914 : vector<16x128xi1>, vector<16x128xi32>
    %or3A_916 = arith.ori %or3A_909, %select_n3A_915 : vector<16x128xi32>
    %eq3A_917 = arith.cmpi eq, %get3A_58, %get3A_837 : vector<16x128xi32>
    %jit3A_918 = arith.constant 2048 : i32
    %jit3A_919 = arith.constant 0 : i32
    %broadcast_in_dim3A_920 = vector.broadcast %jit3A_918 : i32 to vector<16x128xi32>
    %broadcast_in_dim3A_921 = vector.broadcast %jit3A_919 : i32 to vector<16x128xi32>
    %select_n3A_922 = arith.select %eq3A_917, %broadcast_in_dim3A_920, %broadcast_in_dim3A_921 : vector<16x128xi1>, vector<16x128xi32>
    %or3A_923 = arith.ori %or3A_916, %select_n3A_922 : vector<16x128xi32>
    %eq3A_924 = arith.cmpi eq, %get3A_63, %get3A_837 : vector<16x128xi32>
    %jit3A_925 = arith.constant 4096 : i32
    %jit3A_926 = arith.constant 0 : i32
    %broadcast_in_dim3A_927 = vector.broadcast %jit3A_925 : i32 to vector<16x128xi32>
    %broadcast_in_dim3A_928 = vector.broadcast %jit3A_926 : i32 to vector<16x128xi32>
    %select_n3A_929 = arith.select %eq3A_924, %broadcast_in_dim3A_927, %broadcast_in_dim3A_928 : vector<16x128xi1>, vector<16x128xi32>
    %or3A_930 = arith.ori %or3A_923, %select_n3A_929 : vector<16x128xi32>
    %eq3A_931 = arith.cmpi eq, %get3A_68, %get3A_837 : vector<16x128xi32>
    %jit3A_932 = arith.constant 8192 : i32
    %jit3A_933 = arith.constant 0 : i32
    %broadcast_in_dim3A_934 = vector.broadcast %jit3A_932 : i32 to vector<16x128xi32>
    %broadcast_in_dim3A_935 = vector.broadcast %jit3A_933 : i32 to vector<16x128xi32>
    %select_n3A_936 = arith.select %eq3A_931, %broadcast_in_dim3A_934, %broadcast_in_dim3A_935 : vector<16x128xi1>, vector<16x128xi32>
    %or3A_937 = arith.ori %or3A_930, %select_n3A_936 : vector<16x128xi32>
    %eq3A_938 = arith.cmpi eq, %get3A_73, %get3A_837 : vector<16x128xi32>
    %jit3A_939 = arith.constant 16384 : i32
    %jit3A_940 = arith.constant 0 : i32
    %broadcast_in_dim3A_941 = vector.broadcast %jit3A_939 : i32 to vector<16x128xi32>
    %broadcast_in_dim3A_942 = vector.broadcast %jit3A_940 : i32 to vector<16x128xi32>
    %select_n3A_943 = arith.select %eq3A_938, %broadcast_in_dim3A_941, %broadcast_in_dim3A_942 : vector<16x128xi1>, vector<16x128xi32>
    %or3A_944 = arith.ori %or3A_937, %select_n3A_943 : vector<16x128xi32>
    %eq3A_945 = arith.cmpi eq, %get3A_78, %get3A_837 : vector<16x128xi32>
    %jit3A_946 = arith.constant 32768 : i32
    %jit3A_947 = arith.constant 0 : i32
    %broadcast_in_dim3A_948 = vector.broadcast %jit3A_946 : i32 to vector<16x128xi32>
    %broadcast_in_dim3A_949 = vector.broadcast %jit3A_947 : i32 to vector<16x128xi32>
    %select_n3A_950 = arith.select %eq3A_945, %broadcast_in_dim3A_948, %broadcast_in_dim3A_949 : vector<16x128xi1>, vector<16x128xi32>
    %or3A_951 = arith.ori %or3A_944, %select_n3A_950 : vector<16x128xi32>
    %eq3A_952 = arith.cmpi eq, %get3A_83, %get3A_837 : vector<16x128xi32>
    %jit3A_953 = arith.constant 65536 : i32
    %jit3A_954 = arith.constant 0 : i32
    %broadcast_in_dim3A_955 = vector.broadcast %jit3A_953 : i32 to vector<16x128xi32>
    %broadcast_in_dim3A_956 = vector.broadcast %jit3A_954 : i32 to vector<16x128xi32>
    %select_n3A_957 = arith.select %eq3A_952, %broadcast_in_dim3A_955, %broadcast_in_dim3A_956 : vector<16x128xi1>, vector<16x128xi32>
    %or3A_958 = arith.ori %or3A_951, %select_n3A_957 : vector<16x128xi32>
    %eq3A_959 = arith.cmpi eq, %get3A_88, %get3A_837 : vector<16x128xi32>
    %jit3A_960 = arith.constant 131072 : i32
    %jit3A_961 = arith.constant 0 : i32
    %broadcast_in_dim3A_962 = vector.broadcast %jit3A_960 : i32 to vector<16x128xi32>
    %broadcast_in_dim3A_963 = vector.broadcast %jit3A_961 : i32 to vector<16x128xi32>
    %select_n3A_964 = arith.select %eq3A_959, %broadcast_in_dim3A_962, %broadcast_in_dim3A_963 : vector<16x128xi1>, vector<16x128xi32>
    %or3A_965 = arith.ori %or3A_958, %select_n3A_964 : vector<16x128xi32>
    %eq3A_966 = arith.cmpi eq, %get3A_93, %get3A_837 : vector<16x128xi32>
    %jit3A_967 = arith.constant 262144 : i32
    %jit3A_968 = arith.constant 0 : i32
    %broadcast_in_dim3A_969 = vector.broadcast %jit3A_967 : i32 to vector<16x128xi32>
    %broadcast_in_dim3A_970 = vector.broadcast %jit3A_968 : i32 to vector<16x128xi32>
    %select_n3A_971 = arith.select %eq3A_966, %broadcast_in_dim3A_969, %broadcast_in_dim3A_970 : vector<16x128xi1>, vector<16x128xi32>
    %or3A_972 = arith.ori %or3A_965, %select_n3A_971 : vector<16x128xi32>
    %eq3A_973 = arith.cmpi eq, %get3A_98, %get3A_837 : vector<16x128xi32>
    %jit3A_974 = arith.constant 524288 : i32
    %jit3A_975 = arith.constant 0 : i32
    %broadcast_in_dim3A_976 = vector.broadcast %jit3A_974 : i32 to vector<16x128xi32>
    %broadcast_in_dim3A_977 = vector.broadcast %jit3A_975 : i32 to vector<16x128xi32>
    %select_n3A_978 = arith.select %eq3A_973, %broadcast_in_dim3A_976, %broadcast_in_dim3A_977 : vector<16x128xi1>, vector<16x128xi32>
    %or3A_979 = arith.ori %or3A_972, %select_n3A_978 : vector<16x128xi32>
    %or3A_980 = arith.ori %or3A_979, %and3A_832 : vector<16x128xi32>
    %and3A_981 = arith.andi %or3A_979, %or3A_831 : vector<16x128xi32>
    %add3A_982 = arith.addi %and3A_981, %or3A_831 : vector<16x128xi32>
    %xor3A_983 = arith.xori %add3A_982, %or3A_831 : vector<16x128xi32>
    %or3A_984 = arith.ori %xor3A_983, %or3A_979 : vector<16x128xi32>
    %or3A_985 = arith.ori %or3A_984, %or3A_831 : vector<16x128xi32>
    %not3A_986 = arith.constant dense<-1> : vector<16x128xi32>
    %not3A_987 = arith.xori %or3A_985, %not3A_986 : vector<16x128xi32>
    %or3A_988 = arith.ori %and3A_832, %not3A_987 : vector<16x128xi32>
    %and3A_989 = arith.andi %or3A_831, %or3A_984 : vector<16x128xi32>
    %shift_right_arithmetic3A_990 = arith.constant 19 : i32
    %shift_right_arithmetic3A_991 = vector.broadcast %shift_right_arithmetic3A_990 : i32 to vector<16x128xi32>
    %shift_right_arithmetic3A_992 = arith.shrsi %or3A_988, %shift_right_arithmetic3A_991 : vector<16x128xi32>
    %and3A_993 = arith.constant 1 : i32
    %and3A_994 = vector.broadcast %and3A_993 : i32 to vector<16x128xi32>
    %and3A_995 = arith.andi %shift_right_arithmetic3A_992, %and3A_994 : vector<16x128xi32>
    %add3A_996 = arith.addi %sub3A_818, %and3A_995 : vector<16x128xi32>
    %shift_right_arithmetic3A_997 = arith.constant 19 : i32
    %shift_right_arithmetic3A_998 = vector.broadcast %shift_right_arithmetic3A_997 : i32 to vector<16x128xi32>
    %shift_right_arithmetic3A_999 = arith.shrsi %and3A_989, %shift_right_arithmetic3A_998 : vector<16x128xi32>
    %and3A_1000 = arith.constant 1 : i32
    %and3A_1001 = vector.broadcast %and3A_1000 : i32 to vector<16x128xi32>
    %and3A_1002 = arith.andi %shift_right_arithmetic3A_999, %and3A_1001 : vector<16x128xi32>
    %sub3A_1003 = arith.subi %add3A_996, %and3A_1002 : vector<16x128xi32>
    %shift_left3A_1004 = arith.constant 1 : i32
    %shift_left3A_1005 = vector.broadcast %shift_left3A_1004 : i32 to vector<16x128xi32>
    %shift_left3A_1006 = arith.shli %or3A_988, %shift_left3A_1005 : vector<16x128xi32>
    %or3A_1007 = arith.constant 1 : i32
    %or3A_1008 = vector.broadcast %or3A_1007 : i32 to vector<16x128xi32>
    %or3A_1009 = arith.ori %shift_left3A_1006, %or3A_1008 : vector<16x128xi32>
    %shift_left3A_1010 = arith.constant 1 : i32
    %shift_left3A_1011 = vector.broadcast %shift_left3A_1010 : i32 to vector<16x128xi32>
    %shift_left3A_1012 = arith.shli %and3A_989, %shift_left3A_1011 : vector<16x128xi32>
    %or3A_1013 = arith.ori %or3A_980, %or3A_1009 : vector<16x128xi32>
    %not3A_1014 = arith.constant dense<-1> : vector<16x128xi32>
    %not3A_1015 = arith.xori %or3A_1013, %not3A_1014 : vector<16x128xi32>
    %or3A_1016 = arith.ori %shift_left3A_1012, %not3A_1015 : vector<16x128xi32>
    %and3A_1017 = arith.andi %or3A_1009, %or3A_980 : vector<16x128xi32>
    %get3A_1018 = arith.constant 5 : index
    %get3A_1019 = arith.constant 0 : index
    %get3A_1020 = arith.constant 0 : index
    %get3A_1021 = vector.load %arg2[%get3A_1018, %get3A_1019, %get3A_1020] : memref<20x16x128xi32, #tpu.memory_space<vmem>>, vector<1x16x128xi32>
    %get3A_1022 = vector.shape_cast %get3A_1021 : vector<1x16x128xi32> to vector<16x128xi32>
    %broadcast_in_dim3A_1023 = arith.constant 0 : i32
    %broadcast_in_dim3A_1024 = vector.broadcast %broadcast_in_dim3A_1023 : i32 to vector<16x128xi32>
    %eq3A_1025 = arith.cmpi eq, %get3A_3, %get3A_1022 : vector<16x128xi32>
    %jit3A_1026 = arith.constant 1 : i32
    %jit3A_1027 = arith.constant 0 : i32
    %broadcast_in_dim3A_1028 = vector.broadcast %jit3A_1026 : i32 to vector<16x128xi32>
    %broadcast_in_dim3A_1029 = vector.broadcast %jit3A_1027 : i32 to vector<16x128xi32>
    %select_n3A_1030 = arith.select %eq3A_1025, %broadcast_in_dim3A_1028, %broadcast_in_dim3A_1029 : vector<16x128xi1>, vector<16x128xi32>
    %or3A_1031 = arith.ori %broadcast_in_dim3A_1024, %select_n3A_1030 : vector<16x128xi32>
    %eq3A_1032 = arith.cmpi eq, %get3A_8, %get3A_1022 : vector<16x128xi32>
    %jit3A_1033 = arith.constant 2 : i32
    %jit3A_1034 = arith.constant 0 : i32
    %broadcast_in_dim3A_1035 = vector.broadcast %jit3A_1033 : i32 to vector<16x128xi32>
    %broadcast_in_dim3A_1036 = vector.broadcast %jit3A_1034 : i32 to vector<16x128xi32>
    %select_n3A_1037 = arith.select %eq3A_1032, %broadcast_in_dim3A_1035, %broadcast_in_dim3A_1036 : vector<16x128xi1>, vector<16x128xi32>
    %or3A_1038 = arith.ori %or3A_1031, %select_n3A_1037 : vector<16x128xi32>
    %eq3A_1039 = arith.cmpi eq, %get3A_13, %get3A_1022 : vector<16x128xi32>
    %jit3A_1040 = arith.constant 4 : i32
    %jit3A_1041 = arith.constant 0 : i32
    %broadcast_in_dim3A_1042 = vector.broadcast %jit3A_1040 : i32 to vector<16x128xi32>
    %broadcast_in_dim3A_1043 = vector.broadcast %jit3A_1041 : i32 to vector<16x128xi32>
    %select_n3A_1044 = arith.select %eq3A_1039, %broadcast_in_dim3A_1042, %broadcast_in_dim3A_1043 : vector<16x128xi1>, vector<16x128xi32>
    %or3A_1045 = arith.ori %or3A_1038, %select_n3A_1044 : vector<16x128xi32>
    %eq3A_1046 = arith.cmpi eq, %get3A_18, %get3A_1022 : vector<16x128xi32>
    %jit3A_1047 = arith.constant 8 : i32
    %jit3A_1048 = arith.constant 0 : i32
    %broadcast_in_dim3A_1049 = vector.broadcast %jit3A_1047 : i32 to vector<16x128xi32>
    %broadcast_in_dim3A_1050 = vector.broadcast %jit3A_1048 : i32 to vector<16x128xi32>
    %select_n3A_1051 = arith.select %eq3A_1046, %broadcast_in_dim3A_1049, %broadcast_in_dim3A_1050 : vector<16x128xi1>, vector<16x128xi32>
    %or3A_1052 = arith.ori %or3A_1045, %select_n3A_1051 : vector<16x128xi32>
    %eq3A_1053 = arith.cmpi eq, %get3A_23, %get3A_1022 : vector<16x128xi32>
    %jit3A_1054 = arith.constant 16 : i32
    %jit3A_1055 = arith.constant 0 : i32
    %broadcast_in_dim3A_1056 = vector.broadcast %jit3A_1054 : i32 to vector<16x128xi32>
    %broadcast_in_dim3A_1057 = vector.broadcast %jit3A_1055 : i32 to vector<16x128xi32>
    %select_n3A_1058 = arith.select %eq3A_1053, %broadcast_in_dim3A_1056, %broadcast_in_dim3A_1057 : vector<16x128xi1>, vector<16x128xi32>
    %or3A_1059 = arith.ori %or3A_1052, %select_n3A_1058 : vector<16x128xi32>
    %eq3A_1060 = arith.cmpi eq, %get3A_28, %get3A_1022 : vector<16x128xi32>
    %jit3A_1061 = arith.constant 32 : i32
    %jit3A_1062 = arith.constant 0 : i32
    %broadcast_in_dim3A_1063 = vector.broadcast %jit3A_1061 : i32 to vector<16x128xi32>
    %broadcast_in_dim3A_1064 = vector.broadcast %jit3A_1062 : i32 to vector<16x128xi32>
    %select_n3A_1065 = arith.select %eq3A_1060, %broadcast_in_dim3A_1063, %broadcast_in_dim3A_1064 : vector<16x128xi1>, vector<16x128xi32>
    %or3A_1066 = arith.ori %or3A_1059, %select_n3A_1065 : vector<16x128xi32>
    %eq3A_1067 = arith.cmpi eq, %get3A_33, %get3A_1022 : vector<16x128xi32>
    %jit3A_1068 = arith.constant 64 : i32
    %jit3A_1069 = arith.constant 0 : i32
    %broadcast_in_dim3A_1070 = vector.broadcast %jit3A_1068 : i32 to vector<16x128xi32>
    %broadcast_in_dim3A_1071 = vector.broadcast %jit3A_1069 : i32 to vector<16x128xi32>
    %select_n3A_1072 = arith.select %eq3A_1067, %broadcast_in_dim3A_1070, %broadcast_in_dim3A_1071 : vector<16x128xi1>, vector<16x128xi32>
    %or3A_1073 = arith.ori %or3A_1066, %select_n3A_1072 : vector<16x128xi32>
    %eq3A_1074 = arith.cmpi eq, %get3A_38, %get3A_1022 : vector<16x128xi32>
    %jit3A_1075 = arith.constant 128 : i32
    %jit3A_1076 = arith.constant 0 : i32
    %broadcast_in_dim3A_1077 = vector.broadcast %jit3A_1075 : i32 to vector<16x128xi32>
    %broadcast_in_dim3A_1078 = vector.broadcast %jit3A_1076 : i32 to vector<16x128xi32>
    %select_n3A_1079 = arith.select %eq3A_1074, %broadcast_in_dim3A_1077, %broadcast_in_dim3A_1078 : vector<16x128xi1>, vector<16x128xi32>
    %or3A_1080 = arith.ori %or3A_1073, %select_n3A_1079 : vector<16x128xi32>
    %eq3A_1081 = arith.cmpi eq, %get3A_43, %get3A_1022 : vector<16x128xi32>
    %jit3A_1082 = arith.constant 256 : i32
    %jit3A_1083 = arith.constant 0 : i32
    %broadcast_in_dim3A_1084 = vector.broadcast %jit3A_1082 : i32 to vector<16x128xi32>
    %broadcast_in_dim3A_1085 = vector.broadcast %jit3A_1083 : i32 to vector<16x128xi32>
    %select_n3A_1086 = arith.select %eq3A_1081, %broadcast_in_dim3A_1084, %broadcast_in_dim3A_1085 : vector<16x128xi1>, vector<16x128xi32>
    %or3A_1087 = arith.ori %or3A_1080, %select_n3A_1086 : vector<16x128xi32>
    %eq3A_1088 = arith.cmpi eq, %get3A_48, %get3A_1022 : vector<16x128xi32>
    %jit3A_1089 = arith.constant 512 : i32
    %jit3A_1090 = arith.constant 0 : i32
    %broadcast_in_dim3A_1091 = vector.broadcast %jit3A_1089 : i32 to vector<16x128xi32>
    %broadcast_in_dim3A_1092 = vector.broadcast %jit3A_1090 : i32 to vector<16x128xi32>
    %select_n3A_1093 = arith.select %eq3A_1088, %broadcast_in_dim3A_1091, %broadcast_in_dim3A_1092 : vector<16x128xi1>, vector<16x128xi32>
    %or3A_1094 = arith.ori %or3A_1087, %select_n3A_1093 : vector<16x128xi32>
    %eq3A_1095 = arith.cmpi eq, %get3A_53, %get3A_1022 : vector<16x128xi32>
    %jit3A_1096 = arith.constant 1024 : i32
    %jit3A_1097 = arith.constant 0 : i32
    %broadcast_in_dim3A_1098 = vector.broadcast %jit3A_1096 : i32 to vector<16x128xi32>
    %broadcast_in_dim3A_1099 = vector.broadcast %jit3A_1097 : i32 to vector<16x128xi32>
    %select_n3A_1100 = arith.select %eq3A_1095, %broadcast_in_dim3A_1098, %broadcast_in_dim3A_1099 : vector<16x128xi1>, vector<16x128xi32>
    %or3A_1101 = arith.ori %or3A_1094, %select_n3A_1100 : vector<16x128xi32>
    %eq3A_1102 = arith.cmpi eq, %get3A_58, %get3A_1022 : vector<16x128xi32>
    %jit3A_1103 = arith.constant 2048 : i32
    %jit3A_1104 = arith.constant 0 : i32
    %broadcast_in_dim3A_1105 = vector.broadcast %jit3A_1103 : i32 to vector<16x128xi32>
    %broadcast_in_dim3A_1106 = vector.broadcast %jit3A_1104 : i32 to vector<16x128xi32>
    %select_n3A_1107 = arith.select %eq3A_1102, %broadcast_in_dim3A_1105, %broadcast_in_dim3A_1106 : vector<16x128xi1>, vector<16x128xi32>
    %or3A_1108 = arith.ori %or3A_1101, %select_n3A_1107 : vector<16x128xi32>
    %eq3A_1109 = arith.cmpi eq, %get3A_63, %get3A_1022 : vector<16x128xi32>
    %jit3A_1110 = arith.constant 4096 : i32
    %jit3A_1111 = arith.constant 0 : i32
    %broadcast_in_dim3A_1112 = vector.broadcast %jit3A_1110 : i32 to vector<16x128xi32>
    %broadcast_in_dim3A_1113 = vector.broadcast %jit3A_1111 : i32 to vector<16x128xi32>
    %select_n3A_1114 = arith.select %eq3A_1109, %broadcast_in_dim3A_1112, %broadcast_in_dim3A_1113 : vector<16x128xi1>, vector<16x128xi32>
    %or3A_1115 = arith.ori %or3A_1108, %select_n3A_1114 : vector<16x128xi32>
    %eq3A_1116 = arith.cmpi eq, %get3A_68, %get3A_1022 : vector<16x128xi32>
    %jit3A_1117 = arith.constant 8192 : i32
    %jit3A_1118 = arith.constant 0 : i32
    %broadcast_in_dim3A_1119 = vector.broadcast %jit3A_1117 : i32 to vector<16x128xi32>
    %broadcast_in_dim3A_1120 = vector.broadcast %jit3A_1118 : i32 to vector<16x128xi32>
    %select_n3A_1121 = arith.select %eq3A_1116, %broadcast_in_dim3A_1119, %broadcast_in_dim3A_1120 : vector<16x128xi1>, vector<16x128xi32>
    %or3A_1122 = arith.ori %or3A_1115, %select_n3A_1121 : vector<16x128xi32>
    %eq3A_1123 = arith.cmpi eq, %get3A_73, %get3A_1022 : vector<16x128xi32>
    %jit3A_1124 = arith.constant 16384 : i32
    %jit3A_1125 = arith.constant 0 : i32
    %broadcast_in_dim3A_1126 = vector.broadcast %jit3A_1124 : i32 to vector<16x128xi32>
    %broadcast_in_dim3A_1127 = vector.broadcast %jit3A_1125 : i32 to vector<16x128xi32>
    %select_n3A_1128 = arith.select %eq3A_1123, %broadcast_in_dim3A_1126, %broadcast_in_dim3A_1127 : vector<16x128xi1>, vector<16x128xi32>
    %or3A_1129 = arith.ori %or3A_1122, %select_n3A_1128 : vector<16x128xi32>
    %eq3A_1130 = arith.cmpi eq, %get3A_78, %get3A_1022 : vector<16x128xi32>
    %jit3A_1131 = arith.constant 32768 : i32
    %jit3A_1132 = arith.constant 0 : i32
    %broadcast_in_dim3A_1133 = vector.broadcast %jit3A_1131 : i32 to vector<16x128xi32>
    %broadcast_in_dim3A_1134 = vector.broadcast %jit3A_1132 : i32 to vector<16x128xi32>
    %select_n3A_1135 = arith.select %eq3A_1130, %broadcast_in_dim3A_1133, %broadcast_in_dim3A_1134 : vector<16x128xi1>, vector<16x128xi32>
    %or3A_1136 = arith.ori %or3A_1129, %select_n3A_1135 : vector<16x128xi32>
    %eq3A_1137 = arith.cmpi eq, %get3A_83, %get3A_1022 : vector<16x128xi32>
    %jit3A_1138 = arith.constant 65536 : i32
    %jit3A_1139 = arith.constant 0 : i32
    %broadcast_in_dim3A_1140 = vector.broadcast %jit3A_1138 : i32 to vector<16x128xi32>
    %broadcast_in_dim3A_1141 = vector.broadcast %jit3A_1139 : i32 to vector<16x128xi32>
    %select_n3A_1142 = arith.select %eq3A_1137, %broadcast_in_dim3A_1140, %broadcast_in_dim3A_1141 : vector<16x128xi1>, vector<16x128xi32>
    %or3A_1143 = arith.ori %or3A_1136, %select_n3A_1142 : vector<16x128xi32>
    %eq3A_1144 = arith.cmpi eq, %get3A_88, %get3A_1022 : vector<16x128xi32>
    %jit3A_1145 = arith.constant 131072 : i32
    %jit3A_1146 = arith.constant 0 : i32
    %broadcast_in_dim3A_1147 = vector.broadcast %jit3A_1145 : i32 to vector<16x128xi32>
    %broadcast_in_dim3A_1148 = vector.broadcast %jit3A_1146 : i32 to vector<16x128xi32>
    %select_n3A_1149 = arith.select %eq3A_1144, %broadcast_in_dim3A_1147, %broadcast_in_dim3A_1148 : vector<16x128xi1>, vector<16x128xi32>
    %or3A_1150 = arith.ori %or3A_1143, %select_n3A_1149 : vector<16x128xi32>
    %eq3A_1151 = arith.cmpi eq, %get3A_93, %get3A_1022 : vector<16x128xi32>
    %jit3A_1152 = arith.constant 262144 : i32
    %jit3A_1153 = arith.constant 0 : i32
    %broadcast_in_dim3A_1154 = vector.broadcast %jit3A_1152 : i32 to vector<16x128xi32>
    %broadcast_in_dim3A_1155 = vector.broadcast %jit3A_1153 : i32 to vector<16x128xi32>
    %select_n3A_1156 = arith.select %eq3A_1151, %broadcast_in_dim3A_1154, %broadcast_in_dim3A_1155 : vector<16x128xi1>, vector<16x128xi32>
    %or3A_1157 = arith.ori %or3A_1150, %select_n3A_1156 : vector<16x128xi32>
    %eq3A_1158 = arith.cmpi eq, %get3A_98, %get3A_1022 : vector<16x128xi32>
    %jit3A_1159 = arith.constant 524288 : i32
    %jit3A_1160 = arith.constant 0 : i32
    %broadcast_in_dim3A_1161 = vector.broadcast %jit3A_1159 : i32 to vector<16x128xi32>
    %broadcast_in_dim3A_1162 = vector.broadcast %jit3A_1160 : i32 to vector<16x128xi32>
    %select_n3A_1163 = arith.select %eq3A_1158, %broadcast_in_dim3A_1161, %broadcast_in_dim3A_1162 : vector<16x128xi1>, vector<16x128xi32>
    %or3A_1164 = arith.ori %or3A_1157, %select_n3A_1163 : vector<16x128xi32>
    %or3A_1165 = arith.ori %or3A_1164, %and3A_1017 : vector<16x128xi32>
    %and3A_1166 = arith.andi %or3A_1164, %or3A_1016 : vector<16x128xi32>
    %add3A_1167 = arith.addi %and3A_1166, %or3A_1016 : vector<16x128xi32>
    %xor3A_1168 = arith.xori %add3A_1167, %or3A_1016 : vector<16x128xi32>
    %or3A_1169 = arith.ori %xor3A_1168, %or3A_1164 : vector<16x128xi32>
    %or3A_1170 = arith.ori %or3A_1169, %or3A_1016 : vector<16x128xi32>
    %not3A_1171 = arith.constant dense<-1> : vector<16x128xi32>
    %not3A_1172 = arith.xori %or3A_1170, %not3A_1171 : vector<16x128xi32>
    %or3A_1173 = arith.ori %and3A_1017, %not3A_1172 : vector<16x128xi32>
    %and3A_1174 = arith.andi %or3A_1016, %or3A_1169 : vector<16x128xi32>
    %shift_right_arithmetic3A_1175 = arith.constant 19 : i32
    %shift_right_arithmetic3A_1176 = vector.broadcast %shift_right_arithmetic3A_1175 : i32 to vector<16x128xi32>
    %shift_right_arithmetic3A_1177 = arith.shrsi %or3A_1173, %shift_right_arithmetic3A_1176 : vector<16x128xi32>
    %and3A_1178 = arith.constant 1 : i32
    %and3A_1179 = vector.broadcast %and3A_1178 : i32 to vector<16x128xi32>
    %and3A_1180 = arith.andi %shift_right_arithmetic3A_1177, %and3A_1179 : vector<16x128xi32>
    %add3A_1181 = arith.addi %sub3A_1003, %and3A_1180 : vector<16x128xi32>
    %shift_right_arithmetic3A_1182 = arith.constant 19 : i32
    %shift_right_arithmetic3A_1183 = vector.broadcast %shift_right_arithmetic3A_1182 : i32 to vector<16x128xi32>
    %shift_right_arithmetic3A_1184 = arith.shrsi %and3A_1174, %shift_right_arithmetic3A_1183 : vector<16x128xi32>
    %and3A_1185 = arith.constant 1 : i32
    %and3A_1186 = vector.broadcast %and3A_1185 : i32 to vector<16x128xi32>
    %and3A_1187 = arith.andi %shift_right_arithmetic3A_1184, %and3A_1186 : vector<16x128xi32>
    %sub3A_1188 = arith.subi %add3A_1181, %and3A_1187 : vector<16x128xi32>
    %shift_left3A_1189 = arith.constant 1 : i32
    %shift_left3A_1190 = vector.broadcast %shift_left3A_1189 : i32 to vector<16x128xi32>
    %shift_left3A_1191 = arith.shli %or3A_1173, %shift_left3A_1190 : vector<16x128xi32>
    %or3A_1192 = arith.constant 1 : i32
    %or3A_1193 = vector.broadcast %or3A_1192 : i32 to vector<16x128xi32>
    %or3A_1194 = arith.ori %shift_left3A_1191, %or3A_1193 : vector<16x128xi32>
    %shift_left3A_1195 = arith.constant 1 : i32
    %shift_left3A_1196 = vector.broadcast %shift_left3A_1195 : i32 to vector<16x128xi32>
    %shift_left3A_1197 = arith.shli %and3A_1174, %shift_left3A_1196 : vector<16x128xi32>
    %or3A_1198 = arith.ori %or3A_1165, %or3A_1194 : vector<16x128xi32>
    %not3A_1199 = arith.constant dense<-1> : vector<16x128xi32>
    %not3A_1200 = arith.xori %or3A_1198, %not3A_1199 : vector<16x128xi32>
    %or3A_1201 = arith.ori %shift_left3A_1197, %not3A_1200 : vector<16x128xi32>
    %and3A_1202 = arith.andi %or3A_1194, %or3A_1165 : vector<16x128xi32>
    %get3A_1203 = arith.constant 6 : index
    %get3A_1204 = arith.constant 0 : index
    %get3A_1205 = arith.constant 0 : index
    %get3A_1206 = vector.load %arg2[%get3A_1203, %get3A_1204, %get3A_1205] : memref<20x16x128xi32, #tpu.memory_space<vmem>>, vector<1x16x128xi32>
    %get3A_1207 = vector.shape_cast %get3A_1206 : vector<1x16x128xi32> to vector<16x128xi32>
    %broadcast_in_dim3A_1208 = arith.constant 0 : i32
    %broadcast_in_dim3A_1209 = vector.broadcast %broadcast_in_dim3A_1208 : i32 to vector<16x128xi32>
    %eq3A_1210 = arith.cmpi eq, %get3A_3, %get3A_1207 : vector<16x128xi32>
    %jit3A_1211 = arith.constant 1 : i32
    %jit3A_1212 = arith.constant 0 : i32
    %broadcast_in_dim3A_1213 = vector.broadcast %jit3A_1211 : i32 to vector<16x128xi32>
    %broadcast_in_dim3A_1214 = vector.broadcast %jit3A_1212 : i32 to vector<16x128xi32>
    %select_n3A_1215 = arith.select %eq3A_1210, %broadcast_in_dim3A_1213, %broadcast_in_dim3A_1214 : vector<16x128xi1>, vector<16x128xi32>
    %or3A_1216 = arith.ori %broadcast_in_dim3A_1209, %select_n3A_1215 : vector<16x128xi32>
    %eq3A_1217 = arith.cmpi eq, %get3A_8, %get3A_1207 : vector<16x128xi32>
    %jit3A_1218 = arith.constant 2 : i32
    %jit3A_1219 = arith.constant 0 : i32
    %broadcast_in_dim3A_1220 = vector.broadcast %jit3A_1218 : i32 to vector<16x128xi32>
    %broadcast_in_dim3A_1221 = vector.broadcast %jit3A_1219 : i32 to vector<16x128xi32>
    %select_n3A_1222 = arith.select %eq3A_1217, %broadcast_in_dim3A_1220, %broadcast_in_dim3A_1221 : vector<16x128xi1>, vector<16x128xi32>
    %or3A_1223 = arith.ori %or3A_1216, %select_n3A_1222 : vector<16x128xi32>
    %eq3A_1224 = arith.cmpi eq, %get3A_13, %get3A_1207 : vector<16x128xi32>
    %jit3A_1225 = arith.constant 4 : i32
    %jit3A_1226 = arith.constant 0 : i32
    %broadcast_in_dim3A_1227 = vector.broadcast %jit3A_1225 : i32 to vector<16x128xi32>
    %broadcast_in_dim3A_1228 = vector.broadcast %jit3A_1226 : i32 to vector<16x128xi32>
    %select_n3A_1229 = arith.select %eq3A_1224, %broadcast_in_dim3A_1227, %broadcast_in_dim3A_1228 : vector<16x128xi1>, vector<16x128xi32>
    %or3A_1230 = arith.ori %or3A_1223, %select_n3A_1229 : vector<16x128xi32>
    %eq3A_1231 = arith.cmpi eq, %get3A_18, %get3A_1207 : vector<16x128xi32>
    %jit3A_1232 = arith.constant 8 : i32
    %jit3A_1233 = arith.constant 0 : i32
    %broadcast_in_dim3A_1234 = vector.broadcast %jit3A_1232 : i32 to vector<16x128xi32>
    %broadcast_in_dim3A_1235 = vector.broadcast %jit3A_1233 : i32 to vector<16x128xi32>
    %select_n3A_1236 = arith.select %eq3A_1231, %broadcast_in_dim3A_1234, %broadcast_in_dim3A_1235 : vector<16x128xi1>, vector<16x128xi32>
    %or3A_1237 = arith.ori %or3A_1230, %select_n3A_1236 : vector<16x128xi32>
    %eq3A_1238 = arith.cmpi eq, %get3A_23, %get3A_1207 : vector<16x128xi32>
    %jit3A_1239 = arith.constant 16 : i32
    %jit3A_1240 = arith.constant 0 : i32
    %broadcast_in_dim3A_1241 = vector.broadcast %jit3A_1239 : i32 to vector<16x128xi32>
    %broadcast_in_dim3A_1242 = vector.broadcast %jit3A_1240 : i32 to vector<16x128xi32>
    %select_n3A_1243 = arith.select %eq3A_1238, %broadcast_in_dim3A_1241, %broadcast_in_dim3A_1242 : vector<16x128xi1>, vector<16x128xi32>
    %or3A_1244 = arith.ori %or3A_1237, %select_n3A_1243 : vector<16x128xi32>
    %eq3A_1245 = arith.cmpi eq, %get3A_28, %get3A_1207 : vector<16x128xi32>
    %jit3A_1246 = arith.constant 32 : i32
    %jit3A_1247 = arith.constant 0 : i32
    %broadcast_in_dim3A_1248 = vector.broadcast %jit3A_1246 : i32 to vector<16x128xi32>
    %broadcast_in_dim3A_1249 = vector.broadcast %jit3A_1247 : i32 to vector<16x128xi32>
    %select_n3A_1250 = arith.select %eq3A_1245, %broadcast_in_dim3A_1248, %broadcast_in_dim3A_1249 : vector<16x128xi1>, vector<16x128xi32>
    %or3A_1251 = arith.ori %or3A_1244, %select_n3A_1250 : vector<16x128xi32>
    %eq3A_1252 = arith.cmpi eq, %get3A_33, %get3A_1207 : vector<16x128xi32>
    %jit3A_1253 = arith.constant 64 : i32
    %jit3A_1254 = arith.constant 0 : i32
    %broadcast_in_dim3A_1255 = vector.broadcast %jit3A_1253 : i32 to vector<16x128xi32>
    %broadcast_in_dim3A_1256 = vector.broadcast %jit3A_1254 : i32 to vector<16x128xi32>
    %select_n3A_1257 = arith.select %eq3A_1252, %broadcast_in_dim3A_1255, %broadcast_in_dim3A_1256 : vector<16x128xi1>, vector<16x128xi32>
    %or3A_1258 = arith.ori %or3A_1251, %select_n3A_1257 : vector<16x128xi32>
    %eq3A_1259 = arith.cmpi eq, %get3A_38, %get3A_1207 : vector<16x128xi32>
    %jit3A_1260 = arith.constant 128 : i32
    %jit3A_1261 = arith.constant 0 : i32
    %broadcast_in_dim3A_1262 = vector.broadcast %jit3A_1260 : i32 to vector<16x128xi32>
    %broadcast_in_dim3A_1263 = vector.broadcast %jit3A_1261 : i32 to vector<16x128xi32>
    %select_n3A_1264 = arith.select %eq3A_1259, %broadcast_in_dim3A_1262, %broadcast_in_dim3A_1263 : vector<16x128xi1>, vector<16x128xi32>
    %or3A_1265 = arith.ori %or3A_1258, %select_n3A_1264 : vector<16x128xi32>
    %eq3A_1266 = arith.cmpi eq, %get3A_43, %get3A_1207 : vector<16x128xi32>
    %jit3A_1267 = arith.constant 256 : i32
    %jit3A_1268 = arith.constant 0 : i32
    %broadcast_in_dim3A_1269 = vector.broadcast %jit3A_1267 : i32 to vector<16x128xi32>
    %broadcast_in_dim3A_1270 = vector.broadcast %jit3A_1268 : i32 to vector<16x128xi32>
    %select_n3A_1271 = arith.select %eq3A_1266, %broadcast_in_dim3A_1269, %broadcast_in_dim3A_1270 : vector<16x128xi1>, vector<16x128xi32>
    %or3A_1272 = arith.ori %or3A_1265, %select_n3A_1271 : vector<16x128xi32>
    %eq3A_1273 = arith.cmpi eq, %get3A_48, %get3A_1207 : vector<16x128xi32>
    %jit3A_1274 = arith.constant 512 : i32
    %jit3A_1275 = arith.constant 0 : i32
    %broadcast_in_dim3A_1276 = vector.broadcast %jit3A_1274 : i32 to vector<16x128xi32>
    %broadcast_in_dim3A_1277 = vector.broadcast %jit3A_1275 : i32 to vector<16x128xi32>
    %select_n3A_1278 = arith.select %eq3A_1273, %broadcast_in_dim3A_1276, %broadcast_in_dim3A_1277 : vector<16x128xi1>, vector<16x128xi32>
    %or3A_1279 = arith.ori %or3A_1272, %select_n3A_1278 : vector<16x128xi32>
    %eq3A_1280 = arith.cmpi eq, %get3A_53, %get3A_1207 : vector<16x128xi32>
    %jit3A_1281 = arith.constant 1024 : i32
    %jit3A_1282 = arith.constant 0 : i32
    %broadcast_in_dim3A_1283 = vector.broadcast %jit3A_1281 : i32 to vector<16x128xi32>
    %broadcast_in_dim3A_1284 = vector.broadcast %jit3A_1282 : i32 to vector<16x128xi32>
    %select_n3A_1285 = arith.select %eq3A_1280, %broadcast_in_dim3A_1283, %broadcast_in_dim3A_1284 : vector<16x128xi1>, vector<16x128xi32>
    %or3A_1286 = arith.ori %or3A_1279, %select_n3A_1285 : vector<16x128xi32>
    %eq3A_1287 = arith.cmpi eq, %get3A_58, %get3A_1207 : vector<16x128xi32>
    %jit3A_1288 = arith.constant 2048 : i32
    %jit3A_1289 = arith.constant 0 : i32
    %broadcast_in_dim3A_1290 = vector.broadcast %jit3A_1288 : i32 to vector<16x128xi32>
    %broadcast_in_dim3A_1291 = vector.broadcast %jit3A_1289 : i32 to vector<16x128xi32>
    %select_n3A_1292 = arith.select %eq3A_1287, %broadcast_in_dim3A_1290, %broadcast_in_dim3A_1291 : vector<16x128xi1>, vector<16x128xi32>
    %or3A_1293 = arith.ori %or3A_1286, %select_n3A_1292 : vector<16x128xi32>
    %eq3A_1294 = arith.cmpi eq, %get3A_63, %get3A_1207 : vector<16x128xi32>
    %jit3A_1295 = arith.constant 4096 : i32
    %jit3A_1296 = arith.constant 0 : i32
    %broadcast_in_dim3A_1297 = vector.broadcast %jit3A_1295 : i32 to vector<16x128xi32>
    %broadcast_in_dim3A_1298 = vector.broadcast %jit3A_1296 : i32 to vector<16x128xi32>
    %select_n3A_1299 = arith.select %eq3A_1294, %broadcast_in_dim3A_1297, %broadcast_in_dim3A_1298 : vector<16x128xi1>, vector<16x128xi32>
    %or3A_1300 = arith.ori %or3A_1293, %select_n3A_1299 : vector<16x128xi32>
    %eq3A_1301 = arith.cmpi eq, %get3A_68, %get3A_1207 : vector<16x128xi32>
    %jit3A_1302 = arith.constant 8192 : i32
    %jit3A_1303 = arith.constant 0 : i32
    %broadcast_in_dim3A_1304 = vector.broadcast %jit3A_1302 : i32 to vector<16x128xi32>
    %broadcast_in_dim3A_1305 = vector.broadcast %jit3A_1303 : i32 to vector<16x128xi32>
    %select_n3A_1306 = arith.select %eq3A_1301, %broadcast_in_dim3A_1304, %broadcast_in_dim3A_1305 : vector<16x128xi1>, vector<16x128xi32>
    %or3A_1307 = arith.ori %or3A_1300, %select_n3A_1306 : vector<16x128xi32>
    %eq3A_1308 = arith.cmpi eq, %get3A_73, %get3A_1207 : vector<16x128xi32>
    %jit3A_1309 = arith.constant 16384 : i32
    %jit3A_1310 = arith.constant 0 : i32
    %broadcast_in_dim3A_1311 = vector.broadcast %jit3A_1309 : i32 to vector<16x128xi32>
    %broadcast_in_dim3A_1312 = vector.broadcast %jit3A_1310 : i32 to vector<16x128xi32>
    %select_n3A_1313 = arith.select %eq3A_1308, %broadcast_in_dim3A_1311, %broadcast_in_dim3A_1312 : vector<16x128xi1>, vector<16x128xi32>
    %or3A_1314 = arith.ori %or3A_1307, %select_n3A_1313 : vector<16x128xi32>
    %eq3A_1315 = arith.cmpi eq, %get3A_78, %get3A_1207 : vector<16x128xi32>
    %jit3A_1316 = arith.constant 32768 : i32
    %jit3A_1317 = arith.constant 0 : i32
    %broadcast_in_dim3A_1318 = vector.broadcast %jit3A_1316 : i32 to vector<16x128xi32>
    %broadcast_in_dim3A_1319 = vector.broadcast %jit3A_1317 : i32 to vector<16x128xi32>
    %select_n3A_1320 = arith.select %eq3A_1315, %broadcast_in_dim3A_1318, %broadcast_in_dim3A_1319 : vector<16x128xi1>, vector<16x128xi32>
    %or3A_1321 = arith.ori %or3A_1314, %select_n3A_1320 : vector<16x128xi32>
    %eq3A_1322 = arith.cmpi eq, %get3A_83, %get3A_1207 : vector<16x128xi32>
    %jit3A_1323 = arith.constant 65536 : i32
    %jit3A_1324 = arith.constant 0 : i32
    %broadcast_in_dim3A_1325 = vector.broadcast %jit3A_1323 : i32 to vector<16x128xi32>
    %broadcast_in_dim3A_1326 = vector.broadcast %jit3A_1324 : i32 to vector<16x128xi32>
    %select_n3A_1327 = arith.select %eq3A_1322, %broadcast_in_dim3A_1325, %broadcast_in_dim3A_1326 : vector<16x128xi1>, vector<16x128xi32>
    %or3A_1328 = arith.ori %or3A_1321, %select_n3A_1327 : vector<16x128xi32>
    %eq3A_1329 = arith.cmpi eq, %get3A_88, %get3A_1207 : vector<16x128xi32>
    %jit3A_1330 = arith.constant 131072 : i32
    %jit3A_1331 = arith.constant 0 : i32
    %broadcast_in_dim3A_1332 = vector.broadcast %jit3A_1330 : i32 to vector<16x128xi32>
    %broadcast_in_dim3A_1333 = vector.broadcast %jit3A_1331 : i32 to vector<16x128xi32>
    %select_n3A_1334 = arith.select %eq3A_1329, %broadcast_in_dim3A_1332, %broadcast_in_dim3A_1333 : vector<16x128xi1>, vector<16x128xi32>
    %or3A_1335 = arith.ori %or3A_1328, %select_n3A_1334 : vector<16x128xi32>
    %eq3A_1336 = arith.cmpi eq, %get3A_93, %get3A_1207 : vector<16x128xi32>
    %jit3A_1337 = arith.constant 262144 : i32
    %jit3A_1338 = arith.constant 0 : i32
    %broadcast_in_dim3A_1339 = vector.broadcast %jit3A_1337 : i32 to vector<16x128xi32>
    %broadcast_in_dim3A_1340 = vector.broadcast %jit3A_1338 : i32 to vector<16x128xi32>
    %select_n3A_1341 = arith.select %eq3A_1336, %broadcast_in_dim3A_1339, %broadcast_in_dim3A_1340 : vector<16x128xi1>, vector<16x128xi32>
    %or3A_1342 = arith.ori %or3A_1335, %select_n3A_1341 : vector<16x128xi32>
    %eq3A_1343 = arith.cmpi eq, %get3A_98, %get3A_1207 : vector<16x128xi32>
    %jit3A_1344 = arith.constant 524288 : i32
    %jit3A_1345 = arith.constant 0 : i32
    %broadcast_in_dim3A_1346 = vector.broadcast %jit3A_1344 : i32 to vector<16x128xi32>
    %broadcast_in_dim3A_1347 = vector.broadcast %jit3A_1345 : i32 to vector<16x128xi32>
    %select_n3A_1348 = arith.select %eq3A_1343, %broadcast_in_dim3A_1346, %broadcast_in_dim3A_1347 : vector<16x128xi1>, vector<16x128xi32>
    %or3A_1349 = arith.ori %or3A_1342, %select_n3A_1348 : vector<16x128xi32>
    %or3A_1350 = arith.ori %or3A_1349, %and3A_1202 : vector<16x128xi32>
    %and3A_1351 = arith.andi %or3A_1349, %or3A_1201 : vector<16x128xi32>
    %add3A_1352 = arith.addi %and3A_1351, %or3A_1201 : vector<16x128xi32>
    %xor3A_1353 = arith.xori %add3A_1352, %or3A_1201 : vector<16x128xi32>
    %or3A_1354 = arith.ori %xor3A_1353, %or3A_1349 : vector<16x128xi32>
    %or3A_1355 = arith.ori %or3A_1354, %or3A_1201 : vector<16x128xi32>
    %not3A_1356 = arith.constant dense<-1> : vector<16x128xi32>
    %not3A_1357 = arith.xori %or3A_1355, %not3A_1356 : vector<16x128xi32>
    %or3A_1358 = arith.ori %and3A_1202, %not3A_1357 : vector<16x128xi32>
    %and3A_1359 = arith.andi %or3A_1201, %or3A_1354 : vector<16x128xi32>
    %shift_right_arithmetic3A_1360 = arith.constant 19 : i32
    %shift_right_arithmetic3A_1361 = vector.broadcast %shift_right_arithmetic3A_1360 : i32 to vector<16x128xi32>
    %shift_right_arithmetic3A_1362 = arith.shrsi %or3A_1358, %shift_right_arithmetic3A_1361 : vector<16x128xi32>
    %and3A_1363 = arith.constant 1 : i32
    %and3A_1364 = vector.broadcast %and3A_1363 : i32 to vector<16x128xi32>
    %and3A_1365 = arith.andi %shift_right_arithmetic3A_1362, %and3A_1364 : vector<16x128xi32>
    %add3A_1366 = arith.addi %sub3A_1188, %and3A_1365 : vector<16x128xi32>
    %shift_right_arithmetic3A_1367 = arith.constant 19 : i32
    %shift_right_arithmetic3A_1368 = vector.broadcast %shift_right_arithmetic3A_1367 : i32 to vector<16x128xi32>
    %shift_right_arithmetic3A_1369 = arith.shrsi %and3A_1359, %shift_right_arithmetic3A_1368 : vector<16x128xi32>
    %and3A_1370 = arith.constant 1 : i32
    %and3A_1371 = vector.broadcast %and3A_1370 : i32 to vector<16x128xi32>
    %and3A_1372 = arith.andi %shift_right_arithmetic3A_1369, %and3A_1371 : vector<16x128xi32>
    %sub3A_1373 = arith.subi %add3A_1366, %and3A_1372 : vector<16x128xi32>
    %shift_left3A_1374 = arith.constant 1 : i32
    %shift_left3A_1375 = vector.broadcast %shift_left3A_1374 : i32 to vector<16x128xi32>
    %shift_left3A_1376 = arith.shli %or3A_1358, %shift_left3A_1375 : vector<16x128xi32>
    %or3A_1377 = arith.constant 1 : i32
    %or3A_1378 = vector.broadcast %or3A_1377 : i32 to vector<16x128xi32>
    %or3A_1379 = arith.ori %shift_left3A_1376, %or3A_1378 : vector<16x128xi32>
    %shift_left3A_1380 = arith.constant 1 : i32
    %shift_left3A_1381 = vector.broadcast %shift_left3A_1380 : i32 to vector<16x128xi32>
    %shift_left3A_1382 = arith.shli %and3A_1359, %shift_left3A_1381 : vector<16x128xi32>
    %or3A_1383 = arith.ori %or3A_1350, %or3A_1379 : vector<16x128xi32>
    %not3A_1384 = arith.constant dense<-1> : vector<16x128xi32>
    %not3A_1385 = arith.xori %or3A_1383, %not3A_1384 : vector<16x128xi32>
    %or3A_1386 = arith.ori %shift_left3A_1382, %not3A_1385 : vector<16x128xi32>
    %and3A_1387 = arith.andi %or3A_1379, %or3A_1350 : vector<16x128xi32>
    %get3A_1388 = arith.constant 7 : index
    %get3A_1389 = arith.constant 0 : index
    %get3A_1390 = arith.constant 0 : index
    %get3A_1391 = vector.load %arg2[%get3A_1388, %get3A_1389, %get3A_1390] : memref<20x16x128xi32, #tpu.memory_space<vmem>>, vector<1x16x128xi32>
    %get3A_1392 = vector.shape_cast %get3A_1391 : vector<1x16x128xi32> to vector<16x128xi32>
    %broadcast_in_dim3A_1393 = arith.constant 0 : i32
    %broadcast_in_dim3A_1394 = vector.broadcast %broadcast_in_dim3A_1393 : i32 to vector<16x128xi32>
    %eq3A_1395 = arith.cmpi eq, %get3A_3, %get3A_1392 : vector<16x128xi32>
    %jit3A_1396 = arith.constant 1 : i32
    %jit3A_1397 = arith.constant 0 : i32
    %broadcast_in_dim3A_1398 = vector.broadcast %jit3A_1396 : i32 to vector<16x128xi32>
    %broadcast_in_dim3A_1399 = vector.broadcast %jit3A_1397 : i32 to vector<16x128xi32>
    %select_n3A_1400 = arith.select %eq3A_1395, %broadcast_in_dim3A_1398, %broadcast_in_dim3A_1399 : vector<16x128xi1>, vector<16x128xi32>
    %or3A_1401 = arith.ori %broadcast_in_dim3A_1394, %select_n3A_1400 : vector<16x128xi32>
    %eq3A_1402 = arith.cmpi eq, %get3A_8, %get3A_1392 : vector<16x128xi32>
    %jit3A_1403 = arith.constant 2 : i32
    %jit3A_1404 = arith.constant 0 : i32
    %broadcast_in_dim3A_1405 = vector.broadcast %jit3A_1403 : i32 to vector<16x128xi32>
    %broadcast_in_dim3A_1406 = vector.broadcast %jit3A_1404 : i32 to vector<16x128xi32>
    %select_n3A_1407 = arith.select %eq3A_1402, %broadcast_in_dim3A_1405, %broadcast_in_dim3A_1406 : vector<16x128xi1>, vector<16x128xi32>
    %or3A_1408 = arith.ori %or3A_1401, %select_n3A_1407 : vector<16x128xi32>
    %eq3A_1409 = arith.cmpi eq, %get3A_13, %get3A_1392 : vector<16x128xi32>
    %jit3A_1410 = arith.constant 4 : i32
    %jit3A_1411 = arith.constant 0 : i32
    %broadcast_in_dim3A_1412 = vector.broadcast %jit3A_1410 : i32 to vector<16x128xi32>
    %broadcast_in_dim3A_1413 = vector.broadcast %jit3A_1411 : i32 to vector<16x128xi32>
    %select_n3A_1414 = arith.select %eq3A_1409, %broadcast_in_dim3A_1412, %broadcast_in_dim3A_1413 : vector<16x128xi1>, vector<16x128xi32>
    %or3A_1415 = arith.ori %or3A_1408, %select_n3A_1414 : vector<16x128xi32>
    %eq3A_1416 = arith.cmpi eq, %get3A_18, %get3A_1392 : vector<16x128xi32>
    %jit3A_1417 = arith.constant 8 : i32
    %jit3A_1418 = arith.constant 0 : i32
    %broadcast_in_dim3A_1419 = vector.broadcast %jit3A_1417 : i32 to vector<16x128xi32>
    %broadcast_in_dim3A_1420 = vector.broadcast %jit3A_1418 : i32 to vector<16x128xi32>
    %select_n3A_1421 = arith.select %eq3A_1416, %broadcast_in_dim3A_1419, %broadcast_in_dim3A_1420 : vector<16x128xi1>, vector<16x128xi32>
    %or3A_1422 = arith.ori %or3A_1415, %select_n3A_1421 : vector<16x128xi32>
    %eq3A_1423 = arith.cmpi eq, %get3A_23, %get3A_1392 : vector<16x128xi32>
    %jit3A_1424 = arith.constant 16 : i32
    %jit3A_1425 = arith.constant 0 : i32
    %broadcast_in_dim3A_1426 = vector.broadcast %jit3A_1424 : i32 to vector<16x128xi32>
    %broadcast_in_dim3A_1427 = vector.broadcast %jit3A_1425 : i32 to vector<16x128xi32>
    %select_n3A_1428 = arith.select %eq3A_1423, %broadcast_in_dim3A_1426, %broadcast_in_dim3A_1427 : vector<16x128xi1>, vector<16x128xi32>
    %or3A_1429 = arith.ori %or3A_1422, %select_n3A_1428 : vector<16x128xi32>
    %eq3A_1430 = arith.cmpi eq, %get3A_28, %get3A_1392 : vector<16x128xi32>
    %jit3A_1431 = arith.constant 32 : i32
    %jit3A_1432 = arith.constant 0 : i32
    %broadcast_in_dim3A_1433 = vector.broadcast %jit3A_1431 : i32 to vector<16x128xi32>
    %broadcast_in_dim3A_1434 = vector.broadcast %jit3A_1432 : i32 to vector<16x128xi32>
    %select_n3A_1435 = arith.select %eq3A_1430, %broadcast_in_dim3A_1433, %broadcast_in_dim3A_1434 : vector<16x128xi1>, vector<16x128xi32>
    %or3A_1436 = arith.ori %or3A_1429, %select_n3A_1435 : vector<16x128xi32>
    %eq3A_1437 = arith.cmpi eq, %get3A_33, %get3A_1392 : vector<16x128xi32>
    %jit3A_1438 = arith.constant 64 : i32
    %jit3A_1439 = arith.constant 0 : i32
    %broadcast_in_dim3A_1440 = vector.broadcast %jit3A_1438 : i32 to vector<16x128xi32>
    %broadcast_in_dim3A_1441 = vector.broadcast %jit3A_1439 : i32 to vector<16x128xi32>
    %select_n3A_1442 = arith.select %eq3A_1437, %broadcast_in_dim3A_1440, %broadcast_in_dim3A_1441 : vector<16x128xi1>, vector<16x128xi32>
    %or3A_1443 = arith.ori %or3A_1436, %select_n3A_1442 : vector<16x128xi32>
    %eq3A_1444 = arith.cmpi eq, %get3A_38, %get3A_1392 : vector<16x128xi32>
    %jit3A_1445 = arith.constant 128 : i32
    %jit3A_1446 = arith.constant 0 : i32
    %broadcast_in_dim3A_1447 = vector.broadcast %jit3A_1445 : i32 to vector<16x128xi32>
    %broadcast_in_dim3A_1448 = vector.broadcast %jit3A_1446 : i32 to vector<16x128xi32>
    %select_n3A_1449 = arith.select %eq3A_1444, %broadcast_in_dim3A_1447, %broadcast_in_dim3A_1448 : vector<16x128xi1>, vector<16x128xi32>
    %or3A_1450 = arith.ori %or3A_1443, %select_n3A_1449 : vector<16x128xi32>
    %eq3A_1451 = arith.cmpi eq, %get3A_43, %get3A_1392 : vector<16x128xi32>
    %jit3A_1452 = arith.constant 256 : i32
    %jit3A_1453 = arith.constant 0 : i32
    %broadcast_in_dim3A_1454 = vector.broadcast %jit3A_1452 : i32 to vector<16x128xi32>
    %broadcast_in_dim3A_1455 = vector.broadcast %jit3A_1453 : i32 to vector<16x128xi32>
    %select_n3A_1456 = arith.select %eq3A_1451, %broadcast_in_dim3A_1454, %broadcast_in_dim3A_1455 : vector<16x128xi1>, vector<16x128xi32>
    %or3A_1457 = arith.ori %or3A_1450, %select_n3A_1456 : vector<16x128xi32>
    %eq3A_1458 = arith.cmpi eq, %get3A_48, %get3A_1392 : vector<16x128xi32>
    %jit3A_1459 = arith.constant 512 : i32
    %jit3A_1460 = arith.constant 0 : i32
    %broadcast_in_dim3A_1461 = vector.broadcast %jit3A_1459 : i32 to vector<16x128xi32>
    %broadcast_in_dim3A_1462 = vector.broadcast %jit3A_1460 : i32 to vector<16x128xi32>
    %select_n3A_1463 = arith.select %eq3A_1458, %broadcast_in_dim3A_1461, %broadcast_in_dim3A_1462 : vector<16x128xi1>, vector<16x128xi32>
    %or3A_1464 = arith.ori %or3A_1457, %select_n3A_1463 : vector<16x128xi32>
    %eq3A_1465 = arith.cmpi eq, %get3A_53, %get3A_1392 : vector<16x128xi32>
    %jit3A_1466 = arith.constant 1024 : i32
    %jit3A_1467 = arith.constant 0 : i32
    %broadcast_in_dim3A_1468 = vector.broadcast %jit3A_1466 : i32 to vector<16x128xi32>
    %broadcast_in_dim3A_1469 = vector.broadcast %jit3A_1467 : i32 to vector<16x128xi32>
    %select_n3A_1470 = arith.select %eq3A_1465, %broadcast_in_dim3A_1468, %broadcast_in_dim3A_1469 : vector<16x128xi1>, vector<16x128xi32>
    %or3A_1471 = arith.ori %or3A_1464, %select_n3A_1470 : vector<16x128xi32>
    %eq3A_1472 = arith.cmpi eq, %get3A_58, %get3A_1392 : vector<16x128xi32>
    %jit3A_1473 = arith.constant 2048 : i32
    %jit3A_1474 = arith.constant 0 : i32
    %broadcast_in_dim3A_1475 = vector.broadcast %jit3A_1473 : i32 to vector<16x128xi32>
    %broadcast_in_dim3A_1476 = vector.broadcast %jit3A_1474 : i32 to vector<16x128xi32>
    %select_n3A_1477 = arith.select %eq3A_1472, %broadcast_in_dim3A_1475, %broadcast_in_dim3A_1476 : vector<16x128xi1>, vector<16x128xi32>
    %or3A_1478 = arith.ori %or3A_1471, %select_n3A_1477 : vector<16x128xi32>
    %eq3A_1479 = arith.cmpi eq, %get3A_63, %get3A_1392 : vector<16x128xi32>
    %jit3A_1480 = arith.constant 4096 : i32
    %jit3A_1481 = arith.constant 0 : i32
    %broadcast_in_dim3A_1482 = vector.broadcast %jit3A_1480 : i32 to vector<16x128xi32>
    %broadcast_in_dim3A_1483 = vector.broadcast %jit3A_1481 : i32 to vector<16x128xi32>
    %select_n3A_1484 = arith.select %eq3A_1479, %broadcast_in_dim3A_1482, %broadcast_in_dim3A_1483 : vector<16x128xi1>, vector<16x128xi32>
    %or3A_1485 = arith.ori %or3A_1478, %select_n3A_1484 : vector<16x128xi32>
    %eq3A_1486 = arith.cmpi eq, %get3A_68, %get3A_1392 : vector<16x128xi32>
    %jit3A_1487 = arith.constant 8192 : i32
    %jit3A_1488 = arith.constant 0 : i32
    %broadcast_in_dim3A_1489 = vector.broadcast %jit3A_1487 : i32 to vector<16x128xi32>
    %broadcast_in_dim3A_1490 = vector.broadcast %jit3A_1488 : i32 to vector<16x128xi32>
    %select_n3A_1491 = arith.select %eq3A_1486, %broadcast_in_dim3A_1489, %broadcast_in_dim3A_1490 : vector<16x128xi1>, vector<16x128xi32>
    %or3A_1492 = arith.ori %or3A_1485, %select_n3A_1491 : vector<16x128xi32>
    %eq3A_1493 = arith.cmpi eq, %get3A_73, %get3A_1392 : vector<16x128xi32>
    %jit3A_1494 = arith.constant 16384 : i32
    %jit3A_1495 = arith.constant 0 : i32
    %broadcast_in_dim3A_1496 = vector.broadcast %jit3A_1494 : i32 to vector<16x128xi32>
    %broadcast_in_dim3A_1497 = vector.broadcast %jit3A_1495 : i32 to vector<16x128xi32>
    %select_n3A_1498 = arith.select %eq3A_1493, %broadcast_in_dim3A_1496, %broadcast_in_dim3A_1497 : vector<16x128xi1>, vector<16x128xi32>
    %or3A_1499 = arith.ori %or3A_1492, %select_n3A_1498 : vector<16x128xi32>
    %eq3A_1500 = arith.cmpi eq, %get3A_78, %get3A_1392 : vector<16x128xi32>
    %jit3A_1501 = arith.constant 32768 : i32
    %jit3A_1502 = arith.constant 0 : i32
    %broadcast_in_dim3A_1503 = vector.broadcast %jit3A_1501 : i32 to vector<16x128xi32>
    %broadcast_in_dim3A_1504 = vector.broadcast %jit3A_1502 : i32 to vector<16x128xi32>
    %select_n3A_1505 = arith.select %eq3A_1500, %broadcast_in_dim3A_1503, %broadcast_in_dim3A_1504 : vector<16x128xi1>, vector<16x128xi32>
    %or3A_1506 = arith.ori %or3A_1499, %select_n3A_1505 : vector<16x128xi32>
    %eq3A_1507 = arith.cmpi eq, %get3A_83, %get3A_1392 : vector<16x128xi32>
    %jit3A_1508 = arith.constant 65536 : i32
    %jit3A_1509 = arith.constant 0 : i32
    %broadcast_in_dim3A_1510 = vector.broadcast %jit3A_1508 : i32 to vector<16x128xi32>
    %broadcast_in_dim3A_1511 = vector.broadcast %jit3A_1509 : i32 to vector<16x128xi32>
    %select_n3A_1512 = arith.select %eq3A_1507, %broadcast_in_dim3A_1510, %broadcast_in_dim3A_1511 : vector<16x128xi1>, vector<16x128xi32>
    %or3A_1513 = arith.ori %or3A_1506, %select_n3A_1512 : vector<16x128xi32>
    %eq3A_1514 = arith.cmpi eq, %get3A_88, %get3A_1392 : vector<16x128xi32>
    %jit3A_1515 = arith.constant 131072 : i32
    %jit3A_1516 = arith.constant 0 : i32
    %broadcast_in_dim3A_1517 = vector.broadcast %jit3A_1515 : i32 to vector<16x128xi32>
    %broadcast_in_dim3A_1518 = vector.broadcast %jit3A_1516 : i32 to vector<16x128xi32>
    %select_n3A_1519 = arith.select %eq3A_1514, %broadcast_in_dim3A_1517, %broadcast_in_dim3A_1518 : vector<16x128xi1>, vector<16x128xi32>
    %or3A_1520 = arith.ori %or3A_1513, %select_n3A_1519 : vector<16x128xi32>
    %eq3A_1521 = arith.cmpi eq, %get3A_93, %get3A_1392 : vector<16x128xi32>
    %jit3A_1522 = arith.constant 262144 : i32
    %jit3A_1523 = arith.constant 0 : i32
    %broadcast_in_dim3A_1524 = vector.broadcast %jit3A_1522 : i32 to vector<16x128xi32>
    %broadcast_in_dim3A_1525 = vector.broadcast %jit3A_1523 : i32 to vector<16x128xi32>
    %select_n3A_1526 = arith.select %eq3A_1521, %broadcast_in_dim3A_1524, %broadcast_in_dim3A_1525 : vector<16x128xi1>, vector<16x128xi32>
    %or3A_1527 = arith.ori %or3A_1520, %select_n3A_1526 : vector<16x128xi32>
    %eq3A_1528 = arith.cmpi eq, %get3A_98, %get3A_1392 : vector<16x128xi32>
    %jit3A_1529 = arith.constant 524288 : i32
    %jit3A_1530 = arith.constant 0 : i32
    %broadcast_in_dim3A_1531 = vector.broadcast %jit3A_1529 : i32 to vector<16x128xi32>
    %broadcast_in_dim3A_1532 = vector.broadcast %jit3A_1530 : i32 to vector<16x128xi32>
    %select_n3A_1533 = arith.select %eq3A_1528, %broadcast_in_dim3A_1531, %broadcast_in_dim3A_1532 : vector<16x128xi1>, vector<16x128xi32>
    %or3A_1534 = arith.ori %or3A_1527, %select_n3A_1533 : vector<16x128xi32>
    %or3A_1535 = arith.ori %or3A_1534, %and3A_1387 : vector<16x128xi32>
    %and3A_1536 = arith.andi %or3A_1534, %or3A_1386 : vector<16x128xi32>
    %add3A_1537 = arith.addi %and3A_1536, %or3A_1386 : vector<16x128xi32>
    %xor3A_1538 = arith.xori %add3A_1537, %or3A_1386 : vector<16x128xi32>
    %or3A_1539 = arith.ori %xor3A_1538, %or3A_1534 : vector<16x128xi32>
    %or3A_1540 = arith.ori %or3A_1539, %or3A_1386 : vector<16x128xi32>
    %not3A_1541 = arith.constant dense<-1> : vector<16x128xi32>
    %not3A_1542 = arith.xori %or3A_1540, %not3A_1541 : vector<16x128xi32>
    %or3A_1543 = arith.ori %and3A_1387, %not3A_1542 : vector<16x128xi32>
    %and3A_1544 = arith.andi %or3A_1386, %or3A_1539 : vector<16x128xi32>
    %shift_right_arithmetic3A_1545 = arith.constant 19 : i32
    %shift_right_arithmetic3A_1546 = vector.broadcast %shift_right_arithmetic3A_1545 : i32 to vector<16x128xi32>
    %shift_right_arithmetic3A_1547 = arith.shrsi %or3A_1543, %shift_right_arithmetic3A_1546 : vector<16x128xi32>
    %and3A_1548 = arith.constant 1 : i32
    %and3A_1549 = vector.broadcast %and3A_1548 : i32 to vector<16x128xi32>
    %and3A_1550 = arith.andi %shift_right_arithmetic3A_1547, %and3A_1549 : vector<16x128xi32>
    %add3A_1551 = arith.addi %sub3A_1373, %and3A_1550 : vector<16x128xi32>
    %shift_right_arithmetic3A_1552 = arith.constant 19 : i32
    %shift_right_arithmetic3A_1553 = vector.broadcast %shift_right_arithmetic3A_1552 : i32 to vector<16x128xi32>
    %shift_right_arithmetic3A_1554 = arith.shrsi %and3A_1544, %shift_right_arithmetic3A_1553 : vector<16x128xi32>
    %and3A_1555 = arith.constant 1 : i32
    %and3A_1556 = vector.broadcast %and3A_1555 : i32 to vector<16x128xi32>
    %and3A_1557 = arith.andi %shift_right_arithmetic3A_1554, %and3A_1556 : vector<16x128xi32>
    %sub3A_1558 = arith.subi %add3A_1551, %and3A_1557 : vector<16x128xi32>
    %shift_left3A_1559 = arith.constant 1 : i32
    %shift_left3A_1560 = vector.broadcast %shift_left3A_1559 : i32 to vector<16x128xi32>
    %shift_left3A_1561 = arith.shli %or3A_1543, %shift_left3A_1560 : vector<16x128xi32>
    %or3A_1562 = arith.constant 1 : i32
    %or3A_1563 = vector.broadcast %or3A_1562 : i32 to vector<16x128xi32>
    %or3A_1564 = arith.ori %shift_left3A_1561, %or3A_1563 : vector<16x128xi32>
    %shift_left3A_1565 = arith.constant 1 : i32
    %shift_left3A_1566 = vector.broadcast %shift_left3A_1565 : i32 to vector<16x128xi32>
    %shift_left3A_1567 = arith.shli %and3A_1544, %shift_left3A_1566 : vector<16x128xi32>
    %or3A_1568 = arith.ori %or3A_1535, %or3A_1564 : vector<16x128xi32>
    %not3A_1569 = arith.constant dense<-1> : vector<16x128xi32>
    %not3A_1570 = arith.xori %or3A_1568, %not3A_1569 : vector<16x128xi32>
    %or3A_1571 = arith.ori %shift_left3A_1567, %not3A_1570 : vector<16x128xi32>
    %and3A_1572 = arith.andi %or3A_1564, %or3A_1535 : vector<16x128xi32>
    %get3A_1573 = arith.constant 8 : index
    %get3A_1574 = arith.constant 0 : index
    %get3A_1575 = arith.constant 0 : index
    %get3A_1576 = vector.load %arg2[%get3A_1573, %get3A_1574, %get3A_1575] : memref<20x16x128xi32, #tpu.memory_space<vmem>>, vector<1x16x128xi32>
    %get3A_1577 = vector.shape_cast %get3A_1576 : vector<1x16x128xi32> to vector<16x128xi32>
    %broadcast_in_dim3A_1578 = arith.constant 0 : i32
    %broadcast_in_dim3A_1579 = vector.broadcast %broadcast_in_dim3A_1578 : i32 to vector<16x128xi32>
    %eq3A_1580 = arith.cmpi eq, %get3A_3, %get3A_1577 : vector<16x128xi32>
    %jit3A_1581 = arith.constant 1 : i32
    %jit3A_1582 = arith.constant 0 : i32
    %broadcast_in_dim3A_1583 = vector.broadcast %jit3A_1581 : i32 to vector<16x128xi32>
    %broadcast_in_dim3A_1584 = vector.broadcast %jit3A_1582 : i32 to vector<16x128xi32>
    %select_n3A_1585 = arith.select %eq3A_1580, %broadcast_in_dim3A_1583, %broadcast_in_dim3A_1584 : vector<16x128xi1>, vector<16x128xi32>
    %or3A_1586 = arith.ori %broadcast_in_dim3A_1579, %select_n3A_1585 : vector<16x128xi32>
    %eq3A_1587 = arith.cmpi eq, %get3A_8, %get3A_1577 : vector<16x128xi32>
    %jit3A_1588 = arith.constant 2 : i32
    %jit3A_1589 = arith.constant 0 : i32
    %broadcast_in_dim3A_1590 = vector.broadcast %jit3A_1588 : i32 to vector<16x128xi32>
    %broadcast_in_dim3A_1591 = vector.broadcast %jit3A_1589 : i32 to vector<16x128xi32>
    %select_n3A_1592 = arith.select %eq3A_1587, %broadcast_in_dim3A_1590, %broadcast_in_dim3A_1591 : vector<16x128xi1>, vector<16x128xi32>
    %or3A_1593 = arith.ori %or3A_1586, %select_n3A_1592 : vector<16x128xi32>
    %eq3A_1594 = arith.cmpi eq, %get3A_13, %get3A_1577 : vector<16x128xi32>
    %jit3A_1595 = arith.constant 4 : i32
    %jit3A_1596 = arith.constant 0 : i32
    %broadcast_in_dim3A_1597 = vector.broadcast %jit3A_1595 : i32 to vector<16x128xi32>
    %broadcast_in_dim3A_1598 = vector.broadcast %jit3A_1596 : i32 to vector<16x128xi32>
    %select_n3A_1599 = arith.select %eq3A_1594, %broadcast_in_dim3A_1597, %broadcast_in_dim3A_1598 : vector<16x128xi1>, vector<16x128xi32>
    %or3A_1600 = arith.ori %or3A_1593, %select_n3A_1599 : vector<16x128xi32>
    %eq3A_1601 = arith.cmpi eq, %get3A_18, %get3A_1577 : vector<16x128xi32>
    %jit3A_1602 = arith.constant 8 : i32
    %jit3A_1603 = arith.constant 0 : i32
    %broadcast_in_dim3A_1604 = vector.broadcast %jit3A_1602 : i32 to vector<16x128xi32>
    %broadcast_in_dim3A_1605 = vector.broadcast %jit3A_1603 : i32 to vector<16x128xi32>
    %select_n3A_1606 = arith.select %eq3A_1601, %broadcast_in_dim3A_1604, %broadcast_in_dim3A_1605 : vector<16x128xi1>, vector<16x128xi32>
    %or3A_1607 = arith.ori %or3A_1600, %select_n3A_1606 : vector<16x128xi32>
    %eq3A_1608 = arith.cmpi eq, %get3A_23, %get3A_1577 : vector<16x128xi32>
    %jit3A_1609 = arith.constant 16 : i32
    %jit3A_1610 = arith.constant 0 : i32
    %broadcast_in_dim3A_1611 = vector.broadcast %jit3A_1609 : i32 to vector<16x128xi32>
    %broadcast_in_dim3A_1612 = vector.broadcast %jit3A_1610 : i32 to vector<16x128xi32>
    %select_n3A_1613 = arith.select %eq3A_1608, %broadcast_in_dim3A_1611, %broadcast_in_dim3A_1612 : vector<16x128xi1>, vector<16x128xi32>
    %or3A_1614 = arith.ori %or3A_1607, %select_n3A_1613 : vector<16x128xi32>
    %eq3A_1615 = arith.cmpi eq, %get3A_28, %get3A_1577 : vector<16x128xi32>
    %jit3A_1616 = arith.constant 32 : i32
    %jit3A_1617 = arith.constant 0 : i32
    %broadcast_in_dim3A_1618 = vector.broadcast %jit3A_1616 : i32 to vector<16x128xi32>
    %broadcast_in_dim3A_1619 = vector.broadcast %jit3A_1617 : i32 to vector<16x128xi32>
    %select_n3A_1620 = arith.select %eq3A_1615, %broadcast_in_dim3A_1618, %broadcast_in_dim3A_1619 : vector<16x128xi1>, vector<16x128xi32>
    %or3A_1621 = arith.ori %or3A_1614, %select_n3A_1620 : vector<16x128xi32>
    %eq3A_1622 = arith.cmpi eq, %get3A_33, %get3A_1577 : vector<16x128xi32>
    %jit3A_1623 = arith.constant 64 : i32
    %jit3A_1624 = arith.constant 0 : i32
    %broadcast_in_dim3A_1625 = vector.broadcast %jit3A_1623 : i32 to vector<16x128xi32>
    %broadcast_in_dim3A_1626 = vector.broadcast %jit3A_1624 : i32 to vector<16x128xi32>
    %select_n3A_1627 = arith.select %eq3A_1622, %broadcast_in_dim3A_1625, %broadcast_in_dim3A_1626 : vector<16x128xi1>, vector<16x128xi32>
    %or3A_1628 = arith.ori %or3A_1621, %select_n3A_1627 : vector<16x128xi32>
    %eq3A_1629 = arith.cmpi eq, %get3A_38, %get3A_1577 : vector<16x128xi32>
    %jit3A_1630 = arith.constant 128 : i32
    %jit3A_1631 = arith.constant 0 : i32
    %broadcast_in_dim3A_1632 = vector.broadcast %jit3A_1630 : i32 to vector<16x128xi32>
    %broadcast_in_dim3A_1633 = vector.broadcast %jit3A_1631 : i32 to vector<16x128xi32>
    %select_n3A_1634 = arith.select %eq3A_1629, %broadcast_in_dim3A_1632, %broadcast_in_dim3A_1633 : vector<16x128xi1>, vector<16x128xi32>
    %or3A_1635 = arith.ori %or3A_1628, %select_n3A_1634 : vector<16x128xi32>
    %eq3A_1636 = arith.cmpi eq, %get3A_43, %get3A_1577 : vector<16x128xi32>
    %jit3A_1637 = arith.constant 256 : i32
    %jit3A_1638 = arith.constant 0 : i32
    %broadcast_in_dim3A_1639 = vector.broadcast %jit3A_1637 : i32 to vector<16x128xi32>
    %broadcast_in_dim3A_1640 = vector.broadcast %jit3A_1638 : i32 to vector<16x128xi32>
    %select_n3A_1641 = arith.select %eq3A_1636, %broadcast_in_dim3A_1639, %broadcast_in_dim3A_1640 : vector<16x128xi1>, vector<16x128xi32>
    %or3A_1642 = arith.ori %or3A_1635, %select_n3A_1641 : vector<16x128xi32>
    %eq3A_1643 = arith.cmpi eq, %get3A_48, %get3A_1577 : vector<16x128xi32>
    %jit3A_1644 = arith.constant 512 : i32
    %jit3A_1645 = arith.constant 0 : i32
    %broadcast_in_dim3A_1646 = vector.broadcast %jit3A_1644 : i32 to vector<16x128xi32>
    %broadcast_in_dim3A_1647 = vector.broadcast %jit3A_1645 : i32 to vector<16x128xi32>
    %select_n3A_1648 = arith.select %eq3A_1643, %broadcast_in_dim3A_1646, %broadcast_in_dim3A_1647 : vector<16x128xi1>, vector<16x128xi32>
    %or3A_1649 = arith.ori %or3A_1642, %select_n3A_1648 : vector<16x128xi32>
    %eq3A_1650 = arith.cmpi eq, %get3A_53, %get3A_1577 : vector<16x128xi32>
    %jit3A_1651 = arith.constant 1024 : i32
    %jit3A_1652 = arith.constant 0 : i32
    %broadcast_in_dim3A_1653 = vector.broadcast %jit3A_1651 : i32 to vector<16x128xi32>
    %broadcast_in_dim3A_1654 = vector.broadcast %jit3A_1652 : i32 to vector<16x128xi32>
    %select_n3A_1655 = arith.select %eq3A_1650, %broadcast_in_dim3A_1653, %broadcast_in_dim3A_1654 : vector<16x128xi1>, vector<16x128xi32>
    %or3A_1656 = arith.ori %or3A_1649, %select_n3A_1655 : vector<16x128xi32>
    %eq3A_1657 = arith.cmpi eq, %get3A_58, %get3A_1577 : vector<16x128xi32>
    %jit3A_1658 = arith.constant 2048 : i32
    %jit3A_1659 = arith.constant 0 : i32
    %broadcast_in_dim3A_1660 = vector.broadcast %jit3A_1658 : i32 to vector<16x128xi32>
    %broadcast_in_dim3A_1661 = vector.broadcast %jit3A_1659 : i32 to vector<16x128xi32>
    %select_n3A_1662 = arith.select %eq3A_1657, %broadcast_in_dim3A_1660, %broadcast_in_dim3A_1661 : vector<16x128xi1>, vector<16x128xi32>
    %or3A_1663 = arith.ori %or3A_1656, %select_n3A_1662 : vector<16x128xi32>
    %eq3A_1664 = arith.cmpi eq, %get3A_63, %get3A_1577 : vector<16x128xi32>
    %jit3A_1665 = arith.constant 4096 : i32
    %jit3A_1666 = arith.constant 0 : i32
    %broadcast_in_dim3A_1667 = vector.broadcast %jit3A_1665 : i32 to vector<16x128xi32>
    %broadcast_in_dim3A_1668 = vector.broadcast %jit3A_1666 : i32 to vector<16x128xi32>
    %select_n3A_1669 = arith.select %eq3A_1664, %broadcast_in_dim3A_1667, %broadcast_in_dim3A_1668 : vector<16x128xi1>, vector<16x128xi32>
    %or3A_1670 = arith.ori %or3A_1663, %select_n3A_1669 : vector<16x128xi32>
    %eq3A_1671 = arith.cmpi eq, %get3A_68, %get3A_1577 : vector<16x128xi32>
    %jit3A_1672 = arith.constant 8192 : i32
    %jit3A_1673 = arith.constant 0 : i32
    %broadcast_in_dim3A_1674 = vector.broadcast %jit3A_1672 : i32 to vector<16x128xi32>
    %broadcast_in_dim3A_1675 = vector.broadcast %jit3A_1673 : i32 to vector<16x128xi32>
    %select_n3A_1676 = arith.select %eq3A_1671, %broadcast_in_dim3A_1674, %broadcast_in_dim3A_1675 : vector<16x128xi1>, vector<16x128xi32>
    %or3A_1677 = arith.ori %or3A_1670, %select_n3A_1676 : vector<16x128xi32>
    %eq3A_1678 = arith.cmpi eq, %get3A_73, %get3A_1577 : vector<16x128xi32>
    %jit3A_1679 = arith.constant 16384 : i32
    %jit3A_1680 = arith.constant 0 : i32
    %broadcast_in_dim3A_1681 = vector.broadcast %jit3A_1679 : i32 to vector<16x128xi32>
    %broadcast_in_dim3A_1682 = vector.broadcast %jit3A_1680 : i32 to vector<16x128xi32>
    %select_n3A_1683 = arith.select %eq3A_1678, %broadcast_in_dim3A_1681, %broadcast_in_dim3A_1682 : vector<16x128xi1>, vector<16x128xi32>
    %or3A_1684 = arith.ori %or3A_1677, %select_n3A_1683 : vector<16x128xi32>
    %eq3A_1685 = arith.cmpi eq, %get3A_78, %get3A_1577 : vector<16x128xi32>
    %jit3A_1686 = arith.constant 32768 : i32
    %jit3A_1687 = arith.constant 0 : i32
    %broadcast_in_dim3A_1688 = vector.broadcast %jit3A_1686 : i32 to vector<16x128xi32>
    %broadcast_in_dim3A_1689 = vector.broadcast %jit3A_1687 : i32 to vector<16x128xi32>
    %select_n3A_1690 = arith.select %eq3A_1685, %broadcast_in_dim3A_1688, %broadcast_in_dim3A_1689 : vector<16x128xi1>, vector<16x128xi32>
    %or3A_1691 = arith.ori %or3A_1684, %select_n3A_1690 : vector<16x128xi32>
    %eq3A_1692 = arith.cmpi eq, %get3A_83, %get3A_1577 : vector<16x128xi32>
    %jit3A_1693 = arith.constant 65536 : i32
    %jit3A_1694 = arith.constant 0 : i32
    %broadcast_in_dim3A_1695 = vector.broadcast %jit3A_1693 : i32 to vector<16x128xi32>
    %broadcast_in_dim3A_1696 = vector.broadcast %jit3A_1694 : i32 to vector<16x128xi32>
    %select_n3A_1697 = arith.select %eq3A_1692, %broadcast_in_dim3A_1695, %broadcast_in_dim3A_1696 : vector<16x128xi1>, vector<16x128xi32>
    %or3A_1698 = arith.ori %or3A_1691, %select_n3A_1697 : vector<16x128xi32>
    %eq3A_1699 = arith.cmpi eq, %get3A_88, %get3A_1577 : vector<16x128xi32>
    %jit3A_1700 = arith.constant 131072 : i32
    %jit3A_1701 = arith.constant 0 : i32
    %broadcast_in_dim3A_1702 = vector.broadcast %jit3A_1700 : i32 to vector<16x128xi32>
    %broadcast_in_dim3A_1703 = vector.broadcast %jit3A_1701 : i32 to vector<16x128xi32>
    %select_n3A_1704 = arith.select %eq3A_1699, %broadcast_in_dim3A_1702, %broadcast_in_dim3A_1703 : vector<16x128xi1>, vector<16x128xi32>
    %or3A_1705 = arith.ori %or3A_1698, %select_n3A_1704 : vector<16x128xi32>
    %eq3A_1706 = arith.cmpi eq, %get3A_93, %get3A_1577 : vector<16x128xi32>
    %jit3A_1707 = arith.constant 262144 : i32
    %jit3A_1708 = arith.constant 0 : i32
    %broadcast_in_dim3A_1709 = vector.broadcast %jit3A_1707 : i32 to vector<16x128xi32>
    %broadcast_in_dim3A_1710 = vector.broadcast %jit3A_1708 : i32 to vector<16x128xi32>
    %select_n3A_1711 = arith.select %eq3A_1706, %broadcast_in_dim3A_1709, %broadcast_in_dim3A_1710 : vector<16x128xi1>, vector<16x128xi32>
    %or3A_1712 = arith.ori %or3A_1705, %select_n3A_1711 : vector<16x128xi32>
    %eq3A_1713 = arith.cmpi eq, %get3A_98, %get3A_1577 : vector<16x128xi32>
    %jit3A_1714 = arith.constant 524288 : i32
    %jit3A_1715 = arith.constant 0 : i32
    %broadcast_in_dim3A_1716 = vector.broadcast %jit3A_1714 : i32 to vector<16x128xi32>
    %broadcast_in_dim3A_1717 = vector.broadcast %jit3A_1715 : i32 to vector<16x128xi32>
    %select_n3A_1718 = arith.select %eq3A_1713, %broadcast_in_dim3A_1716, %broadcast_in_dim3A_1717 : vector<16x128xi1>, vector<16x128xi32>
    %or3A_1719 = arith.ori %or3A_1712, %select_n3A_1718 : vector<16x128xi32>
    %or3A_1720 = arith.ori %or3A_1719, %and3A_1572 : vector<16x128xi32>
    %and3A_1721 = arith.andi %or3A_1719, %or3A_1571 : vector<16x128xi32>
    %add3A_1722 = arith.addi %and3A_1721, %or3A_1571 : vector<16x128xi32>
    %xor3A_1723 = arith.xori %add3A_1722, %or3A_1571 : vector<16x128xi32>
    %or3A_1724 = arith.ori %xor3A_1723, %or3A_1719 : vector<16x128xi32>
    %or3A_1725 = arith.ori %or3A_1724, %or3A_1571 : vector<16x128xi32>
    %not3A_1726 = arith.constant dense<-1> : vector<16x128xi32>
    %not3A_1727 = arith.xori %or3A_1725, %not3A_1726 : vector<16x128xi32>
    %or3A_1728 = arith.ori %and3A_1572, %not3A_1727 : vector<16x128xi32>
    %and3A_1729 = arith.andi %or3A_1571, %or3A_1724 : vector<16x128xi32>
    %shift_right_arithmetic3A_1730 = arith.constant 19 : i32
    %shift_right_arithmetic3A_1731 = vector.broadcast %shift_right_arithmetic3A_1730 : i32 to vector<16x128xi32>
    %shift_right_arithmetic3A_1732 = arith.shrsi %or3A_1728, %shift_right_arithmetic3A_1731 : vector<16x128xi32>
    %and3A_1733 = arith.constant 1 : i32
    %and3A_1734 = vector.broadcast %and3A_1733 : i32 to vector<16x128xi32>
    %and3A_1735 = arith.andi %shift_right_arithmetic3A_1732, %and3A_1734 : vector<16x128xi32>
    %add3A_1736 = arith.addi %sub3A_1558, %and3A_1735 : vector<16x128xi32>
    %shift_right_arithmetic3A_1737 = arith.constant 19 : i32
    %shift_right_arithmetic3A_1738 = vector.broadcast %shift_right_arithmetic3A_1737 : i32 to vector<16x128xi32>
    %shift_right_arithmetic3A_1739 = arith.shrsi %and3A_1729, %shift_right_arithmetic3A_1738 : vector<16x128xi32>
    %and3A_1740 = arith.constant 1 : i32
    %and3A_1741 = vector.broadcast %and3A_1740 : i32 to vector<16x128xi32>
    %and3A_1742 = arith.andi %shift_right_arithmetic3A_1739, %and3A_1741 : vector<16x128xi32>
    %sub3A_1743 = arith.subi %add3A_1736, %and3A_1742 : vector<16x128xi32>
    %shift_left3A_1744 = arith.constant 1 : i32
    %shift_left3A_1745 = vector.broadcast %shift_left3A_1744 : i32 to vector<16x128xi32>
    %shift_left3A_1746 = arith.shli %or3A_1728, %shift_left3A_1745 : vector<16x128xi32>
    %or3A_1747 = arith.constant 1 : i32
    %or3A_1748 = vector.broadcast %or3A_1747 : i32 to vector<16x128xi32>
    %or3A_1749 = arith.ori %shift_left3A_1746, %or3A_1748 : vector<16x128xi32>
    %shift_left3A_1750 = arith.constant 1 : i32
    %shift_left3A_1751 = vector.broadcast %shift_left3A_1750 : i32 to vector<16x128xi32>
    %shift_left3A_1752 = arith.shli %and3A_1729, %shift_left3A_1751 : vector<16x128xi32>
    %or3A_1753 = arith.ori %or3A_1720, %or3A_1749 : vector<16x128xi32>
    %not3A_1754 = arith.constant dense<-1> : vector<16x128xi32>
    %not3A_1755 = arith.xori %or3A_1753, %not3A_1754 : vector<16x128xi32>
    %or3A_1756 = arith.ori %shift_left3A_1752, %not3A_1755 : vector<16x128xi32>
    %and3A_1757 = arith.andi %or3A_1749, %or3A_1720 : vector<16x128xi32>
    %get3A_1758 = arith.constant 9 : index
    %get3A_1759 = arith.constant 0 : index
    %get3A_1760 = arith.constant 0 : index
    %get3A_1761 = vector.load %arg2[%get3A_1758, %get3A_1759, %get3A_1760] : memref<20x16x128xi32, #tpu.memory_space<vmem>>, vector<1x16x128xi32>
    %get3A_1762 = vector.shape_cast %get3A_1761 : vector<1x16x128xi32> to vector<16x128xi32>
    %broadcast_in_dim3A_1763 = arith.constant 0 : i32
    %broadcast_in_dim3A_1764 = vector.broadcast %broadcast_in_dim3A_1763 : i32 to vector<16x128xi32>
    %eq3A_1765 = arith.cmpi eq, %get3A_3, %get3A_1762 : vector<16x128xi32>
    %jit3A_1766 = arith.constant 1 : i32
    %jit3A_1767 = arith.constant 0 : i32
    %broadcast_in_dim3A_1768 = vector.broadcast %jit3A_1766 : i32 to vector<16x128xi32>
    %broadcast_in_dim3A_1769 = vector.broadcast %jit3A_1767 : i32 to vector<16x128xi32>
    %select_n3A_1770 = arith.select %eq3A_1765, %broadcast_in_dim3A_1768, %broadcast_in_dim3A_1769 : vector<16x128xi1>, vector<16x128xi32>
    %or3A_1771 = arith.ori %broadcast_in_dim3A_1764, %select_n3A_1770 : vector<16x128xi32>
    %eq3A_1772 = arith.cmpi eq, %get3A_8, %get3A_1762 : vector<16x128xi32>
    %jit3A_1773 = arith.constant 2 : i32
    %jit3A_1774 = arith.constant 0 : i32
    %broadcast_in_dim3A_1775 = vector.broadcast %jit3A_1773 : i32 to vector<16x128xi32>
    %broadcast_in_dim3A_1776 = vector.broadcast %jit3A_1774 : i32 to vector<16x128xi32>
    %select_n3A_1777 = arith.select %eq3A_1772, %broadcast_in_dim3A_1775, %broadcast_in_dim3A_1776 : vector<16x128xi1>, vector<16x128xi32>
    %or3A_1778 = arith.ori %or3A_1771, %select_n3A_1777 : vector<16x128xi32>
    %eq3A_1779 = arith.cmpi eq, %get3A_13, %get3A_1762 : vector<16x128xi32>
    %jit3A_1780 = arith.constant 4 : i32
    %jit3A_1781 = arith.constant 0 : i32
    %broadcast_in_dim3A_1782 = vector.broadcast %jit3A_1780 : i32 to vector<16x128xi32>
    %broadcast_in_dim3A_1783 = vector.broadcast %jit3A_1781 : i32 to vector<16x128xi32>
    %select_n3A_1784 = arith.select %eq3A_1779, %broadcast_in_dim3A_1782, %broadcast_in_dim3A_1783 : vector<16x128xi1>, vector<16x128xi32>
    %or3A_1785 = arith.ori %or3A_1778, %select_n3A_1784 : vector<16x128xi32>
    %eq3A_1786 = arith.cmpi eq, %get3A_18, %get3A_1762 : vector<16x128xi32>
    %jit3A_1787 = arith.constant 8 : i32
    %jit3A_1788 = arith.constant 0 : i32
    %broadcast_in_dim3A_1789 = vector.broadcast %jit3A_1787 : i32 to vector<16x128xi32>
    %broadcast_in_dim3A_1790 = vector.broadcast %jit3A_1788 : i32 to vector<16x128xi32>
    %select_n3A_1791 = arith.select %eq3A_1786, %broadcast_in_dim3A_1789, %broadcast_in_dim3A_1790 : vector<16x128xi1>, vector<16x128xi32>
    %or3A_1792 = arith.ori %or3A_1785, %select_n3A_1791 : vector<16x128xi32>
    %eq3A_1793 = arith.cmpi eq, %get3A_23, %get3A_1762 : vector<16x128xi32>
    %jit3A_1794 = arith.constant 16 : i32
    %jit3A_1795 = arith.constant 0 : i32
    %broadcast_in_dim3A_1796 = vector.broadcast %jit3A_1794 : i32 to vector<16x128xi32>
    %broadcast_in_dim3A_1797 = vector.broadcast %jit3A_1795 : i32 to vector<16x128xi32>
    %select_n3A_1798 = arith.select %eq3A_1793, %broadcast_in_dim3A_1796, %broadcast_in_dim3A_1797 : vector<16x128xi1>, vector<16x128xi32>
    %or3A_1799 = arith.ori %or3A_1792, %select_n3A_1798 : vector<16x128xi32>
    %eq3A_1800 = arith.cmpi eq, %get3A_28, %get3A_1762 : vector<16x128xi32>
    %jit3A_1801 = arith.constant 32 : i32
    %jit3A_1802 = arith.constant 0 : i32
    %broadcast_in_dim3A_1803 = vector.broadcast %jit3A_1801 : i32 to vector<16x128xi32>
    %broadcast_in_dim3A_1804 = vector.broadcast %jit3A_1802 : i32 to vector<16x128xi32>
    %select_n3A_1805 = arith.select %eq3A_1800, %broadcast_in_dim3A_1803, %broadcast_in_dim3A_1804 : vector<16x128xi1>, vector<16x128xi32>
    %or3A_1806 = arith.ori %or3A_1799, %select_n3A_1805 : vector<16x128xi32>
    %eq3A_1807 = arith.cmpi eq, %get3A_33, %get3A_1762 : vector<16x128xi32>
    %jit3A_1808 = arith.constant 64 : i32
    %jit3A_1809 = arith.constant 0 : i32
    %broadcast_in_dim3A_1810 = vector.broadcast %jit3A_1808 : i32 to vector<16x128xi32>
    %broadcast_in_dim3A_1811 = vector.broadcast %jit3A_1809 : i32 to vector<16x128xi32>
    %select_n3A_1812 = arith.select %eq3A_1807, %broadcast_in_dim3A_1810, %broadcast_in_dim3A_1811 : vector<16x128xi1>, vector<16x128xi32>
    %or3A_1813 = arith.ori %or3A_1806, %select_n3A_1812 : vector<16x128xi32>
    %eq3A_1814 = arith.cmpi eq, %get3A_38, %get3A_1762 : vector<16x128xi32>
    %jit3A_1815 = arith.constant 128 : i32
    %jit3A_1816 = arith.constant 0 : i32
    %broadcast_in_dim3A_1817 = vector.broadcast %jit3A_1815 : i32 to vector<16x128xi32>
    %broadcast_in_dim3A_1818 = vector.broadcast %jit3A_1816 : i32 to vector<16x128xi32>
    %select_n3A_1819 = arith.select %eq3A_1814, %broadcast_in_dim3A_1817, %broadcast_in_dim3A_1818 : vector<16x128xi1>, vector<16x128xi32>
    %or3A_1820 = arith.ori %or3A_1813, %select_n3A_1819 : vector<16x128xi32>
    %eq3A_1821 = arith.cmpi eq, %get3A_43, %get3A_1762 : vector<16x128xi32>
    %jit3A_1822 = arith.constant 256 : i32
    %jit3A_1823 = arith.constant 0 : i32
    %broadcast_in_dim3A_1824 = vector.broadcast %jit3A_1822 : i32 to vector<16x128xi32>
    %broadcast_in_dim3A_1825 = vector.broadcast %jit3A_1823 : i32 to vector<16x128xi32>
    %select_n3A_1826 = arith.select %eq3A_1821, %broadcast_in_dim3A_1824, %broadcast_in_dim3A_1825 : vector<16x128xi1>, vector<16x128xi32>
    %or3A_1827 = arith.ori %or3A_1820, %select_n3A_1826 : vector<16x128xi32>
    %eq3A_1828 = arith.cmpi eq, %get3A_48, %get3A_1762 : vector<16x128xi32>
    %jit3A_1829 = arith.constant 512 : i32
    %jit3A_1830 = arith.constant 0 : i32
    %broadcast_in_dim3A_1831 = vector.broadcast %jit3A_1829 : i32 to vector<16x128xi32>
    %broadcast_in_dim3A_1832 = vector.broadcast %jit3A_1830 : i32 to vector<16x128xi32>
    %select_n3A_1833 = arith.select %eq3A_1828, %broadcast_in_dim3A_1831, %broadcast_in_dim3A_1832 : vector<16x128xi1>, vector<16x128xi32>
    %or3A_1834 = arith.ori %or3A_1827, %select_n3A_1833 : vector<16x128xi32>
    %eq3A_1835 = arith.cmpi eq, %get3A_53, %get3A_1762 : vector<16x128xi32>
    %jit3A_1836 = arith.constant 1024 : i32
    %jit3A_1837 = arith.constant 0 : i32
    %broadcast_in_dim3A_1838 = vector.broadcast %jit3A_1836 : i32 to vector<16x128xi32>
    %broadcast_in_dim3A_1839 = vector.broadcast %jit3A_1837 : i32 to vector<16x128xi32>
    %select_n3A_1840 = arith.select %eq3A_1835, %broadcast_in_dim3A_1838, %broadcast_in_dim3A_1839 : vector<16x128xi1>, vector<16x128xi32>
    %or3A_1841 = arith.ori %or3A_1834, %select_n3A_1840 : vector<16x128xi32>
    %eq3A_1842 = arith.cmpi eq, %get3A_58, %get3A_1762 : vector<16x128xi32>
    %jit3A_1843 = arith.constant 2048 : i32
    %jit3A_1844 = arith.constant 0 : i32
    %broadcast_in_dim3A_1845 = vector.broadcast %jit3A_1843 : i32 to vector<16x128xi32>
    %broadcast_in_dim3A_1846 = vector.broadcast %jit3A_1844 : i32 to vector<16x128xi32>
    %select_n3A_1847 = arith.select %eq3A_1842, %broadcast_in_dim3A_1845, %broadcast_in_dim3A_1846 : vector<16x128xi1>, vector<16x128xi32>
    %or3A_1848 = arith.ori %or3A_1841, %select_n3A_1847 : vector<16x128xi32>
    %eq3A_1849 = arith.cmpi eq, %get3A_63, %get3A_1762 : vector<16x128xi32>
    %jit3A_1850 = arith.constant 4096 : i32
    %jit3A_1851 = arith.constant 0 : i32
    %broadcast_in_dim3A_1852 = vector.broadcast %jit3A_1850 : i32 to vector<16x128xi32>
    %broadcast_in_dim3A_1853 = vector.broadcast %jit3A_1851 : i32 to vector<16x128xi32>
    %select_n3A_1854 = arith.select %eq3A_1849, %broadcast_in_dim3A_1852, %broadcast_in_dim3A_1853 : vector<16x128xi1>, vector<16x128xi32>
    %or3A_1855 = arith.ori %or3A_1848, %select_n3A_1854 : vector<16x128xi32>
    %eq3A_1856 = arith.cmpi eq, %get3A_68, %get3A_1762 : vector<16x128xi32>
    %jit3A_1857 = arith.constant 8192 : i32
    %jit3A_1858 = arith.constant 0 : i32
    %broadcast_in_dim3A_1859 = vector.broadcast %jit3A_1857 : i32 to vector<16x128xi32>
    %broadcast_in_dim3A_1860 = vector.broadcast %jit3A_1858 : i32 to vector<16x128xi32>
    %select_n3A_1861 = arith.select %eq3A_1856, %broadcast_in_dim3A_1859, %broadcast_in_dim3A_1860 : vector<16x128xi1>, vector<16x128xi32>
    %or3A_1862 = arith.ori %or3A_1855, %select_n3A_1861 : vector<16x128xi32>
    %eq3A_1863 = arith.cmpi eq, %get3A_73, %get3A_1762 : vector<16x128xi32>
    %jit3A_1864 = arith.constant 16384 : i32
    %jit3A_1865 = arith.constant 0 : i32
    %broadcast_in_dim3A_1866 = vector.broadcast %jit3A_1864 : i32 to vector<16x128xi32>
    %broadcast_in_dim3A_1867 = vector.broadcast %jit3A_1865 : i32 to vector<16x128xi32>
    %select_n3A_1868 = arith.select %eq3A_1863, %broadcast_in_dim3A_1866, %broadcast_in_dim3A_1867 : vector<16x128xi1>, vector<16x128xi32>
    %or3A_1869 = arith.ori %or3A_1862, %select_n3A_1868 : vector<16x128xi32>
    %eq3A_1870 = arith.cmpi eq, %get3A_78, %get3A_1762 : vector<16x128xi32>
    %jit3A_1871 = arith.constant 32768 : i32
    %jit3A_1872 = arith.constant 0 : i32
    %broadcast_in_dim3A_1873 = vector.broadcast %jit3A_1871 : i32 to vector<16x128xi32>
    %broadcast_in_dim3A_1874 = vector.broadcast %jit3A_1872 : i32 to vector<16x128xi32>
    %select_n3A_1875 = arith.select %eq3A_1870, %broadcast_in_dim3A_1873, %broadcast_in_dim3A_1874 : vector<16x128xi1>, vector<16x128xi32>
    %or3A_1876 = arith.ori %or3A_1869, %select_n3A_1875 : vector<16x128xi32>
    %eq3A_1877 = arith.cmpi eq, %get3A_83, %get3A_1762 : vector<16x128xi32>
    %jit3A_1878 = arith.constant 65536 : i32
    %jit3A_1879 = arith.constant 0 : i32
    %broadcast_in_dim3A_1880 = vector.broadcast %jit3A_1878 : i32 to vector<16x128xi32>
    %broadcast_in_dim3A_1881 = vector.broadcast %jit3A_1879 : i32 to vector<16x128xi32>
    %select_n3A_1882 = arith.select %eq3A_1877, %broadcast_in_dim3A_1880, %broadcast_in_dim3A_1881 : vector<16x128xi1>, vector<16x128xi32>
    %or3A_1883 = arith.ori %or3A_1876, %select_n3A_1882 : vector<16x128xi32>
    %eq3A_1884 = arith.cmpi eq, %get3A_88, %get3A_1762 : vector<16x128xi32>
    %jit3A_1885 = arith.constant 131072 : i32
    %jit3A_1886 = arith.constant 0 : i32
    %broadcast_in_dim3A_1887 = vector.broadcast %jit3A_1885 : i32 to vector<16x128xi32>
    %broadcast_in_dim3A_1888 = vector.broadcast %jit3A_1886 : i32 to vector<16x128xi32>
    %select_n3A_1889 = arith.select %eq3A_1884, %broadcast_in_dim3A_1887, %broadcast_in_dim3A_1888 : vector<16x128xi1>, vector<16x128xi32>
    %or3A_1890 = arith.ori %or3A_1883, %select_n3A_1889 : vector<16x128xi32>
    %eq3A_1891 = arith.cmpi eq, %get3A_93, %get3A_1762 : vector<16x128xi32>
    %jit3A_1892 = arith.constant 262144 : i32
    %jit3A_1893 = arith.constant 0 : i32
    %broadcast_in_dim3A_1894 = vector.broadcast %jit3A_1892 : i32 to vector<16x128xi32>
    %broadcast_in_dim3A_1895 = vector.broadcast %jit3A_1893 : i32 to vector<16x128xi32>
    %select_n3A_1896 = arith.select %eq3A_1891, %broadcast_in_dim3A_1894, %broadcast_in_dim3A_1895 : vector<16x128xi1>, vector<16x128xi32>
    %or3A_1897 = arith.ori %or3A_1890, %select_n3A_1896 : vector<16x128xi32>
    %eq3A_1898 = arith.cmpi eq, %get3A_98, %get3A_1762 : vector<16x128xi32>
    %jit3A_1899 = arith.constant 524288 : i32
    %jit3A_1900 = arith.constant 0 : i32
    %broadcast_in_dim3A_1901 = vector.broadcast %jit3A_1899 : i32 to vector<16x128xi32>
    %broadcast_in_dim3A_1902 = vector.broadcast %jit3A_1900 : i32 to vector<16x128xi32>
    %select_n3A_1903 = arith.select %eq3A_1898, %broadcast_in_dim3A_1901, %broadcast_in_dim3A_1902 : vector<16x128xi1>, vector<16x128xi32>
    %or3A_1904 = arith.ori %or3A_1897, %select_n3A_1903 : vector<16x128xi32>
    %or3A_1905 = arith.ori %or3A_1904, %and3A_1757 : vector<16x128xi32>
    %and3A_1906 = arith.andi %or3A_1904, %or3A_1756 : vector<16x128xi32>
    %add3A_1907 = arith.addi %and3A_1906, %or3A_1756 : vector<16x128xi32>
    %xor3A_1908 = arith.xori %add3A_1907, %or3A_1756 : vector<16x128xi32>
    %or3A_1909 = arith.ori %xor3A_1908, %or3A_1904 : vector<16x128xi32>
    %or3A_1910 = arith.ori %or3A_1909, %or3A_1756 : vector<16x128xi32>
    %not3A_1911 = arith.constant dense<-1> : vector<16x128xi32>
    %not3A_1912 = arith.xori %or3A_1910, %not3A_1911 : vector<16x128xi32>
    %or3A_1913 = arith.ori %and3A_1757, %not3A_1912 : vector<16x128xi32>
    %and3A_1914 = arith.andi %or3A_1756, %or3A_1909 : vector<16x128xi32>
    %shift_right_arithmetic3A_1915 = arith.constant 19 : i32
    %shift_right_arithmetic3A_1916 = vector.broadcast %shift_right_arithmetic3A_1915 : i32 to vector<16x128xi32>
    %shift_right_arithmetic3A_1917 = arith.shrsi %or3A_1913, %shift_right_arithmetic3A_1916 : vector<16x128xi32>
    %and3A_1918 = arith.constant 1 : i32
    %and3A_1919 = vector.broadcast %and3A_1918 : i32 to vector<16x128xi32>
    %and3A_1920 = arith.andi %shift_right_arithmetic3A_1917, %and3A_1919 : vector<16x128xi32>
    %add3A_1921 = arith.addi %sub3A_1743, %and3A_1920 : vector<16x128xi32>
    %shift_right_arithmetic3A_1922 = arith.constant 19 : i32
    %shift_right_arithmetic3A_1923 = vector.broadcast %shift_right_arithmetic3A_1922 : i32 to vector<16x128xi32>
    %shift_right_arithmetic3A_1924 = arith.shrsi %and3A_1914, %shift_right_arithmetic3A_1923 : vector<16x128xi32>
    %and3A_1925 = arith.constant 1 : i32
    %and3A_1926 = vector.broadcast %and3A_1925 : i32 to vector<16x128xi32>
    %and3A_1927 = arith.andi %shift_right_arithmetic3A_1924, %and3A_1926 : vector<16x128xi32>
    %sub3A_1928 = arith.subi %add3A_1921, %and3A_1927 : vector<16x128xi32>
    %shift_left3A_1929 = arith.constant 1 : i32
    %shift_left3A_1930 = vector.broadcast %shift_left3A_1929 : i32 to vector<16x128xi32>
    %shift_left3A_1931 = arith.shli %or3A_1913, %shift_left3A_1930 : vector<16x128xi32>
    %or3A_1932 = arith.constant 1 : i32
    %or3A_1933 = vector.broadcast %or3A_1932 : i32 to vector<16x128xi32>
    %or3A_1934 = arith.ori %shift_left3A_1931, %or3A_1933 : vector<16x128xi32>
    %shift_left3A_1935 = arith.constant 1 : i32
    %shift_left3A_1936 = vector.broadcast %shift_left3A_1935 : i32 to vector<16x128xi32>
    %shift_left3A_1937 = arith.shli %and3A_1914, %shift_left3A_1936 : vector<16x128xi32>
    %or3A_1938 = arith.ori %or3A_1905, %or3A_1934 : vector<16x128xi32>
    %not3A_1939 = arith.constant dense<-1> : vector<16x128xi32>
    %not3A_1940 = arith.xori %or3A_1938, %not3A_1939 : vector<16x128xi32>
    %or3A_1941 = arith.ori %shift_left3A_1937, %not3A_1940 : vector<16x128xi32>
    %and3A_1942 = arith.andi %or3A_1934, %or3A_1905 : vector<16x128xi32>
    %get3A_1943 = arith.constant 10 : index
    %get3A_1944 = arith.constant 0 : index
    %get3A_1945 = arith.constant 0 : index
    %get3A_1946 = vector.load %arg2[%get3A_1943, %get3A_1944, %get3A_1945] : memref<20x16x128xi32, #tpu.memory_space<vmem>>, vector<1x16x128xi32>
    %get3A_1947 = vector.shape_cast %get3A_1946 : vector<1x16x128xi32> to vector<16x128xi32>
    %broadcast_in_dim3A_1948 = arith.constant 0 : i32
    %broadcast_in_dim3A_1949 = vector.broadcast %broadcast_in_dim3A_1948 : i32 to vector<16x128xi32>
    %eq3A_1950 = arith.cmpi eq, %get3A_3, %get3A_1947 : vector<16x128xi32>
    %jit3A_1951 = arith.constant 1 : i32
    %jit3A_1952 = arith.constant 0 : i32
    %broadcast_in_dim3A_1953 = vector.broadcast %jit3A_1951 : i32 to vector<16x128xi32>
    %broadcast_in_dim3A_1954 = vector.broadcast %jit3A_1952 : i32 to vector<16x128xi32>
    %select_n3A_1955 = arith.select %eq3A_1950, %broadcast_in_dim3A_1953, %broadcast_in_dim3A_1954 : vector<16x128xi1>, vector<16x128xi32>
    %or3A_1956 = arith.ori %broadcast_in_dim3A_1949, %select_n3A_1955 : vector<16x128xi32>
    %eq3A_1957 = arith.cmpi eq, %get3A_8, %get3A_1947 : vector<16x128xi32>
    %jit3A_1958 = arith.constant 2 : i32
    %jit3A_1959 = arith.constant 0 : i32
    %broadcast_in_dim3A_1960 = vector.broadcast %jit3A_1958 : i32 to vector<16x128xi32>
    %broadcast_in_dim3A_1961 = vector.broadcast %jit3A_1959 : i32 to vector<16x128xi32>
    %select_n3A_1962 = arith.select %eq3A_1957, %broadcast_in_dim3A_1960, %broadcast_in_dim3A_1961 : vector<16x128xi1>, vector<16x128xi32>
    %or3A_1963 = arith.ori %or3A_1956, %select_n3A_1962 : vector<16x128xi32>
    %eq3A_1964 = arith.cmpi eq, %get3A_13, %get3A_1947 : vector<16x128xi32>
    %jit3A_1965 = arith.constant 4 : i32
    %jit3A_1966 = arith.constant 0 : i32
    %broadcast_in_dim3A_1967 = vector.broadcast %jit3A_1965 : i32 to vector<16x128xi32>
    %broadcast_in_dim3A_1968 = vector.broadcast %jit3A_1966 : i32 to vector<16x128xi32>
    %select_n3A_1969 = arith.select %eq3A_1964, %broadcast_in_dim3A_1967, %broadcast_in_dim3A_1968 : vector<16x128xi1>, vector<16x128xi32>
    %or3A_1970 = arith.ori %or3A_1963, %select_n3A_1969 : vector<16x128xi32>
    %eq3A_1971 = arith.cmpi eq, %get3A_18, %get3A_1947 : vector<16x128xi32>
    %jit3A_1972 = arith.constant 8 : i32
    %jit3A_1973 = arith.constant 0 : i32
    %broadcast_in_dim3A_1974 = vector.broadcast %jit3A_1972 : i32 to vector<16x128xi32>
    %broadcast_in_dim3A_1975 = vector.broadcast %jit3A_1973 : i32 to vector<16x128xi32>
    %select_n3A_1976 = arith.select %eq3A_1971, %broadcast_in_dim3A_1974, %broadcast_in_dim3A_1975 : vector<16x128xi1>, vector<16x128xi32>
    %or3A_1977 = arith.ori %or3A_1970, %select_n3A_1976 : vector<16x128xi32>
    %eq3A_1978 = arith.cmpi eq, %get3A_23, %get3A_1947 : vector<16x128xi32>
    %jit3A_1979 = arith.constant 16 : i32
    %jit3A_1980 = arith.constant 0 : i32
    %broadcast_in_dim3A_1981 = vector.broadcast %jit3A_1979 : i32 to vector<16x128xi32>
    %broadcast_in_dim3A_1982 = vector.broadcast %jit3A_1980 : i32 to vector<16x128xi32>
    %select_n3A_1983 = arith.select %eq3A_1978, %broadcast_in_dim3A_1981, %broadcast_in_dim3A_1982 : vector<16x128xi1>, vector<16x128xi32>
    %or3A_1984 = arith.ori %or3A_1977, %select_n3A_1983 : vector<16x128xi32>
    %eq3A_1985 = arith.cmpi eq, %get3A_28, %get3A_1947 : vector<16x128xi32>
    %jit3A_1986 = arith.constant 32 : i32
    %jit3A_1987 = arith.constant 0 : i32
    %broadcast_in_dim3A_1988 = vector.broadcast %jit3A_1986 : i32 to vector<16x128xi32>
    %broadcast_in_dim3A_1989 = vector.broadcast %jit3A_1987 : i32 to vector<16x128xi32>
    %select_n3A_1990 = arith.select %eq3A_1985, %broadcast_in_dim3A_1988, %broadcast_in_dim3A_1989 : vector<16x128xi1>, vector<16x128xi32>
    %or3A_1991 = arith.ori %or3A_1984, %select_n3A_1990 : vector<16x128xi32>
    %eq3A_1992 = arith.cmpi eq, %get3A_33, %get3A_1947 : vector<16x128xi32>
    %jit3A_1993 = arith.constant 64 : i32
    %jit3A_1994 = arith.constant 0 : i32
    %broadcast_in_dim3A_1995 = vector.broadcast %jit3A_1993 : i32 to vector<16x128xi32>
    %broadcast_in_dim3A_1996 = vector.broadcast %jit3A_1994 : i32 to vector<16x128xi32>
    %select_n3A_1997 = arith.select %eq3A_1992, %broadcast_in_dim3A_1995, %broadcast_in_dim3A_1996 : vector<16x128xi1>, vector<16x128xi32>
    %or3A_1998 = arith.ori %or3A_1991, %select_n3A_1997 : vector<16x128xi32>
    %eq3A_1999 = arith.cmpi eq, %get3A_38, %get3A_1947 : vector<16x128xi32>
    %jit3A_2000 = arith.constant 128 : i32
    %jit3A_2001 = arith.constant 0 : i32
    %broadcast_in_dim3A_2002 = vector.broadcast %jit3A_2000 : i32 to vector<16x128xi32>
    %broadcast_in_dim3A_2003 = vector.broadcast %jit3A_2001 : i32 to vector<16x128xi32>
    %select_n3A_2004 = arith.select %eq3A_1999, %broadcast_in_dim3A_2002, %broadcast_in_dim3A_2003 : vector<16x128xi1>, vector<16x128xi32>
    %or3A_2005 = arith.ori %or3A_1998, %select_n3A_2004 : vector<16x128xi32>
    %eq3A_2006 = arith.cmpi eq, %get3A_43, %get3A_1947 : vector<16x128xi32>
    %jit3A_2007 = arith.constant 256 : i32
    %jit3A_2008 = arith.constant 0 : i32
    %broadcast_in_dim3A_2009 = vector.broadcast %jit3A_2007 : i32 to vector<16x128xi32>
    %broadcast_in_dim3A_2010 = vector.broadcast %jit3A_2008 : i32 to vector<16x128xi32>
    %select_n3A_2011 = arith.select %eq3A_2006, %broadcast_in_dim3A_2009, %broadcast_in_dim3A_2010 : vector<16x128xi1>, vector<16x128xi32>
    %or3A_2012 = arith.ori %or3A_2005, %select_n3A_2011 : vector<16x128xi32>
    %eq3A_2013 = arith.cmpi eq, %get3A_48, %get3A_1947 : vector<16x128xi32>
    %jit3A_2014 = arith.constant 512 : i32
    %jit3A_2015 = arith.constant 0 : i32
    %broadcast_in_dim3A_2016 = vector.broadcast %jit3A_2014 : i32 to vector<16x128xi32>
    %broadcast_in_dim3A_2017 = vector.broadcast %jit3A_2015 : i32 to vector<16x128xi32>
    %select_n3A_2018 = arith.select %eq3A_2013, %broadcast_in_dim3A_2016, %broadcast_in_dim3A_2017 : vector<16x128xi1>, vector<16x128xi32>
    %or3A_2019 = arith.ori %or3A_2012, %select_n3A_2018 : vector<16x128xi32>
    %eq3A_2020 = arith.cmpi eq, %get3A_53, %get3A_1947 : vector<16x128xi32>
    %jit3A_2021 = arith.constant 1024 : i32
    %jit3A_2022 = arith.constant 0 : i32
    %broadcast_in_dim3A_2023 = vector.broadcast %jit3A_2021 : i32 to vector<16x128xi32>
    %broadcast_in_dim3A_2024 = vector.broadcast %jit3A_2022 : i32 to vector<16x128xi32>
    %select_n3A_2025 = arith.select %eq3A_2020, %broadcast_in_dim3A_2023, %broadcast_in_dim3A_2024 : vector<16x128xi1>, vector<16x128xi32>
    %or3A_2026 = arith.ori %or3A_2019, %select_n3A_2025 : vector<16x128xi32>
    %eq3A_2027 = arith.cmpi eq, %get3A_58, %get3A_1947 : vector<16x128xi32>
    %jit3A_2028 = arith.constant 2048 : i32
    %jit3A_2029 = arith.constant 0 : i32
    %broadcast_in_dim3A_2030 = vector.broadcast %jit3A_2028 : i32 to vector<16x128xi32>
    %broadcast_in_dim3A_2031 = vector.broadcast %jit3A_2029 : i32 to vector<16x128xi32>
    %select_n3A_2032 = arith.select %eq3A_2027, %broadcast_in_dim3A_2030, %broadcast_in_dim3A_2031 : vector<16x128xi1>, vector<16x128xi32>
    %or3A_2033 = arith.ori %or3A_2026, %select_n3A_2032 : vector<16x128xi32>
    %eq3A_2034 = arith.cmpi eq, %get3A_63, %get3A_1947 : vector<16x128xi32>
    %jit3A_2035 = arith.constant 4096 : i32
    %jit3A_2036 = arith.constant 0 : i32
    %broadcast_in_dim3A_2037 = vector.broadcast %jit3A_2035 : i32 to vector<16x128xi32>
    %broadcast_in_dim3A_2038 = vector.broadcast %jit3A_2036 : i32 to vector<16x128xi32>
    %select_n3A_2039 = arith.select %eq3A_2034, %broadcast_in_dim3A_2037, %broadcast_in_dim3A_2038 : vector<16x128xi1>, vector<16x128xi32>
    %or3A_2040 = arith.ori %or3A_2033, %select_n3A_2039 : vector<16x128xi32>
    %eq3A_2041 = arith.cmpi eq, %get3A_68, %get3A_1947 : vector<16x128xi32>
    %jit3A_2042 = arith.constant 8192 : i32
    %jit3A_2043 = arith.constant 0 : i32
    %broadcast_in_dim3A_2044 = vector.broadcast %jit3A_2042 : i32 to vector<16x128xi32>
    %broadcast_in_dim3A_2045 = vector.broadcast %jit3A_2043 : i32 to vector<16x128xi32>
    %select_n3A_2046 = arith.select %eq3A_2041, %broadcast_in_dim3A_2044, %broadcast_in_dim3A_2045 : vector<16x128xi1>, vector<16x128xi32>
    %or3A_2047 = arith.ori %or3A_2040, %select_n3A_2046 : vector<16x128xi32>
    %eq3A_2048 = arith.cmpi eq, %get3A_73, %get3A_1947 : vector<16x128xi32>
    %jit3A_2049 = arith.constant 16384 : i32
    %jit3A_2050 = arith.constant 0 : i32
    %broadcast_in_dim3A_2051 = vector.broadcast %jit3A_2049 : i32 to vector<16x128xi32>
    %broadcast_in_dim3A_2052 = vector.broadcast %jit3A_2050 : i32 to vector<16x128xi32>
    %select_n3A_2053 = arith.select %eq3A_2048, %broadcast_in_dim3A_2051, %broadcast_in_dim3A_2052 : vector<16x128xi1>, vector<16x128xi32>
    %or3A_2054 = arith.ori %or3A_2047, %select_n3A_2053 : vector<16x128xi32>
    %eq3A_2055 = arith.cmpi eq, %get3A_78, %get3A_1947 : vector<16x128xi32>
    %jit3A_2056 = arith.constant 32768 : i32
    %jit3A_2057 = arith.constant 0 : i32
    %broadcast_in_dim3A_2058 = vector.broadcast %jit3A_2056 : i32 to vector<16x128xi32>
    %broadcast_in_dim3A_2059 = vector.broadcast %jit3A_2057 : i32 to vector<16x128xi32>
    %select_n3A_2060 = arith.select %eq3A_2055, %broadcast_in_dim3A_2058, %broadcast_in_dim3A_2059 : vector<16x128xi1>, vector<16x128xi32>
    %or3A_2061 = arith.ori %or3A_2054, %select_n3A_2060 : vector<16x128xi32>
    %eq3A_2062 = arith.cmpi eq, %get3A_83, %get3A_1947 : vector<16x128xi32>
    %jit3A_2063 = arith.constant 65536 : i32
    %jit3A_2064 = arith.constant 0 : i32
    %broadcast_in_dim3A_2065 = vector.broadcast %jit3A_2063 : i32 to vector<16x128xi32>
    %broadcast_in_dim3A_2066 = vector.broadcast %jit3A_2064 : i32 to vector<16x128xi32>
    %select_n3A_2067 = arith.select %eq3A_2062, %broadcast_in_dim3A_2065, %broadcast_in_dim3A_2066 : vector<16x128xi1>, vector<16x128xi32>
    %or3A_2068 = arith.ori %or3A_2061, %select_n3A_2067 : vector<16x128xi32>
    %eq3A_2069 = arith.cmpi eq, %get3A_88, %get3A_1947 : vector<16x128xi32>
    %jit3A_2070 = arith.constant 131072 : i32
    %jit3A_2071 = arith.constant 0 : i32
    %broadcast_in_dim3A_2072 = vector.broadcast %jit3A_2070 : i32 to vector<16x128xi32>
    %broadcast_in_dim3A_2073 = vector.broadcast %jit3A_2071 : i32 to vector<16x128xi32>
    %select_n3A_2074 = arith.select %eq3A_2069, %broadcast_in_dim3A_2072, %broadcast_in_dim3A_2073 : vector<16x128xi1>, vector<16x128xi32>
    %or3A_2075 = arith.ori %or3A_2068, %select_n3A_2074 : vector<16x128xi32>
    %eq3A_2076 = arith.cmpi eq, %get3A_93, %get3A_1947 : vector<16x128xi32>
    %jit3A_2077 = arith.constant 262144 : i32
    %jit3A_2078 = arith.constant 0 : i32
    %broadcast_in_dim3A_2079 = vector.broadcast %jit3A_2077 : i32 to vector<16x128xi32>
    %broadcast_in_dim3A_2080 = vector.broadcast %jit3A_2078 : i32 to vector<16x128xi32>
    %select_n3A_2081 = arith.select %eq3A_2076, %broadcast_in_dim3A_2079, %broadcast_in_dim3A_2080 : vector<16x128xi1>, vector<16x128xi32>
    %or3A_2082 = arith.ori %or3A_2075, %select_n3A_2081 : vector<16x128xi32>
    %eq3A_2083 = arith.cmpi eq, %get3A_98, %get3A_1947 : vector<16x128xi32>
    %jit3A_2084 = arith.constant 524288 : i32
    %jit3A_2085 = arith.constant 0 : i32
    %broadcast_in_dim3A_2086 = vector.broadcast %jit3A_2084 : i32 to vector<16x128xi32>
    %broadcast_in_dim3A_2087 = vector.broadcast %jit3A_2085 : i32 to vector<16x128xi32>
    %select_n3A_2088 = arith.select %eq3A_2083, %broadcast_in_dim3A_2086, %broadcast_in_dim3A_2087 : vector<16x128xi1>, vector<16x128xi32>
    %or3A_2089 = arith.ori %or3A_2082, %select_n3A_2088 : vector<16x128xi32>
    %or3A_2090 = arith.ori %or3A_2089, %and3A_1942 : vector<16x128xi32>
    %and3A_2091 = arith.andi %or3A_2089, %or3A_1941 : vector<16x128xi32>
    %add3A_2092 = arith.addi %and3A_2091, %or3A_1941 : vector<16x128xi32>
    %xor3A_2093 = arith.xori %add3A_2092, %or3A_1941 : vector<16x128xi32>
    %or3A_2094 = arith.ori %xor3A_2093, %or3A_2089 : vector<16x128xi32>
    %or3A_2095 = arith.ori %or3A_2094, %or3A_1941 : vector<16x128xi32>
    %not3A_2096 = arith.constant dense<-1> : vector<16x128xi32>
    %not3A_2097 = arith.xori %or3A_2095, %not3A_2096 : vector<16x128xi32>
    %or3A_2098 = arith.ori %and3A_1942, %not3A_2097 : vector<16x128xi32>
    %and3A_2099 = arith.andi %or3A_1941, %or3A_2094 : vector<16x128xi32>
    %shift_right_arithmetic3A_2100 = arith.constant 19 : i32
    %shift_right_arithmetic3A_2101 = vector.broadcast %shift_right_arithmetic3A_2100 : i32 to vector<16x128xi32>
    %shift_right_arithmetic3A_2102 = arith.shrsi %or3A_2098, %shift_right_arithmetic3A_2101 : vector<16x128xi32>
    %and3A_2103 = arith.constant 1 : i32
    %and3A_2104 = vector.broadcast %and3A_2103 : i32 to vector<16x128xi32>
    %and3A_2105 = arith.andi %shift_right_arithmetic3A_2102, %and3A_2104 : vector<16x128xi32>
    %add3A_2106 = arith.addi %sub3A_1928, %and3A_2105 : vector<16x128xi32>
    %shift_right_arithmetic3A_2107 = arith.constant 19 : i32
    %shift_right_arithmetic3A_2108 = vector.broadcast %shift_right_arithmetic3A_2107 : i32 to vector<16x128xi32>
    %shift_right_arithmetic3A_2109 = arith.shrsi %and3A_2099, %shift_right_arithmetic3A_2108 : vector<16x128xi32>
    %and3A_2110 = arith.constant 1 : i32
    %and3A_2111 = vector.broadcast %and3A_2110 : i32 to vector<16x128xi32>
    %and3A_2112 = arith.andi %shift_right_arithmetic3A_2109, %and3A_2111 : vector<16x128xi32>
    %sub3A_2113 = arith.subi %add3A_2106, %and3A_2112 : vector<16x128xi32>
    %shift_left3A_2114 = arith.constant 1 : i32
    %shift_left3A_2115 = vector.broadcast %shift_left3A_2114 : i32 to vector<16x128xi32>
    %shift_left3A_2116 = arith.shli %or3A_2098, %shift_left3A_2115 : vector<16x128xi32>
    %or3A_2117 = arith.constant 1 : i32
    %or3A_2118 = vector.broadcast %or3A_2117 : i32 to vector<16x128xi32>
    %or3A_2119 = arith.ori %shift_left3A_2116, %or3A_2118 : vector<16x128xi32>
    %shift_left3A_2120 = arith.constant 1 : i32
    %shift_left3A_2121 = vector.broadcast %shift_left3A_2120 : i32 to vector<16x128xi32>
    %shift_left3A_2122 = arith.shli %and3A_2099, %shift_left3A_2121 : vector<16x128xi32>
    %or3A_2123 = arith.ori %or3A_2090, %or3A_2119 : vector<16x128xi32>
    %not3A_2124 = arith.constant dense<-1> : vector<16x128xi32>
    %not3A_2125 = arith.xori %or3A_2123, %not3A_2124 : vector<16x128xi32>
    %or3A_2126 = arith.ori %shift_left3A_2122, %not3A_2125 : vector<16x128xi32>
    %and3A_2127 = arith.andi %or3A_2119, %or3A_2090 : vector<16x128xi32>
    %get3A_2128 = arith.constant 11 : index
    %get3A_2129 = arith.constant 0 : index
    %get3A_2130 = arith.constant 0 : index
    %get3A_2131 = vector.load %arg2[%get3A_2128, %get3A_2129, %get3A_2130] : memref<20x16x128xi32, #tpu.memory_space<vmem>>, vector<1x16x128xi32>
    %get3A_2132 = vector.shape_cast %get3A_2131 : vector<1x16x128xi32> to vector<16x128xi32>
    %broadcast_in_dim3A_2133 = arith.constant 0 : i32
    %broadcast_in_dim3A_2134 = vector.broadcast %broadcast_in_dim3A_2133 : i32 to vector<16x128xi32>
    %eq3A_2135 = arith.cmpi eq, %get3A_3, %get3A_2132 : vector<16x128xi32>
    %jit3A_2136 = arith.constant 1 : i32
    %jit3A_2137 = arith.constant 0 : i32
    %broadcast_in_dim3A_2138 = vector.broadcast %jit3A_2136 : i32 to vector<16x128xi32>
    %broadcast_in_dim3A_2139 = vector.broadcast %jit3A_2137 : i32 to vector<16x128xi32>
    %select_n3A_2140 = arith.select %eq3A_2135, %broadcast_in_dim3A_2138, %broadcast_in_dim3A_2139 : vector<16x128xi1>, vector<16x128xi32>
    %or3A_2141 = arith.ori %broadcast_in_dim3A_2134, %select_n3A_2140 : vector<16x128xi32>
    %eq3A_2142 = arith.cmpi eq, %get3A_8, %get3A_2132 : vector<16x128xi32>
    %jit3A_2143 = arith.constant 2 : i32
    %jit3A_2144 = arith.constant 0 : i32
    %broadcast_in_dim3A_2145 = vector.broadcast %jit3A_2143 : i32 to vector<16x128xi32>
    %broadcast_in_dim3A_2146 = vector.broadcast %jit3A_2144 : i32 to vector<16x128xi32>
    %select_n3A_2147 = arith.select %eq3A_2142, %broadcast_in_dim3A_2145, %broadcast_in_dim3A_2146 : vector<16x128xi1>, vector<16x128xi32>
    %or3A_2148 = arith.ori %or3A_2141, %select_n3A_2147 : vector<16x128xi32>
    %eq3A_2149 = arith.cmpi eq, %get3A_13, %get3A_2132 : vector<16x128xi32>
    %jit3A_2150 = arith.constant 4 : i32
    %jit3A_2151 = arith.constant 0 : i32
    %broadcast_in_dim3A_2152 = vector.broadcast %jit3A_2150 : i32 to vector<16x128xi32>
    %broadcast_in_dim3A_2153 = vector.broadcast %jit3A_2151 : i32 to vector<16x128xi32>
    %select_n3A_2154 = arith.select %eq3A_2149, %broadcast_in_dim3A_2152, %broadcast_in_dim3A_2153 : vector<16x128xi1>, vector<16x128xi32>
    %or3A_2155 = arith.ori %or3A_2148, %select_n3A_2154 : vector<16x128xi32>
    %eq3A_2156 = arith.cmpi eq, %get3A_18, %get3A_2132 : vector<16x128xi32>
    %jit3A_2157 = arith.constant 8 : i32
    %jit3A_2158 = arith.constant 0 : i32
    %broadcast_in_dim3A_2159 = vector.broadcast %jit3A_2157 : i32 to vector<16x128xi32>
    %broadcast_in_dim3A_2160 = vector.broadcast %jit3A_2158 : i32 to vector<16x128xi32>
    %select_n3A_2161 = arith.select %eq3A_2156, %broadcast_in_dim3A_2159, %broadcast_in_dim3A_2160 : vector<16x128xi1>, vector<16x128xi32>
    %or3A_2162 = arith.ori %or3A_2155, %select_n3A_2161 : vector<16x128xi32>
    %eq3A_2163 = arith.cmpi eq, %get3A_23, %get3A_2132 : vector<16x128xi32>
    %jit3A_2164 = arith.constant 16 : i32
    %jit3A_2165 = arith.constant 0 : i32
    %broadcast_in_dim3A_2166 = vector.broadcast %jit3A_2164 : i32 to vector<16x128xi32>
    %broadcast_in_dim3A_2167 = vector.broadcast %jit3A_2165 : i32 to vector<16x128xi32>
    %select_n3A_2168 = arith.select %eq3A_2163, %broadcast_in_dim3A_2166, %broadcast_in_dim3A_2167 : vector<16x128xi1>, vector<16x128xi32>
    %or3A_2169 = arith.ori %or3A_2162, %select_n3A_2168 : vector<16x128xi32>
    %eq3A_2170 = arith.cmpi eq, %get3A_28, %get3A_2132 : vector<16x128xi32>
    %jit3A_2171 = arith.constant 32 : i32
    %jit3A_2172 = arith.constant 0 : i32
    %broadcast_in_dim3A_2173 = vector.broadcast %jit3A_2171 : i32 to vector<16x128xi32>
    %broadcast_in_dim3A_2174 = vector.broadcast %jit3A_2172 : i32 to vector<16x128xi32>
    %select_n3A_2175 = arith.select %eq3A_2170, %broadcast_in_dim3A_2173, %broadcast_in_dim3A_2174 : vector<16x128xi1>, vector<16x128xi32>
    %or3A_2176 = arith.ori %or3A_2169, %select_n3A_2175 : vector<16x128xi32>
    %eq3A_2177 = arith.cmpi eq, %get3A_33, %get3A_2132 : vector<16x128xi32>
    %jit3A_2178 = arith.constant 64 : i32
    %jit3A_2179 = arith.constant 0 : i32
    %broadcast_in_dim3A_2180 = vector.broadcast %jit3A_2178 : i32 to vector<16x128xi32>
    %broadcast_in_dim3A_2181 = vector.broadcast %jit3A_2179 : i32 to vector<16x128xi32>
    %select_n3A_2182 = arith.select %eq3A_2177, %broadcast_in_dim3A_2180, %broadcast_in_dim3A_2181 : vector<16x128xi1>, vector<16x128xi32>
    %or3A_2183 = arith.ori %or3A_2176, %select_n3A_2182 : vector<16x128xi32>
    %eq3A_2184 = arith.cmpi eq, %get3A_38, %get3A_2132 : vector<16x128xi32>
    %jit3A_2185 = arith.constant 128 : i32
    %jit3A_2186 = arith.constant 0 : i32
    %broadcast_in_dim3A_2187 = vector.broadcast %jit3A_2185 : i32 to vector<16x128xi32>
    %broadcast_in_dim3A_2188 = vector.broadcast %jit3A_2186 : i32 to vector<16x128xi32>
    %select_n3A_2189 = arith.select %eq3A_2184, %broadcast_in_dim3A_2187, %broadcast_in_dim3A_2188 : vector<16x128xi1>, vector<16x128xi32>
    %or3A_2190 = arith.ori %or3A_2183, %select_n3A_2189 : vector<16x128xi32>
    %eq3A_2191 = arith.cmpi eq, %get3A_43, %get3A_2132 : vector<16x128xi32>
    %jit3A_2192 = arith.constant 256 : i32
    %jit3A_2193 = arith.constant 0 : i32
    %broadcast_in_dim3A_2194 = vector.broadcast %jit3A_2192 : i32 to vector<16x128xi32>
    %broadcast_in_dim3A_2195 = vector.broadcast %jit3A_2193 : i32 to vector<16x128xi32>
    %select_n3A_2196 = arith.select %eq3A_2191, %broadcast_in_dim3A_2194, %broadcast_in_dim3A_2195 : vector<16x128xi1>, vector<16x128xi32>
    %or3A_2197 = arith.ori %or3A_2190, %select_n3A_2196 : vector<16x128xi32>
    %eq3A_2198 = arith.cmpi eq, %get3A_48, %get3A_2132 : vector<16x128xi32>
    %jit3A_2199 = arith.constant 512 : i32
    %jit3A_2200 = arith.constant 0 : i32
    %broadcast_in_dim3A_2201 = vector.broadcast %jit3A_2199 : i32 to vector<16x128xi32>
    %broadcast_in_dim3A_2202 = vector.broadcast %jit3A_2200 : i32 to vector<16x128xi32>
    %select_n3A_2203 = arith.select %eq3A_2198, %broadcast_in_dim3A_2201, %broadcast_in_dim3A_2202 : vector<16x128xi1>, vector<16x128xi32>
    %or3A_2204 = arith.ori %or3A_2197, %select_n3A_2203 : vector<16x128xi32>
    %eq3A_2205 = arith.cmpi eq, %get3A_53, %get3A_2132 : vector<16x128xi32>
    %jit3A_2206 = arith.constant 1024 : i32
    %jit3A_2207 = arith.constant 0 : i32
    %broadcast_in_dim3A_2208 = vector.broadcast %jit3A_2206 : i32 to vector<16x128xi32>
    %broadcast_in_dim3A_2209 = vector.broadcast %jit3A_2207 : i32 to vector<16x128xi32>
    %select_n3A_2210 = arith.select %eq3A_2205, %broadcast_in_dim3A_2208, %broadcast_in_dim3A_2209 : vector<16x128xi1>, vector<16x128xi32>
    %or3A_2211 = arith.ori %or3A_2204, %select_n3A_2210 : vector<16x128xi32>
    %eq3A_2212 = arith.cmpi eq, %get3A_58, %get3A_2132 : vector<16x128xi32>
    %jit3A_2213 = arith.constant 2048 : i32
    %jit3A_2214 = arith.constant 0 : i32
    %broadcast_in_dim3A_2215 = vector.broadcast %jit3A_2213 : i32 to vector<16x128xi32>
    %broadcast_in_dim3A_2216 = vector.broadcast %jit3A_2214 : i32 to vector<16x128xi32>
    %select_n3A_2217 = arith.select %eq3A_2212, %broadcast_in_dim3A_2215, %broadcast_in_dim3A_2216 : vector<16x128xi1>, vector<16x128xi32>
    %or3A_2218 = arith.ori %or3A_2211, %select_n3A_2217 : vector<16x128xi32>
    %eq3A_2219 = arith.cmpi eq, %get3A_63, %get3A_2132 : vector<16x128xi32>
    %jit3A_2220 = arith.constant 4096 : i32
    %jit3A_2221 = arith.constant 0 : i32
    %broadcast_in_dim3A_2222 = vector.broadcast %jit3A_2220 : i32 to vector<16x128xi32>
    %broadcast_in_dim3A_2223 = vector.broadcast %jit3A_2221 : i32 to vector<16x128xi32>
    %select_n3A_2224 = arith.select %eq3A_2219, %broadcast_in_dim3A_2222, %broadcast_in_dim3A_2223 : vector<16x128xi1>, vector<16x128xi32>
    %or3A_2225 = arith.ori %or3A_2218, %select_n3A_2224 : vector<16x128xi32>
    %eq3A_2226 = arith.cmpi eq, %get3A_68, %get3A_2132 : vector<16x128xi32>
    %jit3A_2227 = arith.constant 8192 : i32
    %jit3A_2228 = arith.constant 0 : i32
    %broadcast_in_dim3A_2229 = vector.broadcast %jit3A_2227 : i32 to vector<16x128xi32>
    %broadcast_in_dim3A_2230 = vector.broadcast %jit3A_2228 : i32 to vector<16x128xi32>
    %select_n3A_2231 = arith.select %eq3A_2226, %broadcast_in_dim3A_2229, %broadcast_in_dim3A_2230 : vector<16x128xi1>, vector<16x128xi32>
    %or3A_2232 = arith.ori %or3A_2225, %select_n3A_2231 : vector<16x128xi32>
    %eq3A_2233 = arith.cmpi eq, %get3A_73, %get3A_2132 : vector<16x128xi32>
    %jit3A_2234 = arith.constant 16384 : i32
    %jit3A_2235 = arith.constant 0 : i32
    %broadcast_in_dim3A_2236 = vector.broadcast %jit3A_2234 : i32 to vector<16x128xi32>
    %broadcast_in_dim3A_2237 = vector.broadcast %jit3A_2235 : i32 to vector<16x128xi32>
    %select_n3A_2238 = arith.select %eq3A_2233, %broadcast_in_dim3A_2236, %broadcast_in_dim3A_2237 : vector<16x128xi1>, vector<16x128xi32>
    %or3A_2239 = arith.ori %or3A_2232, %select_n3A_2238 : vector<16x128xi32>
    %eq3A_2240 = arith.cmpi eq, %get3A_78, %get3A_2132 : vector<16x128xi32>
    %jit3A_2241 = arith.constant 32768 : i32
    %jit3A_2242 = arith.constant 0 : i32
    %broadcast_in_dim3A_2243 = vector.broadcast %jit3A_2241 : i32 to vector<16x128xi32>
    %broadcast_in_dim3A_2244 = vector.broadcast %jit3A_2242 : i32 to vector<16x128xi32>
    %select_n3A_2245 = arith.select %eq3A_2240, %broadcast_in_dim3A_2243, %broadcast_in_dim3A_2244 : vector<16x128xi1>, vector<16x128xi32>
    %or3A_2246 = arith.ori %or3A_2239, %select_n3A_2245 : vector<16x128xi32>
    %eq3A_2247 = arith.cmpi eq, %get3A_83, %get3A_2132 : vector<16x128xi32>
    %jit3A_2248 = arith.constant 65536 : i32
    %jit3A_2249 = arith.constant 0 : i32
    %broadcast_in_dim3A_2250 = vector.broadcast %jit3A_2248 : i32 to vector<16x128xi32>
    %broadcast_in_dim3A_2251 = vector.broadcast %jit3A_2249 : i32 to vector<16x128xi32>
    %select_n3A_2252 = arith.select %eq3A_2247, %broadcast_in_dim3A_2250, %broadcast_in_dim3A_2251 : vector<16x128xi1>, vector<16x128xi32>
    %or3A_2253 = arith.ori %or3A_2246, %select_n3A_2252 : vector<16x128xi32>
    %eq3A_2254 = arith.cmpi eq, %get3A_88, %get3A_2132 : vector<16x128xi32>
    %jit3A_2255 = arith.constant 131072 : i32
    %jit3A_2256 = arith.constant 0 : i32
    %broadcast_in_dim3A_2257 = vector.broadcast %jit3A_2255 : i32 to vector<16x128xi32>
    %broadcast_in_dim3A_2258 = vector.broadcast %jit3A_2256 : i32 to vector<16x128xi32>
    %select_n3A_2259 = arith.select %eq3A_2254, %broadcast_in_dim3A_2257, %broadcast_in_dim3A_2258 : vector<16x128xi1>, vector<16x128xi32>
    %or3A_2260 = arith.ori %or3A_2253, %select_n3A_2259 : vector<16x128xi32>
    %eq3A_2261 = arith.cmpi eq, %get3A_93, %get3A_2132 : vector<16x128xi32>
    %jit3A_2262 = arith.constant 262144 : i32
    %jit3A_2263 = arith.constant 0 : i32
    %broadcast_in_dim3A_2264 = vector.broadcast %jit3A_2262 : i32 to vector<16x128xi32>
    %broadcast_in_dim3A_2265 = vector.broadcast %jit3A_2263 : i32 to vector<16x128xi32>
    %select_n3A_2266 = arith.select %eq3A_2261, %broadcast_in_dim3A_2264, %broadcast_in_dim3A_2265 : vector<16x128xi1>, vector<16x128xi32>
    %or3A_2267 = arith.ori %or3A_2260, %select_n3A_2266 : vector<16x128xi32>
    %eq3A_2268 = arith.cmpi eq, %get3A_98, %get3A_2132 : vector<16x128xi32>
    %jit3A_2269 = arith.constant 524288 : i32
    %jit3A_2270 = arith.constant 0 : i32
    %broadcast_in_dim3A_2271 = vector.broadcast %jit3A_2269 : i32 to vector<16x128xi32>
    %broadcast_in_dim3A_2272 = vector.broadcast %jit3A_2270 : i32 to vector<16x128xi32>
    %select_n3A_2273 = arith.select %eq3A_2268, %broadcast_in_dim3A_2271, %broadcast_in_dim3A_2272 : vector<16x128xi1>, vector<16x128xi32>
    %or3A_2274 = arith.ori %or3A_2267, %select_n3A_2273 : vector<16x128xi32>
    %or3A_2275 = arith.ori %or3A_2274, %and3A_2127 : vector<16x128xi32>
    %and3A_2276 = arith.andi %or3A_2274, %or3A_2126 : vector<16x128xi32>
    %add3A_2277 = arith.addi %and3A_2276, %or3A_2126 : vector<16x128xi32>
    %xor3A_2278 = arith.xori %add3A_2277, %or3A_2126 : vector<16x128xi32>
    %or3A_2279 = arith.ori %xor3A_2278, %or3A_2274 : vector<16x128xi32>
    %or3A_2280 = arith.ori %or3A_2279, %or3A_2126 : vector<16x128xi32>
    %not3A_2281 = arith.constant dense<-1> : vector<16x128xi32>
    %not3A_2282 = arith.xori %or3A_2280, %not3A_2281 : vector<16x128xi32>
    %or3A_2283 = arith.ori %and3A_2127, %not3A_2282 : vector<16x128xi32>
    %and3A_2284 = arith.andi %or3A_2126, %or3A_2279 : vector<16x128xi32>
    %shift_right_arithmetic3A_2285 = arith.constant 19 : i32
    %shift_right_arithmetic3A_2286 = vector.broadcast %shift_right_arithmetic3A_2285 : i32 to vector<16x128xi32>
    %shift_right_arithmetic3A_2287 = arith.shrsi %or3A_2283, %shift_right_arithmetic3A_2286 : vector<16x128xi32>
    %and3A_2288 = arith.constant 1 : i32
    %and3A_2289 = vector.broadcast %and3A_2288 : i32 to vector<16x128xi32>
    %and3A_2290 = arith.andi %shift_right_arithmetic3A_2287, %and3A_2289 : vector<16x128xi32>
    %add3A_2291 = arith.addi %sub3A_2113, %and3A_2290 : vector<16x128xi32>
    %shift_right_arithmetic3A_2292 = arith.constant 19 : i32
    %shift_right_arithmetic3A_2293 = vector.broadcast %shift_right_arithmetic3A_2292 : i32 to vector<16x128xi32>
    %shift_right_arithmetic3A_2294 = arith.shrsi %and3A_2284, %shift_right_arithmetic3A_2293 : vector<16x128xi32>
    %and3A_2295 = arith.constant 1 : i32
    %and3A_2296 = vector.broadcast %and3A_2295 : i32 to vector<16x128xi32>
    %and3A_2297 = arith.andi %shift_right_arithmetic3A_2294, %and3A_2296 : vector<16x128xi32>
    %sub3A_2298 = arith.subi %add3A_2291, %and3A_2297 : vector<16x128xi32>
    %shift_left3A_2299 = arith.constant 1 : i32
    %shift_left3A_2300 = vector.broadcast %shift_left3A_2299 : i32 to vector<16x128xi32>
    %shift_left3A_2301 = arith.shli %or3A_2283, %shift_left3A_2300 : vector<16x128xi32>
    %or3A_2302 = arith.constant 1 : i32
    %or3A_2303 = vector.broadcast %or3A_2302 : i32 to vector<16x128xi32>
    %or3A_2304 = arith.ori %shift_left3A_2301, %or3A_2303 : vector<16x128xi32>
    %shift_left3A_2305 = arith.constant 1 : i32
    %shift_left3A_2306 = vector.broadcast %shift_left3A_2305 : i32 to vector<16x128xi32>
    %shift_left3A_2307 = arith.shli %and3A_2284, %shift_left3A_2306 : vector<16x128xi32>
    %or3A_2308 = arith.ori %or3A_2275, %or3A_2304 : vector<16x128xi32>
    %not3A_2309 = arith.constant dense<-1> : vector<16x128xi32>
    %not3A_2310 = arith.xori %or3A_2308, %not3A_2309 : vector<16x128xi32>
    %or3A_2311 = arith.ori %shift_left3A_2307, %not3A_2310 : vector<16x128xi32>
    %and3A_2312 = arith.andi %or3A_2304, %or3A_2275 : vector<16x128xi32>
    %get3A_2313 = arith.constant 12 : index
    %get3A_2314 = arith.constant 0 : index
    %get3A_2315 = arith.constant 0 : index
    %get3A_2316 = vector.load %arg2[%get3A_2313, %get3A_2314, %get3A_2315] : memref<20x16x128xi32, #tpu.memory_space<vmem>>, vector<1x16x128xi32>
    %get3A_2317 = vector.shape_cast %get3A_2316 : vector<1x16x128xi32> to vector<16x128xi32>
    %broadcast_in_dim3A_2318 = arith.constant 0 : i32
    %broadcast_in_dim3A_2319 = vector.broadcast %broadcast_in_dim3A_2318 : i32 to vector<16x128xi32>
    %eq3A_2320 = arith.cmpi eq, %get3A_3, %get3A_2317 : vector<16x128xi32>
    %jit3A_2321 = arith.constant 1 : i32
    %jit3A_2322 = arith.constant 0 : i32
    %broadcast_in_dim3A_2323 = vector.broadcast %jit3A_2321 : i32 to vector<16x128xi32>
    %broadcast_in_dim3A_2324 = vector.broadcast %jit3A_2322 : i32 to vector<16x128xi32>
    %select_n3A_2325 = arith.select %eq3A_2320, %broadcast_in_dim3A_2323, %broadcast_in_dim3A_2324 : vector<16x128xi1>, vector<16x128xi32>
    %or3A_2326 = arith.ori %broadcast_in_dim3A_2319, %select_n3A_2325 : vector<16x128xi32>
    %eq3A_2327 = arith.cmpi eq, %get3A_8, %get3A_2317 : vector<16x128xi32>
    %jit3A_2328 = arith.constant 2 : i32
    %jit3A_2329 = arith.constant 0 : i32
    %broadcast_in_dim3A_2330 = vector.broadcast %jit3A_2328 : i32 to vector<16x128xi32>
    %broadcast_in_dim3A_2331 = vector.broadcast %jit3A_2329 : i32 to vector<16x128xi32>
    %select_n3A_2332 = arith.select %eq3A_2327, %broadcast_in_dim3A_2330, %broadcast_in_dim3A_2331 : vector<16x128xi1>, vector<16x128xi32>
    %or3A_2333 = arith.ori %or3A_2326, %select_n3A_2332 : vector<16x128xi32>
    %eq3A_2334 = arith.cmpi eq, %get3A_13, %get3A_2317 : vector<16x128xi32>
    %jit3A_2335 = arith.constant 4 : i32
    %jit3A_2336 = arith.constant 0 : i32
    %broadcast_in_dim3A_2337 = vector.broadcast %jit3A_2335 : i32 to vector<16x128xi32>
    %broadcast_in_dim3A_2338 = vector.broadcast %jit3A_2336 : i32 to vector<16x128xi32>
    %select_n3A_2339 = arith.select %eq3A_2334, %broadcast_in_dim3A_2337, %broadcast_in_dim3A_2338 : vector<16x128xi1>, vector<16x128xi32>
    %or3A_2340 = arith.ori %or3A_2333, %select_n3A_2339 : vector<16x128xi32>
    %eq3A_2341 = arith.cmpi eq, %get3A_18, %get3A_2317 : vector<16x128xi32>
    %jit3A_2342 = arith.constant 8 : i32
    %jit3A_2343 = arith.constant 0 : i32
    %broadcast_in_dim3A_2344 = vector.broadcast %jit3A_2342 : i32 to vector<16x128xi32>
    %broadcast_in_dim3A_2345 = vector.broadcast %jit3A_2343 : i32 to vector<16x128xi32>
    %select_n3A_2346 = arith.select %eq3A_2341, %broadcast_in_dim3A_2344, %broadcast_in_dim3A_2345 : vector<16x128xi1>, vector<16x128xi32>
    %or3A_2347 = arith.ori %or3A_2340, %select_n3A_2346 : vector<16x128xi32>
    %eq3A_2348 = arith.cmpi eq, %get3A_23, %get3A_2317 : vector<16x128xi32>
    %jit3A_2349 = arith.constant 16 : i32
    %jit3A_2350 = arith.constant 0 : i32
    %broadcast_in_dim3A_2351 = vector.broadcast %jit3A_2349 : i32 to vector<16x128xi32>
    %broadcast_in_dim3A_2352 = vector.broadcast %jit3A_2350 : i32 to vector<16x128xi32>
    %select_n3A_2353 = arith.select %eq3A_2348, %broadcast_in_dim3A_2351, %broadcast_in_dim3A_2352 : vector<16x128xi1>, vector<16x128xi32>
    %or3A_2354 = arith.ori %or3A_2347, %select_n3A_2353 : vector<16x128xi32>
    %eq3A_2355 = arith.cmpi eq, %get3A_28, %get3A_2317 : vector<16x128xi32>
    %jit3A_2356 = arith.constant 32 : i32
    %jit3A_2357 = arith.constant 0 : i32
    %broadcast_in_dim3A_2358 = vector.broadcast %jit3A_2356 : i32 to vector<16x128xi32>
    %broadcast_in_dim3A_2359 = vector.broadcast %jit3A_2357 : i32 to vector<16x128xi32>
    %select_n3A_2360 = arith.select %eq3A_2355, %broadcast_in_dim3A_2358, %broadcast_in_dim3A_2359 : vector<16x128xi1>, vector<16x128xi32>
    %or3A_2361 = arith.ori %or3A_2354, %select_n3A_2360 : vector<16x128xi32>
    %eq3A_2362 = arith.cmpi eq, %get3A_33, %get3A_2317 : vector<16x128xi32>
    %jit3A_2363 = arith.constant 64 : i32
    %jit3A_2364 = arith.constant 0 : i32
    %broadcast_in_dim3A_2365 = vector.broadcast %jit3A_2363 : i32 to vector<16x128xi32>
    %broadcast_in_dim3A_2366 = vector.broadcast %jit3A_2364 : i32 to vector<16x128xi32>
    %select_n3A_2367 = arith.select %eq3A_2362, %broadcast_in_dim3A_2365, %broadcast_in_dim3A_2366 : vector<16x128xi1>, vector<16x128xi32>
    %or3A_2368 = arith.ori %or3A_2361, %select_n3A_2367 : vector<16x128xi32>
    %eq3A_2369 = arith.cmpi eq, %get3A_38, %get3A_2317 : vector<16x128xi32>
    %jit3A_2370 = arith.constant 128 : i32
    %jit3A_2371 = arith.constant 0 : i32
    %broadcast_in_dim3A_2372 = vector.broadcast %jit3A_2370 : i32 to vector<16x128xi32>
    %broadcast_in_dim3A_2373 = vector.broadcast %jit3A_2371 : i32 to vector<16x128xi32>
    %select_n3A_2374 = arith.select %eq3A_2369, %broadcast_in_dim3A_2372, %broadcast_in_dim3A_2373 : vector<16x128xi1>, vector<16x128xi32>
    %or3A_2375 = arith.ori %or3A_2368, %select_n3A_2374 : vector<16x128xi32>
    %eq3A_2376 = arith.cmpi eq, %get3A_43, %get3A_2317 : vector<16x128xi32>
    %jit3A_2377 = arith.constant 256 : i32
    %jit3A_2378 = arith.constant 0 : i32
    %broadcast_in_dim3A_2379 = vector.broadcast %jit3A_2377 : i32 to vector<16x128xi32>
    %broadcast_in_dim3A_2380 = vector.broadcast %jit3A_2378 : i32 to vector<16x128xi32>
    %select_n3A_2381 = arith.select %eq3A_2376, %broadcast_in_dim3A_2379, %broadcast_in_dim3A_2380 : vector<16x128xi1>, vector<16x128xi32>
    %or3A_2382 = arith.ori %or3A_2375, %select_n3A_2381 : vector<16x128xi32>
    %eq3A_2383 = arith.cmpi eq, %get3A_48, %get3A_2317 : vector<16x128xi32>
    %jit3A_2384 = arith.constant 512 : i32
    %jit3A_2385 = arith.constant 0 : i32
    %broadcast_in_dim3A_2386 = vector.broadcast %jit3A_2384 : i32 to vector<16x128xi32>
    %broadcast_in_dim3A_2387 = vector.broadcast %jit3A_2385 : i32 to vector<16x128xi32>
    %select_n3A_2388 = arith.select %eq3A_2383, %broadcast_in_dim3A_2386, %broadcast_in_dim3A_2387 : vector<16x128xi1>, vector<16x128xi32>
    %or3A_2389 = arith.ori %or3A_2382, %select_n3A_2388 : vector<16x128xi32>
    %eq3A_2390 = arith.cmpi eq, %get3A_53, %get3A_2317 : vector<16x128xi32>
    %jit3A_2391 = arith.constant 1024 : i32
    %jit3A_2392 = arith.constant 0 : i32
    %broadcast_in_dim3A_2393 = vector.broadcast %jit3A_2391 : i32 to vector<16x128xi32>
    %broadcast_in_dim3A_2394 = vector.broadcast %jit3A_2392 : i32 to vector<16x128xi32>
    %select_n3A_2395 = arith.select %eq3A_2390, %broadcast_in_dim3A_2393, %broadcast_in_dim3A_2394 : vector<16x128xi1>, vector<16x128xi32>
    %or3A_2396 = arith.ori %or3A_2389, %select_n3A_2395 : vector<16x128xi32>
    %eq3A_2397 = arith.cmpi eq, %get3A_58, %get3A_2317 : vector<16x128xi32>
    %jit3A_2398 = arith.constant 2048 : i32
    %jit3A_2399 = arith.constant 0 : i32
    %broadcast_in_dim3A_2400 = vector.broadcast %jit3A_2398 : i32 to vector<16x128xi32>
    %broadcast_in_dim3A_2401 = vector.broadcast %jit3A_2399 : i32 to vector<16x128xi32>
    %select_n3A_2402 = arith.select %eq3A_2397, %broadcast_in_dim3A_2400, %broadcast_in_dim3A_2401 : vector<16x128xi1>, vector<16x128xi32>
    %or3A_2403 = arith.ori %or3A_2396, %select_n3A_2402 : vector<16x128xi32>
    %eq3A_2404 = arith.cmpi eq, %get3A_63, %get3A_2317 : vector<16x128xi32>
    %jit3A_2405 = arith.constant 4096 : i32
    %jit3A_2406 = arith.constant 0 : i32
    %broadcast_in_dim3A_2407 = vector.broadcast %jit3A_2405 : i32 to vector<16x128xi32>
    %broadcast_in_dim3A_2408 = vector.broadcast %jit3A_2406 : i32 to vector<16x128xi32>
    %select_n3A_2409 = arith.select %eq3A_2404, %broadcast_in_dim3A_2407, %broadcast_in_dim3A_2408 : vector<16x128xi1>, vector<16x128xi32>
    %or3A_2410 = arith.ori %or3A_2403, %select_n3A_2409 : vector<16x128xi32>
    %eq3A_2411 = arith.cmpi eq, %get3A_68, %get3A_2317 : vector<16x128xi32>
    %jit3A_2412 = arith.constant 8192 : i32
    %jit3A_2413 = arith.constant 0 : i32
    %broadcast_in_dim3A_2414 = vector.broadcast %jit3A_2412 : i32 to vector<16x128xi32>
    %broadcast_in_dim3A_2415 = vector.broadcast %jit3A_2413 : i32 to vector<16x128xi32>
    %select_n3A_2416 = arith.select %eq3A_2411, %broadcast_in_dim3A_2414, %broadcast_in_dim3A_2415 : vector<16x128xi1>, vector<16x128xi32>
    %or3A_2417 = arith.ori %or3A_2410, %select_n3A_2416 : vector<16x128xi32>
    %eq3A_2418 = arith.cmpi eq, %get3A_73, %get3A_2317 : vector<16x128xi32>
    %jit3A_2419 = arith.constant 16384 : i32
    %jit3A_2420 = arith.constant 0 : i32
    %broadcast_in_dim3A_2421 = vector.broadcast %jit3A_2419 : i32 to vector<16x128xi32>
    %broadcast_in_dim3A_2422 = vector.broadcast %jit3A_2420 : i32 to vector<16x128xi32>
    %select_n3A_2423 = arith.select %eq3A_2418, %broadcast_in_dim3A_2421, %broadcast_in_dim3A_2422 : vector<16x128xi1>, vector<16x128xi32>
    %or3A_2424 = arith.ori %or3A_2417, %select_n3A_2423 : vector<16x128xi32>
    %eq3A_2425 = arith.cmpi eq, %get3A_78, %get3A_2317 : vector<16x128xi32>
    %jit3A_2426 = arith.constant 32768 : i32
    %jit3A_2427 = arith.constant 0 : i32
    %broadcast_in_dim3A_2428 = vector.broadcast %jit3A_2426 : i32 to vector<16x128xi32>
    %broadcast_in_dim3A_2429 = vector.broadcast %jit3A_2427 : i32 to vector<16x128xi32>
    %select_n3A_2430 = arith.select %eq3A_2425, %broadcast_in_dim3A_2428, %broadcast_in_dim3A_2429 : vector<16x128xi1>, vector<16x128xi32>
    %or3A_2431 = arith.ori %or3A_2424, %select_n3A_2430 : vector<16x128xi32>
    %eq3A_2432 = arith.cmpi eq, %get3A_83, %get3A_2317 : vector<16x128xi32>
    %jit3A_2433 = arith.constant 65536 : i32
    %jit3A_2434 = arith.constant 0 : i32
    %broadcast_in_dim3A_2435 = vector.broadcast %jit3A_2433 : i32 to vector<16x128xi32>
    %broadcast_in_dim3A_2436 = vector.broadcast %jit3A_2434 : i32 to vector<16x128xi32>
    %select_n3A_2437 = arith.select %eq3A_2432, %broadcast_in_dim3A_2435, %broadcast_in_dim3A_2436 : vector<16x128xi1>, vector<16x128xi32>
    %or3A_2438 = arith.ori %or3A_2431, %select_n3A_2437 : vector<16x128xi32>
    %eq3A_2439 = arith.cmpi eq, %get3A_88, %get3A_2317 : vector<16x128xi32>
    %jit3A_2440 = arith.constant 131072 : i32
    %jit3A_2441 = arith.constant 0 : i32
    %broadcast_in_dim3A_2442 = vector.broadcast %jit3A_2440 : i32 to vector<16x128xi32>
    %broadcast_in_dim3A_2443 = vector.broadcast %jit3A_2441 : i32 to vector<16x128xi32>
    %select_n3A_2444 = arith.select %eq3A_2439, %broadcast_in_dim3A_2442, %broadcast_in_dim3A_2443 : vector<16x128xi1>, vector<16x128xi32>
    %or3A_2445 = arith.ori %or3A_2438, %select_n3A_2444 : vector<16x128xi32>
    %eq3A_2446 = arith.cmpi eq, %get3A_93, %get3A_2317 : vector<16x128xi32>
    %jit3A_2447 = arith.constant 262144 : i32
    %jit3A_2448 = arith.constant 0 : i32
    %broadcast_in_dim3A_2449 = vector.broadcast %jit3A_2447 : i32 to vector<16x128xi32>
    %broadcast_in_dim3A_2450 = vector.broadcast %jit3A_2448 : i32 to vector<16x128xi32>
    %select_n3A_2451 = arith.select %eq3A_2446, %broadcast_in_dim3A_2449, %broadcast_in_dim3A_2450 : vector<16x128xi1>, vector<16x128xi32>
    %or3A_2452 = arith.ori %or3A_2445, %select_n3A_2451 : vector<16x128xi32>
    %eq3A_2453 = arith.cmpi eq, %get3A_98, %get3A_2317 : vector<16x128xi32>
    %jit3A_2454 = arith.constant 524288 : i32
    %jit3A_2455 = arith.constant 0 : i32
    %broadcast_in_dim3A_2456 = vector.broadcast %jit3A_2454 : i32 to vector<16x128xi32>
    %broadcast_in_dim3A_2457 = vector.broadcast %jit3A_2455 : i32 to vector<16x128xi32>
    %select_n3A_2458 = arith.select %eq3A_2453, %broadcast_in_dim3A_2456, %broadcast_in_dim3A_2457 : vector<16x128xi1>, vector<16x128xi32>
    %or3A_2459 = arith.ori %or3A_2452, %select_n3A_2458 : vector<16x128xi32>
    %or3A_2460 = arith.ori %or3A_2459, %and3A_2312 : vector<16x128xi32>
    %and3A_2461 = arith.andi %or3A_2459, %or3A_2311 : vector<16x128xi32>
    %add3A_2462 = arith.addi %and3A_2461, %or3A_2311 : vector<16x128xi32>
    %xor3A_2463 = arith.xori %add3A_2462, %or3A_2311 : vector<16x128xi32>
    %or3A_2464 = arith.ori %xor3A_2463, %or3A_2459 : vector<16x128xi32>
    %or3A_2465 = arith.ori %or3A_2464, %or3A_2311 : vector<16x128xi32>
    %not3A_2466 = arith.constant dense<-1> : vector<16x128xi32>
    %not3A_2467 = arith.xori %or3A_2465, %not3A_2466 : vector<16x128xi32>
    %or3A_2468 = arith.ori %and3A_2312, %not3A_2467 : vector<16x128xi32>
    %and3A_2469 = arith.andi %or3A_2311, %or3A_2464 : vector<16x128xi32>
    %shift_right_arithmetic3A_2470 = arith.constant 19 : i32
    %shift_right_arithmetic3A_2471 = vector.broadcast %shift_right_arithmetic3A_2470 : i32 to vector<16x128xi32>
    %shift_right_arithmetic3A_2472 = arith.shrsi %or3A_2468, %shift_right_arithmetic3A_2471 : vector<16x128xi32>
    %and3A_2473 = arith.constant 1 : i32
    %and3A_2474 = vector.broadcast %and3A_2473 : i32 to vector<16x128xi32>
    %and3A_2475 = arith.andi %shift_right_arithmetic3A_2472, %and3A_2474 : vector<16x128xi32>
    %add3A_2476 = arith.addi %sub3A_2298, %and3A_2475 : vector<16x128xi32>
    %shift_right_arithmetic3A_2477 = arith.constant 19 : i32
    %shift_right_arithmetic3A_2478 = vector.broadcast %shift_right_arithmetic3A_2477 : i32 to vector<16x128xi32>
    %shift_right_arithmetic3A_2479 = arith.shrsi %and3A_2469, %shift_right_arithmetic3A_2478 : vector<16x128xi32>
    %and3A_2480 = arith.constant 1 : i32
    %and3A_2481 = vector.broadcast %and3A_2480 : i32 to vector<16x128xi32>
    %and3A_2482 = arith.andi %shift_right_arithmetic3A_2479, %and3A_2481 : vector<16x128xi32>
    %sub3A_2483 = arith.subi %add3A_2476, %and3A_2482 : vector<16x128xi32>
    %shift_left3A_2484 = arith.constant 1 : i32
    %shift_left3A_2485 = vector.broadcast %shift_left3A_2484 : i32 to vector<16x128xi32>
    %shift_left3A_2486 = arith.shli %or3A_2468, %shift_left3A_2485 : vector<16x128xi32>
    %or3A_2487 = arith.constant 1 : i32
    %or3A_2488 = vector.broadcast %or3A_2487 : i32 to vector<16x128xi32>
    %or3A_2489 = arith.ori %shift_left3A_2486, %or3A_2488 : vector<16x128xi32>
    %shift_left3A_2490 = arith.constant 1 : i32
    %shift_left3A_2491 = vector.broadcast %shift_left3A_2490 : i32 to vector<16x128xi32>
    %shift_left3A_2492 = arith.shli %and3A_2469, %shift_left3A_2491 : vector<16x128xi32>
    %or3A_2493 = arith.ori %or3A_2460, %or3A_2489 : vector<16x128xi32>
    %not3A_2494 = arith.constant dense<-1> : vector<16x128xi32>
    %not3A_2495 = arith.xori %or3A_2493, %not3A_2494 : vector<16x128xi32>
    %or3A_2496 = arith.ori %shift_left3A_2492, %not3A_2495 : vector<16x128xi32>
    %and3A_2497 = arith.andi %or3A_2489, %or3A_2460 : vector<16x128xi32>
    %get3A_2498 = arith.constant 13 : index
    %get3A_2499 = arith.constant 0 : index
    %get3A_2500 = arith.constant 0 : index
    %get3A_2501 = vector.load %arg2[%get3A_2498, %get3A_2499, %get3A_2500] : memref<20x16x128xi32, #tpu.memory_space<vmem>>, vector<1x16x128xi32>
    %get3A_2502 = vector.shape_cast %get3A_2501 : vector<1x16x128xi32> to vector<16x128xi32>
    %broadcast_in_dim3A_2503 = arith.constant 0 : i32
    %broadcast_in_dim3A_2504 = vector.broadcast %broadcast_in_dim3A_2503 : i32 to vector<16x128xi32>
    %eq3A_2505 = arith.cmpi eq, %get3A_3, %get3A_2502 : vector<16x128xi32>
    %jit3A_2506 = arith.constant 1 : i32
    %jit3A_2507 = arith.constant 0 : i32
    %broadcast_in_dim3A_2508 = vector.broadcast %jit3A_2506 : i32 to vector<16x128xi32>
    %broadcast_in_dim3A_2509 = vector.broadcast %jit3A_2507 : i32 to vector<16x128xi32>
    %select_n3A_2510 = arith.select %eq3A_2505, %broadcast_in_dim3A_2508, %broadcast_in_dim3A_2509 : vector<16x128xi1>, vector<16x128xi32>
    %or3A_2511 = arith.ori %broadcast_in_dim3A_2504, %select_n3A_2510 : vector<16x128xi32>
    %eq3A_2512 = arith.cmpi eq, %get3A_8, %get3A_2502 : vector<16x128xi32>
    %jit3A_2513 = arith.constant 2 : i32
    %jit3A_2514 = arith.constant 0 : i32
    %broadcast_in_dim3A_2515 = vector.broadcast %jit3A_2513 : i32 to vector<16x128xi32>
    %broadcast_in_dim3A_2516 = vector.broadcast %jit3A_2514 : i32 to vector<16x128xi32>
    %select_n3A_2517 = arith.select %eq3A_2512, %broadcast_in_dim3A_2515, %broadcast_in_dim3A_2516 : vector<16x128xi1>, vector<16x128xi32>
    %or3A_2518 = arith.ori %or3A_2511, %select_n3A_2517 : vector<16x128xi32>
    %eq3A_2519 = arith.cmpi eq, %get3A_13, %get3A_2502 : vector<16x128xi32>
    %jit3A_2520 = arith.constant 4 : i32
    %jit3A_2521 = arith.constant 0 : i32
    %broadcast_in_dim3A_2522 = vector.broadcast %jit3A_2520 : i32 to vector<16x128xi32>
    %broadcast_in_dim3A_2523 = vector.broadcast %jit3A_2521 : i32 to vector<16x128xi32>
    %select_n3A_2524 = arith.select %eq3A_2519, %broadcast_in_dim3A_2522, %broadcast_in_dim3A_2523 : vector<16x128xi1>, vector<16x128xi32>
    %or3A_2525 = arith.ori %or3A_2518, %select_n3A_2524 : vector<16x128xi32>
    %eq3A_2526 = arith.cmpi eq, %get3A_18, %get3A_2502 : vector<16x128xi32>
    %jit3A_2527 = arith.constant 8 : i32
    %jit3A_2528 = arith.constant 0 : i32
    %broadcast_in_dim3A_2529 = vector.broadcast %jit3A_2527 : i32 to vector<16x128xi32>
    %broadcast_in_dim3A_2530 = vector.broadcast %jit3A_2528 : i32 to vector<16x128xi32>
    %select_n3A_2531 = arith.select %eq3A_2526, %broadcast_in_dim3A_2529, %broadcast_in_dim3A_2530 : vector<16x128xi1>, vector<16x128xi32>
    %or3A_2532 = arith.ori %or3A_2525, %select_n3A_2531 : vector<16x128xi32>
    %eq3A_2533 = arith.cmpi eq, %get3A_23, %get3A_2502 : vector<16x128xi32>
    %jit3A_2534 = arith.constant 16 : i32
    %jit3A_2535 = arith.constant 0 : i32
    %broadcast_in_dim3A_2536 = vector.broadcast %jit3A_2534 : i32 to vector<16x128xi32>
    %broadcast_in_dim3A_2537 = vector.broadcast %jit3A_2535 : i32 to vector<16x128xi32>
    %select_n3A_2538 = arith.select %eq3A_2533, %broadcast_in_dim3A_2536, %broadcast_in_dim3A_2537 : vector<16x128xi1>, vector<16x128xi32>
    %or3A_2539 = arith.ori %or3A_2532, %select_n3A_2538 : vector<16x128xi32>
    %eq3A_2540 = arith.cmpi eq, %get3A_28, %get3A_2502 : vector<16x128xi32>
    %jit3A_2541 = arith.constant 32 : i32
    %jit3A_2542 = arith.constant 0 : i32
    %broadcast_in_dim3A_2543 = vector.broadcast %jit3A_2541 : i32 to vector<16x128xi32>
    %broadcast_in_dim3A_2544 = vector.broadcast %jit3A_2542 : i32 to vector<16x128xi32>
    %select_n3A_2545 = arith.select %eq3A_2540, %broadcast_in_dim3A_2543, %broadcast_in_dim3A_2544 : vector<16x128xi1>, vector<16x128xi32>
    %or3A_2546 = arith.ori %or3A_2539, %select_n3A_2545 : vector<16x128xi32>
    %eq3A_2547 = arith.cmpi eq, %get3A_33, %get3A_2502 : vector<16x128xi32>
    %jit3A_2548 = arith.constant 64 : i32
    %jit3A_2549 = arith.constant 0 : i32
    %broadcast_in_dim3A_2550 = vector.broadcast %jit3A_2548 : i32 to vector<16x128xi32>
    %broadcast_in_dim3A_2551 = vector.broadcast %jit3A_2549 : i32 to vector<16x128xi32>
    %select_n3A_2552 = arith.select %eq3A_2547, %broadcast_in_dim3A_2550, %broadcast_in_dim3A_2551 : vector<16x128xi1>, vector<16x128xi32>
    %or3A_2553 = arith.ori %or3A_2546, %select_n3A_2552 : vector<16x128xi32>
    %eq3A_2554 = arith.cmpi eq, %get3A_38, %get3A_2502 : vector<16x128xi32>
    %jit3A_2555 = arith.constant 128 : i32
    %jit3A_2556 = arith.constant 0 : i32
    %broadcast_in_dim3A_2557 = vector.broadcast %jit3A_2555 : i32 to vector<16x128xi32>
    %broadcast_in_dim3A_2558 = vector.broadcast %jit3A_2556 : i32 to vector<16x128xi32>
    %select_n3A_2559 = arith.select %eq3A_2554, %broadcast_in_dim3A_2557, %broadcast_in_dim3A_2558 : vector<16x128xi1>, vector<16x128xi32>
    %or3A_2560 = arith.ori %or3A_2553, %select_n3A_2559 : vector<16x128xi32>
    %eq3A_2561 = arith.cmpi eq, %get3A_43, %get3A_2502 : vector<16x128xi32>
    %jit3A_2562 = arith.constant 256 : i32
    %jit3A_2563 = arith.constant 0 : i32
    %broadcast_in_dim3A_2564 = vector.broadcast %jit3A_2562 : i32 to vector<16x128xi32>
    %broadcast_in_dim3A_2565 = vector.broadcast %jit3A_2563 : i32 to vector<16x128xi32>
    %select_n3A_2566 = arith.select %eq3A_2561, %broadcast_in_dim3A_2564, %broadcast_in_dim3A_2565 : vector<16x128xi1>, vector<16x128xi32>
    %or3A_2567 = arith.ori %or3A_2560, %select_n3A_2566 : vector<16x128xi32>
    %eq3A_2568 = arith.cmpi eq, %get3A_48, %get3A_2502 : vector<16x128xi32>
    %jit3A_2569 = arith.constant 512 : i32
    %jit3A_2570 = arith.constant 0 : i32
    %broadcast_in_dim3A_2571 = vector.broadcast %jit3A_2569 : i32 to vector<16x128xi32>
    %broadcast_in_dim3A_2572 = vector.broadcast %jit3A_2570 : i32 to vector<16x128xi32>
    %select_n3A_2573 = arith.select %eq3A_2568, %broadcast_in_dim3A_2571, %broadcast_in_dim3A_2572 : vector<16x128xi1>, vector<16x128xi32>
    %or3A_2574 = arith.ori %or3A_2567, %select_n3A_2573 : vector<16x128xi32>
    %eq3A_2575 = arith.cmpi eq, %get3A_53, %get3A_2502 : vector<16x128xi32>
    %jit3A_2576 = arith.constant 1024 : i32
    %jit3A_2577 = arith.constant 0 : i32
    %broadcast_in_dim3A_2578 = vector.broadcast %jit3A_2576 : i32 to vector<16x128xi32>
    %broadcast_in_dim3A_2579 = vector.broadcast %jit3A_2577 : i32 to vector<16x128xi32>
    %select_n3A_2580 = arith.select %eq3A_2575, %broadcast_in_dim3A_2578, %broadcast_in_dim3A_2579 : vector<16x128xi1>, vector<16x128xi32>
    %or3A_2581 = arith.ori %or3A_2574, %select_n3A_2580 : vector<16x128xi32>
    %eq3A_2582 = arith.cmpi eq, %get3A_58, %get3A_2502 : vector<16x128xi32>
    %jit3A_2583 = arith.constant 2048 : i32
    %jit3A_2584 = arith.constant 0 : i32
    %broadcast_in_dim3A_2585 = vector.broadcast %jit3A_2583 : i32 to vector<16x128xi32>
    %broadcast_in_dim3A_2586 = vector.broadcast %jit3A_2584 : i32 to vector<16x128xi32>
    %select_n3A_2587 = arith.select %eq3A_2582, %broadcast_in_dim3A_2585, %broadcast_in_dim3A_2586 : vector<16x128xi1>, vector<16x128xi32>
    %or3A_2588 = arith.ori %or3A_2581, %select_n3A_2587 : vector<16x128xi32>
    %eq3A_2589 = arith.cmpi eq, %get3A_63, %get3A_2502 : vector<16x128xi32>
    %jit3A_2590 = arith.constant 4096 : i32
    %jit3A_2591 = arith.constant 0 : i32
    %broadcast_in_dim3A_2592 = vector.broadcast %jit3A_2590 : i32 to vector<16x128xi32>
    %broadcast_in_dim3A_2593 = vector.broadcast %jit3A_2591 : i32 to vector<16x128xi32>
    %select_n3A_2594 = arith.select %eq3A_2589, %broadcast_in_dim3A_2592, %broadcast_in_dim3A_2593 : vector<16x128xi1>, vector<16x128xi32>
    %or3A_2595 = arith.ori %or3A_2588, %select_n3A_2594 : vector<16x128xi32>
    %eq3A_2596 = arith.cmpi eq, %get3A_68, %get3A_2502 : vector<16x128xi32>
    %jit3A_2597 = arith.constant 8192 : i32
    %jit3A_2598 = arith.constant 0 : i32
    %broadcast_in_dim3A_2599 = vector.broadcast %jit3A_2597 : i32 to vector<16x128xi32>
    %broadcast_in_dim3A_2600 = vector.broadcast %jit3A_2598 : i32 to vector<16x128xi32>
    %select_n3A_2601 = arith.select %eq3A_2596, %broadcast_in_dim3A_2599, %broadcast_in_dim3A_2600 : vector<16x128xi1>, vector<16x128xi32>
    %or3A_2602 = arith.ori %or3A_2595, %select_n3A_2601 : vector<16x128xi32>
    %eq3A_2603 = arith.cmpi eq, %get3A_73, %get3A_2502 : vector<16x128xi32>
    %jit3A_2604 = arith.constant 16384 : i32
    %jit3A_2605 = arith.constant 0 : i32
    %broadcast_in_dim3A_2606 = vector.broadcast %jit3A_2604 : i32 to vector<16x128xi32>
    %broadcast_in_dim3A_2607 = vector.broadcast %jit3A_2605 : i32 to vector<16x128xi32>
    %select_n3A_2608 = arith.select %eq3A_2603, %broadcast_in_dim3A_2606, %broadcast_in_dim3A_2607 : vector<16x128xi1>, vector<16x128xi32>
    %or3A_2609 = arith.ori %or3A_2602, %select_n3A_2608 : vector<16x128xi32>
    %eq3A_2610 = arith.cmpi eq, %get3A_78, %get3A_2502 : vector<16x128xi32>
    %jit3A_2611 = arith.constant 32768 : i32
    %jit3A_2612 = arith.constant 0 : i32
    %broadcast_in_dim3A_2613 = vector.broadcast %jit3A_2611 : i32 to vector<16x128xi32>
    %broadcast_in_dim3A_2614 = vector.broadcast %jit3A_2612 : i32 to vector<16x128xi32>
    %select_n3A_2615 = arith.select %eq3A_2610, %broadcast_in_dim3A_2613, %broadcast_in_dim3A_2614 : vector<16x128xi1>, vector<16x128xi32>
    %or3A_2616 = arith.ori %or3A_2609, %select_n3A_2615 : vector<16x128xi32>
    %eq3A_2617 = arith.cmpi eq, %get3A_83, %get3A_2502 : vector<16x128xi32>
    %jit3A_2618 = arith.constant 65536 : i32
    %jit3A_2619 = arith.constant 0 : i32
    %broadcast_in_dim3A_2620 = vector.broadcast %jit3A_2618 : i32 to vector<16x128xi32>
    %broadcast_in_dim3A_2621 = vector.broadcast %jit3A_2619 : i32 to vector<16x128xi32>
    %select_n3A_2622 = arith.select %eq3A_2617, %broadcast_in_dim3A_2620, %broadcast_in_dim3A_2621 : vector<16x128xi1>, vector<16x128xi32>
    %or3A_2623 = arith.ori %or3A_2616, %select_n3A_2622 : vector<16x128xi32>
    %eq3A_2624 = arith.cmpi eq, %get3A_88, %get3A_2502 : vector<16x128xi32>
    %jit3A_2625 = arith.constant 131072 : i32
    %jit3A_2626 = arith.constant 0 : i32
    %broadcast_in_dim3A_2627 = vector.broadcast %jit3A_2625 : i32 to vector<16x128xi32>
    %broadcast_in_dim3A_2628 = vector.broadcast %jit3A_2626 : i32 to vector<16x128xi32>
    %select_n3A_2629 = arith.select %eq3A_2624, %broadcast_in_dim3A_2627, %broadcast_in_dim3A_2628 : vector<16x128xi1>, vector<16x128xi32>
    %or3A_2630 = arith.ori %or3A_2623, %select_n3A_2629 : vector<16x128xi32>
    %eq3A_2631 = arith.cmpi eq, %get3A_93, %get3A_2502 : vector<16x128xi32>
    %jit3A_2632 = arith.constant 262144 : i32
    %jit3A_2633 = arith.constant 0 : i32
    %broadcast_in_dim3A_2634 = vector.broadcast %jit3A_2632 : i32 to vector<16x128xi32>
    %broadcast_in_dim3A_2635 = vector.broadcast %jit3A_2633 : i32 to vector<16x128xi32>
    %select_n3A_2636 = arith.select %eq3A_2631, %broadcast_in_dim3A_2634, %broadcast_in_dim3A_2635 : vector<16x128xi1>, vector<16x128xi32>
    %or3A_2637 = arith.ori %or3A_2630, %select_n3A_2636 : vector<16x128xi32>
    %eq3A_2638 = arith.cmpi eq, %get3A_98, %get3A_2502 : vector<16x128xi32>
    %jit3A_2639 = arith.constant 524288 : i32
    %jit3A_2640 = arith.constant 0 : i32
    %broadcast_in_dim3A_2641 = vector.broadcast %jit3A_2639 : i32 to vector<16x128xi32>
    %broadcast_in_dim3A_2642 = vector.broadcast %jit3A_2640 : i32 to vector<16x128xi32>
    %select_n3A_2643 = arith.select %eq3A_2638, %broadcast_in_dim3A_2641, %broadcast_in_dim3A_2642 : vector<16x128xi1>, vector<16x128xi32>
    %or3A_2644 = arith.ori %or3A_2637, %select_n3A_2643 : vector<16x128xi32>
    %or3A_2645 = arith.ori %or3A_2644, %and3A_2497 : vector<16x128xi32>
    %and3A_2646 = arith.andi %or3A_2644, %or3A_2496 : vector<16x128xi32>
    %add3A_2647 = arith.addi %and3A_2646, %or3A_2496 : vector<16x128xi32>
    %xor3A_2648 = arith.xori %add3A_2647, %or3A_2496 : vector<16x128xi32>
    %or3A_2649 = arith.ori %xor3A_2648, %or3A_2644 : vector<16x128xi32>
    %or3A_2650 = arith.ori %or3A_2649, %or3A_2496 : vector<16x128xi32>
    %not3A_2651 = arith.constant dense<-1> : vector<16x128xi32>
    %not3A_2652 = arith.xori %or3A_2650, %not3A_2651 : vector<16x128xi32>
    %or3A_2653 = arith.ori %and3A_2497, %not3A_2652 : vector<16x128xi32>
    %and3A_2654 = arith.andi %or3A_2496, %or3A_2649 : vector<16x128xi32>
    %shift_right_arithmetic3A_2655 = arith.constant 19 : i32
    %shift_right_arithmetic3A_2656 = vector.broadcast %shift_right_arithmetic3A_2655 : i32 to vector<16x128xi32>
    %shift_right_arithmetic3A_2657 = arith.shrsi %or3A_2653, %shift_right_arithmetic3A_2656 : vector<16x128xi32>
    %and3A_2658 = arith.constant 1 : i32
    %and3A_2659 = vector.broadcast %and3A_2658 : i32 to vector<16x128xi32>
    %and3A_2660 = arith.andi %shift_right_arithmetic3A_2657, %and3A_2659 : vector<16x128xi32>
    %add3A_2661 = arith.addi %sub3A_2483, %and3A_2660 : vector<16x128xi32>
    %shift_right_arithmetic3A_2662 = arith.constant 19 : i32
    %shift_right_arithmetic3A_2663 = vector.broadcast %shift_right_arithmetic3A_2662 : i32 to vector<16x128xi32>
    %shift_right_arithmetic3A_2664 = arith.shrsi %and3A_2654, %shift_right_arithmetic3A_2663 : vector<16x128xi32>
    %and3A_2665 = arith.constant 1 : i32
    %and3A_2666 = vector.broadcast %and3A_2665 : i32 to vector<16x128xi32>
    %and3A_2667 = arith.andi %shift_right_arithmetic3A_2664, %and3A_2666 : vector<16x128xi32>
    %sub3A_2668 = arith.subi %add3A_2661, %and3A_2667 : vector<16x128xi32>
    %shift_left3A_2669 = arith.constant 1 : i32
    %shift_left3A_2670 = vector.broadcast %shift_left3A_2669 : i32 to vector<16x128xi32>
    %shift_left3A_2671 = arith.shli %or3A_2653, %shift_left3A_2670 : vector<16x128xi32>
    %or3A_2672 = arith.constant 1 : i32
    %or3A_2673 = vector.broadcast %or3A_2672 : i32 to vector<16x128xi32>
    %or3A_2674 = arith.ori %shift_left3A_2671, %or3A_2673 : vector<16x128xi32>
    %shift_left3A_2675 = arith.constant 1 : i32
    %shift_left3A_2676 = vector.broadcast %shift_left3A_2675 : i32 to vector<16x128xi32>
    %shift_left3A_2677 = arith.shli %and3A_2654, %shift_left3A_2676 : vector<16x128xi32>
    %or3A_2678 = arith.ori %or3A_2645, %or3A_2674 : vector<16x128xi32>
    %not3A_2679 = arith.constant dense<-1> : vector<16x128xi32>
    %not3A_2680 = arith.xori %or3A_2678, %not3A_2679 : vector<16x128xi32>
    %or3A_2681 = arith.ori %shift_left3A_2677, %not3A_2680 : vector<16x128xi32>
    %and3A_2682 = arith.andi %or3A_2674, %or3A_2645 : vector<16x128xi32>
    %get3A_2683 = arith.constant 14 : index
    %get3A_2684 = arith.constant 0 : index
    %get3A_2685 = arith.constant 0 : index
    %get3A_2686 = vector.load %arg2[%get3A_2683, %get3A_2684, %get3A_2685] : memref<20x16x128xi32, #tpu.memory_space<vmem>>, vector<1x16x128xi32>
    %get3A_2687 = vector.shape_cast %get3A_2686 : vector<1x16x128xi32> to vector<16x128xi32>
    %broadcast_in_dim3A_2688 = arith.constant 0 : i32
    %broadcast_in_dim3A_2689 = vector.broadcast %broadcast_in_dim3A_2688 : i32 to vector<16x128xi32>
    %eq3A_2690 = arith.cmpi eq, %get3A_3, %get3A_2687 : vector<16x128xi32>
    %jit3A_2691 = arith.constant 1 : i32
    %jit3A_2692 = arith.constant 0 : i32
    %broadcast_in_dim3A_2693 = vector.broadcast %jit3A_2691 : i32 to vector<16x128xi32>
    %broadcast_in_dim3A_2694 = vector.broadcast %jit3A_2692 : i32 to vector<16x128xi32>
    %select_n3A_2695 = arith.select %eq3A_2690, %broadcast_in_dim3A_2693, %broadcast_in_dim3A_2694 : vector<16x128xi1>, vector<16x128xi32>
    %or3A_2696 = arith.ori %broadcast_in_dim3A_2689, %select_n3A_2695 : vector<16x128xi32>
    %eq3A_2697 = arith.cmpi eq, %get3A_8, %get3A_2687 : vector<16x128xi32>
    %jit3A_2698 = arith.constant 2 : i32
    %jit3A_2699 = arith.constant 0 : i32
    %broadcast_in_dim3A_2700 = vector.broadcast %jit3A_2698 : i32 to vector<16x128xi32>
    %broadcast_in_dim3A_2701 = vector.broadcast %jit3A_2699 : i32 to vector<16x128xi32>
    %select_n3A_2702 = arith.select %eq3A_2697, %broadcast_in_dim3A_2700, %broadcast_in_dim3A_2701 : vector<16x128xi1>, vector<16x128xi32>
    %or3A_2703 = arith.ori %or3A_2696, %select_n3A_2702 : vector<16x128xi32>
    %eq3A_2704 = arith.cmpi eq, %get3A_13, %get3A_2687 : vector<16x128xi32>
    %jit3A_2705 = arith.constant 4 : i32
    %jit3A_2706 = arith.constant 0 : i32
    %broadcast_in_dim3A_2707 = vector.broadcast %jit3A_2705 : i32 to vector<16x128xi32>
    %broadcast_in_dim3A_2708 = vector.broadcast %jit3A_2706 : i32 to vector<16x128xi32>
    %select_n3A_2709 = arith.select %eq3A_2704, %broadcast_in_dim3A_2707, %broadcast_in_dim3A_2708 : vector<16x128xi1>, vector<16x128xi32>
    %or3A_2710 = arith.ori %or3A_2703, %select_n3A_2709 : vector<16x128xi32>
    %eq3A_2711 = arith.cmpi eq, %get3A_18, %get3A_2687 : vector<16x128xi32>
    %jit3A_2712 = arith.constant 8 : i32
    %jit3A_2713 = arith.constant 0 : i32
    %broadcast_in_dim3A_2714 = vector.broadcast %jit3A_2712 : i32 to vector<16x128xi32>
    %broadcast_in_dim3A_2715 = vector.broadcast %jit3A_2713 : i32 to vector<16x128xi32>
    %select_n3A_2716 = arith.select %eq3A_2711, %broadcast_in_dim3A_2714, %broadcast_in_dim3A_2715 : vector<16x128xi1>, vector<16x128xi32>
    %or3A_2717 = arith.ori %or3A_2710, %select_n3A_2716 : vector<16x128xi32>
    %eq3A_2718 = arith.cmpi eq, %get3A_23, %get3A_2687 : vector<16x128xi32>
    %jit3A_2719 = arith.constant 16 : i32
    %jit3A_2720 = arith.constant 0 : i32
    %broadcast_in_dim3A_2721 = vector.broadcast %jit3A_2719 : i32 to vector<16x128xi32>
    %broadcast_in_dim3A_2722 = vector.broadcast %jit3A_2720 : i32 to vector<16x128xi32>
    %select_n3A_2723 = arith.select %eq3A_2718, %broadcast_in_dim3A_2721, %broadcast_in_dim3A_2722 : vector<16x128xi1>, vector<16x128xi32>
    %or3A_2724 = arith.ori %or3A_2717, %select_n3A_2723 : vector<16x128xi32>
    %eq3A_2725 = arith.cmpi eq, %get3A_28, %get3A_2687 : vector<16x128xi32>
    %jit3A_2726 = arith.constant 32 : i32
    %jit3A_2727 = arith.constant 0 : i32
    %broadcast_in_dim3A_2728 = vector.broadcast %jit3A_2726 : i32 to vector<16x128xi32>
    %broadcast_in_dim3A_2729 = vector.broadcast %jit3A_2727 : i32 to vector<16x128xi32>
    %select_n3A_2730 = arith.select %eq3A_2725, %broadcast_in_dim3A_2728, %broadcast_in_dim3A_2729 : vector<16x128xi1>, vector<16x128xi32>
    %or3A_2731 = arith.ori %or3A_2724, %select_n3A_2730 : vector<16x128xi32>
    %eq3A_2732 = arith.cmpi eq, %get3A_33, %get3A_2687 : vector<16x128xi32>
    %jit3A_2733 = arith.constant 64 : i32
    %jit3A_2734 = arith.constant 0 : i32
    %broadcast_in_dim3A_2735 = vector.broadcast %jit3A_2733 : i32 to vector<16x128xi32>
    %broadcast_in_dim3A_2736 = vector.broadcast %jit3A_2734 : i32 to vector<16x128xi32>
    %select_n3A_2737 = arith.select %eq3A_2732, %broadcast_in_dim3A_2735, %broadcast_in_dim3A_2736 : vector<16x128xi1>, vector<16x128xi32>
    %or3A_2738 = arith.ori %or3A_2731, %select_n3A_2737 : vector<16x128xi32>
    %eq3A_2739 = arith.cmpi eq, %get3A_38, %get3A_2687 : vector<16x128xi32>
    %jit3A_2740 = arith.constant 128 : i32
    %jit3A_2741 = arith.constant 0 : i32
    %broadcast_in_dim3A_2742 = vector.broadcast %jit3A_2740 : i32 to vector<16x128xi32>
    %broadcast_in_dim3A_2743 = vector.broadcast %jit3A_2741 : i32 to vector<16x128xi32>
    %select_n3A_2744 = arith.select %eq3A_2739, %broadcast_in_dim3A_2742, %broadcast_in_dim3A_2743 : vector<16x128xi1>, vector<16x128xi32>
    %or3A_2745 = arith.ori %or3A_2738, %select_n3A_2744 : vector<16x128xi32>
    %eq3A_2746 = arith.cmpi eq, %get3A_43, %get3A_2687 : vector<16x128xi32>
    %jit3A_2747 = arith.constant 256 : i32
    %jit3A_2748 = arith.constant 0 : i32
    %broadcast_in_dim3A_2749 = vector.broadcast %jit3A_2747 : i32 to vector<16x128xi32>
    %broadcast_in_dim3A_2750 = vector.broadcast %jit3A_2748 : i32 to vector<16x128xi32>
    %select_n3A_2751 = arith.select %eq3A_2746, %broadcast_in_dim3A_2749, %broadcast_in_dim3A_2750 : vector<16x128xi1>, vector<16x128xi32>
    %or3A_2752 = arith.ori %or3A_2745, %select_n3A_2751 : vector<16x128xi32>
    %eq3A_2753 = arith.cmpi eq, %get3A_48, %get3A_2687 : vector<16x128xi32>
    %jit3A_2754 = arith.constant 512 : i32
    %jit3A_2755 = arith.constant 0 : i32
    %broadcast_in_dim3A_2756 = vector.broadcast %jit3A_2754 : i32 to vector<16x128xi32>
    %broadcast_in_dim3A_2757 = vector.broadcast %jit3A_2755 : i32 to vector<16x128xi32>
    %select_n3A_2758 = arith.select %eq3A_2753, %broadcast_in_dim3A_2756, %broadcast_in_dim3A_2757 : vector<16x128xi1>, vector<16x128xi32>
    %or3A_2759 = arith.ori %or3A_2752, %select_n3A_2758 : vector<16x128xi32>
    %eq3A_2760 = arith.cmpi eq, %get3A_53, %get3A_2687 : vector<16x128xi32>
    %jit3A_2761 = arith.constant 1024 : i32
    %jit3A_2762 = arith.constant 0 : i32
    %broadcast_in_dim3A_2763 = vector.broadcast %jit3A_2761 : i32 to vector<16x128xi32>
    %broadcast_in_dim3A_2764 = vector.broadcast %jit3A_2762 : i32 to vector<16x128xi32>
    %select_n3A_2765 = arith.select %eq3A_2760, %broadcast_in_dim3A_2763, %broadcast_in_dim3A_2764 : vector<16x128xi1>, vector<16x128xi32>
    %or3A_2766 = arith.ori %or3A_2759, %select_n3A_2765 : vector<16x128xi32>
    %eq3A_2767 = arith.cmpi eq, %get3A_58, %get3A_2687 : vector<16x128xi32>
    %jit3A_2768 = arith.constant 2048 : i32
    %jit3A_2769 = arith.constant 0 : i32
    %broadcast_in_dim3A_2770 = vector.broadcast %jit3A_2768 : i32 to vector<16x128xi32>
    %broadcast_in_dim3A_2771 = vector.broadcast %jit3A_2769 : i32 to vector<16x128xi32>
    %select_n3A_2772 = arith.select %eq3A_2767, %broadcast_in_dim3A_2770, %broadcast_in_dim3A_2771 : vector<16x128xi1>, vector<16x128xi32>
    %or3A_2773 = arith.ori %or3A_2766, %select_n3A_2772 : vector<16x128xi32>
    %eq3A_2774 = arith.cmpi eq, %get3A_63, %get3A_2687 : vector<16x128xi32>
    %jit3A_2775 = arith.constant 4096 : i32
    %jit3A_2776 = arith.constant 0 : i32
    %broadcast_in_dim3A_2777 = vector.broadcast %jit3A_2775 : i32 to vector<16x128xi32>
    %broadcast_in_dim3A_2778 = vector.broadcast %jit3A_2776 : i32 to vector<16x128xi32>
    %select_n3A_2779 = arith.select %eq3A_2774, %broadcast_in_dim3A_2777, %broadcast_in_dim3A_2778 : vector<16x128xi1>, vector<16x128xi32>
    %or3A_2780 = arith.ori %or3A_2773, %select_n3A_2779 : vector<16x128xi32>
    %eq3A_2781 = arith.cmpi eq, %get3A_68, %get3A_2687 : vector<16x128xi32>
    %jit3A_2782 = arith.constant 8192 : i32
    %jit3A_2783 = arith.constant 0 : i32
    %broadcast_in_dim3A_2784 = vector.broadcast %jit3A_2782 : i32 to vector<16x128xi32>
    %broadcast_in_dim3A_2785 = vector.broadcast %jit3A_2783 : i32 to vector<16x128xi32>
    %select_n3A_2786 = arith.select %eq3A_2781, %broadcast_in_dim3A_2784, %broadcast_in_dim3A_2785 : vector<16x128xi1>, vector<16x128xi32>
    %or3A_2787 = arith.ori %or3A_2780, %select_n3A_2786 : vector<16x128xi32>
    %eq3A_2788 = arith.cmpi eq, %get3A_73, %get3A_2687 : vector<16x128xi32>
    %jit3A_2789 = arith.constant 16384 : i32
    %jit3A_2790 = arith.constant 0 : i32
    %broadcast_in_dim3A_2791 = vector.broadcast %jit3A_2789 : i32 to vector<16x128xi32>
    %broadcast_in_dim3A_2792 = vector.broadcast %jit3A_2790 : i32 to vector<16x128xi32>
    %select_n3A_2793 = arith.select %eq3A_2788, %broadcast_in_dim3A_2791, %broadcast_in_dim3A_2792 : vector<16x128xi1>, vector<16x128xi32>
    %or3A_2794 = arith.ori %or3A_2787, %select_n3A_2793 : vector<16x128xi32>
    %eq3A_2795 = arith.cmpi eq, %get3A_78, %get3A_2687 : vector<16x128xi32>
    %jit3A_2796 = arith.constant 32768 : i32
    %jit3A_2797 = arith.constant 0 : i32
    %broadcast_in_dim3A_2798 = vector.broadcast %jit3A_2796 : i32 to vector<16x128xi32>
    %broadcast_in_dim3A_2799 = vector.broadcast %jit3A_2797 : i32 to vector<16x128xi32>
    %select_n3A_2800 = arith.select %eq3A_2795, %broadcast_in_dim3A_2798, %broadcast_in_dim3A_2799 : vector<16x128xi1>, vector<16x128xi32>
    %or3A_2801 = arith.ori %or3A_2794, %select_n3A_2800 : vector<16x128xi32>
    %eq3A_2802 = arith.cmpi eq, %get3A_83, %get3A_2687 : vector<16x128xi32>
    %jit3A_2803 = arith.constant 65536 : i32
    %jit3A_2804 = arith.constant 0 : i32
    %broadcast_in_dim3A_2805 = vector.broadcast %jit3A_2803 : i32 to vector<16x128xi32>
    %broadcast_in_dim3A_2806 = vector.broadcast %jit3A_2804 : i32 to vector<16x128xi32>
    %select_n3A_2807 = arith.select %eq3A_2802, %broadcast_in_dim3A_2805, %broadcast_in_dim3A_2806 : vector<16x128xi1>, vector<16x128xi32>
    %or3A_2808 = arith.ori %or3A_2801, %select_n3A_2807 : vector<16x128xi32>
    %eq3A_2809 = arith.cmpi eq, %get3A_88, %get3A_2687 : vector<16x128xi32>
    %jit3A_2810 = arith.constant 131072 : i32
    %jit3A_2811 = arith.constant 0 : i32
    %broadcast_in_dim3A_2812 = vector.broadcast %jit3A_2810 : i32 to vector<16x128xi32>
    %broadcast_in_dim3A_2813 = vector.broadcast %jit3A_2811 : i32 to vector<16x128xi32>
    %select_n3A_2814 = arith.select %eq3A_2809, %broadcast_in_dim3A_2812, %broadcast_in_dim3A_2813 : vector<16x128xi1>, vector<16x128xi32>
    %or3A_2815 = arith.ori %or3A_2808, %select_n3A_2814 : vector<16x128xi32>
    %eq3A_2816 = arith.cmpi eq, %get3A_93, %get3A_2687 : vector<16x128xi32>
    %jit3A_2817 = arith.constant 262144 : i32
    %jit3A_2818 = arith.constant 0 : i32
    %broadcast_in_dim3A_2819 = vector.broadcast %jit3A_2817 : i32 to vector<16x128xi32>
    %broadcast_in_dim3A_2820 = vector.broadcast %jit3A_2818 : i32 to vector<16x128xi32>
    %select_n3A_2821 = arith.select %eq3A_2816, %broadcast_in_dim3A_2819, %broadcast_in_dim3A_2820 : vector<16x128xi1>, vector<16x128xi32>
    %or3A_2822 = arith.ori %or3A_2815, %select_n3A_2821 : vector<16x128xi32>
    %eq3A_2823 = arith.cmpi eq, %get3A_98, %get3A_2687 : vector<16x128xi32>
    %jit3A_2824 = arith.constant 524288 : i32
    %jit3A_2825 = arith.constant 0 : i32
    %broadcast_in_dim3A_2826 = vector.broadcast %jit3A_2824 : i32 to vector<16x128xi32>
    %broadcast_in_dim3A_2827 = vector.broadcast %jit3A_2825 : i32 to vector<16x128xi32>
    %select_n3A_2828 = arith.select %eq3A_2823, %broadcast_in_dim3A_2826, %broadcast_in_dim3A_2827 : vector<16x128xi1>, vector<16x128xi32>
    %or3A_2829 = arith.ori %or3A_2822, %select_n3A_2828 : vector<16x128xi32>
    %or3A_2830 = arith.ori %or3A_2829, %and3A_2682 : vector<16x128xi32>
    %and3A_2831 = arith.andi %or3A_2829, %or3A_2681 : vector<16x128xi32>
    %add3A_2832 = arith.addi %and3A_2831, %or3A_2681 : vector<16x128xi32>
    %xor3A_2833 = arith.xori %add3A_2832, %or3A_2681 : vector<16x128xi32>
    %or3A_2834 = arith.ori %xor3A_2833, %or3A_2829 : vector<16x128xi32>
    %or3A_2835 = arith.ori %or3A_2834, %or3A_2681 : vector<16x128xi32>
    %not3A_2836 = arith.constant dense<-1> : vector<16x128xi32>
    %not3A_2837 = arith.xori %or3A_2835, %not3A_2836 : vector<16x128xi32>
    %or3A_2838 = arith.ori %and3A_2682, %not3A_2837 : vector<16x128xi32>
    %and3A_2839 = arith.andi %or3A_2681, %or3A_2834 : vector<16x128xi32>
    %shift_right_arithmetic3A_2840 = arith.constant 19 : i32
    %shift_right_arithmetic3A_2841 = vector.broadcast %shift_right_arithmetic3A_2840 : i32 to vector<16x128xi32>
    %shift_right_arithmetic3A_2842 = arith.shrsi %or3A_2838, %shift_right_arithmetic3A_2841 : vector<16x128xi32>
    %and3A_2843 = arith.constant 1 : i32
    %and3A_2844 = vector.broadcast %and3A_2843 : i32 to vector<16x128xi32>
    %and3A_2845 = arith.andi %shift_right_arithmetic3A_2842, %and3A_2844 : vector<16x128xi32>
    %add3A_2846 = arith.addi %sub3A_2668, %and3A_2845 : vector<16x128xi32>
    %shift_right_arithmetic3A_2847 = arith.constant 19 : i32
    %shift_right_arithmetic3A_2848 = vector.broadcast %shift_right_arithmetic3A_2847 : i32 to vector<16x128xi32>
    %shift_right_arithmetic3A_2849 = arith.shrsi %and3A_2839, %shift_right_arithmetic3A_2848 : vector<16x128xi32>
    %and3A_2850 = arith.constant 1 : i32
    %and3A_2851 = vector.broadcast %and3A_2850 : i32 to vector<16x128xi32>
    %and3A_2852 = arith.andi %shift_right_arithmetic3A_2849, %and3A_2851 : vector<16x128xi32>
    %sub3A_2853 = arith.subi %add3A_2846, %and3A_2852 : vector<16x128xi32>
    %shift_left3A_2854 = arith.constant 1 : i32
    %shift_left3A_2855 = vector.broadcast %shift_left3A_2854 : i32 to vector<16x128xi32>
    %shift_left3A_2856 = arith.shli %or3A_2838, %shift_left3A_2855 : vector<16x128xi32>
    %or3A_2857 = arith.constant 1 : i32
    %or3A_2858 = vector.broadcast %or3A_2857 : i32 to vector<16x128xi32>
    %or3A_2859 = arith.ori %shift_left3A_2856, %or3A_2858 : vector<16x128xi32>
    %shift_left3A_2860 = arith.constant 1 : i32
    %shift_left3A_2861 = vector.broadcast %shift_left3A_2860 : i32 to vector<16x128xi32>
    %shift_left3A_2862 = arith.shli %and3A_2839, %shift_left3A_2861 : vector<16x128xi32>
    %or3A_2863 = arith.ori %or3A_2830, %or3A_2859 : vector<16x128xi32>
    %not3A_2864 = arith.constant dense<-1> : vector<16x128xi32>
    %not3A_2865 = arith.xori %or3A_2863, %not3A_2864 : vector<16x128xi32>
    %or3A_2866 = arith.ori %shift_left3A_2862, %not3A_2865 : vector<16x128xi32>
    %and3A_2867 = arith.andi %or3A_2859, %or3A_2830 : vector<16x128xi32>
    %get3A_2868 = arith.constant 15 : index
    %get3A_2869 = arith.constant 0 : index
    %get3A_2870 = arith.constant 0 : index
    %get3A_2871 = vector.load %arg2[%get3A_2868, %get3A_2869, %get3A_2870] : memref<20x16x128xi32, #tpu.memory_space<vmem>>, vector<1x16x128xi32>
    %get3A_2872 = vector.shape_cast %get3A_2871 : vector<1x16x128xi32> to vector<16x128xi32>
    %broadcast_in_dim3A_2873 = arith.constant 0 : i32
    %broadcast_in_dim3A_2874 = vector.broadcast %broadcast_in_dim3A_2873 : i32 to vector<16x128xi32>
    %eq3A_2875 = arith.cmpi eq, %get3A_3, %get3A_2872 : vector<16x128xi32>
    %jit3A_2876 = arith.constant 1 : i32
    %jit3A_2877 = arith.constant 0 : i32
    %broadcast_in_dim3A_2878 = vector.broadcast %jit3A_2876 : i32 to vector<16x128xi32>
    %broadcast_in_dim3A_2879 = vector.broadcast %jit3A_2877 : i32 to vector<16x128xi32>
    %select_n3A_2880 = arith.select %eq3A_2875, %broadcast_in_dim3A_2878, %broadcast_in_dim3A_2879 : vector<16x128xi1>, vector<16x128xi32>
    %or3A_2881 = arith.ori %broadcast_in_dim3A_2874, %select_n3A_2880 : vector<16x128xi32>
    %eq3A_2882 = arith.cmpi eq, %get3A_8, %get3A_2872 : vector<16x128xi32>
    %jit3A_2883 = arith.constant 2 : i32
    %jit3A_2884 = arith.constant 0 : i32
    %broadcast_in_dim3A_2885 = vector.broadcast %jit3A_2883 : i32 to vector<16x128xi32>
    %broadcast_in_dim3A_2886 = vector.broadcast %jit3A_2884 : i32 to vector<16x128xi32>
    %select_n3A_2887 = arith.select %eq3A_2882, %broadcast_in_dim3A_2885, %broadcast_in_dim3A_2886 : vector<16x128xi1>, vector<16x128xi32>
    %or3A_2888 = arith.ori %or3A_2881, %select_n3A_2887 : vector<16x128xi32>
    %eq3A_2889 = arith.cmpi eq, %get3A_13, %get3A_2872 : vector<16x128xi32>
    %jit3A_2890 = arith.constant 4 : i32
    %jit3A_2891 = arith.constant 0 : i32
    %broadcast_in_dim3A_2892 = vector.broadcast %jit3A_2890 : i32 to vector<16x128xi32>
    %broadcast_in_dim3A_2893 = vector.broadcast %jit3A_2891 : i32 to vector<16x128xi32>
    %select_n3A_2894 = arith.select %eq3A_2889, %broadcast_in_dim3A_2892, %broadcast_in_dim3A_2893 : vector<16x128xi1>, vector<16x128xi32>
    %or3A_2895 = arith.ori %or3A_2888, %select_n3A_2894 : vector<16x128xi32>
    %eq3A_2896 = arith.cmpi eq, %get3A_18, %get3A_2872 : vector<16x128xi32>
    %jit3A_2897 = arith.constant 8 : i32
    %jit3A_2898 = arith.constant 0 : i32
    %broadcast_in_dim3A_2899 = vector.broadcast %jit3A_2897 : i32 to vector<16x128xi32>
    %broadcast_in_dim3A_2900 = vector.broadcast %jit3A_2898 : i32 to vector<16x128xi32>
    %select_n3A_2901 = arith.select %eq3A_2896, %broadcast_in_dim3A_2899, %broadcast_in_dim3A_2900 : vector<16x128xi1>, vector<16x128xi32>
    %or3A_2902 = arith.ori %or3A_2895, %select_n3A_2901 : vector<16x128xi32>
    %eq3A_2903 = arith.cmpi eq, %get3A_23, %get3A_2872 : vector<16x128xi32>
    %jit3A_2904 = arith.constant 16 : i32
    %jit3A_2905 = arith.constant 0 : i32
    %broadcast_in_dim3A_2906 = vector.broadcast %jit3A_2904 : i32 to vector<16x128xi32>
    %broadcast_in_dim3A_2907 = vector.broadcast %jit3A_2905 : i32 to vector<16x128xi32>
    %select_n3A_2908 = arith.select %eq3A_2903, %broadcast_in_dim3A_2906, %broadcast_in_dim3A_2907 : vector<16x128xi1>, vector<16x128xi32>
    %or3A_2909 = arith.ori %or3A_2902, %select_n3A_2908 : vector<16x128xi32>
    %eq3A_2910 = arith.cmpi eq, %get3A_28, %get3A_2872 : vector<16x128xi32>
    %jit3A_2911 = arith.constant 32 : i32
    %jit3A_2912 = arith.constant 0 : i32
    %broadcast_in_dim3A_2913 = vector.broadcast %jit3A_2911 : i32 to vector<16x128xi32>
    %broadcast_in_dim3A_2914 = vector.broadcast %jit3A_2912 : i32 to vector<16x128xi32>
    %select_n3A_2915 = arith.select %eq3A_2910, %broadcast_in_dim3A_2913, %broadcast_in_dim3A_2914 : vector<16x128xi1>, vector<16x128xi32>
    %or3A_2916 = arith.ori %or3A_2909, %select_n3A_2915 : vector<16x128xi32>
    %eq3A_2917 = arith.cmpi eq, %get3A_33, %get3A_2872 : vector<16x128xi32>
    %jit3A_2918 = arith.constant 64 : i32
    %jit3A_2919 = arith.constant 0 : i32
    %broadcast_in_dim3A_2920 = vector.broadcast %jit3A_2918 : i32 to vector<16x128xi32>
    %broadcast_in_dim3A_2921 = vector.broadcast %jit3A_2919 : i32 to vector<16x128xi32>
    %select_n3A_2922 = arith.select %eq3A_2917, %broadcast_in_dim3A_2920, %broadcast_in_dim3A_2921 : vector<16x128xi1>, vector<16x128xi32>
    %or3A_2923 = arith.ori %or3A_2916, %select_n3A_2922 : vector<16x128xi32>
    %eq3A_2924 = arith.cmpi eq, %get3A_38, %get3A_2872 : vector<16x128xi32>
    %jit3A_2925 = arith.constant 128 : i32
    %jit3A_2926 = arith.constant 0 : i32
    %broadcast_in_dim3A_2927 = vector.broadcast %jit3A_2925 : i32 to vector<16x128xi32>
    %broadcast_in_dim3A_2928 = vector.broadcast %jit3A_2926 : i32 to vector<16x128xi32>
    %select_n3A_2929 = arith.select %eq3A_2924, %broadcast_in_dim3A_2927, %broadcast_in_dim3A_2928 : vector<16x128xi1>, vector<16x128xi32>
    %or3A_2930 = arith.ori %or3A_2923, %select_n3A_2929 : vector<16x128xi32>
    %eq3A_2931 = arith.cmpi eq, %get3A_43, %get3A_2872 : vector<16x128xi32>
    %jit3A_2932 = arith.constant 256 : i32
    %jit3A_2933 = arith.constant 0 : i32
    %broadcast_in_dim3A_2934 = vector.broadcast %jit3A_2932 : i32 to vector<16x128xi32>
    %broadcast_in_dim3A_2935 = vector.broadcast %jit3A_2933 : i32 to vector<16x128xi32>
    %select_n3A_2936 = arith.select %eq3A_2931, %broadcast_in_dim3A_2934, %broadcast_in_dim3A_2935 : vector<16x128xi1>, vector<16x128xi32>
    %or3A_2937 = arith.ori %or3A_2930, %select_n3A_2936 : vector<16x128xi32>
    %eq3A_2938 = arith.cmpi eq, %get3A_48, %get3A_2872 : vector<16x128xi32>
    %jit3A_2939 = arith.constant 512 : i32
    %jit3A_2940 = arith.constant 0 : i32
    %broadcast_in_dim3A_2941 = vector.broadcast %jit3A_2939 : i32 to vector<16x128xi32>
    %broadcast_in_dim3A_2942 = vector.broadcast %jit3A_2940 : i32 to vector<16x128xi32>
    %select_n3A_2943 = arith.select %eq3A_2938, %broadcast_in_dim3A_2941, %broadcast_in_dim3A_2942 : vector<16x128xi1>, vector<16x128xi32>
    %or3A_2944 = arith.ori %or3A_2937, %select_n3A_2943 : vector<16x128xi32>
    %eq3A_2945 = arith.cmpi eq, %get3A_53, %get3A_2872 : vector<16x128xi32>
    %jit3A_2946 = arith.constant 1024 : i32
    %jit3A_2947 = arith.constant 0 : i32
    %broadcast_in_dim3A_2948 = vector.broadcast %jit3A_2946 : i32 to vector<16x128xi32>
    %broadcast_in_dim3A_2949 = vector.broadcast %jit3A_2947 : i32 to vector<16x128xi32>
    %select_n3A_2950 = arith.select %eq3A_2945, %broadcast_in_dim3A_2948, %broadcast_in_dim3A_2949 : vector<16x128xi1>, vector<16x128xi32>
    %or3A_2951 = arith.ori %or3A_2944, %select_n3A_2950 : vector<16x128xi32>
    %eq3A_2952 = arith.cmpi eq, %get3A_58, %get3A_2872 : vector<16x128xi32>
    %jit3A_2953 = arith.constant 2048 : i32
    %jit3A_2954 = arith.constant 0 : i32
    %broadcast_in_dim3A_2955 = vector.broadcast %jit3A_2953 : i32 to vector<16x128xi32>
    %broadcast_in_dim3A_2956 = vector.broadcast %jit3A_2954 : i32 to vector<16x128xi32>
    %select_n3A_2957 = arith.select %eq3A_2952, %broadcast_in_dim3A_2955, %broadcast_in_dim3A_2956 : vector<16x128xi1>, vector<16x128xi32>
    %or3A_2958 = arith.ori %or3A_2951, %select_n3A_2957 : vector<16x128xi32>
    %eq3A_2959 = arith.cmpi eq, %get3A_63, %get3A_2872 : vector<16x128xi32>
    %jit3A_2960 = arith.constant 4096 : i32
    %jit3A_2961 = arith.constant 0 : i32
    %broadcast_in_dim3A_2962 = vector.broadcast %jit3A_2960 : i32 to vector<16x128xi32>
    %broadcast_in_dim3A_2963 = vector.broadcast %jit3A_2961 : i32 to vector<16x128xi32>
    %select_n3A_2964 = arith.select %eq3A_2959, %broadcast_in_dim3A_2962, %broadcast_in_dim3A_2963 : vector<16x128xi1>, vector<16x128xi32>
    %or3A_2965 = arith.ori %or3A_2958, %select_n3A_2964 : vector<16x128xi32>
    %eq3A_2966 = arith.cmpi eq, %get3A_68, %get3A_2872 : vector<16x128xi32>
    %jit3A_2967 = arith.constant 8192 : i32
    %jit3A_2968 = arith.constant 0 : i32
    %broadcast_in_dim3A_2969 = vector.broadcast %jit3A_2967 : i32 to vector<16x128xi32>
    %broadcast_in_dim3A_2970 = vector.broadcast %jit3A_2968 : i32 to vector<16x128xi32>
    %select_n3A_2971 = arith.select %eq3A_2966, %broadcast_in_dim3A_2969, %broadcast_in_dim3A_2970 : vector<16x128xi1>, vector<16x128xi32>
    %or3A_2972 = arith.ori %or3A_2965, %select_n3A_2971 : vector<16x128xi32>
    %eq3A_2973 = arith.cmpi eq, %get3A_73, %get3A_2872 : vector<16x128xi32>
    %jit3A_2974 = arith.constant 16384 : i32
    %jit3A_2975 = arith.constant 0 : i32
    %broadcast_in_dim3A_2976 = vector.broadcast %jit3A_2974 : i32 to vector<16x128xi32>
    %broadcast_in_dim3A_2977 = vector.broadcast %jit3A_2975 : i32 to vector<16x128xi32>
    %select_n3A_2978 = arith.select %eq3A_2973, %broadcast_in_dim3A_2976, %broadcast_in_dim3A_2977 : vector<16x128xi1>, vector<16x128xi32>
    %or3A_2979 = arith.ori %or3A_2972, %select_n3A_2978 : vector<16x128xi32>
    %eq3A_2980 = arith.cmpi eq, %get3A_78, %get3A_2872 : vector<16x128xi32>
    %jit3A_2981 = arith.constant 32768 : i32
    %jit3A_2982 = arith.constant 0 : i32
    %broadcast_in_dim3A_2983 = vector.broadcast %jit3A_2981 : i32 to vector<16x128xi32>
    %broadcast_in_dim3A_2984 = vector.broadcast %jit3A_2982 : i32 to vector<16x128xi32>
    %select_n3A_2985 = arith.select %eq3A_2980, %broadcast_in_dim3A_2983, %broadcast_in_dim3A_2984 : vector<16x128xi1>, vector<16x128xi32>
    %or3A_2986 = arith.ori %or3A_2979, %select_n3A_2985 : vector<16x128xi32>
    %eq3A_2987 = arith.cmpi eq, %get3A_83, %get3A_2872 : vector<16x128xi32>
    %jit3A_2988 = arith.constant 65536 : i32
    %jit3A_2989 = arith.constant 0 : i32
    %broadcast_in_dim3A_2990 = vector.broadcast %jit3A_2988 : i32 to vector<16x128xi32>
    %broadcast_in_dim3A_2991 = vector.broadcast %jit3A_2989 : i32 to vector<16x128xi32>
    %select_n3A_2992 = arith.select %eq3A_2987, %broadcast_in_dim3A_2990, %broadcast_in_dim3A_2991 : vector<16x128xi1>, vector<16x128xi32>
    %or3A_2993 = arith.ori %or3A_2986, %select_n3A_2992 : vector<16x128xi32>
    %eq3A_2994 = arith.cmpi eq, %get3A_88, %get3A_2872 : vector<16x128xi32>
    %jit3A_2995 = arith.constant 131072 : i32
    %jit3A_2996 = arith.constant 0 : i32
    %broadcast_in_dim3A_2997 = vector.broadcast %jit3A_2995 : i32 to vector<16x128xi32>
    %broadcast_in_dim3A_2998 = vector.broadcast %jit3A_2996 : i32 to vector<16x128xi32>
    %select_n3A_2999 = arith.select %eq3A_2994, %broadcast_in_dim3A_2997, %broadcast_in_dim3A_2998 : vector<16x128xi1>, vector<16x128xi32>
    %or3A_3000 = arith.ori %or3A_2993, %select_n3A_2999 : vector<16x128xi32>
    %eq3A_3001 = arith.cmpi eq, %get3A_93, %get3A_2872 : vector<16x128xi32>
    %jit3A_3002 = arith.constant 262144 : i32
    %jit3A_3003 = arith.constant 0 : i32
    %broadcast_in_dim3A_3004 = vector.broadcast %jit3A_3002 : i32 to vector<16x128xi32>
    %broadcast_in_dim3A_3005 = vector.broadcast %jit3A_3003 : i32 to vector<16x128xi32>
    %select_n3A_3006 = arith.select %eq3A_3001, %broadcast_in_dim3A_3004, %broadcast_in_dim3A_3005 : vector<16x128xi1>, vector<16x128xi32>
    %or3A_3007 = arith.ori %or3A_3000, %select_n3A_3006 : vector<16x128xi32>
    %eq3A_3008 = arith.cmpi eq, %get3A_98, %get3A_2872 : vector<16x128xi32>
    %jit3A_3009 = arith.constant 524288 : i32
    %jit3A_3010 = arith.constant 0 : i32
    %broadcast_in_dim3A_3011 = vector.broadcast %jit3A_3009 : i32 to vector<16x128xi32>
    %broadcast_in_dim3A_3012 = vector.broadcast %jit3A_3010 : i32 to vector<16x128xi32>
    %select_n3A_3013 = arith.select %eq3A_3008, %broadcast_in_dim3A_3011, %broadcast_in_dim3A_3012 : vector<16x128xi1>, vector<16x128xi32>
    %or3A_3014 = arith.ori %or3A_3007, %select_n3A_3013 : vector<16x128xi32>
    %or3A_3015 = arith.ori %or3A_3014, %and3A_2867 : vector<16x128xi32>
    %and3A_3016 = arith.andi %or3A_3014, %or3A_2866 : vector<16x128xi32>
    %add3A_3017 = arith.addi %and3A_3016, %or3A_2866 : vector<16x128xi32>
    %xor3A_3018 = arith.xori %add3A_3017, %or3A_2866 : vector<16x128xi32>
    %or3A_3019 = arith.ori %xor3A_3018, %or3A_3014 : vector<16x128xi32>
    %or3A_3020 = arith.ori %or3A_3019, %or3A_2866 : vector<16x128xi32>
    %not3A_3021 = arith.constant dense<-1> : vector<16x128xi32>
    %not3A_3022 = arith.xori %or3A_3020, %not3A_3021 : vector<16x128xi32>
    %or3A_3023 = arith.ori %and3A_2867, %not3A_3022 : vector<16x128xi32>
    %and3A_3024 = arith.andi %or3A_2866, %or3A_3019 : vector<16x128xi32>
    %shift_right_arithmetic3A_3025 = arith.constant 19 : i32
    %shift_right_arithmetic3A_3026 = vector.broadcast %shift_right_arithmetic3A_3025 : i32 to vector<16x128xi32>
    %shift_right_arithmetic3A_3027 = arith.shrsi %or3A_3023, %shift_right_arithmetic3A_3026 : vector<16x128xi32>
    %and3A_3028 = arith.constant 1 : i32
    %and3A_3029 = vector.broadcast %and3A_3028 : i32 to vector<16x128xi32>
    %and3A_3030 = arith.andi %shift_right_arithmetic3A_3027, %and3A_3029 : vector<16x128xi32>
    %add3A_3031 = arith.addi %sub3A_2853, %and3A_3030 : vector<16x128xi32>
    %shift_right_arithmetic3A_3032 = arith.constant 19 : i32
    %shift_right_arithmetic3A_3033 = vector.broadcast %shift_right_arithmetic3A_3032 : i32 to vector<16x128xi32>
    %shift_right_arithmetic3A_3034 = arith.shrsi %and3A_3024, %shift_right_arithmetic3A_3033 : vector<16x128xi32>
    %and3A_3035 = arith.constant 1 : i32
    %and3A_3036 = vector.broadcast %and3A_3035 : i32 to vector<16x128xi32>
    %and3A_3037 = arith.andi %shift_right_arithmetic3A_3034, %and3A_3036 : vector<16x128xi32>
    %sub3A_3038 = arith.subi %add3A_3031, %and3A_3037 : vector<16x128xi32>
    %shift_left3A_3039 = arith.constant 1 : i32
    %shift_left3A_3040 = vector.broadcast %shift_left3A_3039 : i32 to vector<16x128xi32>
    %shift_left3A_3041 = arith.shli %or3A_3023, %shift_left3A_3040 : vector<16x128xi32>
    %or3A_3042 = arith.constant 1 : i32
    %or3A_3043 = vector.broadcast %or3A_3042 : i32 to vector<16x128xi32>
    %or3A_3044 = arith.ori %shift_left3A_3041, %or3A_3043 : vector<16x128xi32>
    %shift_left3A_3045 = arith.constant 1 : i32
    %shift_left3A_3046 = vector.broadcast %shift_left3A_3045 : i32 to vector<16x128xi32>
    %shift_left3A_3047 = arith.shli %and3A_3024, %shift_left3A_3046 : vector<16x128xi32>
    %or3A_3048 = arith.ori %or3A_3015, %or3A_3044 : vector<16x128xi32>
    %not3A_3049 = arith.constant dense<-1> : vector<16x128xi32>
    %not3A_3050 = arith.xori %or3A_3048, %not3A_3049 : vector<16x128xi32>
    %or3A_3051 = arith.ori %shift_left3A_3047, %not3A_3050 : vector<16x128xi32>
    %and3A_3052 = arith.andi %or3A_3044, %or3A_3015 : vector<16x128xi32>
    %get3A_3053 = arith.constant 16 : index
    %get3A_3054 = arith.constant 0 : index
    %get3A_3055 = arith.constant 0 : index
    %get3A_3056 = vector.load %arg2[%get3A_3053, %get3A_3054, %get3A_3055] : memref<20x16x128xi32, #tpu.memory_space<vmem>>, vector<1x16x128xi32>
    %get3A_3057 = vector.shape_cast %get3A_3056 : vector<1x16x128xi32> to vector<16x128xi32>
    %broadcast_in_dim3A_3058 = arith.constant 0 : i32
    %broadcast_in_dim3A_3059 = vector.broadcast %broadcast_in_dim3A_3058 : i32 to vector<16x128xi32>
    %eq3A_3060 = arith.cmpi eq, %get3A_3, %get3A_3057 : vector<16x128xi32>
    %jit3A_3061 = arith.constant 1 : i32
    %jit3A_3062 = arith.constant 0 : i32
    %broadcast_in_dim3A_3063 = vector.broadcast %jit3A_3061 : i32 to vector<16x128xi32>
    %broadcast_in_dim3A_3064 = vector.broadcast %jit3A_3062 : i32 to vector<16x128xi32>
    %select_n3A_3065 = arith.select %eq3A_3060, %broadcast_in_dim3A_3063, %broadcast_in_dim3A_3064 : vector<16x128xi1>, vector<16x128xi32>
    %or3A_3066 = arith.ori %broadcast_in_dim3A_3059, %select_n3A_3065 : vector<16x128xi32>
    %eq3A_3067 = arith.cmpi eq, %get3A_8, %get3A_3057 : vector<16x128xi32>
    %jit3A_3068 = arith.constant 2 : i32
    %jit3A_3069 = arith.constant 0 : i32
    %broadcast_in_dim3A_3070 = vector.broadcast %jit3A_3068 : i32 to vector<16x128xi32>
    %broadcast_in_dim3A_3071 = vector.broadcast %jit3A_3069 : i32 to vector<16x128xi32>
    %select_n3A_3072 = arith.select %eq3A_3067, %broadcast_in_dim3A_3070, %broadcast_in_dim3A_3071 : vector<16x128xi1>, vector<16x128xi32>
    %or3A_3073 = arith.ori %or3A_3066, %select_n3A_3072 : vector<16x128xi32>
    %eq3A_3074 = arith.cmpi eq, %get3A_13, %get3A_3057 : vector<16x128xi32>
    %jit3A_3075 = arith.constant 4 : i32
    %jit3A_3076 = arith.constant 0 : i32
    %broadcast_in_dim3A_3077 = vector.broadcast %jit3A_3075 : i32 to vector<16x128xi32>
    %broadcast_in_dim3A_3078 = vector.broadcast %jit3A_3076 : i32 to vector<16x128xi32>
    %select_n3A_3079 = arith.select %eq3A_3074, %broadcast_in_dim3A_3077, %broadcast_in_dim3A_3078 : vector<16x128xi1>, vector<16x128xi32>
    %or3A_3080 = arith.ori %or3A_3073, %select_n3A_3079 : vector<16x128xi32>
    %eq3A_3081 = arith.cmpi eq, %get3A_18, %get3A_3057 : vector<16x128xi32>
    %jit3A_3082 = arith.constant 8 : i32
    %jit3A_3083 = arith.constant 0 : i32
    %broadcast_in_dim3A_3084 = vector.broadcast %jit3A_3082 : i32 to vector<16x128xi32>
    %broadcast_in_dim3A_3085 = vector.broadcast %jit3A_3083 : i32 to vector<16x128xi32>
    %select_n3A_3086 = arith.select %eq3A_3081, %broadcast_in_dim3A_3084, %broadcast_in_dim3A_3085 : vector<16x128xi1>, vector<16x128xi32>
    %or3A_3087 = arith.ori %or3A_3080, %select_n3A_3086 : vector<16x128xi32>
    %eq3A_3088 = arith.cmpi eq, %get3A_23, %get3A_3057 : vector<16x128xi32>
    %jit3A_3089 = arith.constant 16 : i32
    %jit3A_3090 = arith.constant 0 : i32
    %broadcast_in_dim3A_3091 = vector.broadcast %jit3A_3089 : i32 to vector<16x128xi32>
    %broadcast_in_dim3A_3092 = vector.broadcast %jit3A_3090 : i32 to vector<16x128xi32>
    %select_n3A_3093 = arith.select %eq3A_3088, %broadcast_in_dim3A_3091, %broadcast_in_dim3A_3092 : vector<16x128xi1>, vector<16x128xi32>
    %or3A_3094 = arith.ori %or3A_3087, %select_n3A_3093 : vector<16x128xi32>
    %eq3A_3095 = arith.cmpi eq, %get3A_28, %get3A_3057 : vector<16x128xi32>
    %jit3A_3096 = arith.constant 32 : i32
    %jit3A_3097 = arith.constant 0 : i32
    %broadcast_in_dim3A_3098 = vector.broadcast %jit3A_3096 : i32 to vector<16x128xi32>
    %broadcast_in_dim3A_3099 = vector.broadcast %jit3A_3097 : i32 to vector<16x128xi32>
    %select_n3A_3100 = arith.select %eq3A_3095, %broadcast_in_dim3A_3098, %broadcast_in_dim3A_3099 : vector<16x128xi1>, vector<16x128xi32>
    %or3A_3101 = arith.ori %or3A_3094, %select_n3A_3100 : vector<16x128xi32>
    %eq3A_3102 = arith.cmpi eq, %get3A_33, %get3A_3057 : vector<16x128xi32>
    %jit3A_3103 = arith.constant 64 : i32
    %jit3A_3104 = arith.constant 0 : i32
    %broadcast_in_dim3A_3105 = vector.broadcast %jit3A_3103 : i32 to vector<16x128xi32>
    %broadcast_in_dim3A_3106 = vector.broadcast %jit3A_3104 : i32 to vector<16x128xi32>
    %select_n3A_3107 = arith.select %eq3A_3102, %broadcast_in_dim3A_3105, %broadcast_in_dim3A_3106 : vector<16x128xi1>, vector<16x128xi32>
    %or3A_3108 = arith.ori %or3A_3101, %select_n3A_3107 : vector<16x128xi32>
    %eq3A_3109 = arith.cmpi eq, %get3A_38, %get3A_3057 : vector<16x128xi32>
    %jit3A_3110 = arith.constant 128 : i32
    %jit3A_3111 = arith.constant 0 : i32
    %broadcast_in_dim3A_3112 = vector.broadcast %jit3A_3110 : i32 to vector<16x128xi32>
    %broadcast_in_dim3A_3113 = vector.broadcast %jit3A_3111 : i32 to vector<16x128xi32>
    %select_n3A_3114 = arith.select %eq3A_3109, %broadcast_in_dim3A_3112, %broadcast_in_dim3A_3113 : vector<16x128xi1>, vector<16x128xi32>
    %or3A_3115 = arith.ori %or3A_3108, %select_n3A_3114 : vector<16x128xi32>
    %eq3A_3116 = arith.cmpi eq, %get3A_43, %get3A_3057 : vector<16x128xi32>
    %jit3A_3117 = arith.constant 256 : i32
    %jit3A_3118 = arith.constant 0 : i32
    %broadcast_in_dim3A_3119 = vector.broadcast %jit3A_3117 : i32 to vector<16x128xi32>
    %broadcast_in_dim3A_3120 = vector.broadcast %jit3A_3118 : i32 to vector<16x128xi32>
    %select_n3A_3121 = arith.select %eq3A_3116, %broadcast_in_dim3A_3119, %broadcast_in_dim3A_3120 : vector<16x128xi1>, vector<16x128xi32>
    %or3A_3122 = arith.ori %or3A_3115, %select_n3A_3121 : vector<16x128xi32>
    %eq3A_3123 = arith.cmpi eq, %get3A_48, %get3A_3057 : vector<16x128xi32>
    %jit3A_3124 = arith.constant 512 : i32
    %jit3A_3125 = arith.constant 0 : i32
    %broadcast_in_dim3A_3126 = vector.broadcast %jit3A_3124 : i32 to vector<16x128xi32>
    %broadcast_in_dim3A_3127 = vector.broadcast %jit3A_3125 : i32 to vector<16x128xi32>
    %select_n3A_3128 = arith.select %eq3A_3123, %broadcast_in_dim3A_3126, %broadcast_in_dim3A_3127 : vector<16x128xi1>, vector<16x128xi32>
    %or3A_3129 = arith.ori %or3A_3122, %select_n3A_3128 : vector<16x128xi32>
    %eq3A_3130 = arith.cmpi eq, %get3A_53, %get3A_3057 : vector<16x128xi32>
    %jit3A_3131 = arith.constant 1024 : i32
    %jit3A_3132 = arith.constant 0 : i32
    %broadcast_in_dim3A_3133 = vector.broadcast %jit3A_3131 : i32 to vector<16x128xi32>
    %broadcast_in_dim3A_3134 = vector.broadcast %jit3A_3132 : i32 to vector<16x128xi32>
    %select_n3A_3135 = arith.select %eq3A_3130, %broadcast_in_dim3A_3133, %broadcast_in_dim3A_3134 : vector<16x128xi1>, vector<16x128xi32>
    %or3A_3136 = arith.ori %or3A_3129, %select_n3A_3135 : vector<16x128xi32>
    %eq3A_3137 = arith.cmpi eq, %get3A_58, %get3A_3057 : vector<16x128xi32>
    %jit3A_3138 = arith.constant 2048 : i32
    %jit3A_3139 = arith.constant 0 : i32
    %broadcast_in_dim3A_3140 = vector.broadcast %jit3A_3138 : i32 to vector<16x128xi32>
    %broadcast_in_dim3A_3141 = vector.broadcast %jit3A_3139 : i32 to vector<16x128xi32>
    %select_n3A_3142 = arith.select %eq3A_3137, %broadcast_in_dim3A_3140, %broadcast_in_dim3A_3141 : vector<16x128xi1>, vector<16x128xi32>
    %or3A_3143 = arith.ori %or3A_3136, %select_n3A_3142 : vector<16x128xi32>
    %eq3A_3144 = arith.cmpi eq, %get3A_63, %get3A_3057 : vector<16x128xi32>
    %jit3A_3145 = arith.constant 4096 : i32
    %jit3A_3146 = arith.constant 0 : i32
    %broadcast_in_dim3A_3147 = vector.broadcast %jit3A_3145 : i32 to vector<16x128xi32>
    %broadcast_in_dim3A_3148 = vector.broadcast %jit3A_3146 : i32 to vector<16x128xi32>
    %select_n3A_3149 = arith.select %eq3A_3144, %broadcast_in_dim3A_3147, %broadcast_in_dim3A_3148 : vector<16x128xi1>, vector<16x128xi32>
    %or3A_3150 = arith.ori %or3A_3143, %select_n3A_3149 : vector<16x128xi32>
    %eq3A_3151 = arith.cmpi eq, %get3A_68, %get3A_3057 : vector<16x128xi32>
    %jit3A_3152 = arith.constant 8192 : i32
    %jit3A_3153 = arith.constant 0 : i32
    %broadcast_in_dim3A_3154 = vector.broadcast %jit3A_3152 : i32 to vector<16x128xi32>
    %broadcast_in_dim3A_3155 = vector.broadcast %jit3A_3153 : i32 to vector<16x128xi32>
    %select_n3A_3156 = arith.select %eq3A_3151, %broadcast_in_dim3A_3154, %broadcast_in_dim3A_3155 : vector<16x128xi1>, vector<16x128xi32>
    %or3A_3157 = arith.ori %or3A_3150, %select_n3A_3156 : vector<16x128xi32>
    %eq3A_3158 = arith.cmpi eq, %get3A_73, %get3A_3057 : vector<16x128xi32>
    %jit3A_3159 = arith.constant 16384 : i32
    %jit3A_3160 = arith.constant 0 : i32
    %broadcast_in_dim3A_3161 = vector.broadcast %jit3A_3159 : i32 to vector<16x128xi32>
    %broadcast_in_dim3A_3162 = vector.broadcast %jit3A_3160 : i32 to vector<16x128xi32>
    %select_n3A_3163 = arith.select %eq3A_3158, %broadcast_in_dim3A_3161, %broadcast_in_dim3A_3162 : vector<16x128xi1>, vector<16x128xi32>
    %or3A_3164 = arith.ori %or3A_3157, %select_n3A_3163 : vector<16x128xi32>
    %eq3A_3165 = arith.cmpi eq, %get3A_78, %get3A_3057 : vector<16x128xi32>
    %jit3A_3166 = arith.constant 32768 : i32
    %jit3A_3167 = arith.constant 0 : i32
    %broadcast_in_dim3A_3168 = vector.broadcast %jit3A_3166 : i32 to vector<16x128xi32>
    %broadcast_in_dim3A_3169 = vector.broadcast %jit3A_3167 : i32 to vector<16x128xi32>
    %select_n3A_3170 = arith.select %eq3A_3165, %broadcast_in_dim3A_3168, %broadcast_in_dim3A_3169 : vector<16x128xi1>, vector<16x128xi32>
    %or3A_3171 = arith.ori %or3A_3164, %select_n3A_3170 : vector<16x128xi32>
    %eq3A_3172 = arith.cmpi eq, %get3A_83, %get3A_3057 : vector<16x128xi32>
    %jit3A_3173 = arith.constant 65536 : i32
    %jit3A_3174 = arith.constant 0 : i32
    %broadcast_in_dim3A_3175 = vector.broadcast %jit3A_3173 : i32 to vector<16x128xi32>
    %broadcast_in_dim3A_3176 = vector.broadcast %jit3A_3174 : i32 to vector<16x128xi32>
    %select_n3A_3177 = arith.select %eq3A_3172, %broadcast_in_dim3A_3175, %broadcast_in_dim3A_3176 : vector<16x128xi1>, vector<16x128xi32>
    %or3A_3178 = arith.ori %or3A_3171, %select_n3A_3177 : vector<16x128xi32>
    %eq3A_3179 = arith.cmpi eq, %get3A_88, %get3A_3057 : vector<16x128xi32>
    %jit3A_3180 = arith.constant 131072 : i32
    %jit3A_3181 = arith.constant 0 : i32
    %broadcast_in_dim3A_3182 = vector.broadcast %jit3A_3180 : i32 to vector<16x128xi32>
    %broadcast_in_dim3A_3183 = vector.broadcast %jit3A_3181 : i32 to vector<16x128xi32>
    %select_n3A_3184 = arith.select %eq3A_3179, %broadcast_in_dim3A_3182, %broadcast_in_dim3A_3183 : vector<16x128xi1>, vector<16x128xi32>
    %or3A_3185 = arith.ori %or3A_3178, %select_n3A_3184 : vector<16x128xi32>
    %eq3A_3186 = arith.cmpi eq, %get3A_93, %get3A_3057 : vector<16x128xi32>
    %jit3A_3187 = arith.constant 262144 : i32
    %jit3A_3188 = arith.constant 0 : i32
    %broadcast_in_dim3A_3189 = vector.broadcast %jit3A_3187 : i32 to vector<16x128xi32>
    %broadcast_in_dim3A_3190 = vector.broadcast %jit3A_3188 : i32 to vector<16x128xi32>
    %select_n3A_3191 = arith.select %eq3A_3186, %broadcast_in_dim3A_3189, %broadcast_in_dim3A_3190 : vector<16x128xi1>, vector<16x128xi32>
    %or3A_3192 = arith.ori %or3A_3185, %select_n3A_3191 : vector<16x128xi32>
    %eq3A_3193 = arith.cmpi eq, %get3A_98, %get3A_3057 : vector<16x128xi32>
    %jit3A_3194 = arith.constant 524288 : i32
    %jit3A_3195 = arith.constant 0 : i32
    %broadcast_in_dim3A_3196 = vector.broadcast %jit3A_3194 : i32 to vector<16x128xi32>
    %broadcast_in_dim3A_3197 = vector.broadcast %jit3A_3195 : i32 to vector<16x128xi32>
    %select_n3A_3198 = arith.select %eq3A_3193, %broadcast_in_dim3A_3196, %broadcast_in_dim3A_3197 : vector<16x128xi1>, vector<16x128xi32>
    %or3A_3199 = arith.ori %or3A_3192, %select_n3A_3198 : vector<16x128xi32>
    %or3A_3200 = arith.ori %or3A_3199, %and3A_3052 : vector<16x128xi32>
    %and3A_3201 = arith.andi %or3A_3199, %or3A_3051 : vector<16x128xi32>
    %add3A_3202 = arith.addi %and3A_3201, %or3A_3051 : vector<16x128xi32>
    %xor3A_3203 = arith.xori %add3A_3202, %or3A_3051 : vector<16x128xi32>
    %or3A_3204 = arith.ori %xor3A_3203, %or3A_3199 : vector<16x128xi32>
    %or3A_3205 = arith.ori %or3A_3204, %or3A_3051 : vector<16x128xi32>
    %not3A_3206 = arith.constant dense<-1> : vector<16x128xi32>
    %not3A_3207 = arith.xori %or3A_3205, %not3A_3206 : vector<16x128xi32>
    %or3A_3208 = arith.ori %and3A_3052, %not3A_3207 : vector<16x128xi32>
    %and3A_3209 = arith.andi %or3A_3051, %or3A_3204 : vector<16x128xi32>
    %shift_right_arithmetic3A_3210 = arith.constant 19 : i32
    %shift_right_arithmetic3A_3211 = vector.broadcast %shift_right_arithmetic3A_3210 : i32 to vector<16x128xi32>
    %shift_right_arithmetic3A_3212 = arith.shrsi %or3A_3208, %shift_right_arithmetic3A_3211 : vector<16x128xi32>
    %and3A_3213 = arith.constant 1 : i32
    %and3A_3214 = vector.broadcast %and3A_3213 : i32 to vector<16x128xi32>
    %and3A_3215 = arith.andi %shift_right_arithmetic3A_3212, %and3A_3214 : vector<16x128xi32>
    %add3A_3216 = arith.addi %sub3A_3038, %and3A_3215 : vector<16x128xi32>
    %shift_right_arithmetic3A_3217 = arith.constant 19 : i32
    %shift_right_arithmetic3A_3218 = vector.broadcast %shift_right_arithmetic3A_3217 : i32 to vector<16x128xi32>
    %shift_right_arithmetic3A_3219 = arith.shrsi %and3A_3209, %shift_right_arithmetic3A_3218 : vector<16x128xi32>
    %and3A_3220 = arith.constant 1 : i32
    %and3A_3221 = vector.broadcast %and3A_3220 : i32 to vector<16x128xi32>
    %and3A_3222 = arith.andi %shift_right_arithmetic3A_3219, %and3A_3221 : vector<16x128xi32>
    %sub3A_3223 = arith.subi %add3A_3216, %and3A_3222 : vector<16x128xi32>
    %shift_left3A_3224 = arith.constant 1 : i32
    %shift_left3A_3225 = vector.broadcast %shift_left3A_3224 : i32 to vector<16x128xi32>
    %shift_left3A_3226 = arith.shli %or3A_3208, %shift_left3A_3225 : vector<16x128xi32>
    %or3A_3227 = arith.constant 1 : i32
    %or3A_3228 = vector.broadcast %or3A_3227 : i32 to vector<16x128xi32>
    %or3A_3229 = arith.ori %shift_left3A_3226, %or3A_3228 : vector<16x128xi32>
    %shift_left3A_3230 = arith.constant 1 : i32
    %shift_left3A_3231 = vector.broadcast %shift_left3A_3230 : i32 to vector<16x128xi32>
    %shift_left3A_3232 = arith.shli %and3A_3209, %shift_left3A_3231 : vector<16x128xi32>
    %or3A_3233 = arith.ori %or3A_3200, %or3A_3229 : vector<16x128xi32>
    %not3A_3234 = arith.constant dense<-1> : vector<16x128xi32>
    %not3A_3235 = arith.xori %or3A_3233, %not3A_3234 : vector<16x128xi32>
    %or3A_3236 = arith.ori %shift_left3A_3232, %not3A_3235 : vector<16x128xi32>
    %and3A_3237 = arith.andi %or3A_3229, %or3A_3200 : vector<16x128xi32>
    %get3A_3238 = arith.constant 17 : index
    %get3A_3239 = arith.constant 0 : index
    %get3A_3240 = arith.constant 0 : index
    %get3A_3241 = vector.load %arg2[%get3A_3238, %get3A_3239, %get3A_3240] : memref<20x16x128xi32, #tpu.memory_space<vmem>>, vector<1x16x128xi32>
    %get3A_3242 = vector.shape_cast %get3A_3241 : vector<1x16x128xi32> to vector<16x128xi32>
    %broadcast_in_dim3A_3243 = arith.constant 0 : i32
    %broadcast_in_dim3A_3244 = vector.broadcast %broadcast_in_dim3A_3243 : i32 to vector<16x128xi32>
    %eq3A_3245 = arith.cmpi eq, %get3A_3, %get3A_3242 : vector<16x128xi32>
    %jit3A_3246 = arith.constant 1 : i32
    %jit3A_3247 = arith.constant 0 : i32
    %broadcast_in_dim3A_3248 = vector.broadcast %jit3A_3246 : i32 to vector<16x128xi32>
    %broadcast_in_dim3A_3249 = vector.broadcast %jit3A_3247 : i32 to vector<16x128xi32>
    %select_n3A_3250 = arith.select %eq3A_3245, %broadcast_in_dim3A_3248, %broadcast_in_dim3A_3249 : vector<16x128xi1>, vector<16x128xi32>
    %or3A_3251 = arith.ori %broadcast_in_dim3A_3244, %select_n3A_3250 : vector<16x128xi32>
    %eq3A_3252 = arith.cmpi eq, %get3A_8, %get3A_3242 : vector<16x128xi32>
    %jit3A_3253 = arith.constant 2 : i32
    %jit3A_3254 = arith.constant 0 : i32
    %broadcast_in_dim3A_3255 = vector.broadcast %jit3A_3253 : i32 to vector<16x128xi32>
    %broadcast_in_dim3A_3256 = vector.broadcast %jit3A_3254 : i32 to vector<16x128xi32>
    %select_n3A_3257 = arith.select %eq3A_3252, %broadcast_in_dim3A_3255, %broadcast_in_dim3A_3256 : vector<16x128xi1>, vector<16x128xi32>
    %or3A_3258 = arith.ori %or3A_3251, %select_n3A_3257 : vector<16x128xi32>
    %eq3A_3259 = arith.cmpi eq, %get3A_13, %get3A_3242 : vector<16x128xi32>
    %jit3A_3260 = arith.constant 4 : i32
    %jit3A_3261 = arith.constant 0 : i32
    %broadcast_in_dim3A_3262 = vector.broadcast %jit3A_3260 : i32 to vector<16x128xi32>
    %broadcast_in_dim3A_3263 = vector.broadcast %jit3A_3261 : i32 to vector<16x128xi32>
    %select_n3A_3264 = arith.select %eq3A_3259, %broadcast_in_dim3A_3262, %broadcast_in_dim3A_3263 : vector<16x128xi1>, vector<16x128xi32>
    %or3A_3265 = arith.ori %or3A_3258, %select_n3A_3264 : vector<16x128xi32>
    %eq3A_3266 = arith.cmpi eq, %get3A_18, %get3A_3242 : vector<16x128xi32>
    %jit3A_3267 = arith.constant 8 : i32
    %jit3A_3268 = arith.constant 0 : i32
    %broadcast_in_dim3A_3269 = vector.broadcast %jit3A_3267 : i32 to vector<16x128xi32>
    %broadcast_in_dim3A_3270 = vector.broadcast %jit3A_3268 : i32 to vector<16x128xi32>
    %select_n3A_3271 = arith.select %eq3A_3266, %broadcast_in_dim3A_3269, %broadcast_in_dim3A_3270 : vector<16x128xi1>, vector<16x128xi32>
    %or3A_3272 = arith.ori %or3A_3265, %select_n3A_3271 : vector<16x128xi32>
    %eq3A_3273 = arith.cmpi eq, %get3A_23, %get3A_3242 : vector<16x128xi32>
    %jit3A_3274 = arith.constant 16 : i32
    %jit3A_3275 = arith.constant 0 : i32
    %broadcast_in_dim3A_3276 = vector.broadcast %jit3A_3274 : i32 to vector<16x128xi32>
    %broadcast_in_dim3A_3277 = vector.broadcast %jit3A_3275 : i32 to vector<16x128xi32>
    %select_n3A_3278 = arith.select %eq3A_3273, %broadcast_in_dim3A_3276, %broadcast_in_dim3A_3277 : vector<16x128xi1>, vector<16x128xi32>
    %or3A_3279 = arith.ori %or3A_3272, %select_n3A_3278 : vector<16x128xi32>
    %eq3A_3280 = arith.cmpi eq, %get3A_28, %get3A_3242 : vector<16x128xi32>
    %jit3A_3281 = arith.constant 32 : i32
    %jit3A_3282 = arith.constant 0 : i32
    %broadcast_in_dim3A_3283 = vector.broadcast %jit3A_3281 : i32 to vector<16x128xi32>
    %broadcast_in_dim3A_3284 = vector.broadcast %jit3A_3282 : i32 to vector<16x128xi32>
    %select_n3A_3285 = arith.select %eq3A_3280, %broadcast_in_dim3A_3283, %broadcast_in_dim3A_3284 : vector<16x128xi1>, vector<16x128xi32>
    %or3A_3286 = arith.ori %or3A_3279, %select_n3A_3285 : vector<16x128xi32>
    %eq3A_3287 = arith.cmpi eq, %get3A_33, %get3A_3242 : vector<16x128xi32>
    %jit3A_3288 = arith.constant 64 : i32
    %jit3A_3289 = arith.constant 0 : i32
    %broadcast_in_dim3A_3290 = vector.broadcast %jit3A_3288 : i32 to vector<16x128xi32>
    %broadcast_in_dim3A_3291 = vector.broadcast %jit3A_3289 : i32 to vector<16x128xi32>
    %select_n3A_3292 = arith.select %eq3A_3287, %broadcast_in_dim3A_3290, %broadcast_in_dim3A_3291 : vector<16x128xi1>, vector<16x128xi32>
    %or3A_3293 = arith.ori %or3A_3286, %select_n3A_3292 : vector<16x128xi32>
    %eq3A_3294 = arith.cmpi eq, %get3A_38, %get3A_3242 : vector<16x128xi32>
    %jit3A_3295 = arith.constant 128 : i32
    %jit3A_3296 = arith.constant 0 : i32
    %broadcast_in_dim3A_3297 = vector.broadcast %jit3A_3295 : i32 to vector<16x128xi32>
    %broadcast_in_dim3A_3298 = vector.broadcast %jit3A_3296 : i32 to vector<16x128xi32>
    %select_n3A_3299 = arith.select %eq3A_3294, %broadcast_in_dim3A_3297, %broadcast_in_dim3A_3298 : vector<16x128xi1>, vector<16x128xi32>
    %or3A_3300 = arith.ori %or3A_3293, %select_n3A_3299 : vector<16x128xi32>
    %eq3A_3301 = arith.cmpi eq, %get3A_43, %get3A_3242 : vector<16x128xi32>
    %jit3A_3302 = arith.constant 256 : i32
    %jit3A_3303 = arith.constant 0 : i32
    %broadcast_in_dim3A_3304 = vector.broadcast %jit3A_3302 : i32 to vector<16x128xi32>
    %broadcast_in_dim3A_3305 = vector.broadcast %jit3A_3303 : i32 to vector<16x128xi32>
    %select_n3A_3306 = arith.select %eq3A_3301, %broadcast_in_dim3A_3304, %broadcast_in_dim3A_3305 : vector<16x128xi1>, vector<16x128xi32>
    %or3A_3307 = arith.ori %or3A_3300, %select_n3A_3306 : vector<16x128xi32>
    %eq3A_3308 = arith.cmpi eq, %get3A_48, %get3A_3242 : vector<16x128xi32>
    %jit3A_3309 = arith.constant 512 : i32
    %jit3A_3310 = arith.constant 0 : i32
    %broadcast_in_dim3A_3311 = vector.broadcast %jit3A_3309 : i32 to vector<16x128xi32>
    %broadcast_in_dim3A_3312 = vector.broadcast %jit3A_3310 : i32 to vector<16x128xi32>
    %select_n3A_3313 = arith.select %eq3A_3308, %broadcast_in_dim3A_3311, %broadcast_in_dim3A_3312 : vector<16x128xi1>, vector<16x128xi32>
    %or3A_3314 = arith.ori %or3A_3307, %select_n3A_3313 : vector<16x128xi32>
    %eq3A_3315 = arith.cmpi eq, %get3A_53, %get3A_3242 : vector<16x128xi32>
    %jit3A_3316 = arith.constant 1024 : i32
    %jit3A_3317 = arith.constant 0 : i32
    %broadcast_in_dim3A_3318 = vector.broadcast %jit3A_3316 : i32 to vector<16x128xi32>
    %broadcast_in_dim3A_3319 = vector.broadcast %jit3A_3317 : i32 to vector<16x128xi32>
    %select_n3A_3320 = arith.select %eq3A_3315, %broadcast_in_dim3A_3318, %broadcast_in_dim3A_3319 : vector<16x128xi1>, vector<16x128xi32>
    %or3A_3321 = arith.ori %or3A_3314, %select_n3A_3320 : vector<16x128xi32>
    %eq3A_3322 = arith.cmpi eq, %get3A_58, %get3A_3242 : vector<16x128xi32>
    %jit3A_3323 = arith.constant 2048 : i32
    %jit3A_3324 = arith.constant 0 : i32
    %broadcast_in_dim3A_3325 = vector.broadcast %jit3A_3323 : i32 to vector<16x128xi32>
    %broadcast_in_dim3A_3326 = vector.broadcast %jit3A_3324 : i32 to vector<16x128xi32>
    %select_n3A_3327 = arith.select %eq3A_3322, %broadcast_in_dim3A_3325, %broadcast_in_dim3A_3326 : vector<16x128xi1>, vector<16x128xi32>
    %or3A_3328 = arith.ori %or3A_3321, %select_n3A_3327 : vector<16x128xi32>
    %eq3A_3329 = arith.cmpi eq, %get3A_63, %get3A_3242 : vector<16x128xi32>
    %jit3A_3330 = arith.constant 4096 : i32
    %jit3A_3331 = arith.constant 0 : i32
    %broadcast_in_dim3A_3332 = vector.broadcast %jit3A_3330 : i32 to vector<16x128xi32>
    %broadcast_in_dim3A_3333 = vector.broadcast %jit3A_3331 : i32 to vector<16x128xi32>
    %select_n3A_3334 = arith.select %eq3A_3329, %broadcast_in_dim3A_3332, %broadcast_in_dim3A_3333 : vector<16x128xi1>, vector<16x128xi32>
    %or3A_3335 = arith.ori %or3A_3328, %select_n3A_3334 : vector<16x128xi32>
    %eq3A_3336 = arith.cmpi eq, %get3A_68, %get3A_3242 : vector<16x128xi32>
    %jit3A_3337 = arith.constant 8192 : i32
    %jit3A_3338 = arith.constant 0 : i32
    %broadcast_in_dim3A_3339 = vector.broadcast %jit3A_3337 : i32 to vector<16x128xi32>
    %broadcast_in_dim3A_3340 = vector.broadcast %jit3A_3338 : i32 to vector<16x128xi32>
    %select_n3A_3341 = arith.select %eq3A_3336, %broadcast_in_dim3A_3339, %broadcast_in_dim3A_3340 : vector<16x128xi1>, vector<16x128xi32>
    %or3A_3342 = arith.ori %or3A_3335, %select_n3A_3341 : vector<16x128xi32>
    %eq3A_3343 = arith.cmpi eq, %get3A_73, %get3A_3242 : vector<16x128xi32>
    %jit3A_3344 = arith.constant 16384 : i32
    %jit3A_3345 = arith.constant 0 : i32
    %broadcast_in_dim3A_3346 = vector.broadcast %jit3A_3344 : i32 to vector<16x128xi32>
    %broadcast_in_dim3A_3347 = vector.broadcast %jit3A_3345 : i32 to vector<16x128xi32>
    %select_n3A_3348 = arith.select %eq3A_3343, %broadcast_in_dim3A_3346, %broadcast_in_dim3A_3347 : vector<16x128xi1>, vector<16x128xi32>
    %or3A_3349 = arith.ori %or3A_3342, %select_n3A_3348 : vector<16x128xi32>
    %eq3A_3350 = arith.cmpi eq, %get3A_78, %get3A_3242 : vector<16x128xi32>
    %jit3A_3351 = arith.constant 32768 : i32
    %jit3A_3352 = arith.constant 0 : i32
    %broadcast_in_dim3A_3353 = vector.broadcast %jit3A_3351 : i32 to vector<16x128xi32>
    %broadcast_in_dim3A_3354 = vector.broadcast %jit3A_3352 : i32 to vector<16x128xi32>
    %select_n3A_3355 = arith.select %eq3A_3350, %broadcast_in_dim3A_3353, %broadcast_in_dim3A_3354 : vector<16x128xi1>, vector<16x128xi32>
    %or3A_3356 = arith.ori %or3A_3349, %select_n3A_3355 : vector<16x128xi32>
    %eq3A_3357 = arith.cmpi eq, %get3A_83, %get3A_3242 : vector<16x128xi32>
    %jit3A_3358 = arith.constant 65536 : i32
    %jit3A_3359 = arith.constant 0 : i32
    %broadcast_in_dim3A_3360 = vector.broadcast %jit3A_3358 : i32 to vector<16x128xi32>
    %broadcast_in_dim3A_3361 = vector.broadcast %jit3A_3359 : i32 to vector<16x128xi32>
    %select_n3A_3362 = arith.select %eq3A_3357, %broadcast_in_dim3A_3360, %broadcast_in_dim3A_3361 : vector<16x128xi1>, vector<16x128xi32>
    %or3A_3363 = arith.ori %or3A_3356, %select_n3A_3362 : vector<16x128xi32>
    %eq3A_3364 = arith.cmpi eq, %get3A_88, %get3A_3242 : vector<16x128xi32>
    %jit3A_3365 = arith.constant 131072 : i32
    %jit3A_3366 = arith.constant 0 : i32
    %broadcast_in_dim3A_3367 = vector.broadcast %jit3A_3365 : i32 to vector<16x128xi32>
    %broadcast_in_dim3A_3368 = vector.broadcast %jit3A_3366 : i32 to vector<16x128xi32>
    %select_n3A_3369 = arith.select %eq3A_3364, %broadcast_in_dim3A_3367, %broadcast_in_dim3A_3368 : vector<16x128xi1>, vector<16x128xi32>
    %or3A_3370 = arith.ori %or3A_3363, %select_n3A_3369 : vector<16x128xi32>
    %eq3A_3371 = arith.cmpi eq, %get3A_93, %get3A_3242 : vector<16x128xi32>
    %jit3A_3372 = arith.constant 262144 : i32
    %jit3A_3373 = arith.constant 0 : i32
    %broadcast_in_dim3A_3374 = vector.broadcast %jit3A_3372 : i32 to vector<16x128xi32>
    %broadcast_in_dim3A_3375 = vector.broadcast %jit3A_3373 : i32 to vector<16x128xi32>
    %select_n3A_3376 = arith.select %eq3A_3371, %broadcast_in_dim3A_3374, %broadcast_in_dim3A_3375 : vector<16x128xi1>, vector<16x128xi32>
    %or3A_3377 = arith.ori %or3A_3370, %select_n3A_3376 : vector<16x128xi32>
    %eq3A_3378 = arith.cmpi eq, %get3A_98, %get3A_3242 : vector<16x128xi32>
    %jit3A_3379 = arith.constant 524288 : i32
    %jit3A_3380 = arith.constant 0 : i32
    %broadcast_in_dim3A_3381 = vector.broadcast %jit3A_3379 : i32 to vector<16x128xi32>
    %broadcast_in_dim3A_3382 = vector.broadcast %jit3A_3380 : i32 to vector<16x128xi32>
    %select_n3A_3383 = arith.select %eq3A_3378, %broadcast_in_dim3A_3381, %broadcast_in_dim3A_3382 : vector<16x128xi1>, vector<16x128xi32>
    %or3A_3384 = arith.ori %or3A_3377, %select_n3A_3383 : vector<16x128xi32>
    %or3A_3385 = arith.ori %or3A_3384, %and3A_3237 : vector<16x128xi32>
    %and3A_3386 = arith.andi %or3A_3384, %or3A_3236 : vector<16x128xi32>
    %add3A_3387 = arith.addi %and3A_3386, %or3A_3236 : vector<16x128xi32>
    %xor3A_3388 = arith.xori %add3A_3387, %or3A_3236 : vector<16x128xi32>
    %or3A_3389 = arith.ori %xor3A_3388, %or3A_3384 : vector<16x128xi32>
    %or3A_3390 = arith.ori %or3A_3389, %or3A_3236 : vector<16x128xi32>
    %not3A_3391 = arith.constant dense<-1> : vector<16x128xi32>
    %not3A_3392 = arith.xori %or3A_3390, %not3A_3391 : vector<16x128xi32>
    %or3A_3393 = arith.ori %and3A_3237, %not3A_3392 : vector<16x128xi32>
    %and3A_3394 = arith.andi %or3A_3236, %or3A_3389 : vector<16x128xi32>
    %shift_right_arithmetic3A_3395 = arith.constant 19 : i32
    %shift_right_arithmetic3A_3396 = vector.broadcast %shift_right_arithmetic3A_3395 : i32 to vector<16x128xi32>
    %shift_right_arithmetic3A_3397 = arith.shrsi %or3A_3393, %shift_right_arithmetic3A_3396 : vector<16x128xi32>
    %and3A_3398 = arith.constant 1 : i32
    %and3A_3399 = vector.broadcast %and3A_3398 : i32 to vector<16x128xi32>
    %and3A_3400 = arith.andi %shift_right_arithmetic3A_3397, %and3A_3399 : vector<16x128xi32>
    %add3A_3401 = arith.addi %sub3A_3223, %and3A_3400 : vector<16x128xi32>
    %shift_right_arithmetic3A_3402 = arith.constant 19 : i32
    %shift_right_arithmetic3A_3403 = vector.broadcast %shift_right_arithmetic3A_3402 : i32 to vector<16x128xi32>
    %shift_right_arithmetic3A_3404 = arith.shrsi %and3A_3394, %shift_right_arithmetic3A_3403 : vector<16x128xi32>
    %and3A_3405 = arith.constant 1 : i32
    %and3A_3406 = vector.broadcast %and3A_3405 : i32 to vector<16x128xi32>
    %and3A_3407 = arith.andi %shift_right_arithmetic3A_3404, %and3A_3406 : vector<16x128xi32>
    %sub3A_3408 = arith.subi %add3A_3401, %and3A_3407 : vector<16x128xi32>
    %shift_left3A_3409 = arith.constant 1 : i32
    %shift_left3A_3410 = vector.broadcast %shift_left3A_3409 : i32 to vector<16x128xi32>
    %shift_left3A_3411 = arith.shli %or3A_3393, %shift_left3A_3410 : vector<16x128xi32>
    %or3A_3412 = arith.constant 1 : i32
    %or3A_3413 = vector.broadcast %or3A_3412 : i32 to vector<16x128xi32>
    %or3A_3414 = arith.ori %shift_left3A_3411, %or3A_3413 : vector<16x128xi32>
    %shift_left3A_3415 = arith.constant 1 : i32
    %shift_left3A_3416 = vector.broadcast %shift_left3A_3415 : i32 to vector<16x128xi32>
    %shift_left3A_3417 = arith.shli %and3A_3394, %shift_left3A_3416 : vector<16x128xi32>
    %or3A_3418 = arith.ori %or3A_3385, %or3A_3414 : vector<16x128xi32>
    %not3A_3419 = arith.constant dense<-1> : vector<16x128xi32>
    %not3A_3420 = arith.xori %or3A_3418, %not3A_3419 : vector<16x128xi32>
    %or3A_3421 = arith.ori %shift_left3A_3417, %not3A_3420 : vector<16x128xi32>
    %and3A_3422 = arith.andi %or3A_3414, %or3A_3385 : vector<16x128xi32>
    %get3A_3423 = arith.constant 18 : index
    %get3A_3424 = arith.constant 0 : index
    %get3A_3425 = arith.constant 0 : index
    %get3A_3426 = vector.load %arg2[%get3A_3423, %get3A_3424, %get3A_3425] : memref<20x16x128xi32, #tpu.memory_space<vmem>>, vector<1x16x128xi32>
    %get3A_3427 = vector.shape_cast %get3A_3426 : vector<1x16x128xi32> to vector<16x128xi32>
    %broadcast_in_dim3A_3428 = arith.constant 0 : i32
    %broadcast_in_dim3A_3429 = vector.broadcast %broadcast_in_dim3A_3428 : i32 to vector<16x128xi32>
    %eq3A_3430 = arith.cmpi eq, %get3A_3, %get3A_3427 : vector<16x128xi32>
    %jit3A_3431 = arith.constant 1 : i32
    %jit3A_3432 = arith.constant 0 : i32
    %broadcast_in_dim3A_3433 = vector.broadcast %jit3A_3431 : i32 to vector<16x128xi32>
    %broadcast_in_dim3A_3434 = vector.broadcast %jit3A_3432 : i32 to vector<16x128xi32>
    %select_n3A_3435 = arith.select %eq3A_3430, %broadcast_in_dim3A_3433, %broadcast_in_dim3A_3434 : vector<16x128xi1>, vector<16x128xi32>
    %or3A_3436 = arith.ori %broadcast_in_dim3A_3429, %select_n3A_3435 : vector<16x128xi32>
    %eq3A_3437 = arith.cmpi eq, %get3A_8, %get3A_3427 : vector<16x128xi32>
    %jit3A_3438 = arith.constant 2 : i32
    %jit3A_3439 = arith.constant 0 : i32
    %broadcast_in_dim3A_3440 = vector.broadcast %jit3A_3438 : i32 to vector<16x128xi32>
    %broadcast_in_dim3A_3441 = vector.broadcast %jit3A_3439 : i32 to vector<16x128xi32>
    %select_n3A_3442 = arith.select %eq3A_3437, %broadcast_in_dim3A_3440, %broadcast_in_dim3A_3441 : vector<16x128xi1>, vector<16x128xi32>
    %or3A_3443 = arith.ori %or3A_3436, %select_n3A_3442 : vector<16x128xi32>
    %eq3A_3444 = arith.cmpi eq, %get3A_13, %get3A_3427 : vector<16x128xi32>
    %jit3A_3445 = arith.constant 4 : i32
    %jit3A_3446 = arith.constant 0 : i32
    %broadcast_in_dim3A_3447 = vector.broadcast %jit3A_3445 : i32 to vector<16x128xi32>
    %broadcast_in_dim3A_3448 = vector.broadcast %jit3A_3446 : i32 to vector<16x128xi32>
    %select_n3A_3449 = arith.select %eq3A_3444, %broadcast_in_dim3A_3447, %broadcast_in_dim3A_3448 : vector<16x128xi1>, vector<16x128xi32>
    %or3A_3450 = arith.ori %or3A_3443, %select_n3A_3449 : vector<16x128xi32>
    %eq3A_3451 = arith.cmpi eq, %get3A_18, %get3A_3427 : vector<16x128xi32>
    %jit3A_3452 = arith.constant 8 : i32
    %jit3A_3453 = arith.constant 0 : i32
    %broadcast_in_dim3A_3454 = vector.broadcast %jit3A_3452 : i32 to vector<16x128xi32>
    %broadcast_in_dim3A_3455 = vector.broadcast %jit3A_3453 : i32 to vector<16x128xi32>
    %select_n3A_3456 = arith.select %eq3A_3451, %broadcast_in_dim3A_3454, %broadcast_in_dim3A_3455 : vector<16x128xi1>, vector<16x128xi32>
    %or3A_3457 = arith.ori %or3A_3450, %select_n3A_3456 : vector<16x128xi32>
    %eq3A_3458 = arith.cmpi eq, %get3A_23, %get3A_3427 : vector<16x128xi32>
    %jit3A_3459 = arith.constant 16 : i32
    %jit3A_3460 = arith.constant 0 : i32
    %broadcast_in_dim3A_3461 = vector.broadcast %jit3A_3459 : i32 to vector<16x128xi32>
    %broadcast_in_dim3A_3462 = vector.broadcast %jit3A_3460 : i32 to vector<16x128xi32>
    %select_n3A_3463 = arith.select %eq3A_3458, %broadcast_in_dim3A_3461, %broadcast_in_dim3A_3462 : vector<16x128xi1>, vector<16x128xi32>
    %or3A_3464 = arith.ori %or3A_3457, %select_n3A_3463 : vector<16x128xi32>
    %eq3A_3465 = arith.cmpi eq, %get3A_28, %get3A_3427 : vector<16x128xi32>
    %jit3A_3466 = arith.constant 32 : i32
    %jit3A_3467 = arith.constant 0 : i32
    %broadcast_in_dim3A_3468 = vector.broadcast %jit3A_3466 : i32 to vector<16x128xi32>
    %broadcast_in_dim3A_3469 = vector.broadcast %jit3A_3467 : i32 to vector<16x128xi32>
    %select_n3A_3470 = arith.select %eq3A_3465, %broadcast_in_dim3A_3468, %broadcast_in_dim3A_3469 : vector<16x128xi1>, vector<16x128xi32>
    %or3A_3471 = arith.ori %or3A_3464, %select_n3A_3470 : vector<16x128xi32>
    %eq3A_3472 = arith.cmpi eq, %get3A_33, %get3A_3427 : vector<16x128xi32>
    %jit3A_3473 = arith.constant 64 : i32
    %jit3A_3474 = arith.constant 0 : i32
    %broadcast_in_dim3A_3475 = vector.broadcast %jit3A_3473 : i32 to vector<16x128xi32>
    %broadcast_in_dim3A_3476 = vector.broadcast %jit3A_3474 : i32 to vector<16x128xi32>
    %select_n3A_3477 = arith.select %eq3A_3472, %broadcast_in_dim3A_3475, %broadcast_in_dim3A_3476 : vector<16x128xi1>, vector<16x128xi32>
    %or3A_3478 = arith.ori %or3A_3471, %select_n3A_3477 : vector<16x128xi32>
    %eq3A_3479 = arith.cmpi eq, %get3A_38, %get3A_3427 : vector<16x128xi32>
    %jit3A_3480 = arith.constant 128 : i32
    %jit3A_3481 = arith.constant 0 : i32
    %broadcast_in_dim3A_3482 = vector.broadcast %jit3A_3480 : i32 to vector<16x128xi32>
    %broadcast_in_dim3A_3483 = vector.broadcast %jit3A_3481 : i32 to vector<16x128xi32>
    %select_n3A_3484 = arith.select %eq3A_3479, %broadcast_in_dim3A_3482, %broadcast_in_dim3A_3483 : vector<16x128xi1>, vector<16x128xi32>
    %or3A_3485 = arith.ori %or3A_3478, %select_n3A_3484 : vector<16x128xi32>
    %eq3A_3486 = arith.cmpi eq, %get3A_43, %get3A_3427 : vector<16x128xi32>
    %jit3A_3487 = arith.constant 256 : i32
    %jit3A_3488 = arith.constant 0 : i32
    %broadcast_in_dim3A_3489 = vector.broadcast %jit3A_3487 : i32 to vector<16x128xi32>
    %broadcast_in_dim3A_3490 = vector.broadcast %jit3A_3488 : i32 to vector<16x128xi32>
    %select_n3A_3491 = arith.select %eq3A_3486, %broadcast_in_dim3A_3489, %broadcast_in_dim3A_3490 : vector<16x128xi1>, vector<16x128xi32>
    %or3A_3492 = arith.ori %or3A_3485, %select_n3A_3491 : vector<16x128xi32>
    %eq3A_3493 = arith.cmpi eq, %get3A_48, %get3A_3427 : vector<16x128xi32>
    %jit3A_3494 = arith.constant 512 : i32
    %jit3A_3495 = arith.constant 0 : i32
    %broadcast_in_dim3A_3496 = vector.broadcast %jit3A_3494 : i32 to vector<16x128xi32>
    %broadcast_in_dim3A_3497 = vector.broadcast %jit3A_3495 : i32 to vector<16x128xi32>
    %select_n3A_3498 = arith.select %eq3A_3493, %broadcast_in_dim3A_3496, %broadcast_in_dim3A_3497 : vector<16x128xi1>, vector<16x128xi32>
    %or3A_3499 = arith.ori %or3A_3492, %select_n3A_3498 : vector<16x128xi32>
    %eq3A_3500 = arith.cmpi eq, %get3A_53, %get3A_3427 : vector<16x128xi32>
    %jit3A_3501 = arith.constant 1024 : i32
    %jit3A_3502 = arith.constant 0 : i32
    %broadcast_in_dim3A_3503 = vector.broadcast %jit3A_3501 : i32 to vector<16x128xi32>
    %broadcast_in_dim3A_3504 = vector.broadcast %jit3A_3502 : i32 to vector<16x128xi32>
    %select_n3A_3505 = arith.select %eq3A_3500, %broadcast_in_dim3A_3503, %broadcast_in_dim3A_3504 : vector<16x128xi1>, vector<16x128xi32>
    %or3A_3506 = arith.ori %or3A_3499, %select_n3A_3505 : vector<16x128xi32>
    %eq3A_3507 = arith.cmpi eq, %get3A_58, %get3A_3427 : vector<16x128xi32>
    %jit3A_3508 = arith.constant 2048 : i32
    %jit3A_3509 = arith.constant 0 : i32
    %broadcast_in_dim3A_3510 = vector.broadcast %jit3A_3508 : i32 to vector<16x128xi32>
    %broadcast_in_dim3A_3511 = vector.broadcast %jit3A_3509 : i32 to vector<16x128xi32>
    %select_n3A_3512 = arith.select %eq3A_3507, %broadcast_in_dim3A_3510, %broadcast_in_dim3A_3511 : vector<16x128xi1>, vector<16x128xi32>
    %or3A_3513 = arith.ori %or3A_3506, %select_n3A_3512 : vector<16x128xi32>
    %eq3A_3514 = arith.cmpi eq, %get3A_63, %get3A_3427 : vector<16x128xi32>
    %jit3A_3515 = arith.constant 4096 : i32
    %jit3A_3516 = arith.constant 0 : i32
    %broadcast_in_dim3A_3517 = vector.broadcast %jit3A_3515 : i32 to vector<16x128xi32>
    %broadcast_in_dim3A_3518 = vector.broadcast %jit3A_3516 : i32 to vector<16x128xi32>
    %select_n3A_3519 = arith.select %eq3A_3514, %broadcast_in_dim3A_3517, %broadcast_in_dim3A_3518 : vector<16x128xi1>, vector<16x128xi32>
    %or3A_3520 = arith.ori %or3A_3513, %select_n3A_3519 : vector<16x128xi32>
    %eq3A_3521 = arith.cmpi eq, %get3A_68, %get3A_3427 : vector<16x128xi32>
    %jit3A_3522 = arith.constant 8192 : i32
    %jit3A_3523 = arith.constant 0 : i32
    %broadcast_in_dim3A_3524 = vector.broadcast %jit3A_3522 : i32 to vector<16x128xi32>
    %broadcast_in_dim3A_3525 = vector.broadcast %jit3A_3523 : i32 to vector<16x128xi32>
    %select_n3A_3526 = arith.select %eq3A_3521, %broadcast_in_dim3A_3524, %broadcast_in_dim3A_3525 : vector<16x128xi1>, vector<16x128xi32>
    %or3A_3527 = arith.ori %or3A_3520, %select_n3A_3526 : vector<16x128xi32>
    %eq3A_3528 = arith.cmpi eq, %get3A_73, %get3A_3427 : vector<16x128xi32>
    %jit3A_3529 = arith.constant 16384 : i32
    %jit3A_3530 = arith.constant 0 : i32
    %broadcast_in_dim3A_3531 = vector.broadcast %jit3A_3529 : i32 to vector<16x128xi32>
    %broadcast_in_dim3A_3532 = vector.broadcast %jit3A_3530 : i32 to vector<16x128xi32>
    %select_n3A_3533 = arith.select %eq3A_3528, %broadcast_in_dim3A_3531, %broadcast_in_dim3A_3532 : vector<16x128xi1>, vector<16x128xi32>
    %or3A_3534 = arith.ori %or3A_3527, %select_n3A_3533 : vector<16x128xi32>
    %eq3A_3535 = arith.cmpi eq, %get3A_78, %get3A_3427 : vector<16x128xi32>
    %jit3A_3536 = arith.constant 32768 : i32
    %jit3A_3537 = arith.constant 0 : i32
    %broadcast_in_dim3A_3538 = vector.broadcast %jit3A_3536 : i32 to vector<16x128xi32>
    %broadcast_in_dim3A_3539 = vector.broadcast %jit3A_3537 : i32 to vector<16x128xi32>
    %select_n3A_3540 = arith.select %eq3A_3535, %broadcast_in_dim3A_3538, %broadcast_in_dim3A_3539 : vector<16x128xi1>, vector<16x128xi32>
    %or3A_3541 = arith.ori %or3A_3534, %select_n3A_3540 : vector<16x128xi32>
    %eq3A_3542 = arith.cmpi eq, %get3A_83, %get3A_3427 : vector<16x128xi32>
    %jit3A_3543 = arith.constant 65536 : i32
    %jit3A_3544 = arith.constant 0 : i32
    %broadcast_in_dim3A_3545 = vector.broadcast %jit3A_3543 : i32 to vector<16x128xi32>
    %broadcast_in_dim3A_3546 = vector.broadcast %jit3A_3544 : i32 to vector<16x128xi32>
    %select_n3A_3547 = arith.select %eq3A_3542, %broadcast_in_dim3A_3545, %broadcast_in_dim3A_3546 : vector<16x128xi1>, vector<16x128xi32>
    %or3A_3548 = arith.ori %or3A_3541, %select_n3A_3547 : vector<16x128xi32>
    %eq3A_3549 = arith.cmpi eq, %get3A_88, %get3A_3427 : vector<16x128xi32>
    %jit3A_3550 = arith.constant 131072 : i32
    %jit3A_3551 = arith.constant 0 : i32
    %broadcast_in_dim3A_3552 = vector.broadcast %jit3A_3550 : i32 to vector<16x128xi32>
    %broadcast_in_dim3A_3553 = vector.broadcast %jit3A_3551 : i32 to vector<16x128xi32>
    %select_n3A_3554 = arith.select %eq3A_3549, %broadcast_in_dim3A_3552, %broadcast_in_dim3A_3553 : vector<16x128xi1>, vector<16x128xi32>
    %or3A_3555 = arith.ori %or3A_3548, %select_n3A_3554 : vector<16x128xi32>
    %eq3A_3556 = arith.cmpi eq, %get3A_93, %get3A_3427 : vector<16x128xi32>
    %jit3A_3557 = arith.constant 262144 : i32
    %jit3A_3558 = arith.constant 0 : i32
    %broadcast_in_dim3A_3559 = vector.broadcast %jit3A_3557 : i32 to vector<16x128xi32>
    %broadcast_in_dim3A_3560 = vector.broadcast %jit3A_3558 : i32 to vector<16x128xi32>
    %select_n3A_3561 = arith.select %eq3A_3556, %broadcast_in_dim3A_3559, %broadcast_in_dim3A_3560 : vector<16x128xi1>, vector<16x128xi32>
    %or3A_3562 = arith.ori %or3A_3555, %select_n3A_3561 : vector<16x128xi32>
    %eq3A_3563 = arith.cmpi eq, %get3A_98, %get3A_3427 : vector<16x128xi32>
    %jit3A_3564 = arith.constant 524288 : i32
    %jit3A_3565 = arith.constant 0 : i32
    %broadcast_in_dim3A_3566 = vector.broadcast %jit3A_3564 : i32 to vector<16x128xi32>
    %broadcast_in_dim3A_3567 = vector.broadcast %jit3A_3565 : i32 to vector<16x128xi32>
    %select_n3A_3568 = arith.select %eq3A_3563, %broadcast_in_dim3A_3566, %broadcast_in_dim3A_3567 : vector<16x128xi1>, vector<16x128xi32>
    %or3A_3569 = arith.ori %or3A_3562, %select_n3A_3568 : vector<16x128xi32>
    %or3A_3570 = arith.ori %or3A_3569, %and3A_3422 : vector<16x128xi32>
    %and3A_3571 = arith.andi %or3A_3569, %or3A_3421 : vector<16x128xi32>
    %add3A_3572 = arith.addi %and3A_3571, %or3A_3421 : vector<16x128xi32>
    %xor3A_3573 = arith.xori %add3A_3572, %or3A_3421 : vector<16x128xi32>
    %or3A_3574 = arith.ori %xor3A_3573, %or3A_3569 : vector<16x128xi32>
    %or3A_3575 = arith.ori %or3A_3574, %or3A_3421 : vector<16x128xi32>
    %not3A_3576 = arith.constant dense<-1> : vector<16x128xi32>
    %not3A_3577 = arith.xori %or3A_3575, %not3A_3576 : vector<16x128xi32>
    %or3A_3578 = arith.ori %and3A_3422, %not3A_3577 : vector<16x128xi32>
    %and3A_3579 = arith.andi %or3A_3421, %or3A_3574 : vector<16x128xi32>
    %shift_right_arithmetic3A_3580 = arith.constant 19 : i32
    %shift_right_arithmetic3A_3581 = vector.broadcast %shift_right_arithmetic3A_3580 : i32 to vector<16x128xi32>
    %shift_right_arithmetic3A_3582 = arith.shrsi %or3A_3578, %shift_right_arithmetic3A_3581 : vector<16x128xi32>
    %and3A_3583 = arith.constant 1 : i32
    %and3A_3584 = vector.broadcast %and3A_3583 : i32 to vector<16x128xi32>
    %and3A_3585 = arith.andi %shift_right_arithmetic3A_3582, %and3A_3584 : vector<16x128xi32>
    %add3A_3586 = arith.addi %sub3A_3408, %and3A_3585 : vector<16x128xi32>
    %shift_right_arithmetic3A_3587 = arith.constant 19 : i32
    %shift_right_arithmetic3A_3588 = vector.broadcast %shift_right_arithmetic3A_3587 : i32 to vector<16x128xi32>
    %shift_right_arithmetic3A_3589 = arith.shrsi %and3A_3579, %shift_right_arithmetic3A_3588 : vector<16x128xi32>
    %and3A_3590 = arith.constant 1 : i32
    %and3A_3591 = vector.broadcast %and3A_3590 : i32 to vector<16x128xi32>
    %and3A_3592 = arith.andi %shift_right_arithmetic3A_3589, %and3A_3591 : vector<16x128xi32>
    %sub3A_3593 = arith.subi %add3A_3586, %and3A_3592 : vector<16x128xi32>
    %shift_left3A_3594 = arith.constant 1 : i32
    %shift_left3A_3595 = vector.broadcast %shift_left3A_3594 : i32 to vector<16x128xi32>
    %shift_left3A_3596 = arith.shli %or3A_3578, %shift_left3A_3595 : vector<16x128xi32>
    %or3A_3597 = arith.constant 1 : i32
    %or3A_3598 = vector.broadcast %or3A_3597 : i32 to vector<16x128xi32>
    %or3A_3599 = arith.ori %shift_left3A_3596, %or3A_3598 : vector<16x128xi32>
    %shift_left3A_3600 = arith.constant 1 : i32
    %shift_left3A_3601 = vector.broadcast %shift_left3A_3600 : i32 to vector<16x128xi32>
    %shift_left3A_3602 = arith.shli %and3A_3579, %shift_left3A_3601 : vector<16x128xi32>
    %or3A_3603 = arith.ori %or3A_3570, %or3A_3599 : vector<16x128xi32>
    %not3A_3604 = arith.constant dense<-1> : vector<16x128xi32>
    %not3A_3605 = arith.xori %or3A_3603, %not3A_3604 : vector<16x128xi32>
    %or3A_3606 = arith.ori %shift_left3A_3602, %not3A_3605 : vector<16x128xi32>
    %and3A_3607 = arith.andi %or3A_3599, %or3A_3570 : vector<16x128xi32>
    %get3A_3608 = arith.constant 19 : index
    %get3A_3609 = arith.constant 0 : index
    %get3A_3610 = arith.constant 0 : index
    %get3A_3611 = vector.load %arg2[%get3A_3608, %get3A_3609, %get3A_3610] : memref<20x16x128xi32, #tpu.memory_space<vmem>>, vector<1x16x128xi32>
    %get3A_3612 = vector.shape_cast %get3A_3611 : vector<1x16x128xi32> to vector<16x128xi32>
    %broadcast_in_dim3A_3613 = arith.constant 0 : i32
    %broadcast_in_dim3A_3614 = vector.broadcast %broadcast_in_dim3A_3613 : i32 to vector<16x128xi32>
    %eq3A_3615 = arith.cmpi eq, %get3A_3, %get3A_3612 : vector<16x128xi32>
    %jit3A_3616 = arith.constant 1 : i32
    %jit3A_3617 = arith.constant 0 : i32
    %broadcast_in_dim3A_3618 = vector.broadcast %jit3A_3616 : i32 to vector<16x128xi32>
    %broadcast_in_dim3A_3619 = vector.broadcast %jit3A_3617 : i32 to vector<16x128xi32>
    %select_n3A_3620 = arith.select %eq3A_3615, %broadcast_in_dim3A_3618, %broadcast_in_dim3A_3619 : vector<16x128xi1>, vector<16x128xi32>
    %or3A_3621 = arith.ori %broadcast_in_dim3A_3614, %select_n3A_3620 : vector<16x128xi32>
    %eq3A_3622 = arith.cmpi eq, %get3A_8, %get3A_3612 : vector<16x128xi32>
    %jit3A_3623 = arith.constant 2 : i32
    %jit3A_3624 = arith.constant 0 : i32
    %broadcast_in_dim3A_3625 = vector.broadcast %jit3A_3623 : i32 to vector<16x128xi32>
    %broadcast_in_dim3A_3626 = vector.broadcast %jit3A_3624 : i32 to vector<16x128xi32>
    %select_n3A_3627 = arith.select %eq3A_3622, %broadcast_in_dim3A_3625, %broadcast_in_dim3A_3626 : vector<16x128xi1>, vector<16x128xi32>
    %or3A_3628 = arith.ori %or3A_3621, %select_n3A_3627 : vector<16x128xi32>
    %eq3A_3629 = arith.cmpi eq, %get3A_13, %get3A_3612 : vector<16x128xi32>
    %jit3A_3630 = arith.constant 4 : i32
    %jit3A_3631 = arith.constant 0 : i32
    %broadcast_in_dim3A_3632 = vector.broadcast %jit3A_3630 : i32 to vector<16x128xi32>
    %broadcast_in_dim3A_3633 = vector.broadcast %jit3A_3631 : i32 to vector<16x128xi32>
    %select_n3A_3634 = arith.select %eq3A_3629, %broadcast_in_dim3A_3632, %broadcast_in_dim3A_3633 : vector<16x128xi1>, vector<16x128xi32>
    %or3A_3635 = arith.ori %or3A_3628, %select_n3A_3634 : vector<16x128xi32>
    %eq3A_3636 = arith.cmpi eq, %get3A_18, %get3A_3612 : vector<16x128xi32>
    %jit3A_3637 = arith.constant 8 : i32
    %jit3A_3638 = arith.constant 0 : i32
    %broadcast_in_dim3A_3639 = vector.broadcast %jit3A_3637 : i32 to vector<16x128xi32>
    %broadcast_in_dim3A_3640 = vector.broadcast %jit3A_3638 : i32 to vector<16x128xi32>
    %select_n3A_3641 = arith.select %eq3A_3636, %broadcast_in_dim3A_3639, %broadcast_in_dim3A_3640 : vector<16x128xi1>, vector<16x128xi32>
    %or3A_3642 = arith.ori %or3A_3635, %select_n3A_3641 : vector<16x128xi32>
    %eq3A_3643 = arith.cmpi eq, %get3A_23, %get3A_3612 : vector<16x128xi32>
    %jit3A_3644 = arith.constant 16 : i32
    %jit3A_3645 = arith.constant 0 : i32
    %broadcast_in_dim3A_3646 = vector.broadcast %jit3A_3644 : i32 to vector<16x128xi32>
    %broadcast_in_dim3A_3647 = vector.broadcast %jit3A_3645 : i32 to vector<16x128xi32>
    %select_n3A_3648 = arith.select %eq3A_3643, %broadcast_in_dim3A_3646, %broadcast_in_dim3A_3647 : vector<16x128xi1>, vector<16x128xi32>
    %or3A_3649 = arith.ori %or3A_3642, %select_n3A_3648 : vector<16x128xi32>
    %eq3A_3650 = arith.cmpi eq, %get3A_28, %get3A_3612 : vector<16x128xi32>
    %jit3A_3651 = arith.constant 32 : i32
    %jit3A_3652 = arith.constant 0 : i32
    %broadcast_in_dim3A_3653 = vector.broadcast %jit3A_3651 : i32 to vector<16x128xi32>
    %broadcast_in_dim3A_3654 = vector.broadcast %jit3A_3652 : i32 to vector<16x128xi32>
    %select_n3A_3655 = arith.select %eq3A_3650, %broadcast_in_dim3A_3653, %broadcast_in_dim3A_3654 : vector<16x128xi1>, vector<16x128xi32>
    %or3A_3656 = arith.ori %or3A_3649, %select_n3A_3655 : vector<16x128xi32>
    %eq3A_3657 = arith.cmpi eq, %get3A_33, %get3A_3612 : vector<16x128xi32>
    %jit3A_3658 = arith.constant 64 : i32
    %jit3A_3659 = arith.constant 0 : i32
    %broadcast_in_dim3A_3660 = vector.broadcast %jit3A_3658 : i32 to vector<16x128xi32>
    %broadcast_in_dim3A_3661 = vector.broadcast %jit3A_3659 : i32 to vector<16x128xi32>
    %select_n3A_3662 = arith.select %eq3A_3657, %broadcast_in_dim3A_3660, %broadcast_in_dim3A_3661 : vector<16x128xi1>, vector<16x128xi32>
    %or3A_3663 = arith.ori %or3A_3656, %select_n3A_3662 : vector<16x128xi32>
    %eq3A_3664 = arith.cmpi eq, %get3A_38, %get3A_3612 : vector<16x128xi32>
    %jit3A_3665 = arith.constant 128 : i32
    %jit3A_3666 = arith.constant 0 : i32
    %broadcast_in_dim3A_3667 = vector.broadcast %jit3A_3665 : i32 to vector<16x128xi32>
    %broadcast_in_dim3A_3668 = vector.broadcast %jit3A_3666 : i32 to vector<16x128xi32>
    %select_n3A_3669 = arith.select %eq3A_3664, %broadcast_in_dim3A_3667, %broadcast_in_dim3A_3668 : vector<16x128xi1>, vector<16x128xi32>
    %or3A_3670 = arith.ori %or3A_3663, %select_n3A_3669 : vector<16x128xi32>
    %eq3A_3671 = arith.cmpi eq, %get3A_43, %get3A_3612 : vector<16x128xi32>
    %jit3A_3672 = arith.constant 256 : i32
    %jit3A_3673 = arith.constant 0 : i32
    %broadcast_in_dim3A_3674 = vector.broadcast %jit3A_3672 : i32 to vector<16x128xi32>
    %broadcast_in_dim3A_3675 = vector.broadcast %jit3A_3673 : i32 to vector<16x128xi32>
    %select_n3A_3676 = arith.select %eq3A_3671, %broadcast_in_dim3A_3674, %broadcast_in_dim3A_3675 : vector<16x128xi1>, vector<16x128xi32>
    %or3A_3677 = arith.ori %or3A_3670, %select_n3A_3676 : vector<16x128xi32>
    %eq3A_3678 = arith.cmpi eq, %get3A_48, %get3A_3612 : vector<16x128xi32>
    %jit3A_3679 = arith.constant 512 : i32
    %jit3A_3680 = arith.constant 0 : i32
    %broadcast_in_dim3A_3681 = vector.broadcast %jit3A_3679 : i32 to vector<16x128xi32>
    %broadcast_in_dim3A_3682 = vector.broadcast %jit3A_3680 : i32 to vector<16x128xi32>
    %select_n3A_3683 = arith.select %eq3A_3678, %broadcast_in_dim3A_3681, %broadcast_in_dim3A_3682 : vector<16x128xi1>, vector<16x128xi32>
    %or3A_3684 = arith.ori %or3A_3677, %select_n3A_3683 : vector<16x128xi32>
    %eq3A_3685 = arith.cmpi eq, %get3A_53, %get3A_3612 : vector<16x128xi32>
    %jit3A_3686 = arith.constant 1024 : i32
    %jit3A_3687 = arith.constant 0 : i32
    %broadcast_in_dim3A_3688 = vector.broadcast %jit3A_3686 : i32 to vector<16x128xi32>
    %broadcast_in_dim3A_3689 = vector.broadcast %jit3A_3687 : i32 to vector<16x128xi32>
    %select_n3A_3690 = arith.select %eq3A_3685, %broadcast_in_dim3A_3688, %broadcast_in_dim3A_3689 : vector<16x128xi1>, vector<16x128xi32>
    %or3A_3691 = arith.ori %or3A_3684, %select_n3A_3690 : vector<16x128xi32>
    %eq3A_3692 = arith.cmpi eq, %get3A_58, %get3A_3612 : vector<16x128xi32>
    %jit3A_3693 = arith.constant 2048 : i32
    %jit3A_3694 = arith.constant 0 : i32
    %broadcast_in_dim3A_3695 = vector.broadcast %jit3A_3693 : i32 to vector<16x128xi32>
    %broadcast_in_dim3A_3696 = vector.broadcast %jit3A_3694 : i32 to vector<16x128xi32>
    %select_n3A_3697 = arith.select %eq3A_3692, %broadcast_in_dim3A_3695, %broadcast_in_dim3A_3696 : vector<16x128xi1>, vector<16x128xi32>
    %or3A_3698 = arith.ori %or3A_3691, %select_n3A_3697 : vector<16x128xi32>
    %eq3A_3699 = arith.cmpi eq, %get3A_63, %get3A_3612 : vector<16x128xi32>
    %jit3A_3700 = arith.constant 4096 : i32
    %jit3A_3701 = arith.constant 0 : i32
    %broadcast_in_dim3A_3702 = vector.broadcast %jit3A_3700 : i32 to vector<16x128xi32>
    %broadcast_in_dim3A_3703 = vector.broadcast %jit3A_3701 : i32 to vector<16x128xi32>
    %select_n3A_3704 = arith.select %eq3A_3699, %broadcast_in_dim3A_3702, %broadcast_in_dim3A_3703 : vector<16x128xi1>, vector<16x128xi32>
    %or3A_3705 = arith.ori %or3A_3698, %select_n3A_3704 : vector<16x128xi32>
    %eq3A_3706 = arith.cmpi eq, %get3A_68, %get3A_3612 : vector<16x128xi32>
    %jit3A_3707 = arith.constant 8192 : i32
    %jit3A_3708 = arith.constant 0 : i32
    %broadcast_in_dim3A_3709 = vector.broadcast %jit3A_3707 : i32 to vector<16x128xi32>
    %broadcast_in_dim3A_3710 = vector.broadcast %jit3A_3708 : i32 to vector<16x128xi32>
    %select_n3A_3711 = arith.select %eq3A_3706, %broadcast_in_dim3A_3709, %broadcast_in_dim3A_3710 : vector<16x128xi1>, vector<16x128xi32>
    %or3A_3712 = arith.ori %or3A_3705, %select_n3A_3711 : vector<16x128xi32>
    %eq3A_3713 = arith.cmpi eq, %get3A_73, %get3A_3612 : vector<16x128xi32>
    %jit3A_3714 = arith.constant 16384 : i32
    %jit3A_3715 = arith.constant 0 : i32
    %broadcast_in_dim3A_3716 = vector.broadcast %jit3A_3714 : i32 to vector<16x128xi32>
    %broadcast_in_dim3A_3717 = vector.broadcast %jit3A_3715 : i32 to vector<16x128xi32>
    %select_n3A_3718 = arith.select %eq3A_3713, %broadcast_in_dim3A_3716, %broadcast_in_dim3A_3717 : vector<16x128xi1>, vector<16x128xi32>
    %or3A_3719 = arith.ori %or3A_3712, %select_n3A_3718 : vector<16x128xi32>
    %eq3A_3720 = arith.cmpi eq, %get3A_78, %get3A_3612 : vector<16x128xi32>
    %jit3A_3721 = arith.constant 32768 : i32
    %jit3A_3722 = arith.constant 0 : i32
    %broadcast_in_dim3A_3723 = vector.broadcast %jit3A_3721 : i32 to vector<16x128xi32>
    %broadcast_in_dim3A_3724 = vector.broadcast %jit3A_3722 : i32 to vector<16x128xi32>
    %select_n3A_3725 = arith.select %eq3A_3720, %broadcast_in_dim3A_3723, %broadcast_in_dim3A_3724 : vector<16x128xi1>, vector<16x128xi32>
    %or3A_3726 = arith.ori %or3A_3719, %select_n3A_3725 : vector<16x128xi32>
    %eq3A_3727 = arith.cmpi eq, %get3A_83, %get3A_3612 : vector<16x128xi32>
    %jit3A_3728 = arith.constant 65536 : i32
    %jit3A_3729 = arith.constant 0 : i32
    %broadcast_in_dim3A_3730 = vector.broadcast %jit3A_3728 : i32 to vector<16x128xi32>
    %broadcast_in_dim3A_3731 = vector.broadcast %jit3A_3729 : i32 to vector<16x128xi32>
    %select_n3A_3732 = arith.select %eq3A_3727, %broadcast_in_dim3A_3730, %broadcast_in_dim3A_3731 : vector<16x128xi1>, vector<16x128xi32>
    %or3A_3733 = arith.ori %or3A_3726, %select_n3A_3732 : vector<16x128xi32>
    %eq3A_3734 = arith.cmpi eq, %get3A_88, %get3A_3612 : vector<16x128xi32>
    %jit3A_3735 = arith.constant 131072 : i32
    %jit3A_3736 = arith.constant 0 : i32
    %broadcast_in_dim3A_3737 = vector.broadcast %jit3A_3735 : i32 to vector<16x128xi32>
    %broadcast_in_dim3A_3738 = vector.broadcast %jit3A_3736 : i32 to vector<16x128xi32>
    %select_n3A_3739 = arith.select %eq3A_3734, %broadcast_in_dim3A_3737, %broadcast_in_dim3A_3738 : vector<16x128xi1>, vector<16x128xi32>
    %or3A_3740 = arith.ori %or3A_3733, %select_n3A_3739 : vector<16x128xi32>
    %eq3A_3741 = arith.cmpi eq, %get3A_93, %get3A_3612 : vector<16x128xi32>
    %jit3A_3742 = arith.constant 262144 : i32
    %jit3A_3743 = arith.constant 0 : i32
    %broadcast_in_dim3A_3744 = vector.broadcast %jit3A_3742 : i32 to vector<16x128xi32>
    %broadcast_in_dim3A_3745 = vector.broadcast %jit3A_3743 : i32 to vector<16x128xi32>
    %select_n3A_3746 = arith.select %eq3A_3741, %broadcast_in_dim3A_3744, %broadcast_in_dim3A_3745 : vector<16x128xi1>, vector<16x128xi32>
    %or3A_3747 = arith.ori %or3A_3740, %select_n3A_3746 : vector<16x128xi32>
    %eq3A_3748 = arith.cmpi eq, %get3A_98, %get3A_3612 : vector<16x128xi32>
    %jit3A_3749 = arith.constant 524288 : i32
    %jit3A_3750 = arith.constant 0 : i32
    %broadcast_in_dim3A_3751 = vector.broadcast %jit3A_3749 : i32 to vector<16x128xi32>
    %broadcast_in_dim3A_3752 = vector.broadcast %jit3A_3750 : i32 to vector<16x128xi32>
    %select_n3A_3753 = arith.select %eq3A_3748, %broadcast_in_dim3A_3751, %broadcast_in_dim3A_3752 : vector<16x128xi1>, vector<16x128xi32>
    %or3A_3754 = arith.ori %or3A_3747, %select_n3A_3753 : vector<16x128xi32>
    %and3A_3755 = arith.andi %or3A_3754, %or3A_3606 : vector<16x128xi32>
    %add3A_3756 = arith.addi %and3A_3755, %or3A_3606 : vector<16x128xi32>
    %xor3A_3757 = arith.xori %add3A_3756, %or3A_3606 : vector<16x128xi32>
    %or3A_3758 = arith.ori %xor3A_3757, %or3A_3754 : vector<16x128xi32>
    %or3A_3759 = arith.ori %or3A_3758, %or3A_3606 : vector<16x128xi32>
    %not3A_3760 = arith.constant dense<-1> : vector<16x128xi32>
    %not3A_3761 = arith.xori %or3A_3759, %not3A_3760 : vector<16x128xi32>
    %or3A_3762 = arith.ori %and3A_3607, %not3A_3761 : vector<16x128xi32>
    %and3A_3763 = arith.andi %or3A_3606, %or3A_3758 : vector<16x128xi32>
    %shift_right_arithmetic3A_3764 = arith.constant 19 : i32
    %shift_right_arithmetic3A_3765 = vector.broadcast %shift_right_arithmetic3A_3764 : i32 to vector<16x128xi32>
    %shift_right_arithmetic3A_3766 = arith.shrsi %or3A_3762, %shift_right_arithmetic3A_3765 : vector<16x128xi32>
    %and3A_3767 = arith.constant 1 : i32
    %and3A_3768 = vector.broadcast %and3A_3767 : i32 to vector<16x128xi32>
    %and3A_3769 = arith.andi %shift_right_arithmetic3A_3766, %and3A_3768 : vector<16x128xi32>
    %add3A_3770 = arith.addi %sub3A_3593, %and3A_3769 : vector<16x128xi32>
    %shift_right_arithmetic3A_3771 = arith.constant 19 : i32
    %shift_right_arithmetic3A_3772 = vector.broadcast %shift_right_arithmetic3A_3771 : i32 to vector<16x128xi32>
    %shift_right_arithmetic3A_3773 = arith.shrsi %and3A_3763, %shift_right_arithmetic3A_3772 : vector<16x128xi32>
    %and3A_3774 = arith.constant 1 : i32
    %and3A_3775 = vector.broadcast %and3A_3774 : i32 to vector<16x128xi32>
    %and3A_3776 = arith.andi %shift_right_arithmetic3A_3773, %and3A_3775 : vector<16x128xi32>
    %sub3A_3777 = arith.subi %add3A_3770, %and3A_3776 : vector<16x128xi32>
    %swap3A = arith.constant 0 : index
    %swap3A_3778 = arith.constant 0 : index
    %swap3A_3779 = vector.load %arg3[%swap3A, %swap3A_3778] : memref<16x128xi32, #tpu.memory_space<vmem>>, vector<16x128xi32>
    tpu.vector_store %arg3[%swap3A, %swap3A_3778], %sub3A_3777 {strides = array<i32>} : memref<16x128xi32, #tpu.memory_space<vmem>>, vector<16x128xi32>,
    return
  }
  func.func @transform_0(%arg0: i32) -> (i32, i32, i32) {
    %c0_i32 = arith.constant 0 : i32
    %c0_i32_0 = arith.constant 0 : i32
    %c0_i32_1 = arith.constant 0 : i32
    return %c0_i32, %arg0, %c0_i32_0 : i32, i32, i32
  }
  func.func @transform_1(%arg0: i32) -> (i32, i32, i32) {
    %c0_i32 = arith.constant 0 : i32
    %c0_i32_0 = arith.constant 0 : i32
    %c0_i32_1 = arith.constant 0 : i32
    return %c0_i32, %arg0, %c0_i32_0 : i32, i32, i32
  }
  func.func @transform_2(%arg0: i32) -> (i32, i32) {
    %c0_i32 = arith.constant 0 : i32
    %c0_i32_0 = arith.constant 0 : i32
    return %arg0, %c0_i32 : i32, i32
  }
}

</mosaic_0001>

<sc_bundles>
// kernel: kernel.4.cloned.1.call-start
scs
__scs_entry_jumppad:
0x0: {  	(pc) =	sbr.rel $0x88, $3  }
0x1: {  	(tag) =	ssettag $0x0;
	lr =	simm.s32 $0x1  }
0x2: {  	[smem:$0x3F9E] =	sst lr;
	_ =	strace $0xD0000000  }
0x3: {  	_ = 	snop  }
0x4: {  	_ = 	snop  }
0x5: {  	_ = 	snop  }
0x6: {  	_ = 	snop  }
0x7: {  	_ = 	snop  }
__scs_overlays_trampoline_lowered:
0x8: {  	[smem:$0x3FAD] =	sst s0  }
0x9: {  	[smem:$0x3FAE] =	sst s1  }
0xa: {  	[smem:$0x3FAF] =	sst s2  }
0xb: {  	[smem:$0x3FB0] =	sst s3  }
0xc: {  	[smem:$0x3FB1] =	sst s4  }
0xd: {  	[smem:$0x3FB2] =	sst s5  }
0xe: {  	[smem:$0x3FB3] =	sst s6  }
0xf: {  	[smem:$0x3FB4] =	sst s7  }
0x10: {  	[smem:$0x3FB5] =	sst s8  }
0x11: {  	[smem:$0x3FB6] =	sst s9;
	s0 =	simm.s32 @!p0 $0x0  }
0x12: {  	s1 =	sld [smem:$0x3F9C];
	s0 =	simm.s32 @p0 $0x1  }
0x13: {  	[smem:$0x3FB7] =	sst s0;
	s0 =	simm.s32 @!p1 $0x0  }
0x14: {  	s2 =	sld [smem:$0x3F9B];
	s0 =	simm.s32 @p1 $0x1  }
0x15: {  	[smem:$0x3FB8] =	sst s0;
	s0 =	simm.s32 @!p2 $0x0  }
0x16: {  	s3 =	sld [smem:$0x3FDB];
	s0 =	simm.s32 @p2 $0x1  }
0x17: {  	s4 =	simm.s32 $0x1BF5;
	[smem:$0x3FBA] =	sst s0  }
0x18: {  	s0 =	sld [smem:$0x3F9D];
	_ =	swait.ge [sflag:s4], $0x0  }
0x19: {  	s7 =	sld [smem:$0x3F9E]  }
0x1a: {  	s8 =	sadd.s32 $0xFFFFE003, lr  }
0x1b: {  	s9 =	sadd.s32 $0xFFFFFEF7, lr;
	s5 =	simm.s32 $0xFFFFFFFF;
	p2 =	slt.u32 s8, $0xFFFFF086  }
0x1c: {  	p1 =	slt.u32 s9, $0xF7A;
	s5 =	simm.s32 @!p2 $0x0  }
0x1d: {  	s5 =	simm.s32 @p1 $0x1;
	p0 =	seq.s32 s7, s2  }
0x1e: {  	s7 =	smul.u32 @!p0 $0xF7A, s2;
	p2 =	seq.s32 @!p0 s5, $0x0  }
0x1f: {  	s9 =	smul.u32 $0xF7A, s1;
	s8 =	simm.s32 @!p0 $0x1BF5;
	p2 =	por !p2, p0  }
0x20: {  	[sflag:s8] =	ssyncset.s32 @!p0 $0xFFFFF086;
	s6 =	sadd.s32 @!p0 s3, s7;
	s7 =	simm.s32 @!p0 $0x108  }
0x21: {  	s3 =	sadd.s32 s3, s9;
	s6 =	sadd.s32 @!p0 $0x88, s6;
	s7 =	simm.s32 @p2 $0x1082  }
0x22: {  	[simem:s7], [sflag:s8] =	dma.local @!p0 [hbm:s6], $0xF7A  }
0x23: {  	s9 =	sor.u32 $0xD0000000, s2;
	s6 =	simm.s32 $0x108;
	_ =	swait.ge @!p0 [sflag:s8], $0x0  }
0x24: {  	s3 =	sadd.s32 $0x88, s3;
	s6 =	simm.s32 @!p1 $0x1082;
	[sflag:s4] =	ssyncset.s32 $0xFFFFF086  }
0x25: {  	[simem:s6], [sflag:s4] =	dma.local [hbm:s3], $0xF7A  }
0x26: {  	[smem:$0x3F9E] =	sst s1;
	(tag) =	ssettag s2;
	_ =	strace s9  }
0x27: {  	s1 =	sld [smem:$0x3FAE]  }
0x28: {  	s2 =	sld [smem:$0x3FAF]  }
0x29: {  	s4 =	sld [smem:$0x3FB1]  }
0x2a: {  	p0 =	seq.s32 s5, $0x0;
	s5 =	sld [smem:$0x3FB2]  }
0x2b: {  	s6 =	sld [smem:$0x3FB3]  }
0x2c: {  	s7 =	sld [smem:$0x3FB4]  }
0x2d: {  	s3 =	simm.s32 $0x108;
	s8 =	sld [smem:$0x3FB5]  }
0x2e: {  	s3 =	simm.s32 @!p0 $0x1082;
	s9 =	sld [smem:$0x3FB6]  }
0x2f: {  	lr =	sadd.s32 s0, s3;
	s0 =	sld [smem:$0x3FAD]  }
0x30: {  	s3 =	sld [smem:$0x3FB0]  }
0x31: {  	[smem:$0x3FB9] =	sst s10  }
0x32: {  	s10 =	sld [smem:$0x3FB7];
	_ =	sdelay $0x3  }
0x33: {  	p0 =	seq.s32 s10, $0x1;
	s10 =	sld [smem:$0x3FB9];
	_ =	sdelay $0x3  }
0x34: {  	[smem:$0x3FB9] =	sst s10  }
0x35: {  	s10 =	sld [smem:$0x3FB8];
	_ =	sdelay $0x3  }
0x36: {  	p1 =	seq.s32 s10, $0x1;
	s10 =	sld [smem:$0x3FB9];
	_ =	sdelay $0x3  }
0x37: {  	[smem:$0x3FB9] =	sst s10  }
0x38: {  	s10 =	sld [smem:$0x3FBA]  }
0x39: {  	_ = 	snop;
	(pc) =	sbr.ind lr, $3  }
0x3a: {  	_ = 	snop  }
0x3b: {  	_ = 	snop  }
0x3c: {  	p2 =	seq.s32 s10, $0x1;
	s10 =	sld [smem:$0x3FB9]  }
0x3d: {  	_ =	shalt  }
0x3e: {  	_ =	shalt  }
0x3f: {  	_ =	shalt  }
0x40: {  	_ =	shalt  }
0x41: {  	_ =	shalt  }
0x42: {  	_ =	shalt  }
0x43: {  	_ =	shalt  }
0x44: {  	_ =	shalt  }
0x45: {  	_ =	shalt  }
0x46: {  	_ =	shalt  }
0x47: {  	_ =	shalt  }
0x48: {  	_ =	shalt  }
0x49: {  	_ =	shalt  }
0x4a: {  	_ =	shalt  }
0x4b: {  	_ =	shalt  }
0x4c: {  	_ =	shalt  }
0x4d: {  	_ =	shalt  }
0x4e: {  	_ =	shalt  }
0x4f: {  	_ =	shalt  }
0x50: {  	_ =	shalt  }
0x51: {  	_ =	shalt  }
0x52: {  	_ =	shalt  }
0x53: {  	_ =	shalt  }
0x54: {  	_ =	shalt  }
0x55: {  	_ =	shalt  }
0x56: {  	_ =	shalt  }
0x57: {  	_ =	shalt  }
0x58: {  	_ =	shalt  }
0x59: {  	_ =	shalt  }
0x5a: {  	_ =	shalt  }
0x5b: {  	_ =	shalt  }
0x5c: {  	_ =	shalt  }
0x5d: {  	_ =	shalt  }
0x5e: {  	_ =	shalt  }
0x5f: {  	_ =	shalt  }
0x60: {  	_ =	shalt  }
0x61: {  	_ =	shalt  }
0x62: {  	_ =	shalt  }
0x63: {  	_ =	shalt  }
0x64: {  	_ =	shalt  }
0x65: {  	_ =	shalt  }
0x66: {  	_ =	shalt  }
0x67: {  	_ =	shalt  }
0x68: {  	_ =	shalt  }
0x69: {  	_ =	shalt  }
0x6a: {  	_ =	shalt  }
0x6b: {  	_ =	shalt  }
0x6c: {  	_ =	shalt  }
0x6d: {  	_ =	shalt  }
0x6e: {  	_ =	shalt  }
0x6f: {  	_ =	shalt  }
0x70: {  	_ =	shalt  }
0x71: {  	_ =	shalt  }
0x72: {  	_ =	shalt  }
0x73: {  	_ =	shalt  }
0x74: {  	_ =	shalt  }
0x75: {  	_ =	shalt  }
0x76: {  	_ =	shalt  }
0x77: {  	_ =	shalt  }
0x78: {  	_ =	shalt  }
0x79: {  	_ =	shalt  }
0x7a: {  	_ =	shalt  }
0x7b: {  	_ =	shalt  }
0x7c: {  	_ =	shalt  }
0x7d: {  	_ =	shalt  }
0x7e: {  	_ =	shalt  }
0x7f: {  	_ =	shalt  }
0x80: {  	_ =	shalt  }
0x81: {  	_ =	shalt  }
0x82: {  	_ =	shalt  }
0x83: {  	_ =	shalt  }
0x84: {  	_ =	shalt  }
0x85: {  	_ =	shalt  }
0x86: {  	_ =	shalt  }
0x87: {  	_ =	shalt  }
.Lfunc_end0:
.L_simem_size_0:
called_computation_lowered:
.L_overlay_start_0:
0x88: {  	s2 =	sld [smem:$0x3FD9]  }
0x89: {  	s3 =	sld [smem:$0x3FFE];
	_ =	sdelay $0x1  }
0x8a: {  	s1 =	srdreg.scid  }
0x8b: {  	s0 =	sand.u32 $0x1, s1  }
0x8c: {  	s17 =	sshll.u32 s0, $0xA;
	s2 =	sadd.s32 s3, s2  }
0x8d: {  	s2 =	sadd.s32 s2, s17  }
0x8e: {  	[smem:$0x3FC5] =	sst s2  }
0x8f: {  	_ = 	snop  }
0x90: {  	s2 =	sld [smem:$0x3FD0];
	(tm) =	ssettm $0x1  }
0x91: {  	s18 =	sld [smem:$0x3FFB];
	_ =	sdelay $0x3  }
0x92: {  	_ =	strace s18  }
0x93: {  	s3 =	sld [smem:$0x3FFC];
	_ =	sdelay $0x3  }
0x94: {  	_ =	strace s3  }
0x95: {  	s3 =	sld [smem:$0x3FFD];
	_ =	sdelay $0x3  }
0x96: {  	_ =	strace s3  }
0x97: {  	_ =	strace $0x8FFFFFFF  }
0x98: {  	s19 =	sld [smem:$0x3FDB];
	_ =	sdelay $0x1  }
0x99: {  	s4 =	simm.s32 $_scs_section_size  }
0x9a: {  	s5 =	simm.s32 $_size__tile_overlayer_lowered;
	s6 =	simm.s32 $_tile_overlayer_lowered  }
0x9b: {  	s22 =	simm.s32 $0x1BFF;
	s21 =	sshll.u32 s6, $0x1;
	s3 =	sadd.s32 s4, s19  }
0x9c: {  	s7 =	simm.s32 $0x0;
	s20 =	sshll.u32 s5, $0x1;
	s5 =	sadd.s32 s21, s3  }
0x9d: {  	[timem:s7], [sflag:s22] =	dma.local [hbm:s5], s20  }
0x9e: {  	_ =	swait.ge [sflag:s22], s20  }
0x9f: {  	s4 =	ssub.s32 $0x0, s20;
	[sflag:s22] =	ssyncset.done $0x0  }
0xa0: {  	[sflag:s22] =	ssyncadd.s32 s4;
	_ =	sdelay $0x1  }
0xa1: {  	s23 =	simm.s32 $0x1B8B  }
0xa2: {  	_ =	swait.ge [sflag:s23], $0x1  }
0xa3: {  	[sflag:s23] =	ssyncset.done $0x0  }
0xa4: {  	s25 =	simm.s32 $0x1B8E;
	s24 =	sld [smem:$0x3FFE];
	[sflag:s23] =	ssyncadd.s32 $0xFFFFFFFF  }
0xa5: {  	s26 =	simm.s32 $execute0_lowered;
	[smem:$0x3FD2] =	sst s25  }
0xa6: {  	s5 =	sshll.u32 s26, $0x1;
	_ =	strace $0x80000046;
	[dreg:$0x1] =	wrdreg $0xFFFFFFFF  }
0xa7: {  	s28 =	simm.s32 $_size_execute0_lowered;
	s3 =	sadd.s32 s3, s5;
	[dreg:$0x0] =	wrdreg $0x0  }
0xa8: {  	s5 =	sshll.u32 s28, $0x1;
	[dreg:$0x2] =	wrdreg s3  }
0xa9: {  	[dreg:$0x3] =	wrdreg s5  }
0xaa: {  	[dreg:$0x4] =	wrdreg $0xC0  }
0xab: {  	_ =	task [dreg:s7], $0x5FFFF  }
0xac: {  	[dreg:$0x1] =	wrdreg $0xFFFFFFFF  }
0xad: {  	[dreg:$0x0] =	wrdreg $0x60  }
0xae: {  	[dreg:$0x2] =	wrdreg s24  }
0xaf: {  	[dreg:$0x3] =	wrdreg s2  }
0xb0: {  	[dreg:$0x4] =	wrdreg $0x9  }
0xb1: {  	_ =	task.clear_ibuf [dreg:s7], $0x5FFFF;
	_ =	strace $0x90000046  }
0xb2: {  	s29 =	simm.s32 $0x9;
	_ =	strace $0x80000048  }
0xb3: {  	_ =	swait.ge [sflag:s29], $0x1  }
0xb4: {  	[sflag:s29] =	ssyncadd.s32 $0xFFFFFFFF  }
0xb5: {  	_ =	strace $0x90000048  }
0xb6: {  	_ =	sfence  }
0xb7: {  	s30 =	sld [smem:$0x0];
	_ =	sdelay $0x2  }
0xb8: {  	s31 =	sshll.u32 s1, $0xD;
	s1 =	sshrl.u32 s1, $0x2  }
0xb9: {  	s3 =	sand.u32 $0x4000, s31;
	s1 =	sadd.s32 s1, s30  }
0xba: {  	s0 =	sor.u32 s3, s0;
	s1 =	sshll.u32 s1, $0x11  }
0xbb: {  	s0 =	sor.u32 s1, s0  }
0xbc: {  	s0 =	sadd.s32 $0x8F2B, s0  }
0xbd: {  	[sflag:s0] =	ssyncadd.remote.s32 $0x1  }
0xbe: {  	_ =	sfence.sel $0xFFFF  }
0xbf: {  	[dreg:$0x0] =	wrdreg $0xFFFFFFFF;
	(pc) =	sbr.abs _section_cstart, $3  }
0xc0: {  	[dreg:$0x1] =	wrdreg $0xFFFFFFFF  }
0xc1: {  	_ =	task.clear_ibuf [dreg:s7], $0x2FFFF;
	_ =	strace $0x9FFFFFFF  }
0xc2: {  	(tm) =	ssettm $0x7FFFFFFF  }
0xc3: {  	_ =	shalt  }
tec
execute0_lowered:
.L_overlay_start_1:
0x0: {  	(tag) =	ssettag $0x1  }
0x1: {  	v1 =	vlaneseq.u32  }
0x2: {  	v0 =	vshrl.u32 v1, $0x2  }
0x3: {  	v1 =	vand.u32 $0x3, v1;
	v2 =	vor.u32 $0x4, v0  }
0x4: {  	v3 =	vor.u32 $0x8, v0;
	v4 =	vor.u32 $0xC, v0;
	v5 =	vor.u32 $0x10, v0  }
0x5: {  	v6 =	vor.u32 $0x14, v0;
	v7 =	vor.u32 $0x18, v0;
	v8 =	vor.u32 $0x1C, v0  }
0x6: {  	v9 =	vor.u32 $0x20, v0;
	v10 =	vor.u32 $0x24, v0;
	v11 =	vor.u32 $0x28, v0  }
0x7: {  	v12 =	vor.u32 $0x2C, v0;
	v13 =	vor.u32 $0x30, v0;
	v14 =	vor.u32 $0x34, v0  }
0x8: {  	v15 =	vor.u32 $0x38, v0;
	v16 =	vor.u32 $0x3C, v0;
	v17 =	vor.u32 $0x40, v0  }
0x9: {  	v18 =	vor.u32 $0x44, v0;
	v19 =	vor.u32 $0x48, v0;
	v20 =	vor.u32 $0x4C, v0  }
0xa: {  	v21 =	vor.u32 $0x50, v0;
	v22 =	vor.u32 $0x54, v0;
	v23 =	vor.u32 $0x58, v0  }
0xb: {  	v24 =	vor.u32 $0x5C, v0;
	v25 =	vor.u32 $0x60, v0;
	v26 =	vor.u32 $0x64, v0  }
0xc: {  	v27 =	vor.u32 $0x68, v0;
	v28 =	vor.u32 $0x6C, v0;
	v29 =	vor.u32 $0x70, v0  }
0xd: {  	v30 =	vor.u32 $0x74, v0;
	v31 =	vor.u32 $0x78, v0;
	v32 =	vor.u32 $0x7C, v0  }
0xe: {  	s4 =	rddreg [dreg:$0x0];
	v33 =	vor.u32 $0x80, v0;
	v34 =	vor.u32 $0x84, v0;
	v35 =	vor.u32 $0x88, v0  }
0xf: {  	s5 =	rddreg [dreg:$0x1];
	v36 =	vor.u32 $0x8C, v0;
	v37 =	vor.u32 $0x90, v0;
	v38 =	vor.u32 $0x94, v0  }
0x10: {  	s0 =	rddreg [dreg:$0x2];
	v39 =	vor.u32 $0x98, v0;
	v40 =	vor.u32 $0x9C, v0;
	v41 =	vor.u32 $0xA0, v0  }
0x11: {  	s2 =	simm.s32 $0x0;
	s3 =	srdreg.scid;
	s1 =	stileid.u32;
	v42 =	vor.u32 $0xA4, v0;
	v43 =	vor.u32 $0xA8, v0;
	v44 =	vor.u32 $0xAC, v0  }
0x12: {  	[smem:$0x7FF] =	sst s2;
	s3 =	sand.u32 $0x1, s3;
	s6 =	sshll.u32 s1, $0x1;
	v45 =	vor.u32 $0xB0, v0;
	v46 =	vor.u32 $0xB4, v0;
	v47 =	vor.u32 $0xB8, v0  }
0x13: {  	s6 =	sor.u32 s3, s6;
	s7 =	ssub.s32 $0x2, s3;
	v48 =	vor.u32 $0xBC, v0;
	v49 =	vor.u32 $0xC0, v0;
	v50 =	vor.u32 $0xC4, v0;
	s3 =	sadd.s32 $0x800, s4  }
0x14: {  	v51 =	vor.u32 $0xC8, v0;
	v52 =	vor.u32 $0xCC, v0;
	v53 =	vor.u32 $0xD0, v0;
	[tilespmem:$0x1FFF0] =	vst v2;
	s8 =	sshll.u32 s6, $0x6;
	s9 =	sshrl.u32 s7, $0x1;
	s6 =	sshll.u32 s6, $0x8  }
0x15: {  	v54 =	vor.u32 $0xD4, v0;
	v55 =	vor.u32 $0xD8, v0;
	v56 =	vor.u32 $0xDC, v0;
	_ =	strace $0x80000047;
	s4 =	sadd.s32 s8, s4;
	s7 =	ssub.s32 s7, s9  }
0x16: {  	v57 =	vor.u32 $0xE0, v0;
	v58 =	vor.u32 $0xE4, v0;
	v59 =	vor.u32 $0xE8, v0;
	s5 =	sadd.s32 s5, s6;
	s8 =	simm.s32 $0x1;
	s9 =	simm.s32 $0x280  }
0x17: {  	v60 =	vor.u32 $0xEC, v0;
	v61 =	vor.u32 $0xF0, v0;
	v62 =	vor.u32 $0xF4, v0;
	s4 =	sadd.s32 $0xA00, s4;
	s6 =	smax.u32 s7, $0x1;
	s7 =	simm.s32 $0x200  }
.LBB2_1:
0x18: {  	[tilespmem:s7], [sflag:$0x1] =	stream.linear.gather [hbm4b:s3+s2], $0x80, $0x38;
	[tilespmem:$0xA80] =	vst v63  }
0x19: {  	_ =	swait.ge [sflag:s8], $0x80  }
0x1a: {  	[sflag:s8] =	ssyncset.done $0x0  }
0x1b: {  	[sflag:s8] =	ssyncadd.s32 $0xFFFFFF80  }
0x1c: {  	[tilespmem:s2], [sflag:$0x1] =	stream.linear.gather [hbm4b:s4+s2], $0x200, $0x38;
	[tilespmem:$0xA80] =	vst v63  }
0x1d: {  	_ =	swait.ge [sflag:s8], $0x200  }
0x1e: {  	[sflag:s8] =	ssyncset.done $0x0  }
0x1f: {  	[sflag:s8] =	ssyncadd.s32 $0xFFFFFE00  }
0x20: {  	v63 =	vld.idx.msk [tilespmem:v0+s2+$0x0], $0xffff;
	_ =	sdelay $0x4  }
0x21: {  	v63 =	vshll.u32 v63, $0x2  }
0x22: {  	v63 =	vor.u32 v1, v63;
	_ =	sdelay $0x2  }
0x23: {  	v2 =	vld [tilespmem:$0x1FFF0];
	_ =	sdelay $0x1  }
0x24: {  	v63 =	vld.idx.msk [tilespmem:v63+s7+$0x0], $0xffff;
	_ =	sdelay $0x4  }
0x25: {  	[tilespmem:$0x280] =	vst v63  }
0x26: {  	v63 =	vld.idx.msk [tilespmem:v2+s2+$0x0], $0xffff;
	_ =	sdelay $0x4  }
0x27: {  	v63 =	vshll.u32 v63, $0x2  }
0x28: {  	v63 =	vor.u32 v1, v63;
	_ =	sdelay $0x4  }
0x29: {  	v63 =	vld.idx.msk [tilespmem:v63+s7+$0x0], $0xffff;
	_ =	sdelay $0x4  }
0x2a: {  	[tilespmem:$0x290] =	vst v63  }
0x2b: {  	v63 =	vld.idx.msk [tilespmem:v3+s2+$0x0], $0xffff;
	_ =	sdelay $0x4  }
0x2c: {  	v63 =	vshll.u32 v63, $0x2  }
0x2d: {  	v63 =	vor.u32 v1, v63;
	_ =	sdelay $0x4  }
0x2e: {  	v63 =	vld.idx.msk [tilespmem:v63+s7+$0x0], $0xffff;
	_ =	sdelay $0x4  }
0x2f: {  	[tilespmem:$0x2A0] =	vst v63  }
0x30: {  	v63 =	vld.idx.msk [tilespmem:v4+s2+$0x0], $0xffff;
	_ =	sdelay $0x4  }
0x31: {  	v63 =	vshll.u32 v63, $0x2  }
0x32: {  	v63 =	vor.u32 v1, v63;
	_ =	sdelay $0x4  }
0x33: {  	v63 =	vld.idx.msk [tilespmem:v63+s7+$0x0], $0xffff;
	_ =	sdelay $0x4  }
0x34: {  	[tilespmem:$0x2B0] =	vst v63  }
0x35: {  	v63 =	vld.idx.msk [tilespmem:v5+s2+$0x0], $0xffff;
	_ =	sdelay $0x4  }
0x36: {  	v63 =	vshll.u32 v63, $0x2  }
0x37: {  	v63 =	vor.u32 v1, v63;
	_ =	sdelay $0x4  }
0x38: {  	v63 =	vld.idx.msk [tilespmem:v63+s7+$0x0], $0xffff;
	_ =	sdelay $0x4  }
0x39: {  	[tilespmem:$0x2C0] =	vst v63  }
0x3a: {  	v63 =	vld.idx.msk [tilespmem:v6+s2+$0x0], $0xffff;
	_ =	sdelay $0x4  }
0x3b: {  	v63 =	vshll.u32 v63, $0x2  }
0x3c: {  	v63 =	vor.u32 v1, v63;
	_ =	sdelay $0x4  }
0x3d: {  	v63 =	vld.idx.msk [tilespmem:v63+s7+$0x0], $0xffff;
	_ =	sdelay $0x4  }
0x3e: {  	[tilespmem:$0x2D0] =	vst v63  }
0x3f: {  	v63 =	vld.idx.msk [tilespmem:v7+s2+$0x0], $0xffff;
	_ =	sdelay $0x4  }
0x40: {  	v63 =	vshll.u32 v63, $0x2  }
0x41: {  	v63 =	vor.u32 v1, v63;
	_ =	sdelay $0x4  }
0x42: {  	v63 =	vld.idx.msk [tilespmem:v63+s7+$0x0], $0xffff;
	_ =	sdelay $0x4  }
0x43: {  	[tilespmem:$0x2E0] =	vst v63  }
0x44: {  	v63 =	vld.idx.msk [tilespmem:v8+s2+$0x0], $0xffff;
	_ =	sdelay $0x4  }
0x45: {  	v63 =	vshll.u32 v63, $0x2  }
0x46: {  	v63 =	vor.u32 v1, v63;
	_ =	sdelay $0x4  }
0x47: {  	v63 =	vld.idx.msk [tilespmem:v63+s7+$0x0], $0xffff;
	_ =	sdelay $0x4  }
0x48: {  	[tilespmem:$0x2F0] =	vst v63  }
0x49: {  	v63 =	vld.idx.msk [tilespmem:v9+s2+$0x0], $0xffff;
	_ =	sdelay $0x4  }
0x4a: {  	v63 =	vshll.u32 v63, $0x2  }
0x4b: {  	v63 =	vor.u32 v1, v63;
	_ =	sdelay $0x4  }
0x4c: {  	v63 =	vld.idx.msk [tilespmem:v63+s7+$0x0], $0xffff;
	_ =	sdelay $0x4  }
0x4d: {  	[tilespmem:$0x300] =	vst v63  }
0x4e: {  	v63 =	vld.idx.msk [tilespmem:v10+s2+$0x0], $0xffff;
	_ =	sdelay $0x4  }
0x4f: {  	v63 =	vshll.u32 v63, $0x2  }
0x50: {  	v63 =	vor.u32 v1, v63;
	_ =	sdelay $0x4  }
0x51: {  	v63 =	vld.idx.msk [tilespmem:v63+s7+$0x0], $0xffff;
	_ =	sdelay $0x4  }
0x52: {  	[tilespmem:$0x310] =	vst v63  }
0x53: {  	v63 =	vld.idx.msk [tilespmem:v11+s2+$0x0], $0xffff;
	_ =	sdelay $0x4  }
0x54: {  	v63 =	vshll.u32 v63, $0x2  }
0x55: {  	v63 =	vor.u32 v1, v63;
	_ =	sdelay $0x4  }
0x56: {  	v63 =	vld.idx.msk [tilespmem:v63+s7+$0x0], $0xffff;
	_ =	sdelay $0x4  }
0x57: {  	[tilespmem:$0x320] =	vst v63  }
0x58: {  	v63 =	vld.idx.msk [tilespmem:v12+s2+$0x0], $0xffff;
	_ =	sdelay $0x4  }
0x59: {  	v63 =	vshll.u32 v63, $0x2  }
0x5a: {  	v63 =	vor.u32 v1, v63;
	_ =	sdelay $0x4  }
0x5b: {  	v63 =	vld.idx.msk [tilespmem:v63+s7+$0x0], $0xffff;
	_ =	sdelay $0x4  }
0x5c: {  	[tilespmem:$0x330] =	vst v63  }
0x5d: {  	v63 =	vld.idx.msk [tilespmem:v13+s2+$0x0], $0xffff;
	_ =	sdelay $0x4  }
0x5e: {  	v63 =	vshll.u32 v63, $0x2  }
0x5f: {  	v63 =	vor.u32 v1, v63;
	_ =	sdelay $0x4  }
0x60: {  	v63 =	vld.idx.msk [tilespmem:v63+s7+$0x0], $0xffff;
	_ =	sdelay $0x4  }
0x61: {  	[tilespmem:$0x340] =	vst v63  }
0x62: {  	v63 =	vld.idx.msk [tilespmem:v14+s2+$0x0], $0xffff;
	_ =	sdelay $0x4  }
0x63: {  	v63 =	vshll.u32 v63, $0x2  }
0x64: {  	v63 =	vor.u32 v1, v63;
	_ =	sdelay $0x4  }
0x65: {  	v63 =	vld.idx.msk [tilespmem:v63+s7+$0x0], $0xffff;
	_ =	sdelay $0x4  }
0x66: {  	[tilespmem:$0x350] =	vst v63  }
0x67: {  	v63 =	vld.idx.msk [tilespmem:v15+s2+$0x0], $0xffff;
	_ =	sdelay $0x4  }
0x68: {  	v63 =	vshll.u32 v63, $0x2  }
0x69: {  	v63 =	vor.u32 v1, v63;
	_ =	sdelay $0x4  }
0x6a: {  	v63 =	vld.idx.msk [tilespmem:v63+s7+$0x0], $0xffff;
	_ =	sdelay $0x4  }
0x6b: {  	[tilespmem:$0x360] =	vst v63  }
0x6c: {  	v63 =	vld.idx.msk [tilespmem:v16+s2+$0x0], $0xffff;
	_ =	sdelay $0x4  }
0x6d: {  	v63 =	vshll.u32 v63, $0x2  }
0x6e: {  	v63 =	vor.u32 v1, v63;
	_ =	sdelay $0x4  }
0x6f: {  	v63 =	vld.idx.msk [tilespmem:v63+s7+$0x0], $0xffff;
	_ =	sdelay $0x4  }
0x70: {  	[tilespmem:$0x370] =	vst v63  }
0x71: {  	v63 =	vld.idx.msk [tilespmem:v17+s2+$0x0], $0xffff;
	_ =	sdelay $0x4  }
0x72: {  	v63 =	vshll.u32 v63, $0x2  }
0x73: {  	v63 =	vor.u32 v1, v63;
	_ =	sdelay $0x4  }
0x74: {  	v63 =	vld.idx.msk [tilespmem:v63+s7+$0x0], $0xffff;
	_ =	sdelay $0x4  }
0x75: {  	[tilespmem:$0x380] =	vst v63  }
0x76: {  	v63 =	vld.idx.msk [tilespmem:v18+s2+$0x0], $0xffff;
	_ =	sdelay $0x4  }
0x77: {  	v63 =	vshll.u32 v63, $0x2  }
0x78: {  	v63 =	vor.u32 v1, v63;
	_ =	sdelay $0x4  }
0x79: {  	v63 =	vld.idx.msk [tilespmem:v63+s7+$0x0], $0xffff;
	_ =	sdelay $0x4  }
0x7a: {  	[tilespmem:$0x390] =	vst v63  }
0x7b: {  	v63 =	vld.idx.msk [tilespmem:v19+s2+$0x0], $0xffff;
	_ =	sdelay $0x4  }
0x7c: {  	v63 =	vshll.u32 v63, $0x2  }
0x7d: {  	v63 =	vor.u32 v1, v63;
	_ =	sdelay $0x4  }
0x7e: {  	v63 =	vld.idx.msk [tilespmem:v63+s7+$0x0], $0xffff;
	_ =	sdelay $0x4  }
0x7f: {  	[tilespmem:$0x3A0] =	vst v63  }
0x80: {  	v63 =	vld.idx.msk [tilespmem:v20+s2+$0x0], $0xffff;
	_ =	sdelay $0x4  }
0x81: {  	v63 =	vshll.u32 v63, $0x2  }
0x82: {  	v63 =	vor.u32 v1, v63;
	_ =	sdelay $0x4  }
0x83: {  	v63 =	vld.idx.msk [tilespmem:v63+s7+$0x0], $0xffff;
	_ =	sdelay $0x4  }
0x84: {  	[tilespmem:$0x3B0] =	vst v63  }
0x85: {  	v63 =	vld.idx.msk [tilespmem:v21+s2+$0x0], $0xffff;
	_ =	sdelay $0x4  }
0x86: {  	v63 =	vshll.u32 v63, $0x2  }
0x87: {  	v63 =	vor.u32 v1, v63;
	_ =	sdelay $0x4  }
0x88: {  	v63 =	vld.idx.msk [tilespmem:v63+s7+$0x0], $0xffff;
	_ =	sdelay $0x4  }
0x89: {  	[tilespmem:$0x3C0] =	vst v63  }
0x8a: {  	v63 =	vld.idx.msk [tilespmem:v22+s2+$0x0], $0xffff;
	_ =	sdelay $0x4  }
0x8b: {  	v63 =	vshll.u32 v63, $0x2  }
0x8c: {  	v63 =	vor.u32 v1, v63;
	_ =	sdelay $0x4  }
0x8d: {  	v63 =	vld.idx.msk [tilespmem:v63+s7+$0x0], $0xffff;
	_ =	sdelay $0x4  }
0x8e: {  	[tilespmem:$0x3D0] =	vst v63  }
0x8f: {  	v63 =	vld.idx.msk [tilespmem:v23+s2+$0x0], $0xffff;
	_ =	sdelay $0x4  }
0x90: {  	v63 =	vshll.u32 v63, $0x2  }
0x91: {  	v63 =	vor.u32 v1, v63;
	_ =	sdelay $0x4  }
0x92: {  	v63 =	vld.idx.msk [tilespmem:v63+s7+$0x0], $0xffff;
	_ =	sdelay $0x4  }
0x93: {  	[tilespmem:$0x3E0] =	vst v63  }
0x94: {  	v63 =	vld.idx.msk [tilespmem:v24+s2+$0x0], $0xffff;
	_ =	sdelay $0x4  }
0x95: {  	v63 =	vshll.u32 v63, $0x2  }
0x96: {  	v63 =	vor.u32 v1, v63;
	_ =	sdelay $0x4  }
0x97: {  	v63 =	vld.idx.msk [tilespmem:v63+s7+$0x0], $0xffff;
	_ =	sdelay $0x4  }
0x98: {  	[tilespmem:$0x3F0] =	vst v63  }
0x99: {  	v63 =	vld.idx.msk [tilespmem:v25+s2+$0x0], $0xffff;
	_ =	sdelay $0x4  }
0x9a: {  	v63 =	vshll.u32 v63, $0x2  }
0x9b: {  	v63 =	vor.u32 v1, v63;
	_ =	sdelay $0x4  }
0x9c: {  	v63 =	vld.idx.msk [tilespmem:v63+s7+$0x0], $0xffff;
	_ =	sdelay $0x4  }
0x9d: {  	[tilespmem:$0x400] =	vst v63  }
0x9e: {  	v63 =	vld.idx.msk [tilespmem:v26+s2+$0x0], $0xffff;
	_ =	sdelay $0x4  }
0x9f: {  	v63 =	vshll.u32 v63, $0x2  }
0xa0: {  	v63 =	vor.u32 v1, v63;
	_ =	sdelay $0x4  }
0xa1: {  	v63 =	vld.idx.msk [tilespmem:v63+s7+$0x0], $0xffff;
	_ =	sdelay $0x4  }
0xa2: {  	[tilespmem:$0x410] =	vst v63  }
0xa3: {  	v63 =	vld.idx.msk [tilespmem:v27+s2+$0x0], $0xffff;
	_ =	sdelay $0x4  }
0xa4: {  	v63 =	vshll.u32 v63, $0x2  }
0xa5: {  	v63 =	vor.u32 v1, v63;
	_ =	sdelay $0x4  }
0xa6: {  	v63 =	vld.idx.msk [tilespmem:v63+s7+$0x0], $0xffff;
	_ =	sdelay $0x4  }
0xa7: {  	[tilespmem:$0x420] =	vst v63  }
0xa8: {  	v63 =	vld.idx.msk [tilespmem:v28+s2+$0x0], $0xffff;
	_ =	sdelay $0x4  }
0xa9: {  	v63 =	vshll.u32 v63, $0x2  }
0xaa: {  	v63 =	vor.u32 v1, v63;
	_ =	sdelay $0x4  }
0xab: {  	v63 =	vld.idx.msk [tilespmem:v63+s7+$0x0], $0xffff;
	_ =	sdelay $0x4  }
0xac: {  	[tilespmem:$0x430] =	vst v63  }
0xad: {  	v63 =	vld.idx.msk [tilespmem:v29+s2+$0x0], $0xffff;
	_ =	sdelay $0x4  }
0xae: {  	v63 =	vshll.u32 v63, $0x2  }
0xaf: {  	v63 =	vor.u32 v1, v63;
	_ =	sdelay $0x4  }
0xb0: {  	v63 =	vld.idx.msk [tilespmem:v63+s7+$0x0], $0xffff;
	_ =	sdelay $0x4  }
0xb1: {  	[tilespmem:$0x440] =	vst v63  }
0xb2: {  	v63 =	vld.idx.msk [tilespmem:v30+s2+$0x0], $0xffff;
	_ =	sdelay $0x4  }
0xb3: {  	v63 =	vshll.u32 v63, $0x2  }
0xb4: {  	v63 =	vor.u32 v1, v63;
	_ =	sdelay $0x4  }
0xb5: {  	v63 =	vld.idx.msk [tilespmem:v63+s7+$0x0], $0xffff;
	_ =	sdelay $0x4  }
0xb6: {  	[tilespmem:$0x450] =	vst v63  }
0xb7: {  	v63 =	vld.idx.msk [tilespmem:v31+s2+$0x0], $0xffff;
	_ =	sdelay $0x4  }
0xb8: {  	v63 =	vshll.u32 v63, $0x2  }
0xb9: {  	v63 =	vor.u32 v1, v63;
	_ =	sdelay $0x4  }
0xba: {  	v63 =	vld.idx.msk [tilespmem:v63+s7+$0x0], $0xffff;
	_ =	sdelay $0x4  }
0xbb: {  	[tilespmem:$0x460] =	vst v63  }
0xbc: {  	v63 =	vld.idx.msk [tilespmem:v32+s2+$0x0], $0xffff;
	_ =	sdelay $0x4  }
0xbd: {  	v63 =	vshll.u32 v63, $0x2  }
0xbe: {  	v63 =	vor.u32 v1, v63;
	_ =	sdelay $0x4  }
0xbf: {  	v63 =	vld.idx.msk [tilespmem:v63+s7+$0x0], $0xffff;
	_ =	sdelay $0x4  }
0xc0: {  	[tilespmem:$0x470] =	vst v63  }
0xc1: {  	v63 =	vld.idx.msk [tilespmem:v33+s2+$0x0], $0xffff;
	_ =	sdelay $0x4  }
0xc2: {  	v63 =	vshll.u32 v63, $0x2  }
0xc3: {  	v63 =	vor.u32 v1, v63;
	_ =	sdelay $0x4  }
0xc4: {  	v63 =	vld.idx.msk [tilespmem:v63+s7+$0x0], $0xffff;
	_ =	sdelay $0x4  }
0xc5: {  	[tilespmem:$0x480] =	vst v63  }
0xc6: {  	v63 =	vld.idx.msk [tilespmem:v34+s2+$0x0], $0xffff;
	_ =	sdelay $0x4  }
0xc7: {  	v63 =	vshll.u32 v63, $0x2  }
0xc8: {  	v63 =	vor.u32 v1, v63;
	_ =	sdelay $0x4  }
0xc9: {  	v63 =	vld.idx.msk [tilespmem:v63+s7+$0x0], $0xffff;
	_ =	sdelay $0x4  }
0xca: {  	[tilespmem:$0x490] =	vst v63  }
0xcb: {  	v63 =	vld.idx.msk [tilespmem:v35+s2+$0x0], $0xffff;
	_ =	sdelay $0x4  }
0xcc: {  	v63 =	vshll.u32 v63, $0x2  }
0xcd: {  	v63 =	vor.u32 v1, v63;
	_ =	sdelay $0x4  }
0xce: {  	v63 =	vld.idx.msk [tilespmem:v63+s7+$0x0], $0xffff;
	_ =	sdelay $0x4  }
0xcf: {  	[tilespmem:$0x4A0] =	vst v63  }
0xd0: {  	v63 =	vld.idx.msk [tilespmem:v36+s2+$0x0], $0xffff;
	_ =	sdelay $0x4  }
0xd1: {  	v63 =	vshll.u32 v63, $0x2  }
0xd2: {  	v63 =	vor.u32 v1, v63;
	_ =	sdelay $0x4  }
0xd3: {  	v63 =	vld.idx.msk [tilespmem:v63+s7+$0x0], $0xffff;
	_ =	sdelay $0x4  }
0xd4: {  	[tilespmem:$0x4B0] =	vst v63  }
0xd5: {  	v63 =	vld.idx.msk [tilespmem:v37+s2+$0x0], $0xffff;
	_ =	sdelay $0x4  }
0xd6: {  	v63 =	vshll.u32 v63, $0x2  }
0xd7: {  	v63 =	vor.u32 v1, v63;
	_ =	sdelay $0x4  }
0xd8: {  	v63 =	vld.idx.msk [tilespmem:v63+s7+$0x0], $0xffff;
	_ =	sdelay $0x4  }
0xd9: {  	[tilespmem:$0x4C0] =	vst v63  }
0xda: {  	v63 =	vld.idx.msk [tilespmem:v38+s2+$0x0], $0xffff;
	_ =	sdelay $0x4  }
0xdb: {  	v63 =	vshll.u32 v63, $0x2  }
0xdc: {  	v63 =	vor.u32 v1, v63;
	_ =	sdelay $0x4  }
0xdd: {  	v63 =	vld.idx.msk [tilespmem:v63+s7+$0x0], $0xffff;
	_ =	sdelay $0x4  }
0xde: {  	[tilespmem:$0x4D0] =	vst v63  }
0xdf: {  	v63 =	vld.idx.msk [tilespmem:v39+s2+$0x0], $0xffff;
	_ =	sdelay $0x4  }
0xe0: {  	v63 =	vshll.u32 v63, $0x2  }
0xe1: {  	v63 =	vor.u32 v1, v63;
	_ =	sdelay $0x4  }
0xe2: {  	v63 =	vld.idx.msk [tilespmem:v63+s7+$0x0], $0xffff;
	_ =	sdelay $0x4  }
0xe3: {  	[tilespmem:$0x4E0] =	vst v63  }
0xe4: {  	v63 =	vld.idx.msk [tilespmem:v40+s2+$0x0], $0xffff;
	_ =	sdelay $0x4  }
0xe5: {  	v63 =	vshll.u32 v63, $0x2  }
0xe6: {  	v63 =	vor.u32 v1, v63;
	_ =	sdelay $0x4  }
0xe7: {  	v63 =	vld.idx.msk [tilespmem:v63+s7+$0x0], $0xffff;
	_ =	sdelay $0x4  }
0xe8: {  	[tilespmem:$0x4F0] =	vst v63  }
0xe9: {  	v63 =	vld.idx.msk [tilespmem:v41+s2+$0x0], $0xffff;
	_ =	sdelay $0x4  }
0xea: {  	v63 =	vshll.u32 v63, $0x2  }
0xeb: {  	v63 =	vor.u32 v1, v63;
	_ =	sdelay $0x4  }
0xec: {  	v63 =	vld.idx.msk [tilespmem:v63+s7+$0x0], $0xffff;
	_ =	sdelay $0x4  }
0xed: {  	[tilespmem:$0x500] =	vst v63  }
0xee: {  	v63 =	vld.idx.msk [tilespmem:v42+s2+$0x0], $0xffff;
	_ =	sdelay $0x4  }
0xef: {  	v63 =	vshll.u32 v63, $0x2  }
0xf0: {  	v63 =	vor.u32 v1, v63;
	_ =	sdelay $0x4  }
0xf1: {  	v63 =	vld.idx.msk [tilespmem:v63+s7+$0x0], $0xffff;
	_ =	sdelay $0x4  }
0xf2: {  	[tilespmem:$0x510] =	vst v63  }
0xf3: {  	v63 =	vld.idx.msk [tilespmem:v43+s2+$0x0], $0xffff;
	_ =	sdelay $0x4  }
0xf4: {  	v63 =	vshll.u32 v63, $0x2  }
0xf5: {  	v63 =	vor.u32 v1, v63;
	_ =	sdelay $0x4  }
0xf6: {  	v63 =	vld.idx.msk [tilespmem:v63+s7+$0x0], $0xffff;
	_ =	sdelay $0x4  }
0xf7: {  	[tilespmem:$0x520] =	vst v63  }
0xf8: {  	v63 =	vld.idx.msk [tilespmem:v44+s2+$0x0], $0xffff;
	_ =	sdelay $0x4  }
0xf9: {  	v63 =	vshll.u32 v63, $0x2  }
0xfa: {  	v63 =	vor.u32 v1, v63;
	_ =	sdelay $0x4  }
0xfb: {  	v63 =	vld.idx.msk [tilespmem:v63+s7+$0x0], $0xffff;
	_ =	sdelay $0x4  }
0xfc: {  	[tilespmem:$0x530] =	vst v63  }
0xfd: {  	v63 =	vld.idx.msk [tilespmem:v45+s2+$0x0], $0xffff;
	_ =	sdelay $0x4  }
0xfe: {  	v63 =	vshll.u32 v63, $0x2  }
0xff: {  	v63 =	vor.u32 v1, v63;
	_ =	sdelay $0x4  }
0x100: {  	v63 =	vld.idx.msk [tilespmem:v63+s7+$0x0], $0xffff;
	_ =	sdelay $0x4  }
0x101: {  	[tilespmem:$0x540] =	vst v63  }
0x102: {  	v63 =	vld.idx.msk [tilespmem:v46+s2+$0x0], $0xffff;
	_ =	sdelay $0x4  }
0x103: {  	v63 =	vshll.u32 v63, $0x2  }
0x104: {  	v63 =	vor.u32 v1, v63;
	_ =	sdelay $0x4  }
0x105: {  	v63 =	vld.idx.msk [tilespmem:v63+s7+$0x0], $0xffff;
	_ =	sdelay $0x4  }
0x106: {  	[tilespmem:$0x550] =	vst v63  }
0x107: {  	v63 =	vld.idx.msk [tilespmem:v47+s2+$0x0], $0xffff;
	_ =	sdelay $0x4  }
0x108: {  	v63 =	vshll.u32 v63, $0x2  }
0x109: {  	v63 =	vor.u32 v1, v63;
	_ =	sdelay $0x4  }
0x10a: {  	v63 =	vld.idx.msk [tilespmem:v63+s7+$0x0], $0xffff;
	_ =	sdelay $0x4  }
0x10b: {  	[tilespmem:$0x560] =	vst v63  }
0x10c: {  	v63 =	vld.idx.msk [tilespmem:v48+s2+$0x0], $0xffff;
	_ =	sdelay $0x4  }
0x10d: {  	v63 =	vshll.u32 v63, $0x2  }
0x10e: {  	v63 =	vor.u32 v1, v63;
	_ =	sdelay $0x4  }
0x10f: {  	v63 =	vld.idx.msk [tilespmem:v63+s7+$0x0], $0xffff;
	_ =	sdelay $0x4  }
0x110: {  	[tilespmem:$0x570] =	vst v63  }
0x111: {  	v63 =	vld.idx.msk [tilespmem:v49+s2+$0x0], $0xffff;
	_ =	sdelay $0x4  }
0x112: {  	v63 =	vshll.u32 v63, $0x2  }
0x113: {  	v63 =	vor.u32 v1, v63;
	_ =	sdelay $0x4  }
0x114: {  	v63 =	vld.idx.msk [tilespmem:v63+s7+$0x0], $0xffff;
	_ =	sdelay $0x4  }
0x115: {  	[tilespmem:$0x580] =	vst v63  }
0x116: {  	v63 =	vld.idx.msk [tilespmem:v50+s2+$0x0], $0xffff;
	_ =	sdelay $0x4  }
0x117: {  	v63 =	vshll.u32 v63, $0x2  }
0x118: {  	v63 =	vor.u32 v1, v63;
	_ =	sdelay $0x4  }
0x119: {  	v63 =	vld.idx.msk [tilespmem:v63+s7+$0x0], $0xffff;
	_ =	sdelay $0x4  }
0x11a: {  	[tilespmem:$0x590] =	vst v63  }
0x11b: {  	v63 =	vld.idx.msk [tilespmem:v51+s2+$0x0], $0xffff;
	_ =	sdelay $0x4  }
0x11c: {  	v63 =	vshll.u32 v63, $0x2  }
0x11d: {  	v63 =	vor.u32 v1, v63;
	_ =	sdelay $0x4  }
0x11e: {  	v63 =	vld.idx.msk [tilespmem:v63+s7+$0x0], $0xffff;
	_ =	sdelay $0x4  }
0x11f: {  	[tilespmem:$0x5A0] =	vst v63  }
0x120: {  	v63 =	vld.idx.msk [tilespmem:v52+s2+$0x0], $0xffff;
	_ =	sdelay $0x4  }
0x121: {  	v63 =	vshll.u32 v63, $0x2  }
0x122: {  	v63 =	vor.u32 v1, v63;
	_ =	sdelay $0x4  }
0x123: {  	v63 =	vld.idx.msk [tilespmem:v63+s7+$0x0], $0xffff;
	_ =	sdelay $0x4  }
0x124: {  	[tilespmem:$0x5B0] =	vst v63  }
0x125: {  	v63 =	vld.idx.msk [tilespmem:v53+s2+$0x0], $0xffff;
	_ =	sdelay $0x4  }
0x126: {  	v63 =	vshll.u32 v63, $0x2  }
0x127: {  	v63 =	vor.u32 v1, v63;
	_ =	sdelay $0x4  }
0x128: {  	v63 =	vld.idx.msk [tilespmem:v63+s7+$0x0], $0xffff;
	_ =	sdelay $0x4  }
0x129: {  	[tilespmem:$0x5C0] =	vst v63  }
0x12a: {  	v63 =	vld.idx.msk [tilespmem:v54+s2+$0x0], $0xffff;
	_ =	sdelay $0x4  }
0x12b: {  	v63 =	vshll.u32 v63, $0x2  }
0x12c: {  	v63 =	vor.u32 v1, v63;
	_ =	sdelay $0x4  }
0x12d: {  	v63 =	vld.idx.msk [tilespmem:v63+s7+$0x0], $0xffff;
	_ =	sdelay $0x4  }
0x12e: {  	[tilespmem:$0x5D0] =	vst v63  }
0x12f: {  	v63 =	vld.idx.msk [tilespmem:v55+s2+$0x0], $0xffff;
	_ =	sdelay $0x4  }
0x130: {  	v63 =	vshll.u32 v63, $0x2  }
0x131: {  	v63 =	vor.u32 v1, v63;
	_ =	sdelay $0x4  }
0x132: {  	v63 =	vld.idx.msk [tilespmem:v63+s7+$0x0], $0xffff;
	_ =	sdelay $0x4  }
0x133: {  	[tilespmem:$0x5E0] =	vst v63  }
0x134: {  	v63 =	vld.idx.msk [tilespmem:v56+s2+$0x0], $0xffff;
	_ =	sdelay $0x4  }
0x135: {  	v63 =	vshll.u32 v63, $0x2  }
0x136: {  	v63 =	vor.u32 v1, v63;
	_ =	sdelay $0x4  }
0x137: {  	v63 =	vld.idx.msk [tilespmem:v63+s7+$0x0], $0xffff;
	_ =	sdelay $0x4  }
0x138: {  	[tilespmem:$0x5F0] =	vst v63  }
0x139: {  	v63 =	vld.idx.msk [tilespmem:v57+s2+$0x0], $0xffff;
	_ =	sdelay $0x4  }
0x13a: {  	v63 =	vshll.u32 v63, $0x2  }
0x13b: {  	v63 =	vor.u32 v1, v63;
	_ =	sdelay $0x4  }
0x13c: {  	v63 =	vld.idx.msk [tilespmem:v63+s7+$0x0], $0xffff;
	_ =	sdelay $0x4  }
0x13d: {  	[tilespmem:$0x600] =	vst v63  }
0x13e: {  	v63 =	vld.idx.msk [tilespmem:v58+s2+$0x0], $0xffff;
	_ =	sdelay $0x4  }
0x13f: {  	v63 =	vshll.u32 v63, $0x2  }
0x140: {  	v63 =	vor.u32 v1, v63;
	_ =	sdelay $0x4  }
0x141: {  	v63 =	vld.idx.msk [tilespmem:v63+s7+$0x0], $0xffff;
	_ =	sdelay $0x4  }
0x142: {  	[tilespmem:$0x610] =	vst v63  }
0x143: {  	v63 =	vld.idx.msk [tilespmem:v59+s2+$0x0], $0xffff;
	_ =	sdelay $0x4  }
0x144: {  	v63 =	vshll.u32 v63, $0x2  }
0x145: {  	v63 =	vor.u32 v1, v63;
	_ =	sdelay $0x4  }
0x146: {  	v63 =	vld.idx.msk [tilespmem:v63+s7+$0x0], $0xffff;
	_ =	sdelay $0x4  }
0x147: {  	[tilespmem:$0x620] =	vst v63  }
0x148: {  	v63 =	vld.idx.msk [tilespmem:v60+s2+$0x0], $0xffff;
	_ =	sdelay $0x4  }
0x149: {  	v63 =	vshll.u32 v63, $0x2  }
0x14a: {  	v63 =	vor.u32 v1, v63;
	_ =	sdelay $0x4  }
0x14b: {  	v63 =	vld.idx.msk [tilespmem:v63+s7+$0x0], $0xffff;
	_ =	sdelay $0x4  }
0x14c: {  	[tilespmem:$0x630] =	vst v63  }
0x14d: {  	v63 =	vld.idx.msk [tilespmem:v61+s2+$0x0], $0xffff;
	_ =	sdelay $0x4  }
0x14e: {  	v63 =	vshll.u32 v63, $0x2  }
0x14f: {  	v63 =	vor.u32 v1, v63;
	_ =	sdelay $0x4  }
0x150: {  	v63 =	vld.idx.msk [tilespmem:v63+s7+$0x0], $0xffff;
	_ =	sdelay $0x4  }
0x151: {  	[tilespmem:$0x640] =	vst v63  }
0x152: {  	v63 =	vld.idx.msk [tilespmem:v62+s2+$0x0], $0xffff;
	_ =	sdelay $0x4  }
0x153: {  	v63 =	vshll.u32 v63, $0x2  }
0x154: {  	v63 =	vor.u32 v1, v63;
	_ =	sdelay $0x4  }
0x155: {  	v63 =	vld.idx.msk [tilespmem:v63+s7+$0x0], $0xffff  }
0x156: {  	v2 =	vor.u32 $0xF8, v0;
	_ =	sdelay $0x3  }
0x157: {  	[tilespmem:$0x650] =	vst v63  }
0x158: {  	v2 =	vld.idx.msk [tilespmem:v2+s2+$0x0], $0xffff;
	_ =	sdelay $0x4  }
0x159: {  	v2 =	vshll.u32 v2, $0x2  }
0x15a: {  	v2 =	vor.u32 v1, v2;
	_ =	sdelay $0x4  }
0x15b: {  	v2 =	vld.idx.msk [tilespmem:v2+s7+$0x0], $0xffff  }
0x15c: {  	v63 =	vor.u32 $0xFC, v0;
	_ =	sdelay $0x3  }
0x15d: {  	[tilespmem:$0x660] =	vst v2  }
0x15e: {  	v2 =	vld.idx.msk [tilespmem:v63+s2+$0x0], $0xffff;
	_ =	sdelay $0x4  }
0x15f: {  	v2 =	vshll.u32 v2, $0x2  }
0x160: {  	v2 =	vor.u32 v1, v2;
	_ =	sdelay $0x4  }
0x161: {  	v2 =	vld.idx.msk [tilespmem:v2+s7+$0x0], $0xffff  }
0x162: {  	v63 =	vor.u32 $0x100, v0;
	_ =	sdelay $0x3  }
0x163: {  	[tilespmem:$0x670] =	vst v2  }
0x164: {  	v2 =	vld.idx.msk [tilespmem:v63+s2+$0x0], $0xffff;
	_ =	sdelay $0x4  }
0x165: {  	v2 =	vshll.u32 v2, $0x2  }
0x166: {  	v2 =	vor.u32 v1, v2;
	_ =	sdelay $0x4  }
0x167: {  	v2 =	vld.idx.msk [tilespmem:v2+s7+$0x0], $0xffff  }
0x168: {  	v63 =	vor.u32 $0x104, v0;
	_ =	sdelay $0x3  }
0x169: {  	[tilespmem:$0x680] =	vst v2  }
0x16a: {  	v2 =	vld.idx.msk [tilespmem:v63+s2+$0x0], $0xffff;
	_ =	sdelay $0x4  }
0x16b: {  	v2 =	vshll.u32 v2, $0x2  }
0x16c: {  	v2 =	vor.u32 v1, v2;
	_ =	sdelay $0x4  }
0x16d: {  	v2 =	vld.idx.msk [tilespmem:v2+s7+$0x0], $0xffff  }
0x16e: {  	v63 =	vor.u32 $0x108, v0;
	_ =	sdelay $0x3  }
0x16f: {  	[tilespmem:$0x690] =	vst v2  }
0x170: {  	v2 =	vld.idx.msk [tilespmem:v63+s2+$0x0], $0xffff;
	_ =	sdelay $0x4  }
0x171: {  	v2 =	vshll.u32 v2, $0x2  }
0x172: {  	v2 =	vor.u32 v1, v2;
	_ =	sdelay $0x4  }
0x173: {  	v2 =	vld.idx.msk [tilespmem:v2+s7+$0x0], $0xffff  }
0x174: {  	v63 =	vor.u32 $0x10C, v0;
	_ =	sdelay $0x3  }
0x175: {  	[tilespmem:$0x6A0] =	vst v2  }
0x176: {  	v2 =	vld.idx.msk [tilespmem:v63+s2+$0x0], $0xffff;
	_ =	sdelay $0x4  }
0x177: {  	v2 =	vshll.u32 v2, $0x2  }
0x178: {  	v2 =	vor.u32 v1, v2;
	_ =	sdelay $0x4  }
0x179: {  	v2 =	vld.idx.msk [tilespmem:v2+s7+$0x0], $0xffff  }
0x17a: {  	v63 =	vor.u32 $0x110, v0;
	_ =	sdelay $0x3  }
0x17b: {  	[tilespmem:$0x6B0] =	vst v2  }
0x17c: {  	v2 =	vld.idx.msk [tilespmem:v63+s2+$0x0], $0xffff;
	_ =	sdelay $0x4  }
0x17d: {  	v2 =	vshll.u32 v2, $0x2  }
0x17e: {  	v2 =	vor.u32 v1, v2;
	_ =	sdelay $0x4  }
0x17f: {  	v2 =	vld.idx.msk [tilespmem:v2+s7+$0x0], $0xffff  }
0x180: {  	v63 =	vor.u32 $0x114, v0;
	_ =	sdelay $0x3  }
0x181: {  	[tilespmem:$0x6C0] =	vst v2  }
0x182: {  	v2 =	vld.idx.msk [tilespmem:v63+s2+$0x0], $0xffff;
	_ =	sdelay $0x4  }
0x183: {  	v2 =	vshll.u32 v2, $0x2  }
0x184: {  	v2 =	vor.u32 v1, v2;
	_ =	sdelay $0x4  }
0x185: {  	v2 =	vld.idx.msk [tilespmem:v2+s7+$0x0], $0xffff  }
0x186: {  	v63 =	vor.u32 $0x118, v0;
	_ =	sdelay $0x3  }
0x187: {  	[tilespmem:$0x6D0] =	vst v2  }
0x188: {  	v2 =	vld.idx.msk [tilespmem:v63+s2+$0x0], $0xffff;
	_ =	sdelay $0x4  }
0x189: {  	v2 =	vshll.u32 v2, $0x2  }
0x18a: {  	v2 =	vor.u32 v1, v2;
	_ =	sdelay $0x4  }
0x18b: {  	v2 =	vld.idx.msk [tilespmem:v2+s7+$0x0], $0xffff  }
0x18c: {  	v63 =	vor.u32 $0x11C, v0;
	_ =	sdelay $0x3  }
0x18d: {  	[tilespmem:$0x6E0] =	vst v2  }
0x18e: {  	v2 =	vld.idx.msk [tilespmem:v63+s2+$0x0], $0xffff;
	_ =	sdelay $0x4  }
0x18f: {  	v2 =	vshll.u32 v2, $0x2  }
0x190: {  	v2 =	vor.u32 v1, v2;
	_ =	sdelay $0x4  }
0x191: {  	v2 =	vld.idx.msk [tilespmem:v2+s7+$0x0], $0xffff  }
0x192: {  	v63 =	vor.u32 $0x120, v0;
	_ =	sdelay $0x3  }
0x193: {  	[tilespmem:$0x6F0] =	vst v2  }
0x194: {  	v2 =	vld.idx.msk [tilespmem:v63+s2+$0x0], $0xffff;
	_ =	sdelay $0x4  }
0x195: {  	v2 =	vshll.u32 v2, $0x2  }
0x196: {  	v2 =	vor.u32 v1, v2;
	_ =	sdelay $0x4  }
0x197: {  	v2 =	vld.idx.msk [tilespmem:v2+s7+$0x0], $0xffff  }
0x198: {  	v63 =	vor.u32 $0x124, v0;
	_ =	sdelay $0x3  }
0x199: {  	[tilespmem:$0x700] =	vst v2  }
0x19a: {  	v2 =	vld.idx.msk [tilespmem:v63+s2+$0x0], $0xffff;
	_ =	sdelay $0x4  }
0x19b: {  	v2 =	vshll.u32 v2, $0x2  }
0x19c: {  	v2 =	vor.u32 v1, v2;
	_ =	sdelay $0x4  }
0x19d: {  	v2 =	vld.idx.msk [tilespmem:v2+s7+$0x0], $0xffff  }
0x19e: {  	v63 =	vor.u32 $0x128, v0;
	_ =	sdelay $0x3  }
0x19f: {  	[tilespmem:$0x710] =	vst v2  }
0x1a0: {  	v2 =	vld.idx.msk [tilespmem:v63+s2+$0x0], $0xffff;
	_ =	sdelay $0x4  }
0x1a1: {  	v2 =	vshll.u32 v2, $0x2  }
0x1a2: {  	v2 =	vor.u32 v1, v2;
	_ =	sdelay $0x4  }
0x1a3: {  	v2 =	vld.idx.msk [tilespmem:v2+s7+$0x0], $0xffff  }
0x1a4: {  	v63 =	vor.u32 $0x12C, v0;
	_ =	sdelay $0x3  }
0x1a5: {  	[tilespmem:$0x720] =	vst v2  }
0x1a6: {  	v2 =	vld.idx.msk [tilespmem:v63+s2+$0x0], $0xffff;
	_ =	sdelay $0x4  }
0x1a7: {  	v2 =	vshll.u32 v2, $0x2  }
0x1a8: {  	v2 =	vor.u32 v1, v2;
	_ =	sdelay $0x4  }
0x1a9: {  	v2 =	vld.idx.msk [tilespmem:v2+s7+$0x0], $0xffff  }
0x1aa: {  	v63 =	vor.u32 $0x130, v0;
	_ =	sdelay $0x3  }
0x1ab: {  	[tilespmem:$0x730] =	vst v2  }
0x1ac: {  	v2 =	vld.idx.msk [tilespmem:v63+s2+$0x0], $0xffff;
	_ =	sdelay $0x4  }
0x1ad: {  	v2 =	vshll.u32 v2, $0x2  }
0x1ae: {  	v2 =	vor.u32 v1, v2;
	_ =	sdelay $0x4  }
0x1af: {  	v2 =	vld.idx.msk [tilespmem:v2+s7+$0x0], $0xffff  }
0x1b0: {  	v63 =	vor.u32 $0x134, v0;
	_ =	sdelay $0x3  }
0x1b1: {  	[tilespmem:$0x740] =	vst v2  }
0x1b2: {  	v2 =	vld.idx.msk [tilespmem:v63+s2+$0x0], $0xffff;
	_ =	sdelay $0x4  }
0x1b3: {  	v2 =	vshll.u32 v2, $0x2  }
0x1b4: {  	v2 =	vor.u32 v1, v2;
	_ =	sdelay $0x4  }
0x1b5: {  	v2 =	vld.idx.msk [tilespmem:v2+s7+$0x0], $0xffff  }
0x1b6: {  	v63 =	vor.u32 $0x138, v0;
	_ =	sdelay $0x3  }
0x1b7: {  	[tilespmem:$0x750] =	vst v2  }
0x1b8: {  	v2 =	vld.idx.msk [tilespmem:v63+s2+$0x0], $0xffff;
	_ =	sdelay $0x4  }
0x1b9: {  	v2 =	vshll.u32 v2, $0x2  }
0x1ba: {  	v2 =	vor.u32 v1, v2;
	_ =	sdelay $0x4  }
0x1bb: {  	v2 =	vld.idx.msk [tilespmem:v2+s7+$0x0], $0xffff  }
0x1bc: {  	v63 =	vor.u32 $0x13C, v0;
	_ =	sdelay $0x3  }
0x1bd: {  	[tilespmem:$0x760] =	vst v2  }
0x1be: {  	v2 =	vld.idx.msk [tilespmem:v63+s2+$0x0], $0xffff;
	_ =	sdelay $0x4  }
0x1bf: {  	v2 =	vshll.u32 v2, $0x2  }
0x1c0: {  	v2 =	vor.u32 v1, v2;
	_ =	sdelay $0x4  }
0x1c1: {  	v2 =	vld.idx.msk [tilespmem:v2+s7+$0x0], $0xffff  }
0x1c2: {  	v63 =	vor.u32 $0x140, v0;
	_ =	sdelay $0x3  }
0x1c3: {  	[tilespmem:$0x770] =	vst v2  }
0x1c4: {  	v2 =	vld.idx.msk [tilespmem:v63+s2+$0x0], $0xffff;
	_ =	sdelay $0x4  }
0x1c5: {  	v2 =	vshll.u32 v2, $0x2  }
0x1c6: {  	v2 =	vor.u32 v1, v2;
	_ =	sdelay $0x4  }
0x1c7: {  	v2 =	vld.idx.msk [tilespmem:v2+s7+$0x0], $0xffff  }
0x1c8: {  	v63 =	vor.u32 $0x144, v0;
	_ =	sdelay $0x3  }
0x1c9: {  	[tilespmem:$0x780] =	vst v2  }
0x1ca: {  	v2 =	vld.idx.msk [tilespmem:v63+s2+$0x0], $0xffff;
	_ =	sdelay $0x4  }
0x1cb: {  	v2 =	vshll.u32 v2, $0x2  }
0x1cc: {  	v2 =	vor.u32 v1, v2;
	_ =	sdelay $0x4  }
0x1cd: {  	v2 =	vld.idx.msk [tilespmem:v2+s7+$0x0], $0xffff  }
0x1ce: {  	v63 =	vor.u32 $0x148, v0;
	_ =	sdelay $0x3  }
0x1cf: {  	[tilespmem:$0x790] =	vst v2  }
0x1d0: {  	v2 =	vld.idx.msk [tilespmem:v63+s2+$0x0], $0xffff;
	_ =	sdelay $0x4  }
0x1d1: {  	v2 =	vshll.u32 v2, $0x2  }
0x1d2: {  	v2 =	vor.u32 v1, v2;
	_ =	sdelay $0x4  }
0x1d3: {  	v2 =	vld.idx.msk [tilespmem:v2+s7+$0x0], $0xffff  }
0x1d4: {  	v63 =	vor.u32 $0x14C, v0;
	_ =	sdelay $0x3  }
0x1d5: {  	[tilespmem:$0x7A0] =	vst v2  }
0x1d6: {  	v2 =	vld.idx.msk [tilespmem:v63+s2+$0x0], $0xffff;
	_ =	sdelay $0x4  }
0x1d7: {  	v2 =	vshll.u32 v2, $0x2  }
0x1d8: {  	v2 =	vor.u32 v1, v2;
	_ =	sdelay $0x4  }
0x1d9: {  	v2 =	vld.idx.msk [tilespmem:v2+s7+$0x0], $0xffff  }
0x1da: {  	v63 =	vor.u32 $0x150, v0;
	_ =	sdelay $0x3  }
0x1db: {  	[tilespmem:$0x7B0] =	vst v2  }
0x1dc: {  	v2 =	vld.idx.msk [tilespmem:v63+s2+$0x0], $0xffff;
	_ =	sdelay $0x4  }
0x1dd: {  	v2 =	vshll.u32 v2, $0x2  }
0x1de: {  	v2 =	vor.u32 v1, v2;
	_ =	sdelay $0x4  }
0x1df: {  	v2 =	vld.idx.msk [tilespmem:v2+s7+$0x0], $0xffff  }
0x1e0: {  	v63 =	vor.u32 $0x154, v0;
	_ =	sdelay $0x3  }
0x1e1: {  	[tilespmem:$0x7C0] =	vst v2  }
0x1e2: {  	v2 =	vld.idx.msk [tilespmem:v63+s2+$0x0], $0xffff;
	_ =	sdelay $0x4  }
0x1e3: {  	v2 =	vshll.u32 v2, $0x2  }
0x1e4: {  	v2 =	vor.u32 v1, v2;
	_ =	sdelay $0x4  }
0x1e5: {  	v2 =	vld.idx.msk [tilespmem:v2+s7+$0x0], $0xffff  }
0x1e6: {  	v63 =	vor.u32 $0x158, v0;
	_ =	sdelay $0x3  }
0x1e7: {  	[tilespmem:$0x7D0] =	vst v2  }
0x1e8: {  	v2 =	vld.idx.msk [tilespmem:v63+s2+$0x0], $0xffff;
	_ =	sdelay $0x4  }
0x1e9: {  	v2 =	vshll.u32 v2, $0x2  }
0x1ea: {  	v2 =	vor.u32 v1, v2;
	_ =	sdelay $0x4  }
0x1eb: {  	v2 =	vld.idx.msk [tilespmem:v2+s7+$0x0], $0xffff  }
0x1ec: {  	v63 =	vor.u32 $0x15C, v0;
	_ =	sdelay $0x3  }
0x1ed: {  	[tilespmem:$0x7E0] =	vst v2  }
0x1ee: {  	v2 =	vld.idx.msk [tilespmem:v63+s2+$0x0], $0xffff;
	_ =	sdelay $0x4  }
0x1ef: {  	v2 =	vshll.u32 v2, $0x2  }
0x1f0: {  	v2 =	vor.u32 v1, v2;
	_ =	sdelay $0x4  }
0x1f1: {  	v2 =	vld.idx.msk [tilespmem:v2+s7+$0x0], $0xffff  }
0x1f2: {  	v63 =	vor.u32 $0x160, v0;
	_ =	sdelay $0x3  }
0x1f3: {  	[tilespmem:$0x7F0] =	vst v2  }
0x1f4: {  	v2 =	vld.idx.msk [tilespmem:v63+s2+$0x0], $0xffff;
	_ =	sdelay $0x4  }
0x1f5: {  	v2 =	vshll.u32 v2, $0x2  }
0x1f6: {  	v2 =	vor.u32 v1, v2;
	_ =	sdelay $0x4  }
0x1f7: {  	v2 =	vld.idx.msk [tilespmem:v2+s7+$0x0], $0xffff  }
0x1f8: {  	v63 =	vor.u32 $0x164, v0;
	_ =	sdelay $0x3  }
0x1f9: {  	[tilespmem:$0x800] =	vst v2  }
0x1fa: {  	v2 =	vld.idx.msk [tilespmem:v63+s2+$0x0], $0xffff;
	_ =	sdelay $0x4  }
0x1fb: {  	v2 =	vshll.u32 v2, $0x2  }
0x1fc: {  	v2 =	vor.u32 v1, v2;
	_ =	sdelay $0x4  }
0x1fd: {  	v2 =	vld.idx.msk [tilespmem:v2+s7+$0x0], $0xffff  }
0x1fe: {  	v63 =	vor.u32 $0x168, v0;
	_ =	sdelay $0x3  }
0x1ff: {  	[tilespmem:$0x810] =	vst v2  }
0x200: {  	v2 =	vld.idx.msk [tilespmem:v63+s2+$0x0], $0xffff;
	_ =	sdelay $0x4  }
0x201: {  	v2 =	vshll.u32 v2, $0x2  }
0x202: {  	v2 =	vor.u32 v1, v2;
	_ =	sdelay $0x4  }
0x203: {  	v2 =	vld.idx.msk [tilespmem:v2+s7+$0x0], $0xffff  }
0x204: {  	v63 =	vor.u32 $0x16C, v0;
	_ =	sdelay $0x3  }
0x205: {  	[tilespmem:$0x820] =	vst v2  }
0x206: {  	v2 =	vld.idx.msk [tilespmem:v63+s2+$0x0], $0xffff;
	_ =	sdelay $0x4  }
0x207: {  	v2 =	vshll.u32 v2, $0x2  }
0x208: {  	v2 =	vor.u32 v1, v2;
	_ =	sdelay $0x4  }
0x209: {  	v2 =	vld.idx.msk [tilespmem:v2+s7+$0x0], $0xffff  }
0x20a: {  	v63 =	vor.u32 $0x170, v0;
	_ =	sdelay $0x3  }
0x20b: {  	[tilespmem:$0x830] =	vst v2  }
0x20c: {  	v2 =	vld.idx.msk [tilespmem:v63+s2+$0x0], $0xffff;
	_ =	sdelay $0x4  }
0x20d: {  	v2 =	vshll.u32 v2, $0x2  }
0x20e: {  	v2 =	vor.u32 v1, v2;
	_ =	sdelay $0x4  }
0x20f: {  	v2 =	vld.idx.msk [tilespmem:v2+s7+$0x0], $0xffff  }
0x210: {  	v63 =	vor.u32 $0x174, v0;
	_ =	sdelay $0x3  }
0x211: {  	[tilespmem:$0x840] =	vst v2  }
0x212: {  	v2 =	vld.idx.msk [tilespmem:v63+s2+$0x0], $0xffff;
	_ =	sdelay $0x4  }
0x213: {  	v2 =	vshll.u32 v2, $0x2  }
0x214: {  	v2 =	vor.u32 v1, v2;
	_ =	sdelay $0x4  }
0x215: {  	v2 =	vld.idx.msk [tilespmem:v2+s7+$0x0], $0xffff  }
0x216: {  	v63 =	vor.u32 $0x178, v0;
	_ =	sdelay $0x3  }
0x217: {  	[tilespmem:$0x850] =	vst v2  }
0x218: {  	v2 =	vld.idx.msk [tilespmem:v63+s2+$0x0], $0xffff;
	_ =	sdelay $0x4  }
0x219: {  	v2 =	vshll.u32 v2, $0x2  }
0x21a: {  	v2 =	vor.u32 v1, v2;
	_ =	sdelay $0x4  }
0x21b: {  	v2 =	vld.idx.msk [tilespmem:v2+s7+$0x0], $0xffff  }
0x21c: {  	v63 =	vor.u32 $0x17C, v0;
	_ =	sdelay $0x3  }
0x21d: {  	[tilespmem:$0x860] =	vst v2  }
0x21e: {  	v2 =	vld.idx.msk [tilespmem:v63+s2+$0x0], $0xffff;
	_ =	sdelay $0x4  }
0x21f: {  	v2 =	vshll.u32 v2, $0x2  }
0x220: {  	v2 =	vor.u32 v1, v2;
	_ =	sdelay $0x4  }
0x221: {  	v2 =	vld.idx.msk [tilespmem:v2+s7+$0x0], $0xffff  }
0x222: {  	v63 =	vor.u32 $0x180, v0;
	_ =	sdelay $0x3  }
0x223: {  	[tilespmem:$0x870] =	vst v2  }
0x224: {  	v2 =	vld.idx.msk [tilespmem:v63+s2+$0x0], $0xffff;
	_ =	sdelay $0x4  }
0x225: {  	v2 =	vshll.u32 v2, $0x2  }
0x226: {  	v2 =	vor.u32 v1, v2;
	_ =	sdelay $0x4  }
0x227: {  	v2 =	vld.idx.msk [tilespmem:v2+s7+$0x0], $0xffff  }
0x228: {  	v63 =	vor.u32 $0x184, v0;
	_ =	sdelay $0x3  }
0x229: {  	[tilespmem:$0x880] =	vst v2  }
0x22a: {  	v2 =	vld.idx.msk [tilespmem:v63+s2+$0x0], $0xffff;
	_ =	sdelay $0x4  }
0x22b: {  	v2 =	vshll.u32 v2, $0x2  }
0x22c: {  	v2 =	vor.u32 v1, v2;
	_ =	sdelay $0x4  }
0x22d: {  	v2 =	vld.idx.msk [tilespmem:v2+s7+$0x0], $0xffff  }
0x22e: {  	v63 =	vor.u32 $0x188, v0;
	_ =	sdelay $0x3  }
0x22f: {  	[tilespmem:$0x890] =	vst v2  }
0x230: {  	v2 =	vld.idx.msk [tilespmem:v63+s2+$0x0], $0xffff;
	_ =	sdelay $0x4  }
0x231: {  	v2 =	vshll.u32 v2, $0x2  }
0x232: {  	v2 =	vor.u32 v1, v2;
	_ =	sdelay $0x4  }
0x233: {  	v2 =	vld.idx.msk [tilespmem:v2+s7+$0x0], $0xffff  }
0x234: {  	v63 =	vor.u32 $0x18C, v0;
	_ =	sdelay $0x3  }
0x235: {  	[tilespmem:$0x8A0] =	vst v2  }
0x236: {  	v2 =	vld.idx.msk [tilespmem:v63+s2+$0x0], $0xffff;
	_ =	sdelay $0x4  }
0x237: {  	v2 =	vshll.u32 v2, $0x2  }
0x238: {  	v2 =	vor.u32 v1, v2;
	_ =	sdelay $0x4  }
0x239: {  	v2 =	vld.idx.msk [tilespmem:v2+s7+$0x0], $0xffff  }
0x23a: {  	v63 =	vor.u32 $0x190, v0;
	_ =	sdelay $0x3  }
0x23b: {  	[tilespmem:$0x8B0] =	vst v2  }
0x23c: {  	v2 =	vld.idx.msk [tilespmem:v63+s2+$0x0], $0xffff;
	_ =	sdelay $0x4  }
0x23d: {  	v2 =	vshll.u32 v2, $0x2  }
0x23e: {  	v2 =	vor.u32 v1, v2;
	_ =	sdelay $0x4  }
0x23f: {  	v2 =	vld.idx.msk [tilespmem:v2+s7+$0x0], $0xffff  }
0x240: {  	v63 =	vor.u32 $0x194, v0;
	_ =	sdelay $0x3  }
0x241: {  	[tilespmem:$0x8C0] =	vst v2  }
0x242: {  	v2 =	vld.idx.msk [tilespmem:v63+s2+$0x0], $0xffff;
	_ =	sdelay $0x4  }
0x243: {  	v2 =	vshll.u32 v2, $0x2  }
0x244: {  	v2 =	vor.u32 v1, v2;
	_ =	sdelay $0x4  }
0x245: {  	v2 =	vld.idx.msk [tilespmem:v2+s7+$0x0], $0xffff  }
0x246: {  	v63 =	vor.u32 $0x198, v0;
	_ =	sdelay $0x3  }
0x247: {  	[tilespmem:$0x8D0] =	vst v2  }
0x248: {  	v2 =	vld.idx.msk [tilespmem:v63+s2+$0x0], $0xffff;
	_ =	sdelay $0x4  }
0x249: {  	v2 =	vshll.u32 v2, $0x2  }
0x24a: {  	v2 =	vor.u32 v1, v2;
	_ =	sdelay $0x4  }
0x24b: {  	v2 =	vld.idx.msk [tilespmem:v2+s7+$0x0], $0xffff  }
0x24c: {  	v63 =	vor.u32 $0x19C, v0;
	_ =	sdelay $0x3  }
0x24d: {  	[tilespmem:$0x8E0] =	vst v2  }
0x24e: {  	v2 =	vld.idx.msk [tilespmem:v63+s2+$0x0], $0xffff;
	_ =	sdelay $0x4  }
0x24f: {  	v2 =	vshll.u32 v2, $0x2  }
0x250: {  	v2 =	vor.u32 v1, v2;
	_ =	sdelay $0x4  }
0x251: {  	v2 =	vld.idx.msk [tilespmem:v2+s7+$0x0], $0xffff  }
0x252: {  	v63 =	vor.u32 $0x1A0, v0;
	_ =	sdelay $0x3  }
0x253: {  	[tilespmem:$0x8F0] =	vst v2  }
0x254: {  	v2 =	vld.idx.msk [tilespmem:v63+s2+$0x0], $0xffff;
	_ =	sdelay $0x4  }
0x255: {  	v2 =	vshll.u32 v2, $0x2  }
0x256: {  	v2 =	vor.u32 v1, v2;
	_ =	sdelay $0x4  }
0x257: {  	v2 =	vld.idx.msk [tilespmem:v2+s7+$0x0], $0xffff  }
0x258: {  	v63 =	vor.u32 $0x1A4, v0;
	_ =	sdelay $0x3  }
0x259: {  	[tilespmem:$0x900] =	vst v2  }
0x25a: {  	v2 =	vld.idx.msk [tilespmem:v63+s2+$0x0], $0xffff;
	_ =	sdelay $0x4  }
0x25b: {  	v2 =	vshll.u32 v2, $0x2  }
0x25c: {  	v2 =	vor.u32 v1, v2;
	_ =	sdelay $0x4  }
0x25d: {  	v2 =	vld.idx.msk [tilespmem:v2+s7+$0x0], $0xffff  }
0x25e: {  	v63 =	vor.u32 $0x1A8, v0;
	_ =	sdelay $0x3  }
0x25f: {  	[tilespmem:$0x910] =	vst v2  }
0x260: {  	v2 =	vld.idx.msk [tilespmem:v63+s2+$0x0], $0xffff;
	_ =	sdelay $0x4  }
0x261: {  	v2 =	vshll.u32 v2, $0x2  }
0x262: {  	v2 =	vor.u32 v1, v2;
	_ =	sdelay $0x4  }
0x263: {  	v2 =	vld.idx.msk [tilespmem:v2+s7+$0x0], $0xffff  }
0x264: {  	v63 =	vor.u32 $0x1AC, v0;
	_ =	sdelay $0x3  }
0x265: {  	[tilespmem:$0x920] =	vst v2  }
0x266: {  	v2 =	vld.idx.msk [tilespmem:v63+s2+$0x0], $0xffff;
	_ =	sdelay $0x4  }
0x267: {  	v2 =	vshll.u32 v2, $0x2  }
0x268: {  	v2 =	vor.u32 v1, v2;
	_ =	sdelay $0x4  }
0x269: {  	v2 =	vld.idx.msk [tilespmem:v2+s7+$0x0], $0xffff  }
0x26a: {  	v63 =	vor.u32 $0x1B0, v0;
	_ =	sdelay $0x3  }
0x26b: {  	[tilespmem:$0x930] =	vst v2  }
0x26c: {  	v2 =	vld.idx.msk [tilespmem:v63+s2+$0x0], $0xffff;
	_ =	sdelay $0x4  }
0x26d: {  	v2 =	vshll.u32 v2, $0x2  }
0x26e: {  	v2 =	vor.u32 v1, v2;
	_ =	sdelay $0x4  }
0x26f: {  	v2 =	vld.idx.msk [tilespmem:v2+s7+$0x0], $0xffff  }
0x270: {  	v63 =	vor.u32 $0x1B4, v0;
	_ =	sdelay $0x3  }
0x271: {  	[tilespmem:$0x940] =	vst v2  }
0x272: {  	v2 =	vld.idx.msk [tilespmem:v63+s2+$0x0], $0xffff;
	_ =	sdelay $0x4  }
0x273: {  	v2 =	vshll.u32 v2, $0x2  }
0x274: {  	v2 =	vor.u32 v1, v2;
	_ =	sdelay $0x4  }
0x275: {  	v2 =	vld.idx.msk [tilespmem:v2+s7+$0x0], $0xffff  }
0x276: {  	v63 =	vor.u32 $0x1B8, v0;
	_ =	sdelay $0x3  }
0x277: {  	[tilespmem:$0x950] =	vst v2  }
0x278: {  	v2 =	vld.idx.msk [tilespmem:v63+s2+$0x0], $0xffff;
	_ =	sdelay $0x4  }
0x279: {  	v2 =	vshll.u32 v2, $0x2  }
0x27a: {  	v2 =	vor.u32 v1, v2;
	_ =	sdelay $0x4  }
0x27b: {  	v2 =	vld.idx.msk [tilespmem:v2+s7+$0x0], $0xffff  }
0x27c: {  	v63 =	vor.u32 $0x1BC, v0;
	_ =	sdelay $0x3  }
0x27d: {  	[tilespmem:$0x960] =	vst v2  }
0x27e: {  	v2 =	vld.idx.msk [tilespmem:v63+s2+$0x0], $0xffff;
	_ =	sdelay $0x4  }
0x27f: {  	v2 =	vshll.u32 v2, $0x2  }
0x280: {  	v2 =	vor.u32 v1, v2;
	_ =	sdelay $0x4  }
0x281: {  	v2 =	vld.idx.msk [tilespmem:v2+s7+$0x0], $0xffff  }
0x282: {  	v63 =	vor.u32 $0x1C0, v0;
	_ =	sdelay $0x3  }
0x283: {  	[tilespmem:$0x970] =	vst v2  }
0x284: {  	v2 =	vld.idx.msk [tilespmem:v63+s2+$0x0], $0xffff;
	_ =	sdelay $0x4  }
0x285: {  	v2 =	vshll.u32 v2, $0x2  }
0x286: {  	v2 =	vor.u32 v1, v2;
	_ =	sdelay $0x4  }
0x287: {  	v2 =	vld.idx.msk [tilespmem:v2+s7+$0x0], $0xffff  }
0x288: {  	v63 =	vor.u32 $0x1C4, v0;
	_ =	sdelay $0x3  }
0x289: {  	[tilespmem:$0x980] =	vst v2  }
0x28a: {  	v2 =	vld.idx.msk [tilespmem:v63+s2+$0x0], $0xffff;
	_ =	sdelay $0x4  }
0x28b: {  	v2 =	vshll.u32 v2, $0x2  }
0x28c: {  	v2 =	vor.u32 v1, v2;
	_ =	sdelay $0x4  }
0x28d: {  	v2 =	vld.idx.msk [tilespmem:v2+s7+$0x0], $0xffff  }
0x28e: {  	v63 =	vor.u32 $0x1C8, v0;
	_ =	sdelay $0x3  }
0x28f: {  	[tilespmem:$0x990] =	vst v2  }
0x290: {  	v2 =	vld.idx.msk [tilespmem:v63+s2+$0x0], $0xffff;
	_ =	sdelay $0x4  }
0x291: {  	v2 =	vshll.u32 v2, $0x2  }
0x292: {  	v2 =	vor.u32 v1, v2;
	_ =	sdelay $0x4  }
0x293: {  	v2 =	vld.idx.msk [tilespmem:v2+s7+$0x0], $0xffff  }
0x294: {  	v63 =	vor.u32 $0x1CC, v0;
	_ =	sdelay $0x3  }
0x295: {  	[tilespmem:$0x9A0] =	vst v2  }
0x296: {  	v2 =	vld.idx.msk [tilespmem:v63+s2+$0x0], $0xffff;
	_ =	sdelay $0x4  }
0x297: {  	v2 =	vshll.u32 v2, $0x2  }
0x298: {  	v2 =	vor.u32 v1, v2;
	_ =	sdelay $0x4  }
0x299: {  	v2 =	vld.idx.msk [tilespmem:v2+s7+$0x0], $0xffff  }
0x29a: {  	v63 =	vor.u32 $0x1D0, v0;
	_ =	sdelay $0x3  }
0x29b: {  	[tilespmem:$0x9B0] =	vst v2  }
0x29c: {  	v2 =	vld.idx.msk [tilespmem:v63+s2+$0x0], $0xffff;
	_ =	sdelay $0x4  }
0x29d: {  	v2 =	vshll.u32 v2, $0x2  }
0x29e: {  	v2 =	vor.u32 v1, v2;
	_ =	sdelay $0x4  }
0x29f: {  	v2 =	vld.idx.msk [tilespmem:v2+s7+$0x0], $0xffff  }
0x2a0: {  	v63 =	vor.u32 $0x1D4, v0;
	_ =	sdelay $0x3  }
0x2a1: {  	[tilespmem:$0x9C0] =	vst v2  }
0x2a2: {  	v2 =	vld.idx.msk [tilespmem:v63+s2+$0x0], $0xffff;
	_ =	sdelay $0x4  }
0x2a3: {  	v2 =	vshll.u32 v2, $0x2  }
0x2a4: {  	v2 =	vor.u32 v1, v2;
	_ =	sdelay $0x4  }
0x2a5: {  	v2 =	vld.idx.msk [tilespmem:v2+s7+$0x0], $0xffff  }
0x2a6: {  	v63 =	vor.u32 $0x1D8, v0;
	_ =	sdelay $0x3  }
0x2a7: {  	[tilespmem:$0x9D0] =	vst v2  }
0x2a8: {  	v2 =	vld.idx.msk [tilespmem:v63+s2+$0x0], $0xffff;
	_ =	sdelay $0x4  }
0x2a9: {  	v2 =	vshll.u32 v2, $0x2  }
0x2aa: {  	v2 =	vor.u32 v1, v2;
	_ =	sdelay $0x4  }
0x2ab: {  	v2 =	vld.idx.msk [tilespmem:v2+s7+$0x0], $0xffff  }
0x2ac: {  	v63 =	vor.u32 $0x1DC, v0;
	_ =	sdelay $0x3  }
0x2ad: {  	[tilespmem:$0x9E0] =	vst v2  }
0x2ae: {  	v2 =	vld.idx.msk [tilespmem:v63+s2+$0x0], $0xffff;
	_ =	sdelay $0x4  }
0x2af: {  	v2 =	vshll.u32 v2, $0x2  }
0x2b0: {  	v2 =	vor.u32 v1, v2;
	_ =	sdelay $0x4  }
0x2b1: {  	v2 =	vld.idx.msk [tilespmem:v2+s7+$0x0], $0xffff  }
0x2b2: {  	v63 =	vor.u32 $0x1E0, v0;
	_ =	sdelay $0x3  }
0x2b3: {  	[tilespmem:$0x9F0] =	vst v2  }
0x2b4: {  	v2 =	vld.idx.msk [tilespmem:v63+s2+$0x0], $0xffff;
	_ =	sdelay $0x4  }
0x2b5: {  	v2 =	vshll.u32 v2, $0x2  }
0x2b6: {  	v2 =	vor.u32 v1, v2;
	_ =	sdelay $0x4  }
0x2b7: {  	v2 =	vld.idx.msk [tilespmem:v2+s7+$0x0], $0xffff  }
0x2b8: {  	v63 =	vor.u32 $0x1E4, v0;
	_ =	sdelay $0x3  }
0x2b9: {  	[tilespmem:$0xA00] =	vst v2  }
0x2ba: {  	v2 =	vld.idx.msk [tilespmem:v63+s2+$0x0], $0xffff;
	_ =	sdelay $0x4  }
0x2bb: {  	v2 =	vshll.u32 v2, $0x2  }
0x2bc: {  	v2 =	vor.u32 v1, v2;
	_ =	sdelay $0x4  }
0x2bd: {  	v2 =	vld.idx.msk [tilespmem:v2+s7+$0x0], $0xffff  }
0x2be: {  	v63 =	vor.u32 $0x1E8, v0;
	_ =	sdelay $0x3  }
0x2bf: {  	[tilespmem:$0xA10] =	vst v2  }
0x2c0: {  	v2 =	vld.idx.msk [tilespmem:v63+s2+$0x0], $0xffff;
	_ =	sdelay $0x4  }
0x2c1: {  	v2 =	vshll.u32 v2, $0x2  }
0x2c2: {  	v2 =	vor.u32 v1, v2;
	_ =	sdelay $0x4  }
0x2c3: {  	v2 =	vld.idx.msk [tilespmem:v2+s7+$0x0], $0xffff  }
0x2c4: {  	v63 =	vor.u32 $0x1EC, v0;
	_ =	sdelay $0x3  }
0x2c5: {  	[tilespmem:$0xA20] =	vst v2  }
0x2c6: {  	v2 =	vld.idx.msk [tilespmem:v63+s2+$0x0], $0xffff;
	_ =	sdelay $0x4  }
0x2c7: {  	v2 =	vshll.u32 v2, $0x2  }
0x2c8: {  	v2 =	vor.u32 v1, v2;
	_ =	sdelay $0x4  }
0x2c9: {  	v2 =	vld.idx.msk [tilespmem:v2+s7+$0x0], $0xffff  }
0x2ca: {  	v63 =	vor.u32 $0x1F0, v0;
	_ =	sdelay $0x3  }
0x2cb: {  	[tilespmem:$0xA30] =	vst v2  }
0x2cc: {  	v2 =	vld.idx.msk [tilespmem:v63+s2+$0x0], $0xffff;
	_ =	sdelay $0x4  }
0x2cd: {  	v2 =	vshll.u32 v2, $0x2  }
0x2ce: {  	v2 =	vor.u32 v1, v2;
	_ =	sdelay $0x4  }
0x2cf: {  	v2 =	vld.idx.msk [tilespmem:v2+s7+$0x0], $0xffff  }
0x2d0: {  	v63 =	vor.u32 $0x1F4, v0;
	_ =	sdelay $0x3  }
0x2d1: {  	[tilespmem:$0xA40] =	vst v2  }
0x2d2: {  	v2 =	vld.idx.msk [tilespmem:v63+s2+$0x0], $0xffff;
	_ =	sdelay $0x4  }
0x2d3: {  	v2 =	vshll.u32 v2, $0x2  }
0x2d4: {  	v2 =	vor.u32 v1, v2;
	_ =	sdelay $0x4  }
0x2d5: {  	v2 =	vld.idx.msk [tilespmem:v2+s7+$0x0], $0xffff  }
0x2d6: {  	v63 =	vor.u32 $0x1F8, v0;
	_ =	sdelay $0x3  }
0x2d7: {  	[tilespmem:$0xA50] =	vst v2  }
0x2d8: {  	v2 =	vld.idx.msk [tilespmem:v63+s2+$0x0], $0xffff;
	_ =	sdelay $0x4  }
0x2d9: {  	v2 =	vshll.u32 v2, $0x2  }
0x2da: {  	v2 =	vor.u32 v1, v2;
	_ =	sdelay $0x4  }
0x2db: {  	v2 =	vld.idx.msk [tilespmem:v2+s7+$0x0], $0xffff  }
0x2dc: {  	v63 =	vor.u32 $0x1FC, v0;
	_ =	sdelay $0x3  }
0x2dd: {  	[tilespmem:$0xA60] =	vst v2  }
0x2de: {  	v2 =	vld.idx.msk [tilespmem:v63+s2+$0x0], $0xffff;
	_ =	sdelay $0x4  }
0x2df: {  	v2 =	vshll.u32 v2, $0x2  }
0x2e0: {  	v2 =	vor.u32 v1, v2;
	_ =	sdelay $0x4  }
0x2e1: {  	v2 =	vld.idx.msk [tilespmem:v2+s7+$0x0], $0xffff;
	_ =	sdelay $0x3  }
0x2e2: {  	p0 =	sne.s32 s6, $0x1  }
.Ltmp0:
0x2e3: {  	[tilespmem:$0xA70] =	vst v2;
	(pc) =	sbr.rel @p0 .LBB2_1-.Ltmp0, $4  }
0x2e4: {  	[hbm4b:s5+s2] =	stream.linear.scatter [tilespmem:s9], [sflag:$0x1], $0x800, $0x38;
	[tilespmem:$0xA80] =	vst v63  }
0x2e5: {  	_ =	swait.ge [sflag:s8], $0x800  }
0x2e6: {  	[sflag:s8] =	ssyncset.done $0x0  }
0x2e7: {  	s6 =	sadd.s32 $0xFFFFFFFF, s6;
	[sflag:s8] =	ssyncadd.s32 $0xFFFFF800  }
0x2e8: {  	_ =	sfence.sel $0x180000  }
0x2e9: {  	[bflag:$0x0] =	sbarrier.arrive $0xFFFF  }
0x2ea: {  	p0 =	sne.s32 s1, $0x0;
	_ =	strace $0x90000047  }
0x2eb: {  	s0 =	sadd.s32 @!p0 $0x100000, s0;
	[bflag:$0x2] =	sbarrier.arrive $0xFFFF  }
0x2ec: {  	[sflag:s0] =	ssyncadd.tile.s32 @!p0 $0x1;
	_ =	shalt  }
.Lfunc_end2:
_tile_overlayer_lowered:
.L_overlay_start_2:
0x2ed: {  	(tag) =	ssettag $0x2  }
0x2ee: {  	s0 =	rddreg [dreg:$0x0];
	s2 =	stileid.u32  }
0x2ef: {  	s1 =	rddreg [dreg:$0x1];
	p0 =	sne.s32 s2, $0x0  }
0x2f0: {  	s3 =	rddreg [dreg:$0x2];
	[bflag:$0x3] =	sbarrier.arrive $0xFFFF;
	s2 =	simm.s32 @!p0 $0x1C01  }
0x2f1: {  	[timem:s3], [sflag:s2] =	dma.local @!p0 [hbm:s0], s1  }
0x2f2: {  	s0 =	simm.s32 @!p0 $0x1  }
0x2f3: {  	_ =	swait.ge @!p0 [sflag:s0], s1  }
0x2f4: {  	s1 =	ssub.s32 @!p0 $0x0, s1;
	[sflag:s0] =	ssyncset.done @!p0 $0x0  }
0x2f5: {  	[sflag:s0] =	ssyncadd.s32 @!p0 s1  }
0x2f6: {  	[bflag:$0x3] =	sbarrier.arrive $0xFFFF  }
0x2f7: {  	_ =	shalt  }

</sc_bundles>
